<compile_context>
chip_gen: v7x
topology: tpu7x:2x2x1
jax: 0.10.2.dev20260603
libtpu: 0.0.44.dev20260713+nightly
codegen_flags: <defaults>
</compile_context>

<pallas_src>
import functools

import jax
import jax.numpy as jnp
from jax import lax
from jax.experimental import pallas as pl
from jax.experimental.pallas import tpu as pltpu
from jax.experimental.pallas import tpu_sc as plsc

N_NODES = 10000
N_EDGES = 320000

_NC, _NS = 2, 16
_NW = _NC * _NS
_NP = 10240
_RPT = _NP // _NS
_K0 = 80
_EPT0 = N_EDGES // _NS



_EG = 330240
_GPT = _EG // _NW


def _make_gather():
    mesh = plsc.VectorSubcoreMesh(core_axis_name="c", subcore_axis_name="s")

    @functools.partial(
        pl.kernel,
        out_type=[
            jax.ShapeDtypeStruct((_EG, 128), jnp.float32),
            jax.ShapeDtypeStruct((_EG, 128), jnp.float32),
        ],
        mesh=mesh,
        scratch_types=[
            pltpu.VMEM((1, _K0), jnp.int32),
            pltpu.VMEM((1, _K0), jnp.int32),
            pltpu.VMEM((_K0, 128), jnp.float32),
            pltpu.VMEM((_K0, 128), jnp.float32),
            pltpu.SemaphoreType.DMA,
            pltpu.SemaphoreType.DMA,
        ],
    )
    def gat(xl_hbm, xr_hbm, src_hbm, dst_hbm, oL_hbm, oR_hbm,
            idxs_v, idxd_v, bufL, bufR, semL, semR):
        cid = lax.axis_index("c")
        sid = lax.axis_index("s")
        wid = cid * _NS + sid

        def body(g, carry):
            base = wid * _GPT + g * _K0
            pltpu.sync_copy(src_hbm.at[pl.ds(base, _K0)], idxs_v.at[0])
            pltpu.sync_copy(dst_hbm.at[pl.ds(base, _K0)], idxd_v.at[0])
            cL = pltpu.async_copy(xl_hbm.at[idxs_v.at[0]], bufL, semL)
            cR = pltpu.async_copy(xr_hbm.at[idxd_v.at[0]], bufR, semR)
            cL.wait()
            cR.wait()
            pltpu.sync_copy(bufL, oL_hbm.at[pl.ds(base, _K0)])
            pltpu.sync_copy(bufR, oR_hbm.at[pl.ds(base, _K0)])
            return carry

        lax.fori_loop(0, _GPT // _K0, body, 0)

    return gat


_gather2 = _make_gather()



def _affine_body(x_ref, w_ref, b_ref, o_ref, *, act):
    y = jnp.dot(x_ref[...], w_ref[...], preferred_element_type=jnp.float32)
    y = y + b_ref[...]
    if act == "elu":
        y = jnp.where(y > 0, y, jnp.exp(y) - 1.0)
    o_ref[...] = y


def _affine(x, w, b, act=None, block_m=2048):
    m, k = x.shape
    n = w.shape[1]
    grid = (pl.cdiv(m, block_m),)
    return pl.pallas_call(
        functools.partial(_affine_body, act=act),
        grid=grid,
        in_specs=[
            pl.BlockSpec((block_m, k), lambda i: (i, 0)),
            pl.BlockSpec((k, n), lambda i: (0, 0)),
            pl.BlockSpec((1, n), lambda i: (0, 0)),
        ],
        out_specs=pl.BlockSpec((block_m, n), lambda i: (i, 0)),
        out_shape=jax.ShapeDtypeStruct((m, n), jnp.float32),
    )(x, w, b.reshape(1, n))



def _gat_layer(xl, xr, eproj, src2, dst2, att, bias, H, F):
    e2 = src2.shape[0] - 240
    xlg, xrg = _gather2(xl, xr, src2, dst2)
    xlg = xlg[:e2]
    xrg = xrg[:e2]
    m = xlg + xrg + eproj
    m = jnp.where(m > 0, m, 0.2 * m)
    logit = (m.reshape(-1, H, F) * att[None, :, :]).sum(-1)
    alpha = jnp.exp(logit)
    dst2v = dst2[:e2]
    denom = jax.ops.segment_sum(alpha, dst2v, num_segments=N_NODES)
    acc = jax.ops.segment_sum(
        (alpha[:, :, None] * xlg.reshape(-1, H, F)).reshape(-1, H * F),
        dst2v, num_segments=N_NODES)
    out = acc.reshape(N_NODES, H, F) / (denom[:, :, None] + 1e-16)
    return out.reshape(N_NODES, H * F) + bias


def kernel(x, edge_index, edge_attr, W_in, b_in, W_ep, b_ep, W_l1, b_l1,
           W_r1, b_r1, W_e1, att1, bias1, W_l2, b_l2, W_r2, b_r2, W_e2,
           att2, bias2):
    src = edge_index[0]
    dst = edge_index[1]
    loops = jnp.arange(N_NODES, dtype=src.dtype)
    pad = jnp.zeros((240,), src.dtype)
    src2 = jnp.concatenate([src, loops, pad])
    dst2 = jnp.concatenate([dst, loops, pad])

    h = _affine(x, W_in, b_in, act="elu")
    ea = _affine(edge_attr, W_ep, b_ep, act="elu")

    ones = jnp.ones((N_EDGES,), jnp.float32)
    deg = jax.ops.segment_sum(ones, dst, num_segments=N_NODES)
    loop_attr = jax.ops.segment_sum(ea, dst, num_segments=N_NODES) \
        / jnp.maximum(deg, 1.0)[:, None]
    ea2 = jnp.concatenate([ea, loop_attr], axis=0)

    xl1 = _affine(h, W_l1, b_l1)
    xr1 = _affine(h, W_r1, b_r1)
    ep1 = _affine(ea2, W_e1, jnp.zeros((128,), jnp.float32))
    h1 = _gat_layer(xl1, xr1, ep1, src2, dst2, att1, bias1, 4, 32)
    h1 = jnp.where(h1 > 0, h1, jnp.exp(h1) - 1.0)

    xl2 = _affine(h1, W_l2, b_l2)
    xr2 = _affine(h1, W_r2, b_r2)
    ep2 = _affine(ea2, W_e2, jnp.zeros((128,), jnp.float32))
    out = _gat_layer(xl2, xr2, ep2, src2, dst2, att2, bias2, 1, 128)
    return out

# --- scband reference (transcript-rebuilt; emitter-appended) ---
"""Pipeline reference for scband-gatv2-encoder-37915971289664 (READ-ONLY COPY).

The authoritative reference and input builder live on the scoring server;
editing this copy changes nothing except your own understanding.
"""

import jax, jax.numpy as jnp
import numpy as np

N_NODES = 10000
N_EDGES = 320000

def _gatv2(x, src, dst, ea, Wl, bl, Wr, br, We, att, bias, H, F, concat):
    # GATv2Conv with edge features, add_self_loops=True (fill_value='mean'), eval mode (no dropout)
    N = x.shape[0]
    ones = jnp.ones(src.shape[0], jnp.float32)
    deg = jax.ops.segment_sum(ones, dst, num_segments=N)
    loop_attr = jax.ops.segment_sum(ea, dst, num_segments=N) / jnp.maximum(deg, 1.0)[:, None]
    loops = jnp.arange(N, dtype=src.dtype)
    src2 = jnp.concatenate([src, loops])
    dst2 = jnp.concatenate([dst, loops])
    ea2 = jnp.concatenate([ea, loop_attr], axis=0)
    xl = (x @ Wl + bl).reshape(N, H, F)
    xr = (x @ Wr + br).reshape(N, H, F)
    eproj = (ea2 @ We).reshape(-1, H, F)
    m = jax.nn.leaky_relu(xl[src2] + xr[dst2] + eproj, 0.2)
    alpha = (m * att[None, :, :]).sum(-1)  # [E2, H]
    amax = jax.ops.segment_max(alpha, dst2, num_segments=N)
    alpha = jnp.exp(alpha - amax[dst2])
    denom = jax.ops.segment_sum(alpha, dst2, num_segments=N)
    alpha = alpha / (denom[dst2] + 1e-16)
    out = jax.ops.segment_sum(xl[src2] * alpha[:, :, None], dst2, num_segments=N)
    if concat:
        out = out.reshape(N, H * F)
    else:
        out = out.mean(axis=1)
    return out + bias

def setup_inputs(seed: int = 0):
    key = jax.random.key(seed)
    ks = list(jax.random.split(key, 32))
    ctr = [0]
    def nk():
        k = ks[ctr[0]]; ctr[0] += 1; return k
    def nrm(shape, fan_in):
        return jax.random.normal(nk(), shape, jnp.float32) * (1.0 / np.sqrt(fan_in))
    inp = {}
    inp["x"] = jax.random.normal(nk(), (N_NODES, 128), jnp.float32)
    inp["edge_index"] = jax.random.randint(nk(), (2, N_EDGES), 0, N_NODES)
    inp["edge_attr"] = jax.random.normal(nk(), (N_EDGES, 16), jnp.float32)
    inp["W_in"] = nrm((128, 128), 128); inp["b_in"] = jnp.zeros((128,), jnp.float32)
    inp["W_ep"] = nrm((16, 128), 16); inp["b_ep"] = jnp.zeros((128,), jnp.float32)
    inp["W_l1"] = nrm((128, 128), 128); inp["b_l1"] = jnp.zeros((128,), jnp.float32)
    inp["W_r1"] = nrm((128, 128), 128); inp["b_r1"] = jnp.zeros((128,), jnp.float32)
    inp["W_e1"] = nrm((128, 128), 128)
    inp["att1"] = nrm((4, 32), 32)
    inp["bias1"] = jnp.zeros((128,), jnp.float32)
    inp["W_l2"] = nrm((128, 128), 128); inp["b_l2"] = jnp.zeros((128,), jnp.float32)
    inp["W_r2"] = nrm((128, 128), 128); inp["b_r2"] = jnp.zeros((128,), jnp.float32)
    inp["W_e2"] = nrm((128, 128), 128)
    inp["att2"] = nrm((1, 128), 128)
    inp["bias2"] = jnp.zeros((128,), jnp.float32)
    return inp

def reference(x, edge_index, edge_attr, W_in, b_in, W_ep, b_ep, W_l1, b_l1, W_r1, b_r1, W_e1, att1, bias1, W_l2, b_l2, W_r2, b_r2, W_e2, att2, bias2):
    src = edge_index[0]
    dst = edge_index[1]
    h = jax.nn.elu(x @ W_in + b_in)
    ea = jax.nn.elu(edge_attr @ W_ep + b_ep)
    h1 = jax.nn.elu(_gatv2(h, src, dst, ea, W_l1, b_l1, W_r1, b_r1, W_e1, att1, bias1, 4, 32, True))
    out = _gatv2(h1, src, dst, ea, W_l2, b_l2, W_r2, b_r2, W_e2, att2, bias2, 1, 128, False)
    return out

if __name__ == "__main__":
    import jax
    _d = setup_inputs()
    print(jax.jit(kernel)(*tuple(_d.values())))

</pallas_src>

<mosaic_0001>
#map = affine_map<(d0, d1) -> (0, 0)>
#map1 = affine_map<(d0, d1) -> (0)>
module attributes {stable_mosaic.version = 14 : i64} {
  func.func @gat(%arg0: i32, %arg1: i32, %arg2: memref<10000x128xf32, #tpu.memory_space<hbm>>, %arg3: memref<10000x128xf32, #tpu.memory_space<hbm>>, %arg4: memref<330240xi32, #tpu.memory_space<hbm>>, %arg5: memref<330240xi32, #tpu.memory_space<hbm>>, %arg6: memref<330240x128xf32, #tpu.memory_space<hbm>>, %arg7: memref<330240x128xf32, #tpu.memory_space<hbm>>, %arg8: memref<1x80xi32, #tpu.memory_space<vmem>>, %arg9: memref<1x80xi32, #tpu.memory_space<vmem>>, %arg10: memref<80x128xf32, #tpu.memory_space<vmem>>, %arg11: memref<80x128xf32, #tpu.memory_space<vmem>>, %arg12: memref<!tpu.dma_semaphore, #tpu.memory_space<semaphore_mem>>, %arg13: memref<!tpu.dma_semaphore, #tpu.memory_space<semaphore_mem>>) attributes {dimension_semantics = [#tpu.dimension_semantics<core_parallel>, #tpu.dimension_semantics<subcore_parallel>], iteration_bounds = array<i64: 2, 16>, scalar_prefetch = 0 : i64, scratch_operands = 6 : i64, tpu.core_type = #tpu.core_type<sc_vector_subcore>, window_params = [{transform_indices = #map}, {transform_indices = #map}, {transform_indices = #map1}, {transform_indices = #map1}, {transform_indices = #map}, {transform_indices = #map}]} {
    %mul3A = arith.constant 16 : i32
    %mul3A_0 = arith.muli %arg0, %mul3A : i32
    %add3A = arith.addi %mul3A_0, %arg1 : i32
    %scan3A = arith.constant 0 : i32
    %scan3A_1 = arith.constant 0 : i32
    %scan3A_2 = arith.constant 129 : i32
    %scan3A_3 = arith.addi %scan3A_1, %scan3A_2 : i32
    %scan3A_4 = arith.constant 1 : i32
    scf.for %scan3A_6 = %scan3A_1 to %scan3A_3 step %scan3A_4  : i32 {
      %mul3A_7 = arith.constant 10320 : i32
      %mul3A_8 = arith.muli %add3A, %mul3A_7 : i32
      %mul3A_9 = arith.constant 80 : i32
      %mul3A_10 = arith.muli %scan3A_6, %mul3A_9 : i32
      %add3A_11 = arith.addi %mul3A_8, %mul3A_10 : i32
      %run_scoped3A = arith.constant 0 : i32
      "tpu.region"() ({
        %run_scoped3A_39 = tpu.sem_alloc : memref<!tpu.dma_semaphore, #tpu.memory_space<semaphore_mem>>
        %dma_start3A_40 = arith.constant 0 : i32
        %dma_start3A_41 = tpu.memref_slice %arg8[%run_scoped3A, %dma_start3A_40] : memref<1x80xi32, #tpu.memory_space<vmem>> -> memref<1x80xi32, #tpu.memory_space<vmem>>
        %dma_start3A_42 = tpu.memref_squeeze %dma_start3A_41 : memref<1x80xi32, #tpu.memory_space<vmem>> -> memref<80xi32, #tpu.memory_space<vmem>>
        %dma_start3A_43 = tpu.memref_slice %arg4[%add3A_11] : memref<330240xi32, #tpu.memory_space<hbm>> -> memref<80xi32, #tpu.memory_space<hbm>>
        %dma_start3A_44 = arith.constant 0 : i32
        %dma_start3A_45 = tpu.memref_slice %arg8[%run_scoped3A, %dma_start3A_44] : memref<1x80xi32, #tpu.memory_space<vmem>> -> memref<1x80xi32, #tpu.memory_space<vmem>>
        %dma_start3A_46 = tpu.memref_squeeze %dma_start3A_45 : memref<1x80xi32, #tpu.memory_space<vmem>> -> memref<80xi32, #tpu.memory_space<vmem>>
        %dma_start3A_47 = tpu.memref_slice %arg4[%add3A_11] : memref<330240xi32, #tpu.memory_space<hbm>> -> memref<80xi32, #tpu.memory_space<hbm>>
        tpu.enqueue_dma source(%dma_start3A_47 : memref<80xi32, #tpu.memory_space<hbm>>) target(%dma_start3A_46 : memref<80xi32, #tpu.memory_space<vmem>>) target_semaphore(%run_scoped3A_39 : memref<!tpu.dma_semaphore, #tpu.memory_space<semaphore_mem>>)
        %dma_wait3A_48 = arith.constant 0 : i32
        %dma_wait3A_49 = tpu.memref_slice %arg8[%run_scoped3A, %dma_wait3A_48] : memref<1x80xi32, #tpu.memory_space<vmem>> -> memref<1x80xi32, #tpu.memory_space<vmem>>
        %dma_wait3A_50 = tpu.memref_squeeze %dma_wait3A_49 : memref<1x80xi32, #tpu.memory_space<vmem>> -> memref<80xi32, #tpu.memory_space<vmem>>
        %dma_wait3A_51 = tpu.memref_slice %arg4[%add3A_11] : memref<330240xi32, #tpu.memory_space<hbm>> -> memref<80xi32, #tpu.memory_space<hbm>>
        %dma_wait3A_52 = arith.constant 0 : i32
        %dma_wait3A_53 = tpu.memref_slice %arg8[%run_scoped3A, %dma_wait3A_52] : memref<1x80xi32, #tpu.memory_space<vmem>> -> memref<1x80xi32, #tpu.memory_space<vmem>>
        %dma_wait3A_54 = tpu.memref_squeeze %dma_wait3A_53 : memref<1x80xi32, #tpu.memory_space<vmem>> -> memref<80xi32, #tpu.memory_space<vmem>>
        %dma_wait3A_55 = tpu.memref_slice %arg4[%add3A_11] : memref<330240xi32, #tpu.memory_space<hbm>> -> memref<80xi32, #tpu.memory_space<hbm>>
        tpu.wait_dma2 semaphore(%run_scoped3A_39 : memref<!tpu.dma_semaphore, #tpu.memory_space<semaphore_mem>>) src(%dma_wait3A_55 : memref<80xi32, #tpu.memory_space<hbm>>) dst(%dma_wait3A_54 : memref<80xi32, #tpu.memory_space<vmem>>)
        tpu.yield
      }) : () -> ()
      %run_scoped3A_12 = arith.constant 0 : i32
      "tpu.region"() ({
        %run_scoped3A_39 = tpu.sem_alloc : memref<!tpu.dma_semaphore, #tpu.memory_space<semaphore_mem>>
        %dma_start3A_40 = arith.constant 0 : i32
        %dma_start3A_41 = tpu.memref_slice %arg9[%run_scoped3A_12, %dma_start3A_40] : memref<1x80xi32, #tpu.memory_space<vmem>> -> memref<1x80xi32, #tpu.memory_space<vmem>>
        %dma_start3A_42 = tpu.memref_squeeze %dma_start3A_41 : memref<1x80xi32, #tpu.memory_space<vmem>> -> memref<80xi32, #tpu.memory_space<vmem>>
        %dma_start3A_43 = tpu.memref_slice %arg5[%add3A_11] : memref<330240xi32, #tpu.memory_space<hbm>> -> memref<80xi32, #tpu.memory_space<hbm>>
        %dma_start3A_44 = arith.constant 0 : i32
        %dma_start3A_45 = tpu.memref_slice %arg9[%run_scoped3A_12, %dma_start3A_44] : memref<1x80xi32, #tpu.memory_space<vmem>> -> memref<1x80xi32, #tpu.memory_space<vmem>>
        %dma_start3A_46 = tpu.memref_squeeze %dma_start3A_45 : memref<1x80xi32, #tpu.memory_space<vmem>> -> memref<80xi32, #tpu.memory_space<vmem>>
        %dma_start3A_47 = tpu.memref_slice %arg5[%add3A_11] : memref<330240xi32, #tpu.memory_space<hbm>> -> memref<80xi32, #tpu.memory_space<hbm>>
        tpu.enqueue_dma source(%dma_start3A_47 : memref<80xi32, #tpu.memory_space<hbm>>) target(%dma_start3A_46 : memref<80xi32, #tpu.memory_space<vmem>>) target_semaphore(%run_scoped3A_39 : memref<!tpu.dma_semaphore, #tpu.memory_space<semaphore_mem>>)
        %dma_wait3A_48 = arith.constant 0 : i32
        %dma_wait3A_49 = tpu.memref_slice %arg9[%run_scoped3A_12, %dma_wait3A_48] : memref<1x80xi32, #tpu.memory_space<vmem>> -> memref<1x80xi32, #tpu.memory_space<vmem>>
        %dma_wait3A_50 = tpu.memref_squeeze %dma_wait3A_49 : memref<1x80xi32, #tpu.memory_space<vmem>> -> memref<80xi32, #tpu.memory_space<vmem>>
        %dma_wait3A_51 = tpu.memref_slice %arg5[%add3A_11] : memref<330240xi32, #tpu.memory_space<hbm>> -> memref<80xi32, #tpu.memory_space<hbm>>
        %dma_wait3A_52 = arith.constant 0 : i32
        %dma_wait3A_53 = tpu.memref_slice %arg9[%run_scoped3A_12, %dma_wait3A_52] : memref<1x80xi32, #tpu.memory_space<vmem>> -> memref<1x80xi32, #tpu.memory_space<vmem>>
        %dma_wait3A_54 = tpu.memref_squeeze %dma_wait3A_53 : memref<1x80xi32, #tpu.memory_space<vmem>> -> memref<80xi32, #tpu.memory_space<vmem>>
        %dma_wait3A_55 = tpu.memref_slice %arg5[%add3A_11] : memref<330240xi32, #tpu.memory_space<hbm>> -> memref<80xi32, #tpu.memory_space<hbm>>
        tpu.wait_dma2 semaphore(%run_scoped3A_39 : memref<!tpu.dma_semaphore, #tpu.memory_space<semaphore_mem>>) src(%dma_wait3A_55 : memref<80xi32, #tpu.memory_space<hbm>>) dst(%dma_wait3A_54 : memref<80xi32, #tpu.memory_space<vmem>>)
        tpu.yield
      }) : () -> ()
      %dma_start3A = arith.constant 0 : i32
      %dma_start3A_13 = arith.constant 0 : i32
      %dma_start3A_14 = tpu.memref_slice %arg8[%dma_start3A, %dma_start3A_13] : memref<1x80xi32, #tpu.memory_space<vmem>> -> memref<1x80xi32, #tpu.memory_space<vmem>>
      %dma_start3A_15 = tpu.memref_squeeze %dma_start3A_14 : memref<1x80xi32, #tpu.memory_space<vmem>> -> memref<80xi32, #tpu.memory_space<vmem>>
      %dma_start3A_16 = arith.constant 0 : i32
      %dma_start3A_17 = arith.constant 0 : i32
      %dma_start3A_18 = tpu.memref_slice %arg2[%dma_start3A_16, %dma_start3A_17] : memref<10000x128xf32, #tpu.memory_space<hbm>> -> memref<10000x128xf32, #tpu.memory_space<hbm>>
      tpu.enqueue_indirect_dma source(%dma_start3A_18 : memref<10000x128xf32, #tpu.memory_space<hbm>>) target(%arg10 : memref<80x128xf32, #tpu.memory_space<vmem>>) offsets(%dma_start3A_15 : memref<80xi32, #tpu.memory_space<vmem>>) semaphore(%arg12 : memref<!tpu.dma_semaphore, #tpu.memory_space<semaphore_mem>>)
      %dma_start3A_19 = arith.constant 0 : i32
      %dma_start3A_20 = arith.constant 0 : i32
      %dma_start3A_21 = tpu.memref_slice %arg9[%dma_start3A_19, %dma_start3A_20] : memref<1x80xi32, #tpu.memory_space<vmem>> -> memref<1x80xi32, #tpu.memory_space<vmem>>
      %dma_start3A_22 = tpu.memref_squeeze %dma_start3A_21 : memref<1x80xi32, #tpu.memory_space<vmem>> -> memref<80xi32, #tpu.memory_space<vmem>>
      %dma_start3A_23 = arith.constant 0 : i32
      %dma_start3A_24 = arith.constant 0 : i32
      %dma_start3A_25 = tpu.memref_slice %arg3[%dma_start3A_23, %dma_start3A_24] : memref<10000x128xf32, #tpu.memory_space<hbm>> -> memref<10000x128xf32, #tpu.memory_space<hbm>>
      tpu.enqueue_indirect_dma source(%dma_start3A_25 : memref<10000x128xf32, #tpu.memory_space<hbm>>) target(%arg11 : memref<80x128xf32, #tpu.memory_space<vmem>>) offsets(%dma_start3A_22 : memref<80xi32, #tpu.memory_space<vmem>>) semaphore(%arg13 : memref<!tpu.dma_semaphore, #tpu.memory_space<semaphore_mem>>)
      %dma_wait3A = arith.constant 0 : i32
      %dma_wait3A_26 = arith.constant 0 : i32
      %dma_wait3A_27 = tpu.memref_slice %arg8[%dma_wait3A, %dma_wait3A_26] : memref<1x80xi32, #tpu.memory_space<vmem>> -> memref<1x80xi32, #tpu.memory_space<vmem>>
      %dma_wait3A_28 = tpu.memref_squeeze %dma_wait3A_27 : memref<1x80xi32, #tpu.memory_space<vmem>> -> memref<80xi32, #tpu.memory_space<vmem>>
      %dma_wait3A_29 = arith.constant 0 : i32
      %dma_wait3A_30 = arith.constant 0 : i32
      %dma_wait3A_31 = tpu.memref_slice %arg2[%dma_wait3A_29, %dma_wait3A_30] : memref<10000x128xf32, #tpu.memory_space<hbm>> -> memref<10000x128xf32, #tpu.memory_space<hbm>>
      tpu.wait_indirect_dma semaphore(%arg12 : memref<!tpu.dma_semaphore, #tpu.memory_space<semaphore_mem>>) src(%dma_wait3A_31 : memref<10000x128xf32, #tpu.memory_space<hbm>>) dst(%arg10 : memref<80x128xf32, #tpu.memory_space<vmem>>)
      %dma_wait3A_32 = arith.constant 0 : i32
      %dma_wait3A_33 = arith.constant 0 : i32
      %dma_wait3A_34 = tpu.memref_slice %arg9[%dma_wait3A_32, %dma_wait3A_33] : memref<1x80xi32, #tpu.memory_space<vmem>> -> memref<1x80xi32, #tpu.memory_space<vmem>>
      %dma_wait3A_35 = tpu.memref_squeeze %dma_wait3A_34 : memref<1x80xi32, #tpu.memory_space<vmem>> -> memref<80xi32, #tpu.memory_space<vmem>>
      %dma_wait3A_36 = arith.constant 0 : i32
      %dma_wait3A_37 = arith.constant 0 : i32
      %dma_wait3A_38 = tpu.memref_slice %arg3[%dma_wait3A_36, %dma_wait3A_37] : memref<10000x128xf32, #tpu.memory_space<hbm>> -> memref<10000x128xf32, #tpu.memory_space<hbm>>
      tpu.wait_indirect_dma semaphore(%arg13 : memref<!tpu.dma_semaphore, #tpu.memory_space<semaphore_mem>>) src(%dma_wait3A_38 : memref<10000x128xf32, #tpu.memory_space<hbm>>) dst(%arg11 : memref<80x128xf32, #tpu.memory_space<vmem>>)
      "tpu.region"() ({
        %run_scoped3A_39 = tpu.sem_alloc : memref<!tpu.dma_semaphore, #tpu.memory_space<semaphore_mem>>
        %dma_start3A_40 = arith.constant 0 : i32
        %dma_start3A_41 = tpu.memref_slice %arg6[%add3A_11, %dma_start3A_40] : memref<330240x128xf32, #tpu.memory_space<hbm>> -> memref<80x128xf32, #tpu.memory_space<hbm>>
        %dma_start3A_42 = arith.constant 0 : i32
        %dma_start3A_43 = tpu.memref_slice %arg6[%add3A_11, %dma_start3A_42] : memref<330240x128xf32, #tpu.memory_space<hbm>> -> memref<80x128xf32, #tpu.memory_space<hbm>>
        tpu.enqueue_dma source(%arg10 : memref<80x128xf32, #tpu.memory_space<vmem>>) target(%dma_start3A_43 : memref<80x128xf32, #tpu.memory_space<hbm>>) target_semaphore(%run_scoped3A_39 : memref<!tpu.dma_semaphore, #tpu.memory_space<semaphore_mem>>)
        %dma_wait3A_44 = arith.constant 0 : i32
        %dma_wait3A_45 = tpu.memref_slice %arg6[%add3A_11, %dma_wait3A_44] : memref<330240x128xf32, #tpu.memory_space<hbm>> -> memref<80x128xf32, #tpu.memory_space<hbm>>
        %dma_wait3A_46 = arith.constant 0 : i32
        %dma_wait3A_47 = tpu.memref_slice %arg6[%add3A_11, %dma_wait3A_46] : memref<330240x128xf32, #tpu.memory_space<hbm>> -> memref<80x128xf32, #tpu.memory_space<hbm>>
        tpu.wait_dma2 semaphore(%run_scoped3A_39 : memref<!tpu.dma_semaphore, #tpu.memory_space<semaphore_mem>>) src(%arg10 : memref<80x128xf32, #tpu.memory_space<vmem>>) dst(%dma_wait3A_47 : memref<80x128xf32, #tpu.memory_space<hbm>>)
        tpu.yield
      }) : () -> ()
      "tpu.region"() ({
        %run_scoped3A_39 = tpu.sem_alloc : memref<!tpu.dma_semaphore, #tpu.memory_space<semaphore_mem>>
        %dma_start3A_40 = arith.constant 0 : i32
        %dma_start3A_41 = tpu.memref_slice %arg7[%add3A_11, %dma_start3A_40] : memref<330240x128xf32, #tpu.memory_space<hbm>> -> memref<80x128xf32, #tpu.memory_space<hbm>>
        %dma_start3A_42 = arith.constant 0 : i32
        %dma_start3A_43 = tpu.memref_slice %arg7[%add3A_11, %dma_start3A_42] : memref<330240x128xf32, #tpu.memory_space<hbm>> -> memref<80x128xf32, #tpu.memory_space<hbm>>
        tpu.enqueue_dma source(%arg11 : memref<80x128xf32, #tpu.memory_space<vmem>>) target(%dma_start3A_43 : memref<80x128xf32, #tpu.memory_space<hbm>>) target_semaphore(%run_scoped3A_39 : memref<!tpu.dma_semaphore, #tpu.memory_space<semaphore_mem>>)
        %dma_wait3A_44 = arith.constant 0 : i32
        %dma_wait3A_45 = tpu.memref_slice %arg7[%add3A_11, %dma_wait3A_44] : memref<330240x128xf32, #tpu.memory_space<hbm>> -> memref<80x128xf32, #tpu.memory_space<hbm>>
        %dma_wait3A_46 = arith.constant 0 : i32
        %dma_wait3A_47 = tpu.memref_slice %arg7[%add3A_11, %dma_wait3A_46] : memref<330240x128xf32, #tpu.memory_space<hbm>> -> memref<80x128xf32, #tpu.memory_space<hbm>>
        tpu.wait_dma2 semaphore(%run_scoped3A_39 : memref<!tpu.dma_semaphore, #tpu.memory_space<semaphore_mem>>) src(%arg11 : memref<80x128xf32, #tpu.memory_space<vmem>>) dst(%dma_wait3A_47 : memref<80x128xf32, #tpu.memory_space<hbm>>)
        tpu.yield
      }) : () -> ()
    }
    %scan3A_5 = arith.constant 129 : i32
    return
  }
}

#map = affine_map<(d0, d1) -> (0, 0)>
#map1 = affine_map<(d0, d1) -> (0)>
module attributes {stable_mosaic.version = 14 : i64} {
  func.func @gat(%arg0: i32, %arg1: i32, %arg2: memref<10000x128xf32, #tpu.memory_space<hbm>>, %arg3: memref<10000x128xf32, #tpu.memory_space<hbm>>, %arg4: memref<330240xi32, #tpu.memory_space<hbm>>, %arg5: memref<330240xi32, #tpu.memory_space<hbm>>, %arg6: memref<330240x128xf32, #tpu.memory_space<hbm>>, %arg7: memref<330240x128xf32, #tpu.memory_space<hbm>>, %arg8: memref<1x80xi32, #tpu.memory_space<vmem>>, %arg9: memref<1x80xi32, #tpu.memory_space<vmem>>, %arg10: memref<80x128xf32, #tpu.memory_space<vmem>>, %arg11: memref<80x128xf32, #tpu.memory_space<vmem>>, %arg12: memref<!tpu.dma_semaphore, #tpu.memory_space<semaphore_mem>>, %arg13: memref<!tpu.dma_semaphore, #tpu.memory_space<semaphore_mem>>) attributes {dimension_semantics = [#tpu.dimension_semantics<core_parallel>, #tpu.dimension_semantics<subcore_parallel>], iteration_bounds = array<i64: 2, 16>, scalar_prefetch = 0 : i64, scratch_operands = 6 : i64, tpu.core_type = #tpu.core_type<sc_vector_subcore>, window_params = [{transform_indices = #map}, {transform_indices = #map}, {transform_indices = #map1}, {transform_indices = #map1}, {transform_indices = #map}, {transform_indices = #map}]} {
    %mul3A = arith.constant 16 : i32
    %mul3A_0 = arith.muli %arg0, %mul3A : i32
    %add3A = arith.addi %mul3A_0, %arg1 : i32
    %scan3A = arith.constant 0 : i32
    %scan3A_1 = arith.constant 0 : i32
    %scan3A_2 = arith.constant 129 : i32
    %scan3A_3 = arith.addi %scan3A_1, %scan3A_2 : i32
    %scan3A_4 = arith.constant 1 : i32
    scf.for %scan3A_6 = %scan3A_1 to %scan3A_3 step %scan3A_4  : i32 {
      %mul3A_7 = arith.constant 10320 : i32
      %mul3A_8 = arith.muli %add3A, %mul3A_7 : i32
      %mul3A_9 = arith.constant 80 : i32
      %mul3A_10 = arith.muli %scan3A_6, %mul3A_9 : i32
      %add3A_11 = arith.addi %mul3A_8, %mul3A_10 : i32
      %run_scoped3A = arith.constant 0 : i32
      "tpu.region"() ({
        %run_scoped3A_39 = tpu.sem_alloc : memref<!tpu.dma_semaphore, #tpu.memory_space<semaphore_mem>>
        %dma_start3A_40 = arith.constant 0 : i32
        %dma_start3A_41 = tpu.memref_slice %arg8[%run_scoped3A, %dma_start3A_40] : memref<1x80xi32, #tpu.memory_space<vmem>> -> memref<1x80xi32, #tpu.memory_space<vmem>>
        %dma_start3A_42 = tpu.memref_squeeze %dma_start3A_41 : memref<1x80xi32, #tpu.memory_space<vmem>> -> memref<80xi32, #tpu.memory_space<vmem>>
        %dma_start3A_43 = tpu.memref_slice %arg4[%add3A_11] : memref<330240xi32, #tpu.memory_space<hbm>> -> memref<80xi32, #tpu.memory_space<hbm>>
        %dma_start3A_44 = arith.constant 0 : i32
        %dma_start3A_45 = tpu.memref_slice %arg8[%run_scoped3A, %dma_start3A_44] : memref<1x80xi32, #tpu.memory_space<vmem>> -> memref<1x80xi32, #tpu.memory_space<vmem>>
        %dma_start3A_46 = tpu.memref_squeeze %dma_start3A_45 : memref<1x80xi32, #tpu.memory_space<vmem>> -> memref<80xi32, #tpu.memory_space<vmem>>
        %dma_start3A_47 = tpu.memref_slice %arg4[%add3A_11] : memref<330240xi32, #tpu.memory_space<hbm>> -> memref<80xi32, #tpu.memory_space<hbm>>
        tpu.enqueue_dma source(%dma_start3A_47 : memref<80xi32, #tpu.memory_space<hbm>>) target(%dma_start3A_46 : memref<80xi32, #tpu.memory_space<vmem>>) target_semaphore(%run_scoped3A_39 : memref<!tpu.dma_semaphore, #tpu.memory_space<semaphore_mem>>)
        %dma_wait3A_48 = arith.constant 0 : i32
        %dma_wait3A_49 = tpu.memref_slice %arg8[%run_scoped3A, %dma_wait3A_48] : memref<1x80xi32, #tpu.memory_space<vmem>> -> memref<1x80xi32, #tpu.memory_space<vmem>>
        %dma_wait3A_50 = tpu.memref_squeeze %dma_wait3A_49 : memref<1x80xi32, #tpu.memory_space<vmem>> -> memref<80xi32, #tpu.memory_space<vmem>>
        %dma_wait3A_51 = tpu.memref_slice %arg4[%add3A_11] : memref<330240xi32, #tpu.memory_space<hbm>> -> memref<80xi32, #tpu.memory_space<hbm>>
        %dma_wait3A_52 = arith.constant 0 : i32
        %dma_wait3A_53 = tpu.memref_slice %arg8[%run_scoped3A, %dma_wait3A_52] : memref<1x80xi32, #tpu.memory_space<vmem>> -> memref<1x80xi32, #tpu.memory_space<vmem>>
        %dma_wait3A_54 = tpu.memref_squeeze %dma_wait3A_53 : memref<1x80xi32, #tpu.memory_space<vmem>> -> memref<80xi32, #tpu.memory_space<vmem>>
        %dma_wait3A_55 = tpu.memref_slice %arg4[%add3A_11] : memref<330240xi32, #tpu.memory_space<hbm>> -> memref<80xi32, #tpu.memory_space<hbm>>
        tpu.wait_dma2 semaphore(%run_scoped3A_39 : memref<!tpu.dma_semaphore, #tpu.memory_space<semaphore_mem>>) src(%dma_wait3A_55 : memref<80xi32, #tpu.memory_space<hbm>>) dst(%dma_wait3A_54 : memref<80xi32, #tpu.memory_space<vmem>>)
        tpu.yield
      }) : () -> ()
      %run_scoped3A_12 = arith.constant 0 : i32
      "tpu.region"() ({
        %run_scoped3A_39 = tpu.sem_alloc : memref<!tpu.dma_semaphore, #tpu.memory_space<semaphore_mem>>
        %dma_start3A_40 = arith.constant 0 : i32
        %dma_start3A_41 = tpu.memref_slice %arg9[%run_scoped3A_12, %dma_start3A_40] : memref<1x80xi32, #tpu.memory_space<vmem>> -> memref<1x80xi32, #tpu.memory_space<vmem>>
        %dma_start3A_42 = tpu.memref_squeeze %dma_start3A_41 : memref<1x80xi32, #tpu.memory_space<vmem>> -> memref<80xi32, #tpu.memory_space<vmem>>
        %dma_start3A_43 = tpu.memref_slice %arg5[%add3A_11] : memref<330240xi32, #tpu.memory_space<hbm>> -> memref<80xi32, #tpu.memory_space<hbm>>
        %dma_start3A_44 = arith.constant 0 : i32
        %dma_start3A_45 = tpu.memref_slice %arg9[%run_scoped3A_12, %dma_start3A_44] : memref<1x80xi32, #tpu.memory_space<vmem>> -> memref<1x80xi32, #tpu.memory_space<vmem>>
        %dma_start3A_46 = tpu.memref_squeeze %dma_start3A_45 : memref<1x80xi32, #tpu.memory_space<vmem>> -> memref<80xi32, #tpu.memory_space<vmem>>
        %dma_start3A_47 = tpu.memref_slice %arg5[%add3A_11] : memref<330240xi32, #tpu.memory_space<hbm>> -> memref<80xi32, #tpu.memory_space<hbm>>
        tpu.enqueue_dma source(%dma_start3A_47 : memref<80xi32, #tpu.memory_space<hbm>>) target(%dma_start3A_46 : memref<80xi32, #tpu.memory_space<vmem>>) target_semaphore(%run_scoped3A_39 : memref<!tpu.dma_semaphore, #tpu.memory_space<semaphore_mem>>)
        %dma_wait3A_48 = arith.constant 0 : i32
        %dma_wait3A_49 = tpu.memref_slice %arg9[%run_scoped3A_12, %dma_wait3A_48] : memref<1x80xi32, #tpu.memory_space<vmem>> -> memref<1x80xi32, #tpu.memory_space<vmem>>
        %dma_wait3A_50 = tpu.memref_squeeze %dma_wait3A_49 : memref<1x80xi32, #tpu.memory_space<vmem>> -> memref<80xi32, #tpu.memory_space<vmem>>
        %dma_wait3A_51 = tpu.memref_slice %arg5[%add3A_11] : memref<330240xi32, #tpu.memory_space<hbm>> -> memref<80xi32, #tpu.memory_space<hbm>>
        %dma_wait3A_52 = arith.constant 0 : i32
        %dma_wait3A_53 = tpu.memref_slice %arg9[%run_scoped3A_12, %dma_wait3A_52] : memref<1x80xi32, #tpu.memory_space<vmem>> -> memref<1x80xi32, #tpu.memory_space<vmem>>
        %dma_wait3A_54 = tpu.memref_squeeze %dma_wait3A_53 : memref<1x80xi32, #tpu.memory_space<vmem>> -> memref<80xi32, #tpu.memory_space<vmem>>
        %dma_wait3A_55 = tpu.memref_slice %arg5[%add3A_11] : memref<330240xi32, #tpu.memory_space<hbm>> -> memref<80xi32, #tpu.memory_space<hbm>>
        tpu.wait_dma2 semaphore(%run_scoped3A_39 : memref<!tpu.dma_semaphore, #tpu.memory_space<semaphore_mem>>) src(%dma_wait3A_55 : memref<80xi32, #tpu.memory_space<hbm>>) dst(%dma_wait3A_54 : memref<80xi32, #tpu.memory_space<vmem>>)
        tpu.yield
      }) : () -> ()
      %dma_start3A = arith.constant 0 : i32
      %dma_start3A_13 = arith.constant 0 : i32
      %dma_start3A_14 = tpu.memref_slice %arg8[%dma_start3A, %dma_start3A_13] : memref<1x80xi32, #tpu.memory_space<vmem>> -> memref<1x80xi32, #tpu.memory_space<vmem>>
      %dma_start3A_15 = tpu.memref_squeeze %dma_start3A_14 : memref<1x80xi32, #tpu.memory_space<vmem>> -> memref<80xi32, #tpu.memory_space<vmem>>
      %dma_start3A_16 = arith.constant 0 : i32
      %dma_start3A_17 = arith.constant 0 : i32
      %dma_start3A_18 = tpu.memref_slice %arg2[%dma_start3A_16, %dma_start3A_17] : memref<10000x128xf32, #tpu.memory_space<hbm>> -> memref<10000x128xf32, #tpu.memory_space<hbm>>
      tpu.enqueue_indirect_dma source(%dma_start3A_18 : memref<10000x128xf32, #tpu.memory_space<hbm>>) target(%arg10 : memref<80x128xf32, #tpu.memory_space<vmem>>) offsets(%dma_start3A_15 : memref<80xi32, #tpu.memory_space<vmem>>) semaphore(%arg12 : memref<!tpu.dma_semaphore, #tpu.memory_space<semaphore_mem>>)
      %dma_start3A_19 = arith.constant 0 : i32
      %dma_start3A_20 = arith.constant 0 : i32
      %dma_start3A_21 = tpu.memref_slice %arg9[%dma_start3A_19, %dma_start3A_20] : memref<1x80xi32, #tpu.memory_space<vmem>> -> memref<1x80xi32, #tpu.memory_space<vmem>>
      %dma_start3A_22 = tpu.memref_squeeze %dma_start3A_21 : memref<1x80xi32, #tpu.memory_space<vmem>> -> memref<80xi32, #tpu.memory_space<vmem>>
      %dma_start3A_23 = arith.constant 0 : i32
      %dma_start3A_24 = arith.constant 0 : i32
      %dma_start3A_25 = tpu.memref_slice %arg3[%dma_start3A_23, %dma_start3A_24] : memref<10000x128xf32, #tpu.memory_space<hbm>> -> memref<10000x128xf32, #tpu.memory_space<hbm>>
      tpu.enqueue_indirect_dma source(%dma_start3A_25 : memref<10000x128xf32, #tpu.memory_space<hbm>>) target(%arg11 : memref<80x128xf32, #tpu.memory_space<vmem>>) offsets(%dma_start3A_22 : memref<80xi32, #tpu.memory_space<vmem>>) semaphore(%arg13 : memref<!tpu.dma_semaphore, #tpu.memory_space<semaphore_mem>>)
      %dma_wait3A = arith.constant 0 : i32
      %dma_wait3A_26 = arith.constant 0 : i32
      %dma_wait3A_27 = tpu.memref_slice %arg8[%dma_wait3A, %dma_wait3A_26] : memref<1x80xi32, #tpu.memory_space<vmem>> -> memref<1x80xi32, #tpu.memory_space<vmem>>
      %dma_wait3A_28 = tpu.memref_squeeze %dma_wait3A_27 : memref<1x80xi32, #tpu.memory_space<vmem>> -> memref<80xi32, #tpu.memory_space<vmem>>
      %dma_wait3A_29 = arith.constant 0 : i32
      %dma_wait3A_30 = arith.constant 0 : i32
      %dma_wait3A_31 = tpu.memref_slice %arg2[%dma_wait3A_29, %dma_wait3A_30] : memref<10000x128xf32, #tpu.memory_space<hbm>> -> memref<10000x128xf32, #tpu.memory_space<hbm>>
      tpu.wait_indirect_dma semaphore(%arg12 : memref<!tpu.dma_semaphore, #tpu.memory_space<semaphore_mem>>) src(%dma_wait3A_31 : memref<10000x128xf32, #tpu.memory_space<hbm>>) dst(%arg10 : memref<80x128xf32, #tpu.memory_space<vmem>>)
      %dma_wait3A_32 = arith.constant 0 : i32
      %dma_wait3A_33 = arith.constant 0 : i32
      %dma_wait3A_34 = tpu.memref_slice %arg9[%dma_wait3A_32, %dma_wait3A_33] : memref<1x80xi32, #tpu.memory_space<vmem>> -> memref<1x80xi32, #tpu.memory_space<vmem>>
      %dma_wait3A_35 = tpu.memref_squeeze %dma_wait3A_34 : memref<1x80xi32, #tpu.memory_space<vmem>> -> memref<80xi32, #tpu.memory_space<vmem>>
      %dma_wait3A_36 = arith.constant 0 : i32
      %dma_wait3A_37 = arith.constant 0 : i32
      %dma_wait3A_38 = tpu.memref_slice %arg3[%dma_wait3A_36, %dma_wait3A_37] : memref<10000x128xf32, #tpu.memory_space<hbm>> -> memref<10000x128xf32, #tpu.memory_space<hbm>>
      tpu.wait_indirect_dma semaphore(%arg13 : memref<!tpu.dma_semaphore, #tpu.memory_space<semaphore_mem>>) src(%dma_wait3A_38 : memref<10000x128xf32, #tpu.memory_space<hbm>>) dst(%arg11 : memref<80x128xf32, #tpu.memory_space<vmem>>)
      "tpu.region"() ({
        %run_scoped3A_39 = tpu.sem_alloc : memref<!tpu.dma_semaphore, #tpu.memory_space<semaphore_mem>>
        %dma_start3A_40 = arith.constant 0 : i32
        %dma_start3A_41 = tpu.memref_slice %arg6[%add3A_11, %dma_start3A_40] : memref<330240x128xf32, #tpu.memory_space<hbm>> -> memref<80x128xf32, #tpu.memory_space<hbm>>
        %dma_start3A_42 = arith.constant 0 : i32
        %dma_start3A_43 = tpu.memref_slice %arg6[%add3A_11, %dma_start3A_42] : memref<330240x128xf32, #tpu.memory_space<hbm>> -> memref<80x128xf32, #tpu.memory_space<hbm>>
        tpu.enqueue_dma source(%arg10 : memref<80x128xf32, #tpu.memory_space<vmem>>) target(%dma_start3A_43 : memref<80x128xf32, #tpu.memory_space<hbm>>) target_semaphore(%run_scoped3A_39 : memref<!tpu.dma_semaphore, #tpu.memory_space<semaphore_mem>>)
        %dma_wait3A_44 = arith.constant 0 : i32
        %dma_wait3A_45 = tpu.memref_slice %arg6[%add3A_11, %dma_wait3A_44] : memref<330240x128xf32, #tpu.memory_space<hbm>> -> memref<80x128xf32, #tpu.memory_space<hbm>>
        %dma_wait3A_46 = arith.constant 0 : i32
        %dma_wait3A_47 = tpu.memref_slice %arg6[%add3A_11, %dma_wait3A_46] : memref<330240x128xf32, #tpu.memory_space<hbm>> -> memref<80x128xf32, #tpu.memory_space<hbm>>
        tpu.wait_dma2 semaphore(%run_scoped3A_39 : memref<!tpu.dma_semaphore, #tpu.memory_space<semaphore_mem>>) src(%arg10 : memref<80x128xf32, #tpu.memory_space<vmem>>) dst(%dma_wait3A_47 : memref<80x128xf32, #tpu.memory_space<hbm>>)
        tpu.yield
      }) : () -> ()
      "tpu.region"() ({
        %run_scoped3A_39 = tpu.sem_alloc : memref<!tpu.dma_semaphore, #tpu.memory_space<semaphore_mem>>
        %dma_start3A_40 = arith.constant 0 : i32
        %dma_start3A_41 = tpu.memref_slice %arg7[%add3A_11, %dma_start3A_40] : memref<330240x128xf32, #tpu.memory_space<hbm>> -> memref<80x128xf32, #tpu.memory_space<hbm>>
        %dma_start3A_42 = arith.constant 0 : i32
        %dma_start3A_43 = tpu.memref_slice %arg7[%add3A_11, %dma_start3A_42] : memref<330240x128xf32, #tpu.memory_space<hbm>> -> memref<80x128xf32, #tpu.memory_space<hbm>>
        tpu.enqueue_dma source(%arg11 : memref<80x128xf32, #tpu.memory_space<vmem>>) target(%dma_start3A_43 : memref<80x128xf32, #tpu.memory_space<hbm>>) target_semaphore(%run_scoped3A_39 : memref<!tpu.dma_semaphore, #tpu.memory_space<semaphore_mem>>)
        %dma_wait3A_44 = arith.constant 0 : i32
        %dma_wait3A_45 = tpu.memref_slice %arg7[%add3A_11, %dma_wait3A_44] : memref<330240x128xf32, #tpu.memory_space<hbm>> -> memref<80x128xf32, #tpu.memory_space<hbm>>
        %dma_wait3A_46 = arith.constant 0 : i32
        %dma_wait3A_47 = tpu.memref_slice %arg7[%add3A_11, %dma_wait3A_46] : memref<330240x128xf32, #tpu.memory_space<hbm>> -> memref<80x128xf32, #tpu.memory_space<hbm>>
        tpu.wait_dma2 semaphore(%run_scoped3A_39 : memref<!tpu.dma_semaphore, #tpu.memory_space<semaphore_mem>>) src(%arg11 : memref<80x128xf32, #tpu.memory_space<vmem>>) dst(%dma_wait3A_47 : memref<80x128xf32, #tpu.memory_space<hbm>>)
        tpu.yield
      }) : () -> ()
    }
    %scan3A_5 = arith.constant 129 : i32
    return
  }
}

module attributes {stable_mosaic.version = 14 : i64} {
  func.func @_affine_body(%arg0: i32, %arg1: memref<2048x16xf32, #tpu.memory_space<vmem>>, %arg2: memref<16x128xf32, #tpu.memory_space<vmem>>, %arg3: memref<1x128xf32, #tpu.memory_space<vmem>>, %arg4: memref<2048x128xf32, #tpu.memory_space<vmem>>) attributes {dimension_semantics = [#tpu.dimension_semantics<arbitrary>], iteration_bounds = array<i64: 157>, scalar_prefetch = 0 : i64, scratch_operands = 0 : i64, tpu.core_type = #tpu.core_type<tc>, window_params = [{transform_indices = @transform_0, window_bounds = array<i64: 2048, 16>}, {pipeline_mode = #tpu.pipeline_mode<synchronous>, transform_indices = @transform_1, window_bounds = array<i64: 16, 128>}, {pipeline_mode = #tpu.pipeline_mode<synchronous>, transform_indices = @transform_2, window_bounds = array<i64: 1, 128>}, {transform_indices = @transform_3, window_bounds = array<i64: 2048, 128>}]} {
    %get3A = arith.constant 0 : index
    %get3A_0 = arith.constant 0 : index
    %get3A_1 = vector.load %arg1[%get3A, %get3A_0] : memref<2048x16xf32, #tpu.memory_space<vmem>>, vector<2048x16xf32>
    %get3A_2 = arith.constant 0 : index
    %get3A_3 = arith.constant 0 : index
    %get3A_4 = vector.load %arg2[%get3A_2, %get3A_3] : memref<16x128xf32, #tpu.memory_space<vmem>>, vector<16x128xf32>
    %dot_general3A = arith.constant dense<0.000000e+00> : vector<2048x128xf32>
    %dot_general3A_5 = tpu.matmul %get3A_1, %get3A_4, %dot_general3A {dimension_numbers = #tpu.dot_dimension_numbers<[1], [0], [0], [1], [0, 0, 1, 1], [], []>, transpose_lhs_hint = false} : vector<2048x16xf32>, vector<16x128xf32>, vector<2048x128xf32> -> vector<2048x128xf32>
    %get3A_6 = arith.constant 0 : index
    %get3A_7 = arith.constant 0 : index
    %get3A_8 = vector.load %arg3[%get3A_6, %get3A_7] : memref<1x128xf32, #tpu.memory_space<vmem>>, vector<1x128xf32>
    %add3A = vector.broadcast %get3A_8 : vector<1x128xf32> to vector<2048x128xf32>
    %add3A_9 = arith.addf %dot_general3A_5, %add3A : vector<2048x128xf32>
    %gt3A = arith.constant 0.000000e+00 : f32
    %gt3A_10 = vector.broadcast %gt3A : f32 to vector<2048x128xf32>
    %gt3A_11 = arith.cmpf ogt, %add3A_9, %gt3A_10 : vector<2048x128xf32>
    %exp3A = math.exp %add3A_9 : vector<2048x128xf32>
    %sub3A = arith.constant 1.000000e+00 : f32
    %sub3A_12 = vector.broadcast %sub3A : f32 to vector<2048x128xf32>
    %sub3A_13 = arith.subf %exp3A, %sub3A_12 : vector<2048x128xf32>
    %select_n3A = arith.select %gt3A_11, %add3A_9, %sub3A_13 : vector<2048x128xi1>, vector<2048x128xf32>
    %swap3A = arith.constant 0 : index
    %swap3A_14 = arith.constant 0 : index
    %swap3A_15 = vector.load %arg4[%swap3A, %swap3A_14] : memref<2048x128xf32, #tpu.memory_space<vmem>>, vector<2048x128xf32>
    tpu.vector_store %arg4[%swap3A, %swap3A_14], %select_n3A {strides = array<i32>} : memref<2048x128xf32, #tpu.memory_space<vmem>>, vector<2048x128xf32>,
    return
  }
  func.func @transform_0(%arg0: i32) -> (i32, i32) {
    %c0_i32 = arith.constant 0 : i32
    %c0_i32_0 = arith.constant 0 : i32
    return %arg0, %c0_i32 : i32, i32
  }
  func.func @transform_1(%arg0: i32) -> (i32, i32) {
    %c0_i32 = arith.constant 0 : i32
    %c0_i32_0 = arith.constant 0 : i32
    %c0_i32_1 = arith.constant 0 : i32
    return %c0_i32, %c0_i32_0 : i32, i32
  }
  func.func @transform_2(%arg0: i32) -> (i32, i32) {
    %c0_i32 = arith.constant 0 : i32
    %c0_i32_0 = arith.constant 0 : i32
    %c0_i32_1 = arith.constant 0 : i32
    return %c0_i32, %c0_i32_0 : i32, i32
  }
  func.func @transform_3(%arg0: i32) -> (i32, i32) {
    %c0_i32 = arith.constant 0 : i32
    %c0_i32_0 = arith.constant 0 : i32
    return %arg0, %c0_i32 : i32, i32
  }
}

module attributes {stable_mosaic.version = 14 : i64} {
  func.func @_affine_body(%arg0: i32, %arg1: memref<2048x128xf32, #tpu.memory_space<vmem>>, %arg2: memref<128x128xf32, #tpu.memory_space<vmem>>, %arg3: memref<1x128xf32, #tpu.memory_space<vmem>>, %arg4: memref<2048x128xf32, #tpu.memory_space<vmem>>) attributes {dimension_semantics = [#tpu.dimension_semantics<arbitrary>], iteration_bounds = array<i64: 5>, scalar_prefetch = 0 : i64, scratch_operands = 0 : i64, tpu.core_type = #tpu.core_type<tc>, window_params = [{transform_indices = @transform_0, window_bounds = array<i64: 2048, 128>}, {pipeline_mode = #tpu.pipeline_mode<synchronous>, transform_indices = @transform_1, window_bounds = array<i64: 128, 128>}, {pipeline_mode = #tpu.pipeline_mode<synchronous>, transform_indices = @transform_2, window_bounds = array<i64: 1, 128>}, {transform_indices = @transform_3, window_bounds = array<i64: 2048, 128>}]} {
    %get3A = arith.constant 0 : index
    %get3A_0 = arith.constant 0 : index
    %get3A_1 = vector.load %arg1[%get3A, %get3A_0] : memref<2048x128xf32, #tpu.memory_space<vmem>>, vector<2048x128xf32>
    %get3A_2 = arith.constant 0 : index
    %get3A_3 = arith.constant 0 : index
    %get3A_4 = vector.load %arg2[%get3A_2, %get3A_3] : memref<128x128xf32, #tpu.memory_space<vmem>>, vector<128x128xf32>
    %dot_general3A = arith.constant dense<0.000000e+00> : vector<2048x128xf32>
    %dot_general3A_5 = tpu.matmul %get3A_1, %get3A_4, %dot_general3A {dimension_numbers = #tpu.dot_dimension_numbers<[1], [0], [0], [1], [0, 0, 1, 1], [], []>, transpose_lhs_hint = false} : vector<2048x128xf32>, vector<128x128xf32>, vector<2048x128xf32> -> vector<2048x128xf32>
    %get3A_6 = arith.constant 0 : index
    %get3A_7 = arith.constant 0 : index
    %get3A_8 = vector.load %arg3[%get3A_6, %get3A_7] : memref<1x128xf32, #tpu.memory_space<vmem>>, vector<1x128xf32>
    %add3A = vector.broadcast %get3A_8 : vector<1x128xf32> to vector<2048x128xf32>
    %add3A_9 = arith.addf %dot_general3A_5, %add3A : vector<2048x128xf32>
    %gt3A = arith.constant 0.000000e+00 : f32
    %gt3A_10 = vector.broadcast %gt3A : f32 to vector<2048x128xf32>
    %gt3A_11 = arith.cmpf ogt, %add3A_9, %gt3A_10 : vector<2048x128xf32>
    %exp3A = math.exp %add3A_9 : vector<2048x128xf32>
    %sub3A = arith.constant 1.000000e+00 : f32
    %sub3A_12 = vector.broadcast %sub3A : f32 to vector<2048x128xf32>
    %sub3A_13 = arith.subf %exp3A, %sub3A_12 : vector<2048x128xf32>
    %select_n3A = arith.select %gt3A_11, %add3A_9, %sub3A_13 : vector<2048x128xi1>, vector<2048x128xf32>
    %swap3A = arith.constant 0 : index
    %swap3A_14 = arith.constant 0 : index
    %swap3A_15 = vector.load %arg4[%swap3A, %swap3A_14] : memref<2048x128xf32, #tpu.memory_space<vmem>>, vector<2048x128xf32>
    tpu.vector_store %arg4[%swap3A, %swap3A_14], %select_n3A {strides = array<i32>} : memref<2048x128xf32, #tpu.memory_space<vmem>>, vector<2048x128xf32>,
    return
  }
  func.func @transform_0(%arg0: i32) -> (i32, i32) {
    %c0_i32 = arith.constant 0 : i32
    %c0_i32_0 = arith.constant 0 : i32
    return %arg0, %c0_i32 : i32, i32
  }
  func.func @transform_1(%arg0: i32) -> (i32, i32) {
    %c0_i32 = arith.constant 0 : i32
    %c0_i32_0 = arith.constant 0 : i32
    %c0_i32_1 = arith.constant 0 : i32
    return %c0_i32, %c0_i32_0 : i32, i32
  }
  func.func @transform_2(%arg0: i32) -> (i32, i32) {
    %c0_i32 = arith.constant 0 : i32
    %c0_i32_0 = arith.constant 0 : i32
    %c0_i32_1 = arith.constant 0 : i32
    return %c0_i32, %c0_i32_0 : i32, i32
  }
  func.func @transform_3(%arg0: i32) -> (i32, i32) {
    %c0_i32 = arith.constant 0 : i32
    %c0_i32_0 = arith.constant 0 : i32
    return %arg0, %c0_i32 : i32, i32
  }
}

module attributes {stable_mosaic.version = 14 : i64} {
  func.func @_affine_body(%arg0: i32, %arg1: memref<2048x128xf32, #tpu.memory_space<vmem>>, %arg2: memref<128x128xf32, #tpu.memory_space<vmem>>, %arg3: memref<1x128xf32, #tpu.memory_space<vmem>>, %arg4: memref<2048x128xf32, #tpu.memory_space<vmem>>) attributes {dimension_semantics = [#tpu.dimension_semantics<arbitrary>], iteration_bounds = array<i64: 5>, scalar_prefetch = 0 : i64, scratch_operands = 0 : i64, tpu.core_type = #tpu.core_type<tc>, window_params = [{transform_indices = @transform_0, window_bounds = array<i64: 2048, 128>}, {pipeline_mode = #tpu.pipeline_mode<synchronous>, transform_indices = @transform_1, window_bounds = array<i64: 128, 128>}, {pipeline_mode = #tpu.pipeline_mode<synchronous>, transform_indices = @transform_2, window_bounds = array<i64: 1, 128>}, {transform_indices = @transform_3, window_bounds = array<i64: 2048, 128>}]} {
    %get3A = arith.constant 0 : index
    %get3A_0 = arith.constant 0 : index
    %get3A_1 = vector.load %arg1[%get3A, %get3A_0] : memref<2048x128xf32, #tpu.memory_space<vmem>>, vector<2048x128xf32>
    %get3A_2 = arith.constant 0 : index
    %get3A_3 = arith.constant 0 : index
    %get3A_4 = vector.load %arg2[%get3A_2, %get3A_3] : memref<128x128xf32, #tpu.memory_space<vmem>>, vector<128x128xf32>
    %dot_general3A = arith.constant dense<0.000000e+00> : vector<2048x128xf32>
    %dot_general3A_5 = tpu.matmul %get3A_1, %get3A_4, %dot_general3A {dimension_numbers = #tpu.dot_dimension_numbers<[1], [0], [0], [1], [0, 0, 1, 1], [], []>, transpose_lhs_hint = false} : vector<2048x128xf32>, vector<128x128xf32>, vector<2048x128xf32> -> vector<2048x128xf32>
    %get3A_6 = arith.constant 0 : index
    %get3A_7 = arith.constant 0 : index
    %get3A_8 = vector.load %arg3[%get3A_6, %get3A_7] : memref<1x128xf32, #tpu.memory_space<vmem>>, vector<1x128xf32>
    %add3A = vector.broadcast %get3A_8 : vector<1x128xf32> to vector<2048x128xf32>
    %add3A_9 = arith.addf %dot_general3A_5, %add3A : vector<2048x128xf32>
    %swap3A = arith.constant 0 : index
    %swap3A_10 = arith.constant 0 : index
    %swap3A_11 = vector.load %arg4[%swap3A, %swap3A_10] : memref<2048x128xf32, #tpu.memory_space<vmem>>, vector<2048x128xf32>
    tpu.vector_store %arg4[%swap3A, %swap3A_10], %add3A_9 {strides = array<i32>} : memref<2048x128xf32, #tpu.memory_space<vmem>>, vector<2048x128xf32>,
    return
  }
  func.func @transform_0(%arg0: i32) -> (i32, i32) {
    %c0_i32 = arith.constant 0 : i32
    %c0_i32_0 = arith.constant 0 : i32
    return %arg0, %c0_i32 : i32, i32
  }
  func.func @transform_1(%arg0: i32) -> (i32, i32) {
    %c0_i32 = arith.constant 0 : i32
    %c0_i32_0 = arith.constant 0 : i32
    %c0_i32_1 = arith.constant 0 : i32
    return %c0_i32, %c0_i32_0 : i32, i32
  }
  func.func @transform_2(%arg0: i32) -> (i32, i32) {
    %c0_i32 = arith.constant 0 : i32
    %c0_i32_0 = arith.constant 0 : i32
    %c0_i32_1 = arith.constant 0 : i32
    return %c0_i32, %c0_i32_0 : i32, i32
  }
  func.func @transform_3(%arg0: i32) -> (i32, i32) {
    %c0_i32 = arith.constant 0 : i32
    %c0_i32_0 = arith.constant 0 : i32
    return %arg0, %c0_i32 : i32, i32
  }
}

module attributes {stable_mosaic.version = 14 : i64} {
  func.func @_affine_body(%arg0: i32, %arg1: memref<2048x128xf32, #tpu.memory_space<vmem>>, %arg2: memref<128x128xf32, #tpu.memory_space<vmem>>, %arg3: memref<1x128xf32, #tpu.memory_space<vmem>>, %arg4: memref<2048x128xf32, #tpu.memory_space<vmem>>) attributes {dimension_semantics = [#tpu.dimension_semantics<arbitrary>], iteration_bounds = array<i64: 162>, scalar_prefetch = 0 : i64, scratch_operands = 0 : i64, tpu.core_type = #tpu.core_type<tc>, window_params = [{transform_indices = @transform_0, window_bounds = array<i64: 2048, 128>}, {pipeline_mode = #tpu.pipeline_mode<synchronous>, transform_indices = @transform_1, window_bounds = array<i64: 128, 128>}, {pipeline_mode = #tpu.pipeline_mode<synchronous>, transform_indices = @transform_2, window_bounds = array<i64: 1, 128>}, {transform_indices = @transform_3, window_bounds = array<i64: 2048, 128>}]} {
    %get3A = arith.constant 0 : index
    %get3A_0 = arith.constant 0 : index
    %get3A_1 = vector.load %arg1[%get3A, %get3A_0] : memref<2048x128xf32, #tpu.memory_space<vmem>>, vector<2048x128xf32>
    %get3A_2 = arith.constant 0 : index
    %get3A_3 = arith.constant 0 : index
    %get3A_4 = vector.load %arg2[%get3A_2, %get3A_3] : memref<128x128xf32, #tpu.memory_space<vmem>>, vector<128x128xf32>
    %dot_general3A = arith.constant dense<0.000000e+00> : vector<2048x128xf32>
    %dot_general3A_5 = tpu.matmul %get3A_1, %get3A_4, %dot_general3A {dimension_numbers = #tpu.dot_dimension_numbers<[1], [0], [0], [1], [0, 0, 1, 1], [], []>, transpose_lhs_hint = false} : vector<2048x128xf32>, vector<128x128xf32>, vector<2048x128xf32> -> vector<2048x128xf32>
    %get3A_6 = arith.constant 0 : index
    %get3A_7 = arith.constant 0 : index
    %get3A_8 = vector.load %arg3[%get3A_6, %get3A_7] : memref<1x128xf32, #tpu.memory_space<vmem>>, vector<1x128xf32>
    %add3A = vector.broadcast %get3A_8 : vector<1x128xf32> to vector<2048x128xf32>
    %add3A_9 = arith.addf %dot_general3A_5, %add3A : vector<2048x128xf32>
    %swap3A = arith.constant 0 : index
    %swap3A_10 = arith.constant 0 : index
    %swap3A_11 = vector.load %arg4[%swap3A, %swap3A_10] : memref<2048x128xf32, #tpu.memory_space<vmem>>, vector<2048x128xf32>
    tpu.vector_store %arg4[%swap3A, %swap3A_10], %add3A_9 {strides = array<i32>} : memref<2048x128xf32, #tpu.memory_space<vmem>>, vector<2048x128xf32>,
    return
  }
  func.func @transform_0(%arg0: i32) -> (i32, i32) {
    %c0_i32 = arith.constant 0 : i32
    %c0_i32_0 = arith.constant 0 : i32
    return %arg0, %c0_i32 : i32, i32
  }
  func.func @transform_1(%arg0: i32) -> (i32, i32) {
    %c0_i32 = arith.constant 0 : i32
    %c0_i32_0 = arith.constant 0 : i32
    %c0_i32_1 = arith.constant 0 : i32
    return %c0_i32, %c0_i32_0 : i32, i32
  }
  func.func @transform_2(%arg0: i32) -> (i32, i32) {
    %c0_i32 = arith.constant 0 : i32
    %c0_i32_0 = arith.constant 0 : i32
    %c0_i32_1 = arith.constant 0 : i32
    return %c0_i32, %c0_i32_0 : i32, i32
  }
  func.func @transform_3(%arg0: i32) -> (i32, i32) {
    %c0_i32 = arith.constant 0 : i32
    %c0_i32_0 = arith.constant 0 : i32
    return %arg0, %c0_i32 : i32, i32
  }
}

</mosaic_0001>

<sc_bundles>
// kernel: kernel.12.cloned.1.call-start
scs
__scs_entry_jumppad:
0x0: {  	(pc) =	sbr.rel $0x88, $3  }
0x1: {  	(tag) =	ssettag $0x0;
	lr =	simm.s32 $0x1  }
0x2: {  	[smem:$0x3F8C] =	sst lr;
	_ =	strace $0xD0000000  }
0x3: {  	_ = 	snop  }
0x4: {  	_ = 	snop  }
0x5: {  	_ = 	snop  }
0x6: {  	_ = 	snop  }
0x7: {  	_ = 	snop  }
__scs_overlays_trampoline_lowered:
0x8: {  	[smem:$0x3F9B] =	sst s0  }
0x9: {  	[smem:$0x3F9C] =	sst s1  }
0xa: {  	[smem:$0x3F9D] =	sst s2  }
0xb: {  	[smem:$0x3F9E] =	sst s3  }
0xc: {  	[smem:$0x3F9F] =	sst s4  }
0xd: {  	[smem:$0x3FA0] =	sst s5  }
0xe: {  	[smem:$0x3FA1] =	sst s6  }
0xf: {  	[smem:$0x3FA2] =	sst s7  }
0x10: {  	[smem:$0x3FA3] =	sst s8  }
0x11: {  	[smem:$0x3FA4] =	sst s9;
	s0 =	simm.s32 @!p0 $0x0  }
0x12: {  	s1 =	sld [smem:$0x3F8A];
	s0 =	simm.s32 @p0 $0x1  }
0x13: {  	[smem:$0x3FA5] =	sst s0;
	s0 =	simm.s32 @!p1 $0x0  }
0x14: {  	s2 =	sld [smem:$0x3F89];
	s0 =	simm.s32 @p1 $0x1  }
0x15: {  	[smem:$0x3FA6] =	sst s0;
	s0 =	simm.s32 @!p2 $0x0  }
0x16: {  	s3 =	sld [smem:$0x3FDB];
	s0 =	simm.s32 @p2 $0x1  }
0x17: {  	s4 =	simm.s32 $0x1BF5;
	[smem:$0x3FA8] =	sst s0  }
0x18: {  	s0 =	sld [smem:$0x3F8B];
	_ =	swait.ge [sflag:s4], $0x0  }
0x19: {  	s7 =	sld [smem:$0x3F8C]  }
0x1a: {  	s8 =	sadd.s32 $0xFFFFE003, lr  }
0x1b: {  	s9 =	sadd.s32 $0xFFFFFEF7, lr;
	s5 =	simm.s32 $0xFFFFFFFF;
	p2 =	slt.u32 s8, $0xFFFFF086  }
0x1c: {  	p1 =	slt.u32 s9, $0xF7A;
	s5 =	simm.s32 @!p2 $0x0  }
0x1d: {  	s5 =	simm.s32 @p1 $0x1;
	p0 =	seq.s32 s7, s2  }
0x1e: {  	s7 =	smul.u32 @!p0 $0xF7A, s2;
	p2 =	seq.s32 @!p0 s5, $0x0  }
0x1f: {  	s9 =	smul.u32 $0xF7A, s1;
	s8 =	simm.s32 @!p0 $0x1BF5;
	p2 =	por !p2, p0  }
0x20: {  	[sflag:s8] =	ssyncset.s32 @!p0 $0xFFFFF086;
	s6 =	sadd.s32 @!p0 s3, s7;
	s7 =	simm.s32 @!p0 $0x108  }
0x21: {  	s3 =	sadd.s32 s3, s9;
	s6 =	sadd.s32 @!p0 $0x88, s6;
	s7 =	simm.s32 @p2 $0x1082  }
0x22: {  	[simem:s7], [sflag:s8] =	dma.local @!p0 [hbm:s6], $0xF7A  }
0x23: {  	s9 =	sor.u32 $0xD0000000, s2;
	s6 =	simm.s32 $0x108;
	_ =	swait.ge @!p0 [sflag:s8], $0x0  }
0x24: {  	s3 =	sadd.s32 $0x88, s3;
	s6 =	simm.s32 @!p1 $0x1082;
	[sflag:s4] =	ssyncset.s32 $0xFFFFF086  }
0x25: {  	[simem:s6], [sflag:s4] =	dma.local [hbm:s3], $0xF7A  }
0x26: {  	[smem:$0x3F8C] =	sst s1;
	(tag) =	ssettag s2;
	_ =	strace s9  }
0x27: {  	s1 =	sld [smem:$0x3F9C]  }
0x28: {  	s2 =	sld [smem:$0x3F9D]  }
0x29: {  	s4 =	sld [smem:$0x3F9F]  }
0x2a: {  	p0 =	seq.s32 s5, $0x0;
	s5 =	sld [smem:$0x3FA0]  }
0x2b: {  	s6 =	sld [smem:$0x3FA1]  }
0x2c: {  	s7 =	sld [smem:$0x3FA2]  }
0x2d: {  	s3 =	simm.s32 $0x108;
	s8 =	sld [smem:$0x3FA3]  }
0x2e: {  	s3 =	simm.s32 @!p0 $0x1082;
	s9 =	sld [smem:$0x3FA4]  }
0x2f: {  	lr =	sadd.s32 s0, s3;
	s0 =	sld [smem:$0x3F9B]  }
0x30: {  	s3 =	sld [smem:$0x3F9E]  }
0x31: {  	[smem:$0x3FA7] =	sst s10  }
0x32: {  	s10 =	sld [smem:$0x3FA5];
	_ =	sdelay $0x3  }
0x33: {  	p0 =	seq.s32 s10, $0x1;
	s10 =	sld [smem:$0x3FA7];
	_ =	sdelay $0x3  }
0x34: {  	[smem:$0x3FA7] =	sst s10  }
0x35: {  	s10 =	sld [smem:$0x3FA6];
	_ =	sdelay $0x3  }
0x36: {  	p1 =	seq.s32 s10, $0x1;
	s10 =	sld [smem:$0x3FA7];
	_ =	sdelay $0x3  }
0x37: {  	[smem:$0x3FA7] =	sst s10  }
0x38: {  	s10 =	sld [smem:$0x3FA8]  }
0x39: {  	_ = 	snop;
	(pc) =	sbr.ind lr, $3  }
0x3a: {  	_ = 	snop  }
0x3b: {  	_ = 	snop  }
0x3c: {  	p2 =	seq.s32 s10, $0x1;
	s10 =	sld [smem:$0x3FA7]  }
0x3d: {  	_ =	shalt  }
0x3e: {  	_ =	shalt  }
0x3f: {  	_ =	shalt  }
0x40: {  	_ =	shalt  }
0x41: {  	_ =	shalt  }
0x42: {  	_ =	shalt  }
0x43: {  	_ =	shalt  }
0x44: {  	_ =	shalt  }
0x45: {  	_ =	shalt  }
0x46: {  	_ =	shalt  }
0x47: {  	_ =	shalt  }
0x48: {  	_ =	shalt  }
0x49: {  	_ =	shalt  }
0x4a: {  	_ =	shalt  }
0x4b: {  	_ =	shalt  }
0x4c: {  	_ =	shalt  }
0x4d: {  	_ =	shalt  }
0x4e: {  	_ =	shalt  }
0x4f: {  	_ =	shalt  }
0x50: {  	_ =	shalt  }
0x51: {  	_ =	shalt  }
0x52: {  	_ =	shalt  }
0x53: {  	_ =	shalt  }
0x54: {  	_ =	shalt  }
0x55: {  	_ =	shalt  }
0x56: {  	_ =	shalt  }
0x57: {  	_ =	shalt  }
0x58: {  	_ =	shalt  }
0x59: {  	_ =	shalt  }
0x5a: {  	_ =	shalt  }
0x5b: {  	_ =	shalt  }
0x5c: {  	_ =	shalt  }
0x5d: {  	_ =	shalt  }
0x5e: {  	_ =	shalt  }
0x5f: {  	_ =	shalt  }
0x60: {  	_ =	shalt  }
0x61: {  	_ =	shalt  }
0x62: {  	_ =	shalt  }
0x63: {  	_ =	shalt  }
0x64: {  	_ =	shalt  }
0x65: {  	_ =	shalt  }
0x66: {  	_ =	shalt  }
0x67: {  	_ =	shalt  }
0x68: {  	_ =	shalt  }
0x69: {  	_ =	shalt  }
0x6a: {  	_ =	shalt  }
0x6b: {  	_ =	shalt  }
0x6c: {  	_ =	shalt  }
0x6d: {  	_ =	shalt  }
0x6e: {  	_ =	shalt  }
0x6f: {  	_ =	shalt  }
0x70: {  	_ =	shalt  }
0x71: {  	_ =	shalt  }
0x72: {  	_ =	shalt  }
0x73: {  	_ =	shalt  }
0x74: {  	_ =	shalt  }
0x75: {  	_ =	shalt  }
0x76: {  	_ =	shalt  }
0x77: {  	_ =	shalt  }
0x78: {  	_ =	shalt  }
0x79: {  	_ =	shalt  }
0x7a: {  	_ =	shalt  }
0x7b: {  	_ =	shalt  }
0x7c: {  	_ =	shalt  }
0x7d: {  	_ =	shalt  }
0x7e: {  	_ =	shalt  }
0x7f: {  	_ =	shalt  }
0x80: {  	_ =	shalt  }
0x81: {  	_ =	shalt  }
0x82: {  	_ =	shalt  }
0x83: {  	_ =	shalt  }
0x84: {  	_ =	shalt  }
0x85: {  	_ =	shalt  }
0x86: {  	_ =	shalt  }
0x87: {  	_ =	shalt  }
.Lfunc_end0:
.L_simem_size_0:
called_computation.8_lowered:
.L_overlay_start_0:
0x88: {  	s2 =	sld [smem:$0x3FD9]  }
0x89: {  	s3 =	sld [smem:$0x3FFE];
	_ =	sdelay $0x1  }
0x8a: {  	s1 =	srdreg.scid  }
0x8b: {  	s0 =	sand.u32 $0x1, s1  }
0x8c: {  	s17 =	sshll.u32 s0, $0xA;
	s2 =	sadd.s32 s3, s2  }
0x8d: {  	s2 =	sadd.s32 s2, s17  }
0x8e: {  	[smem:$0x3FB3] =	sst s2  }
0x8f: {  	_ = 	snop  }
0x90: {  	(tm) =	ssettm $0x1  }
0x91: {  	s18 =	sld [smem:$0x3FFB];
	_ =	sdelay $0x3  }
0x92: {  	_ =	strace s18  }
0x93: {  	s2 =	sld [smem:$0x3FFC];
	_ =	sdelay $0x3  }
0x94: {  	_ =	strace s2  }
0x95: {  	s2 =	sld [smem:$0x3FFD];
	_ =	sdelay $0x3  }
0x96: {  	_ =	strace s2  }
0x97: {  	_ =	strace $0x8FFFFFFF  }
0x98: {  	s19 =	sld [smem:$0x3FDB];
	_ =	sdelay $0x1  }
0x99: {  	s20 =	simm.s32 $_scs_section_size  }
0x9a: {  	s4 =	simm.s32 $_size__tile_overlayer_lowered;
	s5 =	simm.s32 $_tile_overlayer_lowered  }
0x9b: {  	s6 =	simm.s32 $0x1BFF;
	s21 =	sshll.u32 s5, $0x1;
	s3 =	sadd.s32 s20, s19  }
0x9c: {  	s22 =	simm.s32 $0x0;
	s4 =	sshll.u32 s4, $0x1;
	s5 =	sadd.s32 s21, s3  }
0x9d: {  	[timem:s22], [sflag:s6] =	dma.local [hbm:s5], s4  }
0x9e: {  	_ =	swait.ge [sflag:s6], s4  }
0x9f: {  	s4 =	ssub.s32 $0x0, s4;
	[sflag:s6] =	ssyncset.done $0x0  }
0xa0: {  	[sflag:s6] =	ssyncadd.s32 s4;
	_ =	sdelay $0x1  }
0xa1: {  	s23 =	simm.s32 $0x1B8B  }
0xa2: {  	_ =	swait.ge [sflag:s23], $0x1  }
0xa3: {  	[sflag:s23] =	ssyncset.done $0x0  }
0xa4: {  	[sflag:s23] =	ssyncadd.s32 $0xFFFFFFFF  }
0xa5: {  	s4 =	sld [smem:$0x0]  }
0xa6: {  	s5 =	sand.u32 $0xFFFFFFFE, s1  }
0xa7: {  	p0 =	sne.s32 s1, s5  }
0xa8: {  	s5 =	sshll.u32 @p0 s5, $0xE  }
0xa9: {  	s5 =	sadd.s32 @p0 $0x11B8D, s5;
	s6 =	sshll.u32 @p0 s4, $0x11  }
0xaa: {  	s5 =	sor.u32 @p0 s6, s5  }
0xab: {  	[sflag:s5] =	ssyncadd.remote.s32 @p0 $0x1;
	_ =	sdelay $0x1  }
0xac: {  	s5 =	simm.s32 @p0 $0x1B8D  }
0xad: {  	_ =	swait.eq @p0 [sflag:s5], $0x1  }
0xae: {  	[sflag:s5] =	ssyncadd.s32 @p0 $0xFFFFFFFF  }
0xaf: {  	s6 =	sshll.u32 @!p0 s1, $0xE  }
0xb0: {  	s6 =	sor.u32 @!p0 $0x4000, s6;
	s5 =	simm.s32 @!p0 $0x1B8D  }
0xb1: {  	s4 =	sshll.u32 @!p0 s4, $0x11;
	s6 =	sadd.s32 @!p0 $0x11B8D, s6;
	_ =	swait.eq @!p0 [sflag:s5], $0x1  }
0xb2: {  	s4 =	sor.u32 @!p0 s4, s6;
	[sflag:s5] =	ssyncadd.s32 @!p0 $0xFFFFFFFF  }
0xb3: {  	s25 =	simm.s32 $0x1B8E;
	s24 =	sld [smem:$0x3FFE];
	[sflag:s4] =	ssyncadd.remote.s32 @!p0 $0x1  }
0xb4: {  	s26 =	simm.s32 $execute0_lowered;
	[smem:$0x3FD2] =	sst s25  }
0xb5: {  	s5 =	sshll.u32 s26, $0x1;
	_ =	strace $0x8000004F;
	[dreg:$0x1] =	wrdreg $0xFFFFFFFF  }
0xb6: {  	s28 =	simm.s32 $_size_execute0_lowered;
	s3 =	sadd.s32 s3, s5;
	[dreg:$0x0] =	wrdreg $0x0  }
0xb7: {  	s5 =	sshll.u32 s28, $0x1;
	[dreg:$0x2] =	wrdreg s3  }
0xb8: {  	[dreg:$0x3] =	wrdreg s5  }
0xb9: {  	[dreg:$0x4] =	wrdreg $0xC0  }
0xba: {  	_ =	task [dreg:s22], $0x5FFFF  }
0xbb: {  	[dreg:$0x1] =	wrdreg $0xFFFFFFFF  }
0xbc: {  	[dreg:$0x0] =	wrdreg $0x60  }
0xbd: {  	[dreg:$0x2] =	wrdreg s24  }
0xbe: {  	[dreg:$0x3] =	wrdreg $0xC  }
0xbf: {  	_ =	task.clear_ibuf [dreg:s22], $0x4FFFF;
	_ =	strace $0x9000004F  }
0xc0: {  	s29 =	simm.s32 $0xC;
	_ =	strace $0x80000051  }
0xc1: {  	_ =	swait.ge [sflag:s29], $0x1  }
0xc2: {  	[sflag:s29] =	ssyncadd.s32 $0xFFFFFFFF  }
0xc3: {  	_ =	strace $0x90000051  }
0xc4: {  	_ =	sfence  }
0xc5: {  	s30 =	sld [smem:$0x0];
	_ =	sdelay $0x2  }
0xc6: {  	s31 =	sshll.u32 s1, $0xD;
	s1 =	sshrl.u32 s1, $0x2  }
0xc7: {  	s4 =	sand.u32 $0x4000, s31;
	s1 =	sadd.s32 s1, s30  }
0xc8: {  	s0 =	sor.u32 s4, s0;
	s1 =	sshll.u32 s1, $0x11  }
0xc9: {  	s0 =	sor.u32 s1, s0  }
0xca: {  	s0 =	sadd.s32 $0x8F2B, s0  }
0xcb: {  	[sflag:s0] =	ssyncadd.remote.s32 $0x1  }
0xcc: {  	_ =	sfence.sel $0xFFFF  }
0xcd: {  	[dreg:$0x0] =	wrdreg $0xFFFFFFFF;
	(pc) =	sbr.abs _section_cstart, $3  }
0xce: {  	[dreg:$0x1] =	wrdreg $0xFFFFFFFF  }
0xcf: {  	_ =	task.clear_ibuf [dreg:s22], $0x2FFFF;
	_ =	strace $0x9FFFFFFF  }
0xd0: {  	(tm) =	ssettm $0x7FFFFFFF  }
0xd1: {  	_ =	shalt  }
tec
execute0_lowered:
.L_overlay_start_1:
0x0: {  	(tag) =	ssettag $0x1  }
0x1: {  	s5 =	rddreg [dreg:$0x0];
	s1 =	srdreg.scid  }
0x2: {  	s0 =	rddreg [dreg:$0x1];
	s2 =	simm.s32 $0x0;
	s11 =	simm.s32 $0x80  }
0x3: {  	s12 =	simm.s32 $0x50;
	s13 =	simm.s32 $0x100;
	s14 =	simm.s32 $0x2900  }
0x4: {  	s15 =	simm.s32 $0x1;
	s16 =	simm.s32 $0x2;
	s6 =	sand.u32 $0x1, s1  }
0x5: {  	s17 =	simm.s32 $0x0;
	s1 =	stileid.u32;
	s7 =	smul.u32 $0x28500, s6  }
0x6: {  	[smem:$0x7FF] =	sst s2;
	s3 =	sadd.s32 $0x51000, s5;
	s8 =	smul.u32 $0x2850, s1  }
0x7: {  	s4 =	sadd.s32 $0x78200, s5;
	s9 =	smul.u32 $0x285000, s6;
	s6 =	ssub.s32 $0x2, s6  }
0x8: {  	_ =	strace $0x80000050;
	s10 =	smul.u32 $0x28500, s1;
	s30 =	sshrl.u32 s6, $0x1  }
0x9: {  	s7 =	sadd.s32 s8, s7;
	s29 =	sadd.s32 s9, s5;
	s6 =	ssub.s32 s6, s30  }
0xa: {  	s7 =	sshrl.u32 s7, $0x3;
	s8 =	sadd.s32 s10, s29;
	s6 =	smax.u32 s6, $0x1  }
0xb: {  	s10 =	simm.s32 $0x3;
	s31 =	sadd.s32 s7, s5;
	s5 =	sadd.s32 $0xF0A600, s8  }
0xc: {  	s7 =	sadd.s32 $0xA00600, s8;
	s8 =	sadd.s32 $0x3CC00, s31;
	s9 =	sadd.s32 $0x46E00, s31  }
.LBB2_1:
0xd: {  	s18 =	sadd.s32 $0x0, s9  }
0xe: {  	[tilespmem:s2], [sflag:$0x3] =	stream.linear.gather [hbm4b:s18+s2], $0x50, $0x38;
	[tilespmem:$0x5100] =	vst v63  }
0xf: {  	_ =	swait.ge [sflag:s10], $0x50  }
0x10: {  	[sflag:s10] =	ssyncset.done $0x0  }
0x11: {  	s31 =	sadd.s32 $0x0, s8;
	[sflag:s10] =	ssyncadd.s32 $0xFFFFFFB0  }
0x12: {  	[tilespmem:s11], [sflag:$0x3] =	stream.linear.gather [hbm4b:s31+s2], $0x50, $0x38;
	[tilespmem:$0x5100] =	vst v63  }
0x13: {  	_ =	swait.ge [sflag:s10], $0x50  }
0x14: {  	[sflag:s10] =	ssyncset.done $0x0  }
0x15: {  	[sflag:s10] =	ssyncadd.s32 $0xFFFFFFB0  }
0x16: {  	[tilespmem:s13], [sflag:$0x1] =	stream.indirect.gather [hbm4b:s3+s12], $0x80, s2, s12, $0xb8;
	[tilespmem:$0x5100] =	vst v63  }
0x17: {  	_ = 	snop  }
0x18: {  	[tilespmem:s14], [sflag:$0x2] =	stream.indirect.gather [hbm4b:s4+s12], $0x80, s11, s12, $0xb8;
	[tilespmem:$0x5100] =	vst v63  }
0x19: {  	_ =	swait.ge [sflag:s15], $0x2800  }
0x1a: {  	[sflag:s15] =	ssyncset.done $0x0  }
0x1b: {  	[sflag:s15] =	ssyncadd.s32 $0xFFFFD800  }
0x1c: {  	_ =	swait.ge [sflag:s16], $0x2800  }
0x1d: {  	[sflag:s16] =	ssyncset.done $0x0  }
0x1e: {  	[sflag:s16] =	ssyncadd.s32 $0xFFFFD800  }
0x1f: {  	[hbm4b:s5+s2] =	stream.linear.scatter [tilespmem:s13], [sflag:$0x3], $0x2800, $0x38;
	[tilespmem:$0x5100] =	vst v63  }
0x20: {  	_ =	swait.ge [sflag:s10], $0x2800  }
0x21: {  	[sflag:s10] =	ssyncset.done $0x0  }
0x22: {  	[sflag:s10] =	ssyncadd.s32 $0xFFFFD800  }
0x23: {  	[hbm4b:s7+s2] =	stream.linear.scatter [tilespmem:s14], [sflag:$0x3], $0x2800, $0x38;
	[tilespmem:$0x5100] =	vst v63  }
0x24: {  	s20 =	simm.s32 $0xA;
	s21 =	simm.s32 $0x14;
	_ =	swait.ge [sflag:s10], $0x2800  }
0x25: {  	s19 =	sadd.s32 $0x500, s5;
	s18 =	sadd.s32 $0x500, s7;
	[sflag:s10] =	ssyncset.done $0x0  }
.LBB2_2:
0x26: {  	s22 =	sadd.s32 s20, s9  }
0x27: {  	[sflag:s10] =	ssyncadd.s32 $0xFFFFD800;
	s23 =	smov.u32 s21;
	s24 =	sadd.s32 $0xA, s21  }
0x28: {  	[tilespmem:s2], [sflag:$0x3] =	stream.linear.gather [hbm4b:s22+s2], $0x50, $0x38;
	[tilespmem:$0x5100] =	vst v63  }
0x29: {  	p0 =	sne.s32 s21, $0x500;
	_ =	swait.ge [sflag:s10], $0x50  }
0x2a: {  	[sflag:s10] =	ssyncset.done $0x0  }
0x2b: {  	s21 =	sadd.s32 s20, s8;
	s20 =	smov.u32 s23;
	[sflag:s10] =	ssyncadd.s32 $0xFFFFFFB0  }
0x2c: {  	[tilespmem:s11], [sflag:$0x3] =	stream.linear.gather [hbm4b:s21+s2], $0x50, $0x38;
	[tilespmem:$0x5100] =	vst v63  }
0x2d: {  	_ =	swait.ge [sflag:s10], $0x50  }
0x2e: {  	[sflag:s10] =	ssyncset.done $0x0  }
0x2f: {  	[sflag:s10] =	ssyncadd.s32 $0xFFFFFFB0  }
0x30: {  	[tilespmem:s13], [sflag:$0x1] =	stream.indirect.gather [hbm4b:s3+s12], $0x80, s2, s12, $0xb8;
	[tilespmem:$0x5100] =	vst v63  }
0x31: {  	_ = 	snop  }
0x32: {  	[tilespmem:s14], [sflag:$0x2] =	stream.indirect.gather [hbm4b:s4+s12], $0x80, s11, s12, $0xb8;
	[tilespmem:$0x5100] =	vst v63  }
0x33: {  	_ =	swait.ge [sflag:s15], $0x2800  }
0x34: {  	[sflag:s15] =	ssyncset.done $0x0  }
0x35: {  	[sflag:s15] =	ssyncadd.s32 $0xFFFFD800  }
0x36: {  	_ =	swait.ge [sflag:s16], $0x2800  }
0x37: {  	[sflag:s16] =	ssyncset.done $0x0  }
0x38: {  	[sflag:s16] =	ssyncadd.s32 $0xFFFFD800  }
0x39: {  	[hbm4b:s19+s2] =	stream.linear.scatter [tilespmem:s13], [sflag:$0x3], $0x2800, $0x38;
	[tilespmem:$0x5100] =	vst v63  }
0x3a: {  	_ =	swait.ge [sflag:s10], $0x2800  }
.Ltmp0:
0x3b: {  	[sflag:s10] =	ssyncset.done $0x0;
	(pc) =	sbr.rel @p0 .LBB2_2-.Ltmp0, $4  }
0x3c: {  	[sflag:s10] =	ssyncadd.s32 $0xFFFFD800  }
0x3d: {  	[hbm4b:s18+s2] =	stream.linear.scatter [tilespmem:s14], [sflag:$0x3], $0x2800, $0x38;
	[tilespmem:$0x5100] =	vst v63  }
0x3e: {  	s21 =	smov.u32 s24;
	_ =	swait.ge [sflag:s10], $0x2800  }
0x3f: {  	s19 =	sadd.s32 $0x500, s19;
	s18 =	sadd.s32 $0x500, s18;
	[sflag:s10] =	ssyncset.done $0x0  }
0x40: {  	s21 =	sadd.s32 s20, s9;
	[sflag:s10] =	ssyncadd.s32 $0xFFFFD800  }
0x41: {  	[tilespmem:s2], [sflag:$0x3] =	stream.linear.gather [hbm4b:s21+s2], $0x50, $0x38;
	[tilespmem:$0x5100] =	vst v63  }
0x42: {  	_ =	swait.ge [sflag:s10], $0x50  }
0x43: {  	[sflag:s10] =	ssyncset.done $0x0  }
0x44: {  	s31 =	sadd.s32 s20, s8;
	[sflag:s10] =	ssyncadd.s32 $0xFFFFFFB0  }
0x45: {  	[tilespmem:s11], [sflag:$0x3] =	stream.linear.gather [hbm4b:s31+s2], $0x50, $0x38;
	[tilespmem:$0x5100] =	vst v63  }
0x46: {  	_ =	swait.ge [sflag:s10], $0x50  }
0x47: {  	[sflag:s10] =	ssyncset.done $0x0  }
0x48: {  	[sflag:s10] =	ssyncadd.s32 $0xFFFFFFB0  }
0x49: {  	[tilespmem:s13], [sflag:$0x1] =	stream.indirect.gather [hbm4b:s3+s12], $0x80, s2, s12, $0xb8;
	[tilespmem:$0x5100] =	vst v63  }
0x4a: {  	_ = 	snop  }
0x4b: {  	[tilespmem:s14], [sflag:$0x2] =	stream.indirect.gather [hbm4b:s4+s12], $0x80, s11, s12, $0xb8;
	[tilespmem:$0x5100] =	vst v63  }
0x4c: {  	_ =	swait.ge [sflag:s15], $0x2800  }
0x4d: {  	[sflag:s15] =	ssyncset.done $0x0  }
0x4e: {  	[sflag:s15] =	ssyncadd.s32 $0xFFFFD800  }
0x4f: {  	_ =	swait.ge [sflag:s16], $0x2800  }
0x50: {  	[sflag:s16] =	ssyncset.done $0x0  }
0x51: {  	[sflag:s16] =	ssyncadd.s32 $0xFFFFD800  }
0x52: {  	[hbm4b:s19+s2] =	stream.linear.scatter [tilespmem:s13], [sflag:$0x3], $0x2800, $0x38;
	[tilespmem:$0x5100] =	vst v63  }
0x53: {  	s17 =	sadd.s32 $0x1, s17;
	_ =	swait.ge [sflag:s10], $0x2800  }
0x54: {  	p0 =	sne.s32 s17, s6;
	[sflag:s10] =	ssyncset.done $0x0  }
.Ltmp1:
0x55: {  	[sflag:s10] =	ssyncadd.s32 $0xFFFFD800;
	(pc) =	sbr.rel @p0 .LBB2_1-.Ltmp1, $4  }
0x56: {  	[hbm4b:s18+s2] =	stream.linear.scatter [tilespmem:s14], [sflag:$0x3], $0x2800, $0x38;
	[tilespmem:$0x5100] =	vst v63  }
0x57: {  	_ =	swait.ge [sflag:s10], $0x2800  }
0x58: {  	[sflag:s10] =	ssyncset.done $0x0  }
0x59: {  	[sflag:s10] =	ssyncadd.s32 $0xFFFFD800  }
0x5a: {  	_ =	sfence.sel $0x180000  }
0x5b: {  	[bflag:$0x0] =	sbarrier.arrive $0xFFFF  }
0x5c: {  	p0 =	sne.s32 s1, $0x0;
	_ =	strace $0x90000050  }
0x5d: {  	s0 =	sadd.s32 @!p0 $0x100000, s0;
	[bflag:$0x2] =	sbarrier.arrive $0xFFFF  }
0x5e: {  	[sflag:s0] =	ssyncadd.tile.s32 @!p0 $0x1;
	_ =	shalt  }
.Lfunc_end2:
_tile_overlayer_lowered:
.L_overlay_start_2:
0x5f: {  	(tag) =	ssettag $0x2  }
0x60: {  	s0 =	rddreg [dreg:$0x0];
	s2 =	stileid.u32  }
0x61: {  	s1 =	rddreg [dreg:$0x1];
	p0 =	sne.s32 s2, $0x0  }
0x62: {  	s3 =	rddreg [dreg:$0x2];
	[bflag:$0x3] =	sbarrier.arrive $0xFFFF;
	s2 =	simm.s32 @!p0 $0x1C03  }
0x63: {  	[timem:s3], [sflag:s2] =	dma.local @!p0 [hbm:s0], s1  }
0x64: {  	s0 =	simm.s32 @!p0 $0x3  }
0x65: {  	_ =	swait.ge @!p0 [sflag:s0], s1  }
0x66: {  	s1 =	ssub.s32 @!p0 $0x0, s1;
	[sflag:s0] =	ssyncset.done @!p0 $0x0  }
0x67: {  	[sflag:s0] =	ssyncadd.s32 @!p0 s1  }
0x68: {  	[bflag:$0x3] =	sbarrier.arrive $0xFFFF  }
0x69: {  	_ =	shalt  }

// kernel: kernel.15.cloned.1.call-start
scs
__scs_entry_jumppad:
0x0: {  	(pc) =	sbr.rel $0x88, $3  }
0x1: {  	(tag) =	ssettag $0x0;
	lr =	simm.s32 $0x1  }
0x2: {  	[smem:$0x3F8C] =	sst lr;
	_ =	strace $0xD0000000  }
0x3: {  	_ = 	snop  }
0x4: {  	_ = 	snop  }
0x5: {  	_ = 	snop  }
0x6: {  	_ = 	snop  }
0x7: {  	_ = 	snop  }
__scs_overlays_trampoline_lowered:
0x8: {  	[smem:$0x3F9B] =	sst s0  }
0x9: {  	[smem:$0x3F9C] =	sst s1  }
0xa: {  	[smem:$0x3F9D] =	sst s2  }
0xb: {  	[smem:$0x3F9E] =	sst s3  }
0xc: {  	[smem:$0x3F9F] =	sst s4  }
0xd: {  	[smem:$0x3FA0] =	sst s5  }
0xe: {  	[smem:$0x3FA1] =	sst s6  }
0xf: {  	[smem:$0x3FA2] =	sst s7  }
0x10: {  	[smem:$0x3FA3] =	sst s8  }
0x11: {  	[smem:$0x3FA4] =	sst s9;
	s0 =	simm.s32 @!p0 $0x0  }
0x12: {  	s1 =	sld [smem:$0x3F8A];
	s0 =	simm.s32 @p0 $0x1  }
0x13: {  	[smem:$0x3FA5] =	sst s0;
	s0 =	simm.s32 @!p1 $0x0  }
0x14: {  	s2 =	sld [smem:$0x3F89];
	s0 =	simm.s32 @p1 $0x1  }
0x15: {  	[smem:$0x3FA6] =	sst s0;
	s0 =	simm.s32 @!p2 $0x0  }
0x16: {  	s3 =	sld [smem:$0x3FDB];
	s0 =	simm.s32 @p2 $0x1  }
0x17: {  	s4 =	simm.s32 $0x1BF5;
	[smem:$0x3FA8] =	sst s0  }
0x18: {  	s0 =	sld [smem:$0x3F8B];
	_ =	swait.ge [sflag:s4], $0x0  }
0x19: {  	s7 =	sld [smem:$0x3F8C]  }
0x1a: {  	s8 =	sadd.s32 $0xFFFFE003, lr  }
0x1b: {  	s9 =	sadd.s32 $0xFFFFFEF7, lr;
	s5 =	simm.s32 $0xFFFFFFFF;
	p2 =	slt.u32 s8, $0xFFFFF086  }
0x1c: {  	p1 =	slt.u32 s9, $0xF7A;
	s5 =	simm.s32 @!p2 $0x0  }
0x1d: {  	s5 =	simm.s32 @p1 $0x1;
	p0 =	seq.s32 s7, s2  }
0x1e: {  	s7 =	smul.u32 @!p0 $0xF7A, s2;
	p2 =	seq.s32 @!p0 s5, $0x0  }
0x1f: {  	s9 =	smul.u32 $0xF7A, s1;
	s8 =	simm.s32 @!p0 $0x1BF5;
	p2 =	por !p2, p0  }
0x20: {  	[sflag:s8] =	ssyncset.s32 @!p0 $0xFFFFF086;
	s6 =	sadd.s32 @!p0 s3, s7;
	s7 =	simm.s32 @!p0 $0x108  }
0x21: {  	s3 =	sadd.s32 s3, s9;
	s6 =	sadd.s32 @!p0 $0x88, s6;
	s7 =	simm.s32 @p2 $0x1082  }
0x22: {  	[simem:s7], [sflag:s8] =	dma.local @!p0 [hbm:s6], $0xF7A  }
0x23: {  	s9 =	sor.u32 $0xD0000000, s2;
	s6 =	simm.s32 $0x108;
	_ =	swait.ge @!p0 [sflag:s8], $0x0  }
0x24: {  	s3 =	sadd.s32 $0x88, s3;
	s6 =	simm.s32 @!p1 $0x1082;
	[sflag:s4] =	ssyncset.s32 $0xFFFFF086  }
0x25: {  	[simem:s6], [sflag:s4] =	dma.local [hbm:s3], $0xF7A  }
0x26: {  	[smem:$0x3F8C] =	sst s1;
	(tag) =	ssettag s2;
	_ =	strace s9  }
0x27: {  	s1 =	sld [smem:$0x3F9C]  }
0x28: {  	s2 =	sld [smem:$0x3F9D]  }
0x29: {  	s4 =	sld [smem:$0x3F9F]  }
0x2a: {  	p0 =	seq.s32 s5, $0x0;
	s5 =	sld [smem:$0x3FA0]  }
0x2b: {  	s6 =	sld [smem:$0x3FA1]  }
0x2c: {  	s7 =	sld [smem:$0x3FA2]  }
0x2d: {  	s3 =	simm.s32 $0x108;
	s8 =	sld [smem:$0x3FA3]  }
0x2e: {  	s3 =	simm.s32 @!p0 $0x1082;
	s9 =	sld [smem:$0x3FA4]  }
0x2f: {  	lr =	sadd.s32 s0, s3;
	s0 =	sld [smem:$0x3F9B]  }
0x30: {  	s3 =	sld [smem:$0x3F9E]  }
0x31: {  	[smem:$0x3FA7] =	sst s10  }
0x32: {  	s10 =	sld [smem:$0x3FA5];
	_ =	sdelay $0x3  }
0x33: {  	p0 =	seq.s32 s10, $0x1;
	s10 =	sld [smem:$0x3FA7];
	_ =	sdelay $0x3  }
0x34: {  	[smem:$0x3FA7] =	sst s10  }
0x35: {  	s10 =	sld [smem:$0x3FA6];
	_ =	sdelay $0x3  }
0x36: {  	p1 =	seq.s32 s10, $0x1;
	s10 =	sld [smem:$0x3FA7];
	_ =	sdelay $0x3  }
0x37: {  	[smem:$0x3FA7] =	sst s10  }
0x38: {  	s10 =	sld [smem:$0x3FA8]  }
0x39: {  	_ = 	snop;
	(pc) =	sbr.ind lr, $3  }
0x3a: {  	_ = 	snop  }
0x3b: {  	_ = 	snop  }
0x3c: {  	p2 =	seq.s32 s10, $0x1;
	s10 =	sld [smem:$0x3FA7]  }
0x3d: {  	_ =	shalt  }
0x3e: {  	_ =	shalt  }
0x3f: {  	_ =	shalt  }
0x40: {  	_ =	shalt  }
0x41: {  	_ =	shalt  }
0x42: {  	_ =	shalt  }
0x43: {  	_ =	shalt  }
0x44: {  	_ =	shalt  }
0x45: {  	_ =	shalt  }
0x46: {  	_ =	shalt  }
0x47: {  	_ =	shalt  }
0x48: {  	_ =	shalt  }
0x49: {  	_ =	shalt  }
0x4a: {  	_ =	shalt  }
0x4b: {  	_ =	shalt  }
0x4c: {  	_ =	shalt  }
0x4d: {  	_ =	shalt  }
0x4e: {  	_ =	shalt  }
0x4f: {  	_ =	shalt  }
0x50: {  	_ =	shalt  }
0x51: {  	_ =	shalt  }
0x52: {  	_ =	shalt  }
0x53: {  	_ =	shalt  }
0x54: {  	_ =	shalt  }
0x55: {  	_ =	shalt  }
0x56: {  	_ =	shalt  }
0x57: {  	_ =	shalt  }
0x58: {  	_ =	shalt  }
0x59: {  	_ =	shalt  }
0x5a: {  	_ =	shalt  }
0x5b: {  	_ =	shalt  }
0x5c: {  	_ =	shalt  }
0x5d: {  	_ =	shalt  }
0x5e: {  	_ =	shalt  }
0x5f: {  	_ =	shalt  }
0x60: {  	_ =	shalt  }
0x61: {  	_ =	shalt  }
0x62: {  	_ =	shalt  }
0x63: {  	_ =	shalt  }
0x64: {  	_ =	shalt  }
0x65: {  	_ =	shalt  }
0x66: {  	_ =	shalt  }
0x67: {  	_ =	shalt  }
0x68: {  	_ =	shalt  }
0x69: {  	_ =	shalt  }
0x6a: {  	_ =	shalt  }
0x6b: {  	_ =	shalt  }
0x6c: {  	_ =	shalt  }
0x6d: {  	_ =	shalt  }
0x6e: {  	_ =	shalt  }
0x6f: {  	_ =	shalt  }
0x70: {  	_ =	shalt  }
0x71: {  	_ =	shalt  }
0x72: {  	_ =	shalt  }
0x73: {  	_ =	shalt  }
0x74: {  	_ =	shalt  }
0x75: {  	_ =	shalt  }
0x76: {  	_ =	shalt  }
0x77: {  	_ =	shalt  }
0x78: {  	_ =	shalt  }
0x79: {  	_ =	shalt  }
0x7a: {  	_ =	shalt  }
0x7b: {  	_ =	shalt  }
0x7c: {  	_ =	shalt  }
0x7d: {  	_ =	shalt  }
0x7e: {  	_ =	shalt  }
0x7f: {  	_ =	shalt  }
0x80: {  	_ =	shalt  }
0x81: {  	_ =	shalt  }
0x82: {  	_ =	shalt  }
0x83: {  	_ =	shalt  }
0x84: {  	_ =	shalt  }
0x85: {  	_ =	shalt  }
0x86: {  	_ =	shalt  }
0x87: {  	_ =	shalt  }
.Lfunc_end0:
.L_simem_size_0:
called_computation.9_lowered:
.L_overlay_start_0:
0x88: {  	s2 =	sld [smem:$0x3FD9]  }
0x89: {  	s3 =	sld [smem:$0x3FFE];
	_ =	sdelay $0x1  }
0x8a: {  	s1 =	srdreg.scid  }
0x8b: {  	s0 =	sand.u32 $0x1, s1  }
0x8c: {  	s16 =	sshll.u32 s0, $0xA;
	s2 =	sadd.s32 s3, s2  }
0x8d: {  	s2 =	sadd.s32 s2, s16  }
0x8e: {  	[smem:$0x3FB3] =	sst s2  }
0x8f: {  	_ = 	snop  }
0x90: {  	(tm) =	ssettm $0x1  }
0x91: {  	s17 =	sld [smem:$0x3FFB];
	_ =	sdelay $0x3  }
0x92: {  	_ =	strace s17  }
0x93: {  	s2 =	sld [smem:$0x3FFC];
	_ =	sdelay $0x3  }
0x94: {  	_ =	strace s2  }
0x95: {  	s2 =	sld [smem:$0x3FFD];
	_ =	sdelay $0x3  }
0x96: {  	_ =	strace s2  }
0x97: {  	_ =	strace $0x8FFFFFFF  }
0x98: {  	s18 =	sld [smem:$0x3FDB];
	_ =	sdelay $0x1  }
0x99: {  	s19 =	simm.s32 $_scs_section_size  }
0x9a: {  	s4 =	simm.s32 $_size__tile_overlayer_lowered;
	s5 =	simm.s32 $_tile_overlayer_lowered  }
0x9b: {  	s22 =	simm.s32 $0x1BFF;
	s21 =	sshll.u32 s5, $0x1;
	s2 =	sadd.s32 s19, s18  }
0x9c: {  	s6 =	simm.s32 $0x0;
	s20 =	sshll.u32 s4, $0x1;
	s4 =	sadd.s32 s21, s2  }
0x9d: {  	[timem:s6], [sflag:s22] =	dma.local [hbm:s4], s20  }
0x9e: {  	_ =	swait.ge [sflag:s22], s20  }
0x9f: {  	s3 =	ssub.s32 $0x0, s20;
	[sflag:s22] =	ssyncset.done $0x0  }
0xa0: {  	[sflag:s22] =	ssyncadd.s32 s3;
	_ =	sdelay $0x1  }
0xa1: {  	s23 =	simm.s32 $0x1B8B  }
0xa2: {  	_ =	swait.ge [sflag:s23], $0x1  }
0xa3: {  	[sflag:s23] =	ssyncset.done $0x0  }
0xa4: {  	s25 =	simm.s32 $0x1B8E;
	s24 =	sld [smem:$0x3FFE];
	[sflag:s23] =	ssyncadd.s32 $0xFFFFFFFF  }
0xa5: {  	s26 =	simm.s32 $execute0_lowered;
	[smem:$0x3FD2] =	sst s25  }
0xa6: {  	s4 =	sshll.u32 s26, $0x1;
	_ =	strace $0x80000061;
	[dreg:$0x1] =	wrdreg $0xFFFFFFFF  }
0xa7: {  	s28 =	simm.s32 $_size_execute0_lowered;
	s2 =	sadd.s32 s2, s4;
	[dreg:$0x0] =	wrdreg $0x0  }
0xa8: {  	s4 =	sshll.u32 s28, $0x1;
	[dreg:$0x2] =	wrdreg s2  }
0xa9: {  	[dreg:$0x3] =	wrdreg s4  }
0xaa: {  	[dreg:$0x4] =	wrdreg $0xC0  }
0xab: {  	_ =	task [dreg:s6], $0x5FFFF  }
0xac: {  	[dreg:$0x1] =	wrdreg $0xFFFFFFFF  }
0xad: {  	[dreg:$0x0] =	wrdreg $0x60  }
0xae: {  	[dreg:$0x2] =	wrdreg s24  }
0xaf: {  	[dreg:$0x3] =	wrdreg $0x9  }
0xb0: {  	_ =	task.clear_ibuf [dreg:s6], $0x4FFFF;
	_ =	strace $0x90000061  }
0xb1: {  	s29 =	simm.s32 $0x9;
	_ =	strace $0x80000063  }
0xb2: {  	_ =	swait.ge [sflag:s29], $0x1  }
0xb3: {  	[sflag:s29] =	ssyncadd.s32 $0xFFFFFFFF  }
0xb4: {  	_ =	strace $0x90000063  }
0xb5: {  	_ =	sfence  }
0xb6: {  	s30 =	sld [smem:$0x0];
	_ =	sdelay $0x2  }
0xb7: {  	s31 =	sshll.u32 s1, $0xD;
	s1 =	sshrl.u32 s1, $0x2  }
0xb8: {  	s3 =	sand.u32 $0x4000, s31;
	s1 =	sadd.s32 s1, s30  }
0xb9: {  	s0 =	sor.u32 s3, s0;
	s1 =	sshll.u32 s1, $0x11  }
0xba: {  	s0 =	sor.u32 s1, s0  }
0xbb: {  	s0 =	sadd.s32 $0x8F2B, s0  }
0xbc: {  	[sflag:s0] =	ssyncadd.remote.s32 $0x1  }
0xbd: {  	_ =	sfence.sel $0xFFFF  }
0xbe: {  	[dreg:$0x0] =	wrdreg $0xFFFFFFFF;
	(pc) =	sbr.abs _section_cstart, $3  }
0xbf: {  	[dreg:$0x1] =	wrdreg $0xFFFFFFFF  }
0xc0: {  	_ =	task.clear_ibuf [dreg:s6], $0x2FFFF;
	_ =	strace $0x9FFFFFFF  }
0xc1: {  	(tm) =	ssettm $0x7FFFFFFF  }
tec
execute0_lowered:
.L_overlay_start_1:
0x0: {  	(tag) =	ssettag $0x1  }
0x1: {  	s5 =	rddreg [dreg:$0x0]  }
0x2: {  	s0 =	rddreg [dreg:$0x1]  }
0x3: {  	s2 =	simm.s32 $0x0;
	s1 =	srdreg.scid;
	s12 =	simm.s32 $0x50  }
0x4: {  	s13 =	simm.s32 $0x100;
	s14 =	simm.s32 $0x2900;
	s15 =	simm.s32 $0x1  }
0x5: {  	s16 =	simm.s32 $0x2;
	[smem:$0x7FF] =	sst s2;
	s6 =	sand.u32 $0x1, s1  }
0x6: {  	s17 =	simm.s32 $0x0;
	s1 =	stileid.u32;
	s7 =	smul.u32 $0x28500, s6  }
0x7: {  	s3 =	sadd.s32 $0x51000, s5;
	s4 =	sadd.s32 $0x78200, s5;
	s8 =	smul.u32 $0x2850, s1  }
0x8: {  	_ =	strace $0x80000062;
	s9 =	smul.u32 $0x285000, s6;
	s6 =	ssub.s32 $0x2, s6  }
0x9: {  	s10 =	smul.u32 $0x28500, s1;
	s30 =	sshrl.u32 s6, $0x1;
	s7 =	sadd.s32 s8, s7  }
0xa: {  	s9 =	sadd.s32 s9, s5;
	s6 =	ssub.s32 s6, s30;
	s7 =	sshrl.u32 s7, $0x3  }
0xb: {  	s31 =	sadd.s32 s10, s9;
	s10 =	simm.s32 $0x3;
	s11 =	sadd.s32 s7, s5  }
0xc: {  	s5 =	smax.u32 s6, $0x1;
	s6 =	sadd.s32 $0x5A9400, s31;
	s7 =	sadd.s32 $0x9F400, s31  }
0xd: {  	s8 =	sadd.s32 $0x3CC00, s11;
	s9 =	sadd.s32 $0x46E00, s11;
	s11 =	simm.s32 $0x80  }
.LBB2_1:
0xe: {  	s18 =	sadd.s32 $0x0, s9  }
0xf: {  	[tilespmem:s2], [sflag:$0x3] =	stream.linear.gather [hbm4b:s18+s2], $0x50, $0x38;
	[tilespmem:$0x5100] =	vst v63  }
0x10: {  	_ =	swait.ge [sflag:s10], $0x50  }
0x11: {  	[sflag:s10] =	ssyncset.done $0x0  }
0x12: {  	s31 =	sadd.s32 $0x0, s8;
	[sflag:s10] =	ssyncadd.s32 $0xFFFFFFB0  }
0x13: {  	[tilespmem:s11], [sflag:$0x3] =	stream.linear.gather [hbm4b:s31+s2], $0x50, $0x38;
	[tilespmem:$0x5100] =	vst v63  }
0x14: {  	_ =	swait.ge [sflag:s10], $0x50  }
0x15: {  	[sflag:s10] =	ssyncset.done $0x0  }
0x16: {  	[sflag:s10] =	ssyncadd.s32 $0xFFFFFFB0  }
0x17: {  	[tilespmem:s13], [sflag:$0x1] =	stream.indirect.gather [hbm4b:s3+s12], $0x80, s2, s12, $0xb8;
	[tilespmem:$0x5100] =	vst v63  }
0x18: {  	_ = 	snop  }
0x19: {  	[tilespmem:s14], [sflag:$0x2] =	stream.indirect.gather [hbm4b:s4+s12], $0x80, s11, s12, $0xb8;
	[tilespmem:$0x5100] =	vst v63  }
0x1a: {  	_ =	swait.ge [sflag:s15], $0x2800  }
0x1b: {  	[sflag:s15] =	ssyncset.done $0x0  }
0x1c: {  	[sflag:s15] =	ssyncadd.s32 $0xFFFFD800  }
0x1d: {  	_ =	swait.ge [sflag:s16], $0x2800  }
0x1e: {  	[sflag:s16] =	ssyncset.done $0x0  }
0x1f: {  	[sflag:s16] =	ssyncadd.s32 $0xFFFFD800  }
0x20: {  	[hbm4b:s6+s2] =	stream.linear.scatter [tilespmem:s13], [sflag:$0x3], $0x2800, $0x38;
	[tilespmem:$0x5100] =	vst v63  }
0x21: {  	_ =	swait.ge [sflag:s10], $0x2800  }
0x22: {  	[sflag:s10] =	ssyncset.done $0x0  }
0x23: {  	[sflag:s10] =	ssyncadd.s32 $0xFFFFD800  }
0x24: {  	[hbm4b:s7+s2] =	stream.linear.scatter [tilespmem:s14], [sflag:$0x3], $0x2800, $0x38;
	[tilespmem:$0x5100] =	vst v63  }
0x25: {  	s20 =	simm.s32 $0xA;
	s21 =	simm.s32 $0x14;
	_ =	swait.ge [sflag:s10], $0x2800  }
0x26: {  	s19 =	sadd.s32 $0x500, s6;
	s18 =	sadd.s32 $0x500, s7;
	[sflag:s10] =	ssyncset.done $0x0  }
.LBB2_2:
0x27: {  	s22 =	sadd.s32 s20, s9  }
0x28: {  	[sflag:s10] =	ssyncadd.s32 $0xFFFFD800;
	s23 =	smov.u32 s21;
	s24 =	sadd.s32 $0xA, s21  }
0x29: {  	[tilespmem:s2], [sflag:$0x3] =	stream.linear.gather [hbm4b:s22+s2], $0x50, $0x38;
	[tilespmem:$0x5100] =	vst v63  }
0x2a: {  	p0 =	sne.s32 s21, $0x500;
	_ =	swait.ge [sflag:s10], $0x50  }
0x2b: {  	[sflag:s10] =	ssyncset.done $0x0  }
0x2c: {  	s21 =	sadd.s32 s20, s8;
	s20 =	smov.u32 s23;
	[sflag:s10] =	ssyncadd.s32 $0xFFFFFFB0  }
0x2d: {  	[tilespmem:s11], [sflag:$0x3] =	stream.linear.gather [hbm4b:s21+s2], $0x50, $0x38;
	[tilespmem:$0x5100] =	vst v63  }
0x2e: {  	_ =	swait.ge [sflag:s10], $0x50  }
0x2f: {  	[sflag:s10] =	ssyncset.done $0x0  }
0x30: {  	[sflag:s10] =	ssyncadd.s32 $0xFFFFFFB0  }
0x31: {  	[tilespmem:s13], [sflag:$0x1] =	stream.indirect.gather [hbm4b:s3+s12], $0x80, s2, s12, $0xb8;
	[tilespmem:$0x5100] =	vst v63  }
0x32: {  	_ = 	snop  }
0x33: {  	[tilespmem:s14], [sflag:$0x2] =	stream.indirect.gather [hbm4b:s4+s12], $0x80, s11, s12, $0xb8;
	[tilespmem:$0x5100] =	vst v63  }
0x34: {  	_ =	swait.ge [sflag:s15], $0x2800  }
0x35: {  	[sflag:s15] =	ssyncset.done $0x0  }
0x36: {  	[sflag:s15] =	ssyncadd.s32 $0xFFFFD800  }
0x37: {  	_ =	swait.ge [sflag:s16], $0x2800  }
0x38: {  	[sflag:s16] =	ssyncset.done $0x0  }
0x39: {  	[sflag:s16] =	ssyncadd.s32 $0xFFFFD800  }
0x3a: {  	[hbm4b:s19+s2] =	stream.linear.scatter [tilespmem:s13], [sflag:$0x3], $0x2800, $0x38;
	[tilespmem:$0x5100] =	vst v63  }
0x3b: {  	_ =	swait.ge [sflag:s10], $0x2800  }
.Ltmp0:
0x3c: {  	[sflag:s10] =	ssyncset.done $0x0;
	(pc) =	sbr.rel @p0 .LBB2_2-.Ltmp0, $4  }
0x3d: {  	[sflag:s10] =	ssyncadd.s32 $0xFFFFD800  }
0x3e: {  	[hbm4b:s18+s2] =	stream.linear.scatter [tilespmem:s14], [sflag:$0x3], $0x2800, $0x38;
	[tilespmem:$0x5100] =	vst v63  }
0x3f: {  	s21 =	smov.u32 s24;
	_ =	swait.ge [sflag:s10], $0x2800  }
0x40: {  	s19 =	sadd.s32 $0x500, s19;
	s18 =	sadd.s32 $0x500, s18;
	[sflag:s10] =	ssyncset.done $0x0  }
0x41: {  	s21 =	sadd.s32 s20, s9;
	[sflag:s10] =	ssyncadd.s32 $0xFFFFD800  }
0x42: {  	[tilespmem:s2], [sflag:$0x3] =	stream.linear.gather [hbm4b:s21+s2], $0x50, $0x38;
	[tilespmem:$0x5100] =	vst v63  }
0x43: {  	_ =	swait.ge [sflag:s10], $0x50  }
0x44: {  	[sflag:s10] =	ssyncset.done $0x0  }
0x45: {  	s31 =	sadd.s32 s20, s8;
	[sflag:s10] =	ssyncadd.s32 $0xFFFFFFB0  }
0x46: {  	[tilespmem:s11], [sflag:$0x3] =	stream.linear.gather [hbm4b:s31+s2], $0x50, $0x38;
	[tilespmem:$0x5100] =	vst v63  }
0x47: {  	_ =	swait.ge [sflag:s10], $0x50  }
0x48: {  	[sflag:s10] =	ssyncset.done $0x0  }
0x49: {  	[sflag:s10] =	ssyncadd.s32 $0xFFFFFFB0  }
0x4a: {  	[tilespmem:s13], [sflag:$0x1] =	stream.indirect.gather [hbm4b:s3+s12], $0x80, s2, s12, $0xb8;
	[tilespmem:$0x5100] =	vst v63  }
0x4b: {  	_ = 	snop  }
0x4c: {  	[tilespmem:s14], [sflag:$0x2] =	stream.indirect.gather [hbm4b:s4+s12], $0x80, s11, s12, $0xb8;
	[tilespmem:$0x5100] =	vst v63  }
0x4d: {  	_ =	swait.ge [sflag:s15], $0x2800  }
0x4e: {  	[sflag:s15] =	ssyncset.done $0x0  }
0x4f: {  	[sflag:s15] =	ssyncadd.s32 $0xFFFFD800  }
0x50: {  	_ =	swait.ge [sflag:s16], $0x2800  }
0x51: {  	[sflag:s16] =	ssyncset.done $0x0  }
0x52: {  	[sflag:s16] =	ssyncadd.s32 $0xFFFFD800  }
0x53: {  	[hbm4b:s19+s2] =	stream.linear.scatter [tilespmem:s13], [sflag:$0x3], $0x2800, $0x38;
	[tilespmem:$0x5100] =	vst v63  }
0x54: {  	s17 =	sadd.s32 $0x1, s17;
	_ =	swait.ge [sflag:s10], $0x2800  }
0x55: {  	p0 =	sne.s32 s17, s5;
	[sflag:s10] =	ssyncset.done $0x0  }
.Ltmp1:
0x56: {  	[sflag:s10] =	ssyncadd.s32 $0xFFFFD800;
	(pc) =	sbr.rel @p0 .LBB2_1-.Ltmp1, $4  }
0x57: {  	[hbm4b:s18+s2] =	stream.linear.scatter [tilespmem:s14], [sflag:$0x3], $0x2800, $0x38;
	[tilespmem:$0x5100] =	vst v63  }
0x58: {  	_ =	swait.ge [sflag:s10], $0x2800  }
0x59: {  	[sflag:s10] =	ssyncset.done $0x0  }
0x5a: {  	[sflag:s10] =	ssyncadd.s32 $0xFFFFD800  }
0x5b: {  	_ =	sfence.sel $0x180000  }
0x5c: {  	[bflag:$0x0] =	sbarrier.arrive $0xFFFF  }
0x5d: {  	p0 =	sne.s32 s1, $0x0;
	_ =	strace $0x90000062  }
0x5e: {  	s0 =	sadd.s32 @!p0 $0x100000, s0;
	[bflag:$0x2] =	sbarrier.arrive $0xFFFF  }
0x5f: {  	[sflag:s0] =	ssyncadd.tile.s32 @!p0 $0x1;
	_ =	shalt  }
.Lfunc_end2:
_tile_overlayer_lowered:
.L_overlay_start_2:
0x60: {  	(tag) =	ssettag $0x2  }
0x61: {  	s0 =	rddreg [dreg:$0x0];
	s2 =	stileid.u32  }
0x62: {  	s1 =	rddreg [dreg:$0x1];
	p0 =	sne.s32 s2, $0x0  }
0x63: {  	s3 =	rddreg [dreg:$0x2];
	[bflag:$0x3] =	sbarrier.arrive $0xFFFF;
	s2 =	simm.s32 @!p0 $0x1C03  }
0x64: {  	[timem:s3], [sflag:s2] =	dma.local @!p0 [hbm:s0], s1  }
0x65: {  	s0 =	simm.s32 @!p0 $0x3  }
0x66: {  	_ =	swait.ge @!p0 [sflag:s0], s1  }
0x67: {  	s1 =	ssub.s32 @!p0 $0x0, s1;
	[sflag:s0] =	ssyncset.done @!p0 $0x0  }
0x68: {  	[sflag:s0] =	ssyncadd.s32 @!p0 s1  }
0x69: {  	[bflag:$0x3] =	sbarrier.arrive $0xFFFF  }
0x6a: {  	_ =	shalt  }

// kernel: scatter_offload_async_start.1
scs
__scs_entry_jumppad:
0x0: {  	(pc) =	sbr.rel $0x88, $3  }
0x1: {  	(tag) =	ssettag $0x0;
	lr =	simm.s32 $0x1  }
0x2: {  	[smem:$0x3F8C] =	sst lr;
	_ =	strace $0xD0000000  }
0x3: {  	_ = 	snop  }
0x4: {  	_ = 	snop  }
0x5: {  	_ = 	snop  }
0x6: {  	_ = 	snop  }
0x7: {  	_ = 	snop  }
__scs_overlays_trampoline_lowered:
0x8: {  	[smem:$0x3F9B] =	sst s0  }
0x9: {  	[smem:$0x3F9C] =	sst s1  }
0xa: {  	[smem:$0x3F9D] =	sst s2  }
0xb: {  	[smem:$0x3F9E] =	sst s3  }
0xc: {  	[smem:$0x3F9F] =	sst s4  }
0xd: {  	[smem:$0x3FA0] =	sst s5  }
0xe: {  	[smem:$0x3FA1] =	sst s6  }
0xf: {  	[smem:$0x3FA2] =	sst s7  }
0x10: {  	[smem:$0x3FA3] =	sst s8  }
0x11: {  	[smem:$0x3FA4] =	sst s9;
	s0 =	simm.s32 @!p0 $0x0  }
0x12: {  	s1 =	sld [smem:$0x3F8A];
	s0 =	simm.s32 @p0 $0x1  }
0x13: {  	[smem:$0x3FA5] =	sst s0;
	s0 =	simm.s32 @!p1 $0x0  }
0x14: {  	s2 =	sld [smem:$0x3F89];
	s0 =	simm.s32 @p1 $0x1  }
0x15: {  	[smem:$0x3FA6] =	sst s0;
	s0 =	simm.s32 @!p2 $0x0  }
0x16: {  	s3 =	sld [smem:$0x3FDB];
	s0 =	simm.s32 @p2 $0x1  }
0x17: {  	s4 =	simm.s32 $0x1BF5;
	[smem:$0x3FA8] =	sst s0  }
0x18: {  	s0 =	sld [smem:$0x3F8B];
	_ =	swait.ge [sflag:s4], $0x0  }
0x19: {  	s7 =	sld [smem:$0x3F8C]  }
0x1a: {  	s8 =	sadd.s32 $0xFFFFE003, lr  }
0x1b: {  	s9 =	sadd.s32 $0xFFFFFEF7, lr;
	s5 =	simm.s32 $0xFFFFFFFF;
	p2 =	slt.u32 s8, $0xFFFFF086  }
0x1c: {  	p1 =	slt.u32 s9, $0xF7A;
	s5 =	simm.s32 @!p2 $0x0  }
0x1d: {  	s5 =	simm.s32 @p1 $0x1;
	p0 =	seq.s32 s7, s2  }
0x1e: {  	s7 =	smul.u32 @!p0 $0xF7A, s2;
	p2 =	seq.s32 @!p0 s5, $0x0  }
0x1f: {  	s9 =	smul.u32 $0xF7A, s1;
	s8 =	simm.s32 @!p0 $0x1BF5;
	p2 =	por !p2, p0  }
0x20: {  	[sflag:s8] =	ssyncset.s32 @!p0 $0xFFFFF086;
	s6 =	sadd.s32 @!p0 s3, s7;
	s7 =	simm.s32 @!p0 $0x108  }
0x21: {  	s3 =	sadd.s32 s3, s9;
	s6 =	sadd.s32 @!p0 $0x88, s6;
	s7 =	simm.s32 @p2 $0x1082  }
0x22: {  	[simem:s7], [sflag:s8] =	dma.local @!p0 [hbm:s6], $0xF7A  }
0x23: {  	s9 =	sor.u32 $0xD0000000, s2;
	s6 =	simm.s32 $0x108;
	_ =	swait.ge @!p0 [sflag:s8], $0x0  }
0x24: {  	s3 =	sadd.s32 $0x88, s3;
	s6 =	simm.s32 @!p1 $0x1082;
	[sflag:s4] =	ssyncset.s32 $0xFFFFF086  }
0x25: {  	[simem:s6], [sflag:s4] =	dma.local [hbm:s3], $0xF7A  }
0x26: {  	[smem:$0x3F8C] =	sst s1;
	(tag) =	ssettag s2;
	_ =	strace s9  }
0x27: {  	s1 =	sld [smem:$0x3F9C]  }
0x28: {  	s2 =	sld [smem:$0x3F9D]  }
0x29: {  	s4 =	sld [smem:$0x3F9F]  }
0x2a: {  	p0 =	seq.s32 s5, $0x0;
	s5 =	sld [smem:$0x3FA0]  }
0x2b: {  	s6 =	sld [smem:$0x3FA1]  }
0x2c: {  	s7 =	sld [smem:$0x3FA2]  }
0x2d: {  	s3 =	simm.s32 $0x108;
	s8 =	sld [smem:$0x3FA3]  }
0x2e: {  	s3 =	simm.s32 @!p0 $0x1082;
	s9 =	sld [smem:$0x3FA4]  }
0x2f: {  	lr =	sadd.s32 s0, s3;
	s0 =	sld [smem:$0x3F9B]  }
0x30: {  	s3 =	sld [smem:$0x3F9E]  }
0x31: {  	[smem:$0x3FA7] =	sst s10  }
0x32: {  	s10 =	sld [smem:$0x3FA5];
	_ =	sdelay $0x3  }
0x33: {  	p0 =	seq.s32 s10, $0x1;
	s10 =	sld [smem:$0x3FA7];
	_ =	sdelay $0x3  }
0x34: {  	[smem:$0x3FA7] =	sst s10  }
0x35: {  	s10 =	sld [smem:$0x3FA6];
	_ =	sdelay $0x3  }
0x36: {  	p1 =	seq.s32 s10, $0x1;
	s10 =	sld [smem:$0x3FA7];
	_ =	sdelay $0x3  }
0x37: {  	[smem:$0x3FA7] =	sst s10  }
0x38: {  	s10 =	sld [smem:$0x3FA8]  }
0x39: {  	_ = 	snop;
	(pc) =	sbr.ind lr, $3  }
0x3a: {  	_ = 	snop  }
0x3b: {  	_ = 	snop  }
0x3c: {  	p2 =	seq.s32 s10, $0x1;
	s10 =	sld [smem:$0x3FA7]  }
0x3d: {  	_ =	shalt  }
0x3e: {  	_ =	shalt  }
0x3f: {  	_ =	shalt  }
0x40: {  	_ =	shalt  }
0x41: {  	_ =	shalt  }
0x42: {  	_ =	shalt  }
0x43: {  	_ =	shalt  }
0x44: {  	_ =	shalt  }
0x45: {  	_ =	shalt  }
0x46: {  	_ =	shalt  }
0x47: {  	_ =	shalt  }
0x48: {  	_ =	shalt  }
0x49: {  	_ =	shalt  }
0x4a: {  	_ =	shalt  }
0x4b: {  	_ =	shalt  }
0x4c: {  	_ =	shalt  }
0x4d: {  	_ =	shalt  }
0x4e: {  	_ =	shalt  }
0x4f: {  	_ =	shalt  }
0x50: {  	_ =	shalt  }
0x51: {  	_ =	shalt  }
0x52: {  	_ =	shalt  }
0x53: {  	_ =	shalt  }
0x54: {  	_ =	shalt  }
0x55: {  	_ =	shalt  }
0x56: {  	_ =	shalt  }
0x57: {  	_ =	shalt  }
0x58: {  	_ =	shalt  }
0x59: {  	_ =	shalt  }
0x5a: {  	_ =	shalt  }
0x5b: {  	_ =	shalt  }
0x5c: {  	_ =	shalt  }
0x5d: {  	_ =	shalt  }
0x5e: {  	_ =	shalt  }
0x5f: {  	_ =	shalt  }
0x60: {  	_ =	shalt  }
0x61: {  	_ =	shalt  }
0x62: {  	_ =	shalt  }
0x63: {  	_ =	shalt  }
0x64: {  	_ =	shalt  }
0x65: {  	_ =	shalt  }
0x66: {  	_ =	shalt  }
0x67: {  	_ =	shalt  }
0x68: {  	_ =	shalt  }
0x69: {  	_ =	shalt  }
0x6a: {  	_ =	shalt  }
0x6b: {  	_ =	shalt  }
0x6c: {  	_ =	shalt  }
0x6d: {  	_ =	shalt  }
0x6e: {  	_ =	shalt  }
0x6f: {  	_ =	shalt  }
0x70: {  	_ =	shalt  }
0x71: {  	_ =	shalt  }
0x72: {  	_ =	shalt  }
0x73: {  	_ =	shalt  }
0x74: {  	_ =	shalt  }
0x75: {  	_ =	shalt  }
0x76: {  	_ =	shalt  }
0x77: {  	_ =	shalt  }
0x78: {  	_ =	shalt  }
0x79: {  	_ =	shalt  }
0x7a: {  	_ =	shalt  }
0x7b: {  	_ =	shalt  }
0x7c: {  	_ =	shalt  }
0x7d: {  	_ =	shalt  }
0x7e: {  	_ =	shalt  }
0x7f: {  	_ =	shalt  }
0x80: {  	_ =	shalt  }
0x81: {  	_ =	shalt  }
0x82: {  	_ =	shalt  }
0x83: {  	_ =	shalt  }
0x84: {  	_ =	shalt  }
0x85: {  	_ =	shalt  }
0x86: {  	_ =	shalt  }
0x87: {  	_ =	shalt  }
.Lfunc_end0:
.L_simem_size_0:
called_computation.1_lowered:
.L_overlay_start_0:
0x88: {  	s2 =	sld [smem:$0x3FD9]  }
0x89: {  	s3 =	sld [smem:$0x3FFE];
	_ =	sdelay $0x1  }
0x8a: {  	s1 =	srdreg.scid  }
0x8b: {  	s0 =	sand.u32 $0x1, s1  }
0x8c: {  	s12 =	sshll.u32 s0, $0xA;
	s2 =	sadd.s32 s3, s2  }
0x8d: {  	s2 =	sadd.s32 s2, s12  }
0x8e: {  	[smem:$0x3FB3] =	sst s2  }
0x8f: {  	_ = 	snop  }
0x90: {  	s4 =	sld [smem:$0x3FD0];
	(tm) =	ssettm $0x1  }
0x91: {  	s13 =	sld [smem:$0x3FFB];
	_ =	sdelay $0x3  }
0x92: {  	_ =	strace s13  }
0x93: {  	s2 =	sld [smem:$0x3FFC];
	_ =	sdelay $0x3  }
0x94: {  	_ =	strace s2  }
0x95: {  	s2 =	sld [smem:$0x3FFD];
	_ =	sdelay $0x3  }
0x96: {  	_ =	strace s2  }
0x97: {  	_ =	strace $0x8FFFFFFF  }
0x98: {  	s14 =	sld [smem:$0x3FDB];
	_ =	sdelay $0x1  }
0x99: {  	s15 =	simm.s32 $_scs_section_size  }
0x9a: {  	s5 =	simm.s32 $_size__tile_overlayer_lowered;
	s6 =	simm.s32 $_tile_overlayer_lowered  }
0x9b: {  	s19 =	simm.s32 $0x1BFF;
	s17 =	sshll.u32 s6, $0x1;
	s7 =	sadd.s32 s15, s14  }
0x9c: {  	s20 =	simm.s32 $0x0;
	s16 =	sshll.u32 s5, $0x1;
	s18 =	sadd.s32 s17, s7  }
0x9d: {  	[timem:s20], [sflag:s19] =	dma.local [hbm:s18], s16  }
0x9e: {  	_ =	swait.ge [sflag:s19], s16  }
0x9f: {  	s3 =	ssub.s32 $0x0, s16;
	[sflag:s19] =	ssyncset.done $0x0  }
0xa0: {  	[sflag:s19] =	ssyncadd.s32 s3;
	_ =	sdelay $0x1  }
0xa1: {  	s21 =	simm.s32 $0x1B8B  }
0xa2: {  	_ =	swait.ge [sflag:s21], $0x1  }
0xa3: {  	[sflag:s21] =	ssyncset.done $0x0  }
0xa4: {  	[sflag:s21] =	ssyncadd.s32 $0xFFFFFFFF  }
0xa5: {  	s3 =	sld [smem:$0x0]  }
0xa6: {  	s5 =	sand.u32 $0xFFFFFFFE, s1  }
0xa7: {  	p0 =	sne.s32 s1, s5  }
0xa8: {  	s5 =	sshll.u32 @p0 s5, $0xE  }
0xa9: {  	s6 =	sadd.s32 @p0 $0x11B8D, s5;
	s8 =	sshll.u32 @p0 s3, $0x11  }
0xaa: {  	s6 =	sor.u32 @p0 s8, s6  }
0xab: {  	[sflag:s6] =	ssyncadd.remote.s32 @p0 $0x1;
	_ =	sdelay $0x1  }
0xac: {  	s6 =	simm.s32 @p0 $0x1B8D  }
0xad: {  	_ =	swait.eq @p0 [sflag:s6], $0x1  }
0xae: {  	[sflag:s6] =	ssyncadd.s32 @p0 $0xFFFFFFFF  }
0xaf: {  	s8 =	sshll.u32 @!p0 s1, $0xE  }
0xb0: {  	s8 =	sor.u32 @!p0 $0x4000, s8;
	s6 =	simm.s32 @!p0 $0x1B8D  }
0xb1: {  	s10 =	sshll.u32 @!p0 s3, $0x11;
	s9 =	sadd.s32 @!p0 $0x11B8D, s8;
	_ =	swait.eq @!p0 [sflag:s6], $0x1  }
0xb2: {  	[sflag:s6] =	ssyncadd.s32 @!p0 $0xFFFFFFFF;
	s6 =	sor.u32 @!p0 s10, s9  }
0xb3: {  	s23 =	simm.s32 $0x1B8E;
	s22 =	sld [smem:$0x3FFE];
	[sflag:s6] =	ssyncadd.remote.s32 @!p0 $0x1  }
0xb4: {  	s24 =	simm.s32 $execute0_lowered;
	[smem:$0x3FD2] =	sst s23  }
0xb5: {  	s9 =	sshll.u32 s24, $0x1;
	_ =	strace $0x80000049;
	[dreg:$0x1] =	wrdreg $0xFFFFFFFF  }
0xb6: {  	s25 =	simm.s32 $_size_execute0_lowered;
	s9 =	sadd.s32 s7, s9;
	[dreg:$0x0] =	wrdreg $0x0  }
0xb7: {  	s10 =	sshll.u32 s25, $0x1;
	[dreg:$0x2] =	wrdreg s9  }
0xb8: {  	[dreg:$0x3] =	wrdreg s10  }
0xb9: {  	[dreg:$0x4] =	wrdreg $0xC0  }
0xba: {  	s26 =	simm.s32 $execute1_lowered;
	_ =	task [dreg:s20], $0x5FFFF  }
0xbb: {  	s9 =	sshll.u32 s26, $0x1;
	[dreg:$0x1] =	wrdreg $0xFFFFFFFF  }
0xbc: {  	s7 =	sadd.s32 s7, s9;
	[dreg:$0x0] =	wrdreg $0x60  }
0xbd: {  	[dreg:$0x2] =	wrdreg s7  }
0xbe: {  	[dreg:$0x3] =	wrdreg s4  }
0xbf: {  	[dreg:$0x4] =	wrdreg s22  }
0xc0: {  	[dreg:$0x5] =	wrdreg $0xA  }
0xc1: {  	_ =	task.clear_ibuf [dreg:s20], $0x6FFFF;
	_ =	strace $0x90000049  }
0xc2: {  	s28 =	simm.s32 $0xA;
	_ =	strace $0x8000004B  }
0xc3: {  	_ =	swait.ge [sflag:s28], $0x1  }
0xc4: {  	[sflag:s28] =	ssyncadd.s32 $0xFFFFFFFF  }
0xc5: {  	_ =	strace $0x9000004B  }
0xc6: {  	s4 =	sld [smem:$0x0];
	_ =	sdelay $0x3  }
0xc7: {  	s5 =	sadd.s32 @p0 $0x11BF3, s5;
	s7 =	sshll.u32 @p0 s4, $0x11  }
0xc8: {  	s5 =	sor.u32 @p0 s7, s5  }
0xc9: {  	[sflag:s5] =	ssyncadd.remote.s32 @p0 $0x1;
	_ =	sdelay $0x1  }
0xca: {  	s5 =	simm.s32 @p0 $0x1BF3  }
0xcb: {  	_ =	swait.eq @p0 [sflag:s5], $0x1  }
0xcc: {  	[sflag:s5] =	ssyncadd.s32 @p0 $0xFFFFFFFF;
	_ =	sdelay $0x1  }
0xcd: {  	s5 =	simm.s32 @!p0 $0x1BF3  }
0xce: {  	s4 =	sshll.u32 @!p0 s4, $0x11;
	s7 =	sadd.s32 @!p0 $0x11BF3, s8;
	_ =	swait.eq @!p0 [sflag:s5], $0x1  }
0xcf: {  	s4 =	sor.u32 @!p0 s4, s7;
	[sflag:s5] =	ssyncadd.s32 @!p0 $0xFFFFFFFF  }
0xd0: {  	[sflag:s4] =	ssyncadd.remote.s32 @!p0 $0x1  }
0xd1: {  	_ =	strace $0x8000004C;
	[dreg:$0x1] =	wrdreg $0xFFFFFFFF  }
0xd2: {  	[dreg:$0x0] =	wrdreg $0x2030  }
0xd3: {  	[dreg:$0x2] =	wrdreg s22  }
0xd4: {  	[dreg:$0x3] =	wrdreg s1  }
0xd5: {  	[dreg:$0x4] =	wrdreg s3  }
0xd6: {  	[dreg:$0x5] =	wrdreg $0xB  }
0xd7: {  	_ =	task.clear_ibuf [dreg:s20], $0x6FFFF;
	_ =	strace $0x9000004C  }
0xd8: {  	s29 =	simm.s32 $0xB;
	_ =	strace $0x8000004E  }
0xd9: {  	_ =	swait.ge [sflag:s29], $0x1  }
0xda: {  	[sflag:s29] =	ssyncadd.s32 $0xFFFFFFFF  }
0xdb: {  	_ =	strace $0x9000004E  }
0xdc: {  	_ =	sfence  }
0xdd: {  	s30 =	sld [smem:$0x0];
	_ =	sdelay $0x2  }
0xde: {  	s31 =	sshll.u32 s1, $0xD;
	s1 =	sshrl.u32 s1, $0x2  }
0xdf: {  	s4 =	sand.u32 $0x4000, s31;
	s1 =	sadd.s32 s1, s30  }
0xe0: {  	s0 =	sor.u32 s4, s0;
	s1 =	sshll.u32 s1, $0x11  }
0xe1: {  	s0 =	sor.u32 s1, s0  }
0xe2: {  	s0 =	sadd.s32 $0x8F2B, s0  }
0xe3: {  	[sflag:s0] =	ssyncadd.remote.s32 $0x1  }
0xe4: {  	_ =	sfence.sel $0xFFFF  }
0xe5: {  	[dreg:$0x0] =	wrdreg $0xFFFFFFFF;
	(pc) =	sbr.abs _section_cstart, $3  }
0xe6: {  	[dreg:$0x1] =	wrdreg $0xFFFFFFFF  }
0xe7: {  	_ =	task.clear_ibuf [dreg:s20], $0x2FFFF;
	_ =	strace $0x9FFFFFFF  }
0xe8: {  	(tm) =	ssettm $0x7FFFFFFF  }
0xe9: {  	_ =	shalt  }
tec
execute0_lowered:
.L_overlay_start_1:
0x0: {  	(tag) =	ssettag $0x1  }
0x1: {  	s3 =	rddreg [dreg:$0x0]  }
0x2: {  	s2 =	rddreg [dreg:$0x1]  }
0x3: {  	s4 =	rddreg [dreg:$0x2]  }
0x4: {  	s0 =	rddreg [dreg:$0x3]  }
0x5: {  	s5 =	stileid.u32;
	[bflag:$0x3] =	sbarrier.arrive $0xFFFF;
	s1 =	simm.s32 $_size_execute1_lowered  }
0x6: {  	s29 =	srdreg.scid;
	s31 =	simm.s32 $0x2;
	p0 =	sne.s32 s5, $0x0  }
0x7: {  	s1 =	sshll.u32 s1, $0x1;
	s6 =	simm.s32 @!p0 $0x1C3F;
	s7 =	simm.s32 @!p0 $0x4060  }
0x8: {  	[timem:s7], [sflag:s6] =	dma.local @!p0 [hbm:s3], s1  }
0x9: {  	s8 =	simm.s32 $0x0;
	s12 =	simm.s32 $0x0;
	s3 =	sshll.u32 s29, $0x7  }
.Ltmp0:
0xa: {  	s5 =	sshll.u32 s5, $0x8;
	s3 =	sand.u32 $0x80, s3;
	(pc) =	sbr.rel .LBB2_1-.Ltmp0, $4  }
0xb: {  	s10 =	simm.s32 $0x0;
	s11 =	simm.s32 $0x0;
	s3 =	sor.u32 s5, s3  }
0xc: {  	_ =	strace $0x8000004A;
	s5 =	simm.s32 $0x1;
	s30 =	ssub.s32 $0x2700, s3  }
0xd: {  	s4 =	sadd.s32 $0x15400, s4;
	[sflag:s5] =	ssyncpa.u1 $0x0;
	s6 =	sshrl.u32 s30, $0xC  }
0xe: {  	s9 =	smov.u32 s3;
	[sflag:s31] =	ssyncpa.u1 $0x0;
	s7 =	sadd.s32 $0x2, s6  }
.LBB2_4:
0xf: {  	_ = 	snop  }
.LBB2_7:
0x10: {  	_ =	sdelay $0x3  }
0x11: {  	[tilespmem:v0+s16+$0x0 ss:$0x1] =	vst.idx.msk @p1 $0xffff, v2  }
0x12: {  	v56 =	vld.idx.msk [tilespmem:v1+s15+$0x0 ss:$0x1], $0xffff;
	s24 =	sor.u32 $0x70, s15;
	[tilespmem:v0+s17+$0x0 ss:$0x1] =	vst.idx.msk @p1 $0xffff, v4  }
0x13: {  	s25 =	sor.u32 $0x10, s15;
	[tilespmem:v0+s18+$0x0 ss:$0x1] =	vst.idx.msk @p1 $0xffff, v3;
	v57 =	vld.idx.msk [tilespmem:v1+s24+$0x0 ss:$0x1], $0xffff  }
0x14: {  	s26 =	sor.u32 $0x20, s15;
	[tilespmem:v0+s19+$0x0 ss:$0x1] =	vst.idx.msk @p1 $0xffff, v5;
	v58 =	vld.idx.msk [tilespmem:v1+s25+$0x0 ss:$0x1], $0xffff  }
0x15: {  	s28 =	sor.u32 $0x30, s15;
	[tilespmem:v0+s20+$0x0 ss:$0x1] =	vst.idx.msk @p1 $0xffff, v6;
	v59 =	vld.idx.msk [tilespmem:v1+s26+$0x0 ss:$0x1], $0xffff  }
0x16: {  	s29 =	sor.u32 $0x40, s15;
	[tilespmem:v0+s21+$0x0 ss:$0x1] =	vst.idx.msk @p1 $0xffff, v7;
	v60 =	vld.idx.msk [tilespmem:v1+s28+$0x0 ss:$0x1], $0xffff  }
0x17: {  	s30 =	sor.u32 $0x50, s15;
	v61 =	vld.idx.msk [tilespmem:v1+s29+$0x0 ss:$0x1], $0xffff;
	[tilespmem:v0+s15+$0x0 ss:$0x1] =	vst.idx.msk $0xffff, v56  }
0x18: {  	s31 =	sor.u32 $0x60, s15;
	v62 =	vld.idx.msk [tilespmem:v1+s30+$0x0 ss:$0x1], $0xffff;
	[tilespmem:v0+s24+$0x0 ss:$0x1] =	vst.idx.msk $0xffff, v57  }
0x19: {  	v63 =	vld.idx.msk [tilespmem:v1+s31+$0x0 ss:$0x1], $0xffff;
	[tilespmem:v0+s25+$0x0 ss:$0x1] =	vst.idx.msk $0xffff, v58  }
0x1a: {  	[tilespmem:v0+s26+$0x0 ss:$0x1] =	vst.idx.msk $0xffff, v59  }
0x1b: {  	[tilespmem:v0+s28+$0x0 ss:$0x1] =	vst.idx.msk $0xffff, v60  }
0x1c: {  	[tilespmem:v0+s29+$0x0 ss:$0x1] =	vst.idx.msk $0xffff, v61  }
0x1d: {  	[tilespmem:v0+s30+$0x0 ss:$0x1] =	vst.idx.msk $0xffff, v62  }
0x1e: {  	[tilespmem:v0+s31+$0x0 ss:$0x1] =	vst.idx.msk $0xffff, v63  }
.LBB2_8:
0x1f: {  	s15 =	sand.u32 $0x1FFFFFF, s10  }
0x20: {  	s16 =	smulhi.u32 $0x1A36E2F, s15;
	_ =	sdelay $0x1  }
0x21: {  	s16 =	sshrl.u32 s16, $0x6  }
0x22: {  	s16 =	smul.u32 $0x2710, s16;
	_ =	sdelay $0x1  }
0x23: {  	s15 =	ssub.s32 s15, s16  }
0x24: {  	s15 =	sshll.u32 s15, $0x4  }
0x25: {  	s15 =	sadd.s32 s4, s15  }
0x26: {  	[hbm4b:s15+s8] =	stream.linear.scatter [tilespmem:s14], [sflag:$0x2], s13, $0x38;
	[tilespmem:$0x10000] =	vst v63  }
.LBB2_9:
0x27: {  	p1 =	slt.u32 s11, $0x2  }
0x28: {  	p2 =	sgt.s32 @!p1 s12, $0x2690  }
0x29: {  	s13 =	smov.u32 s12;
	s14 =	sshra.s32 @!p1 s12, $0x1F;
	p2 =	por !p2, p1  }
0x2a: {  	s12 =	sand.u32 @!p1 s14, s12;
	s13 =	simm.s32 @p2 $0x2690  }
0x2b: {  	s12 =	ssub.s32 @!p1 s13, s12  }
0x2c: {  	s12 =	sadd.s32 @!p1 $0xFFFFD970, s12  }
0x2d: {  	s13 =	sshll.u32 @!p1 s12, $0x9  }
0x2e: {  	p2 =	sgt.s32 @!p1 s12, $0x7F;
	s12 =	ssub.s32 @!p1 $0x10000, s13  }
0x2f: {  	s14 =	sadd.s32 $0x1000, s9;
	p2 =	por !p2, p1;
	s12 =	sshrl.u32 @!p1 s12, $0x2  }
0x30: {  	s12 =	simm.s32 @!p2 $0x0;
	p2 =	sgt.s32 s14, $0x270F  }
0x31: {  	s14 =	smov.u32 @p2 s3;
	p2 =	sne.s32 s11, s7  }
.Ltmp1:
0x32: {  	_ = 	snop;
	(pc) =	sbr.rel @!p2 .LBB2_10-.Ltmp1, $4  }
0x33: {  	s13 =	simm.s32 @!p1 $0x2  }
0x34: {  	_ =	swait.ge @!p1 [sflag:s13], s12;
	s15 =	ssub.s32 @!p1 $0x0, s12  }
0x35: {  	s12 =	smov.u32 s10;
	s11 =	sadd.s32 $0x1, s11;
	[sflag:s13] =	ssyncset.done @!p1 $0x0  }
0x36: {  	s10 =	smov.u32 s9;
	s9 =	smov.u32 s14;
	[sflag:s13] =	ssyncadd.s32 @!p1 s15  }
.LBB2_1:
0x37: {  	p1 =	sgt.u32 s11, s6  }
0x38: {  	s13 =	sand.u32 @!p1 $0x1FFFFFF, s9  }
0x39: {  	p2 =	sgt.s32 @!p1 s9, $0x2690;
	s14 =	smulhi.u32 @!p1 $0x1A36E2F, s13  }
0x3a: {  	s15 =	smov.u32 s9;
	s16 =	sshra.s32 @!p1 s9, $0x1F;
	p2 =	por !p2, p1  }
0x3b: {  	s16 =	sand.u32 @!p1 s16, s9;
	s15 =	simm.s32 @p2 $0x2690;
	s14 =	sshrl.u32 @!p1 s14, $0x6  }
0x3c: {  	s15 =	ssub.s32 @!p1 s15, s16;
	s14 =	smul.u32 @!p1 $0x2710, s14  }
0x3d: {  	s16 =	sxor.u32 @!p1 $0xFFFFFFFF, s11;
	s15 =	sadd.s32 @!p1 $0xFFFFD970, s15  }
0x3e: {  	s16 =	sshll.u32 @!p1 s16, $0xE;
	s13 =	ssub.s32 @!p1 s13, s14;
	s14 =	sshll.u32 @!p1 s15, $0x9  }
0x3f: {  	s16 =	sand.u32 @!p1 $0x4000, s16;
	p2 =	sgt.s32 @!p1 s15, $0x7F;
	s14 =	ssub.s32 @!p1 $0x10000, s14  }
0x40: {  	p2 =	por !p2, p1;
	s13 =	sshll.u32 @!p1 s13, $0x4;
	s14 =	sshrl.u32 @!p1 s14, $0x2  }
0x41: {  	s15 =	simm.s32 @!p1 $0x0;
	s13 =	sadd.s32 @!p1 s2, s13;
	s14 =	simm.s32 @!p2 $0x0  }
0x42: {  	[tilespmem:s16], [sflag:$0x1] =	stream.linear.gather @!p1 [hbm4b:s13+s15], s14, $0x38;
	[tilespmem:$0x10000] =	vst v63  }
0x43: {  	p1 =	seq.s32 s11, $0x0  }
0x44: {  	p2 =	sge.u32 @!p1 s11, s7  }
0x45: {  	p1 =	por p1, p2  }
.Ltmp2:
0x46: {  	_ = 	snop;
	(pc) =	sbr.rel @p1 .LBB2_9-.Ltmp2, $1  }
0x47: {  	_ =	sdelay $0x3  }
0x48: {  	p1 =	sgt.s32 s10, $0x2690;
	s13 =	smov.u32 s10;
	s14 =	sshra.s32 s10, $0x1F  }
0x49: {  	s13 =	simm.s32 @!p1 $0x2690;
	s14 =	sand.u32 s14, s10  }
0x4a: {  	s13 =	ssub.s32 s13, s14  }
0x4b: {  	s13 =	sadd.s32 $0xFFFFD970, s13  }
0x4c: {  	s31 =	sshll.u32 s13, $0x9  }
0x4d: {  	s14 =	ssub.s32 $0x10000, s31  }
0x4e: {  	p1 =	sgt.s32 s13, $0x7F;
	s13 =	sshrl.u32 s14, $0x2;
	s14 =	sadd.s32 $0x80, s10  }
0x4f: {  	s13 =	simm.s32 @p1 $0x0;
	p1 =	slt.s32 s14, $0x2710  }
0x50: {  	s14 =	simm.s32 @!p1 $0x2710  }
0x51: {  	s16 =	ssub.s32 s14, s10  }
0x52: {  	p1 =	slt.s32 s16, $0x1  }
.Ltmp3:
0x53: {  	_ = 	snop;
	(pc) =	sbr.rel @p1 .LBB2_8-.Ltmp3, $4  }
0x54: {  	_ = 	snop  }
0x55: {  	s15 =	sshll.u32 s11, $0xE;
	_ =	swait.ge [sflag:s5], s13  }
0x56: {  	s15 =	sand.u32 $0x4000, s15;
	s17 =	ssub.s32 $0x0, s13;
	[sflag:s5] =	ssyncset.done $0x0  }
0x57: {  	s14 =	sor.u32 $0x8000, s15;
	[sflag:s5] =	ssyncadd.s32 s17  }
0x58: {  	p2 =	sne.s32 s16, $0x1  }
.Ltmp4:
0x59: {  	v1 =	vmov s15;
	v0 =	vmov s14;
	(pc) =	sbr.rel @!p2 .LBB2_4-.Ltmp4, $3  }
0x5a: {  	_ =	sdelay $0x1  }
0x5b: {  	s17 =	simm.s32 $0x0  }
0x5c: {  	s23 =	sadd.s32 $0xFFFFFFFF, s16;
	p1 =	por $0x0, $0x0;
	s15 =	sand.u32 $0x3F80, s17  }
0x5d: {  	_ =	sdelay $0x3  }
0x5e: {  	v6 =	vld.idx.msk [tilespmem:v1+s15+$0x0 ss:$0x1], $0xffff;
	s24 =	sor.u32 $0x70, s15  }
0x5f: {  	s16 =	sor.u32 $0x10, s15;
	v8 =	vld.idx.msk [tilespmem:v1+s24+$0x0 ss:$0x1], $0xffff  }
0x60: {  	s17 =	sor.u32 $0x20, s15;
	p2 =	sne.s32 s23, $0x1;
	v2 =	vld.idx.msk [tilespmem:v1+s16+$0x0 ss:$0x1], $0xffff  }
.Ltmp5:
0x61: {  	s18 =	sor.u32 $0x30, s15;
	v4 =	vld.idx.msk [tilespmem:v1+s17+$0x0 ss:$0x1], $0xffff;
	(pc) =	sbr.rel @!p2 .LBB2_7-.Ltmp5, $4  }
0x62: {  	s19 =	sor.u32 $0x40, s15;
	v3 =	vld.idx.msk [tilespmem:v1+s18+$0x0 ss:$0x1], $0xffff  }
0x63: {  	s21 =	sor.u32 $0x60, s15;
	v5 =	vld.idx.msk [tilespmem:v1+s19+$0x0 ss:$0x1], $0xffff  }
0x64: {  	s20 =	sor.u32 $0x50, s15;
	s22 =	simm.s32 $0x80;
	v7 =	vld.idx.msk [tilespmem:v1+s21+$0x0 ss:$0x1], $0xffff;
	[tilespmem:v0+s15+$0x0 ss:$0x1] =	vst.idx.msk $0xffff, v6  }
0x65: {  	s23 =	sadd.s32 $0xFFFFFFFF, s23;
	p1 =	por $0x1, $0x1;
	v6 =	vld.idx.msk [tilespmem:v1+s20+$0x0 ss:$0x1], $0xffff;
	s15 =	sand.u32 $0x3F80, s22;
	[tilespmem:v0+s24+$0x0 ss:$0x1] =	vst.idx.msk $0xffff, v8  }
.LBB2_6:
0x66: {  	p2 =	sne.s32 s23, $0x1;
	v8 =	vld.idx.msk [tilespmem:v1+s15+$0x0 ss:$0x1], $0xffff;
	s24 =	sor.u32 $0x70, s15;
	[tilespmem:v0+s16+$0x0 ss:$0x1] =	vst.idx.msk $0xffff, v2;
	s16 =	sor.u32 $0x10, s15  }
0x67: {  	s25 =	sor.u32 $0x30, s15;
	s26 =	sor.u32 $0x40, s15;
	v9 =	vld.idx.msk [tilespmem:v1+s24+$0x0 ss:$0x1], $0xffff;
	[tilespmem:v0+s17+$0x0 ss:$0x1] =	vst.idx.msk $0xffff, v4;
	s17 =	sor.u32 $0x20, s15  }
0x68: {  	s28 =	sor.u32 $0x50, s15;
	s29 =	sor.u32 $0x60, s15;
	v2 =	vld.idx.msk [tilespmem:v1+s16+$0x0 ss:$0x1], $0xffff;
	[tilespmem:v0+s18+$0x0 ss:$0x1] =	vst.idx.msk $0xffff, v3;
	s18 =	smov.u32 s25  }
.Ltmp6:
0x69: {  	v4 =	vld.idx.msk [tilespmem:v1+s17+$0x0 ss:$0x1], $0xffff;
	[tilespmem:v0+s19+$0x0 ss:$0x1] =	vst.idx.msk $0xffff, v5;
	s19 =	smov.u32 s26;
	(pc) =	sbr.rel @p2 .LBB2_6-.Ltmp6, $4  }
0x6a: {  	v3 =	vld.idx.msk [tilespmem:v1+s18+$0x0 ss:$0x1], $0xffff;
	[tilespmem:v0+s20+$0x0 ss:$0x1] =	vst.idx.msk $0xffff, v6;
	s20 =	smov.u32 s28  }
0x6b: {  	v5 =	vld.idx.msk [tilespmem:v1+s19+$0x0 ss:$0x1], $0xffff;
	[tilespmem:v0+s21+$0x0 ss:$0x1] =	vst.idx.msk $0xffff, v7;
	s21 =	smov.u32 s29  }
0x6c: {  	s22 =	sadd.s32 $0x80, s22;
	[tilespmem:v0+s15+$0x0 ss:$0x1] =	vst.idx.msk $0xffff, v8;
	v6 =	vld.idx.msk [tilespmem:v1+s20+$0x0 ss:$0x1], $0xffff  }
0x6d: {  	s23 =	sadd.s32 $0xFFFFFFFF, s23;
	s15 =	sand.u32 $0x3F80, s22;
	v7 =	vld.idx.msk [tilespmem:v1+s21+$0x0 ss:$0x1], $0xffff;
	[tilespmem:v0+s24+$0x0 ss:$0x1] =	vst.idx.msk $0xffff, v9  }
.Ltmp7:
0x6e: {  	_ = 	snop;
	(pc) =	sbr.rel .LBB2_7-.Ltmp7, $1  }
0x6f: {  	_ =	sdelay $0x3  }
.LBB2_10:
0x70: {  	_ =	sfence.sel $0x180000  }
0x71: {  	s2 =	simm.s32 $0x1;
	[bflag:$0x0] =	sbarrier.arrive $0xFFFF  }
0x72: {  	s31 =	simm.s32 $0x2;
	[sflag:s2] =	ssyncpa.u1 $0x1  }
0x73: {  	[sflag:s31] =	ssyncpa.u1 $0x1  }
0x74: {  	_ =	strace $0x9000004A  }
0x75: {  	s0 =	sadd.s32 @!p0 $0x100000, s0;
	[bflag:$0x2] =	sbarrier.arrive $0xFFFF  }
0x76: {  	[sflag:s0] =	ssyncadd.tile.s32 @!p0 $0x1;
	s0 =	simm.s32 @!p0 $0x3F  }
0x77: {  	_ =	swait.ge @!p0 [sflag:s0], s1  }
0x78: {  	s1 =	ssub.s32 @!p0 $0x0, s1;
	[sflag:s0] =	ssyncset.done @!p0 $0x0  }
0x79: {  	[sflag:s0] =	ssyncadd.s32 @!p0 s1  }
0x7a: {  	[bflag:$0x3] =	sbarrier.arrive $0xFFFF  }
0x7b: {  	_ =	shalt  }
.Lfunc_end2:
execute1_lowered:
.L_overlay_start_2:
0x7c: {  	(tag) =	ssettag $0x2  }
0x7d: {  	s2 =	rddreg [dreg:$0x0]  }
0x7e: {  	s3 =	rddreg [dreg:$0x1];
	_ =	strace $0x8000004D;
	s0 =	simm.s32 $0x1  }
0x7f: {  	v0 =	vimm.s32 $0x0;
	[sflag:s0] =	ssyncpa.u1 $0x0;
	s0 =	simm.s32 $0x108  }
0x80: {  	[tilespmem:s0+$0x70] =	vst v0  }
0x81: {  	[tilespmem:s0+$0x60] =	vst v0  }
0x82: {  	[tilespmem:s0+$0x50] =	vst v0  }
0x83: {  	[tilespmem:s0+$0x40] =	vst v0  }
0x84: {  	s1 =	sadd.s32 $0x15400, s2;
	[tilespmem:s0+$0x30] =	vst v0  }
0x85: {  	s15 =	sadd.s32 $0x4F6E00, s2;
	s6 =	sadd.s32 $0x51E600, s2;
	[tilespmem:s0+$0x20] =	vst v0  }
0x86: {  	s14 =	sadd.s32 $0x500C00, s2;
	s5 =	sand.u32 $0x1, s3;
	s3 =	simm.s32 $0x40;
	[tilespmem:s0+$0x10] =	vst v0  }
.LBB3_1:
0x87: {  	s3 =	sadd.s32 $0x40, s3;
	[tilespmem:s0+$0x0] =	vst v0;
	s0 =	sadd.s32 $0x80, s0  }
0x88: {  	p0 =	slt.u32 s3, $0x3C40;
	[tilespmem:s0+$0x70] =	vst v0  }
0x89: {  	[tilespmem:s0+$0x60] =	vst v0  }
.Ltmp8:
0x8a: {  	[tilespmem:s0+$0x50] =	vst v0;
	(pc) =	sbr.rel @p0 .LBB3_1-.Ltmp8, $4  }
0x8b: {  	[tilespmem:s0+$0x40] =	vst v0  }
0x8c: {  	[tilespmem:s0+$0x30] =	vst v0  }
0x8d: {  	[tilespmem:s0+$0x20] =	vst v0  }
0x8e: {  	[tilespmem:s0+$0x10] =	vst v0  }
0x8f: {  	s9 =	stileid.u32  }
0x90: {  	s2 =	smul.u32 $0x29, s9  }
0x91: {  	s3 =	smin.u32 s9, $0xB  }
0x92: {  	s2 =	sadd.s32 s3, s2  }
0x93: {  	p0 =	slt.u32 s9, $0xB;
	s7 =	smul.u32 $0xF0, s2;
	s2 =	simm.s32 $0x2760  }
0x94: {  	s2 =	simm.s32 @!p0 $0x2670  }
0x95: {  	s2 =	sadd.s32 s2, s7  }
0x96: {  	s8 =	smin.u32 s2, $0x27100  }
0x97: {  	s2 =	ssub.s32 s8, s7  }
0x98: {  	p0 =	sgt.s32 s2, $0x0  }
0x99: {  	s29 =	simm.s32 $0x2;
	s10 =	simm.s32 $0x9;
	s2 =	simm.s32 @!p0 $0x0  }
0x9a: {  	s4 =	simm.s32 $0xA;
	s11 =	simm.s32 $0xB;
	s28 =	smulhi.u32 $0x88888889, s2  }
0x9b: {  	[dreg:$0x4] =	wrdreg s5;
	s31 =	smul.u32 $0x4E20, s5;
	s12 =	simm.s32 $0x1  }
0x9c: {  	s22 =	simm.s32 $0x0;
	s18 =	simm.s32 $0xC;
	s30 =	sshrl.u32 s28, $0x7  }
0x9d: {  	s20 =	simm.s32 $0x0;
	s21 =	simm.s32 $0x0;
	s3 =	smul.u32 $0xF0, s30  }
.Ltmp9:
0x9e: {  	[tilespmem:s0+$0x0] =	vst v0;
	v0 =	vimm.s32 $0xFFFFFFFF;
	[sflag:s29] =	ssyncpa.u1 $0x0;
	s16 =	sshll.u32 s9, $0x8;
	(pc) =	sbr.rel .LBB3_3-.Ltmp9, $4  }
0x9f: {  	[tilespmem:$0xF208] =	vst v0;
	[sflag:s10] =	ssyncpa.u1 $0x0;
	p0 =	sne.s32 s2, s3;
	s2 =	simm.s32 $0x1  }
0xa0: {  	s14 =	sadd.s32 s31, s14;
	[sflag:s4] =	ssyncpa.u1 $0x0;
	s2 =	simm.s32 @!p0 $0x0  }
0xa1: {  	s15 =	sadd.s32 s31, s15;
	[sflag:s11] =	ssyncpa.u1 $0x0;
	s13 =	sadd.s32 s2, s30  }
0xa2: {  	v0 =	vlaneseq.u32;
	s19 =	smov.u32 s7;
	p0 =	por $0x0, $0x0;
	s17 =	sadd.s32 $0x1, s13  }
.LBB3_18:
0xa3: {  	s0 =	sshrl.u32 s31, $0x2  }
.LBB3_20:
0xa4: {  	_ =	swait.ge [sflag:s18], s0  }
0xa5: {  	s31 =	ssub.s32 $0x0, s0;
	v1 =	vmov s24;
	vm0 =	veq.s32 v0, $0x0;
	[sflag:s18] =	ssyncset.done $0x0  }
0xa6: {  	vm15 =	veq.s32 v0, $0x2;
	v1 =	vsel vm0, s30, v1;
	[sflag:s18] =	ssyncadd.s32 s31  }
0xa7: {  	v1 =	vsel vm15, s22, v1;
	[sflag:s18] =	ssyncpa.u1 $0x1  }
0xa8: {  	[tilespmem:$0xF208] =	vst v1  }
.LBB3_21:
0xa9: {  	s0 =	sadd.s32 $0xF0, s19  }
0xaa: {  	s2 =	smov.u32 s7;
	p1 =	slt.s32 s0, s8  }
0xab: {  	s2 =	smov.u32 @p1 s0;
	p1 =	sne.s32 s21, s17  }
.Ltmp10:
0xac: {  	_ = 	snop;
	(pc) =	sbr.rel @!p1 .LBB3_22-.Ltmp10, $3  }
0xad: {  	_ =	sdelay $0x1  }
0xae: {  	s22 =	smov.u32 s20;
	s31 =	sadd.s32 $0x1, s21;
	s20 =	smov.u32 s19  }
0xaf: {  	p0 =	por !p0, !p0;
	s21 =	smov.u32 s31;
	s19 =	smov.u32 s2  }
.LBB3_3:
0xb0: {  	p1 =	sge.u32 s21, s13  }
0xb1: {  	s0 =	smulhi.u32 @!p1 $0xAAAAAAAB, s21  }
0xb2: {  	s2 =	smov.u32 s19;
	p2 =	sgt.s32 @!p1 s19, $0x27010  }
0xb3: {  	s3 =	sshra.s32 @!p1 s19, $0x1F;
	p2 =	por !p2, p1;
	s0 =	sshrl.u32 @!p1 s0, $0x1  }
0xb4: {  	s3 =	sand.u32 @!p1 s3, s19;
	s2 =	simm.s32 @p2 $0x27010;
	s0 =	smul.u32 @!p1 $0x3, s0  }
0xb5: {  	s2 =	ssub.s32 @!p1 s2, s3  }
0xb6: {  	s2 =	sadd.s32 @!p1 $0xFFFD8FF0, s2;
	s0 =	ssub.s32 @!p1 s21, s0  }
0xb7: {  	s3 =	sshll.u32 @!p1 s2, $0x2;
	p2 =	sgt.s32 @!p1 s2, $0xEF;
	s0 =	smul.u32 @!p1 $0x3C0, s0  }
0xb8: {  	s4 =	sand.u32 @!p1 $0x7, s19;
	s2 =	ssub.s32 @!p1 $0x3C0, s3;
	p2 =	por !p2, p1  }
0xb9: {  	s3 =	sshrl.u32 @!p1 s19, $0x3;
	s2 =	sshrl.u32 @!p1 s2, $0x2;
	s0 =	sshrl.u32 @!p1 s0, $0x2  }
0xba: {  	s3 =	sadd.s32 @!p1 s3, s14;
	s2 =	simm.s32 @!p2 $0x0;
	s0 =	sadd.s32 @!p1 $0x10248, s0  }
0xbb: {  	[tilespmem:s0], [sflag:$0xA] =	stream.linear.gather @!p1 [hbm4b:s3+s4], s2, $0x38;
	[tilespmem:$0x1F6F8] =	vst v63  }
0xbc: {  	s0 =	sadd.s32 $0xFFFFFFFF, s21  }
0xbd: {  	p1 =	sge.u32 s0, s13  }
0xbe: {  	p2 =	sgt.s32 @!p1 s20, $0x27010  }
0xbf: {  	s2 =	smov.u32 s20;
	s3 =	sshra.s32 @!p1 s20, $0x1F;
	p2 =	por !p2, p1  }
0xc0: {  	s3 =	sand.u32 @!p1 s3, s20;
	s2 =	simm.s32 @p2 $0x27010  }
0xc1: {  	s2 =	ssub.s32 @!p1 s2, s3  }
0xc2: {  	s2 =	sadd.s32 @!p1 $0xFFFD8FF0, s2  }
0xc3: {  	s4 =	sand.u32 @!p1 $0x1, s0;
	s3 =	sshll.u32 @!p1 s2, $0x2  }
0xc4: {  	p2 =	sgt.s32 @!p1 s2, $0xEF;
	s2 =	ssub.s32 @!p1 $0x3C0, s3;
	s3 =	smulhi.u32 @!p1 $0xAAAAAAAB, s0  }
0xc5: {  	s23 =	smul.u32 @!p1 $0x3C0, s4;
	p2 =	por !p2, p1;
	s2 =	sshrl.u32 @!p1 s2, $0x2  }
0xc6: {  	s5 =	simm.s32 @!p1 $0xA;
	s2 =	simm.s32 @!p2 $0x0;
	s3 =	sshrl.u32 @!p1 s3, $0x1  }
0xc7: {  	s23 =	sshrl.u32 @!p1 s23, $0x2;
	_ =	swait.ge @!p1 [sflag:s5], s2;
	s3 =	smul.u32 @!p1 $0x3, s3  }
0xc8: {  	s23 =	sadd.s32 @!p1 $0x10518, s23;
	s24 =	ssub.s32 @!p1 $0x0, s2;
	[sflag:s5] =	ssyncset.done @!p1 $0x0  }
0xc9: {  	[sflag:s5] =	ssyncadd.s32 @!p1 s24;
	s5 =	sshrl.u32 @!p1 s20, $0x3;
	s0 =	ssub.s32 @!p1 s0, s3  }
0xca: {  	s24 =	sand.u32 @!p1 $0x7, s20;
	s5 =	sadd.s32 @!p1 s5, s15;
	s0 =	smul.u32 @!p1 $0x3C0, s0  }
0xcb: {  	[tilespmem:s23], [sflag:$0xB] =	stream.linear.gather @!p1 [hbm4b:s5+s24], s2, $0x38;
	[tilespmem:$0x1F6F8] =	vst v63  }
0xcc: {  	s3 =	ssub.s32 @!p1 $0x27100, s20;
	s2 =	smul.u32 @!p1 $0x1E000, s4  }
0xcd: {  	p2 =	slt.s32 @!p1 s3, $0xF0  }
0xce: {  	p2 =	por !p2, p1;
	s0 =	sshrl.u32 @!p1 s0, $0x2;
	s2 =	sshrl.u32 @!p1 s2, $0x2  }
0xcf: {  	s3 =	simm.s32 @p2 $0xF0;
	s0 =	sadd.s32 @!p1 $0x10248, s0;
	s2 =	sor.u32 @!p1 $0x106F8, s2  }
0xd0: {  	[tilespmem:s2], [sflag:$0x9] =	stream.indirect.gather @!p1 [hbm4b:s6+s3], $0x80, s0, s3, $0xb8;
	[tilespmem:$0x1F6F8] =	vst v63  }
0xd1: {  	p1 =	slt.u32 s21, $0x2  }
.Ltmp11:
0xd2: {  	_ = 	snop;
	(pc) =	sbr.rel @p1 .LBB3_21-.Ltmp11, $1  }
0xd3: {  	_ =	sdelay $0x3  }
0xd4: {  	p1 =	sgt.s32 s22, $0x27010  }
0xd5: {  	s0 =	smov.u32 s22;
	s2 =	sshra.s32 s22, $0x1F;
	s3 =	ssub.s32 $0x27100, s22  }
0xd6: {  	s0 =	simm.s32 @!p1 $0x27010;
	s2 =	sand.u32 s2, s22;
	p1 =	slt.s32 s3, $0xF0  }
0xd7: {  	s0 =	ssub.s32 s0, s2;
	s3 =	simm.s32 @!p1 $0xF0  }
0xd8: {  	s0 =	sadd.s32 $0xFFFD8FF0, s0;
	s25 =	sshll.u32 s3, $0x7  }
0xd9: {  	s26 =	sshll.u32 s0, $0x2;
	s2 =	sand.u32 $0x3FFFFF80, s25  }
0xda: {  	p1 =	sgt.s32 s0, $0xEF;
	s29 =	ssub.s32 $0x3C0, s26;
	_ =	swait.ge [sflag:s10], s2  }
0xdb: {  	s2 =	ssub.s32 $0x0, s2;
	[sflag:s10] =	ssyncset.done $0x0;
	s0 =	sshrl.u32 s29, $0x2  }
0xdc: {  	[sflag:s10] =	ssyncadd.s32 s2;
	s0 =	simm.s32 @p1 $0x0  }
0xdd: {  	_ =	swait.ge [sflag:s11], s0  }
0xde: {  	s0 =	ssub.s32 $0x0, s0;
	[sflag:s11] =	ssyncset.done $0x0  }
0xdf: {  	[sflag:s11] =	ssyncadd.s32 s0  }
0xe0: {  	v1 =	vld [tilespmem:$0xF208];
	_ =	sdelay $0x4  }
0xe1: {  	(v2sf) =	vpush v1, $0x0  }
0xe2: {  	(v2sf) =	vpush v1, $0x1  }
0xe3: {  	(v2sf) =	vpush v1, $0x2;
	_ =	sdelay $0x3  }
0xe4: {  	s0 =	sadd.s32 $0xF0, s22  }
0xe5: {  	s2 =	ssub.s32 $0x4E200, s22;
	p1 =	slt.s32 s8, s0  }
0xe6: {  	s0 =	smov.u32 @p1 s8;
	p1 =	sgt.s32 s2, $0x0  }
0xe7: {  	s26 =	ssub.s32 s0, s22;
	s2 =	simm.s32 @!p1 $0x0  }
0xe8: {  	p1 =	slt.s32 s2, s26  }
0xe9: {  	s26 =	smov.u32 @p1 s2  }
0xea: {  	s25 =	simm.s32 $0x1;
	p1 =	slt.s32 s26, $0x1  }
.Ltmp12:
0xeb: {  	s25 =	simm.s32 @!p0 $0x0;
	(pc) =	sbr.rel @p1 .LBB3_8-.Ltmp12, $4  }
0xec: {  	s31 =	smul.u32 $0x3C0, s25  }
0xed: {  	s28 =	spop (v2sf)  }
0xee: {  	s0 =	sshrl.u32 s31, $0x2;
	s30 =	spop (v2sf)  }
0xef: {  	s23 =	sadd.s32 $0x10518, s0;
	s22 =	spop (v2sf)  }
0xf0: {  	s0 =	smin.u32 s26, $0x10  }
0xf1: {  	v1 =	vmov s0  }
0xf2: {  	p2 =	sgt.s32 s26, $0x10;
	vm1 =	vgt.u32 v1, v0  }
.Ltmp13:
0xf3: {  	_ = 	snop;
	(pc) =	sbr.rel @!p2 .LBB3_7-.Ltmp13, $2  }
0xf4: {  	_ =	sdelay $0x2  }
0xf5: {  	s4 =	simm.s32 $0x10;
	s24 =	sadd.s32 $0xFFFFFFF0, s26;
	s0 =	smov.u32 s23;
	vm0 =	vmmov vm1  }
.LBB3_6:
0xf6: {  	s2 =	smin.u32 s24, $0x10;
	s4 =	sadd.s32 $0x10, s4;
	v1 =	vld.msk [tilespmem:s0+$0x0 ss:$0x1], vm1  }
0xf7: {  	v2 =	vmov s2;
	p2 =	slt.s32 s4, s26  }
0xf8: {  	vm1 =	vgt.u32 v2, v0  }
.Ltmp14:
0xf9: {  	(pc) =	sbr.rel @p2 .LBB3_6-.Ltmp14, $3  }
0xfa: {  	_ =	sdelay $0x1  }
0xfb: {  	v1 =	vshll.u32 v1, $0x4  }
0xfc: {  	s24 =	sadd.s32 $0xFFFFFFF0, s24;
	[tilespmem:s0+$0x0] =	vst.msk vm0, v1;
	s0 =	sadd.s32 $0x10, s0;
	vm0 =	vmmov vm1  }
.LBB3_7:
0xfd: {  	_ =	sdelay $0x4  }
0xfe: {  	v1 =	vld.msk [tilespmem:s0+$0x0 ss:$0x1], vm1;
	_ =	sdelay $0x4  }
0xff: {  	v1 =	vshll.u32 v1, $0x4  }
0x100: {  	[tilespmem:s0+$0x0] =	vst.msk vm0, v1  }
.LBB3_8:
0x101: {  	s0 =	sand.u32 $0x1, s21  }
0x102: {  	s0 =	smul.u32 $0xF0, s0  }
0x103: {  	p2 =	sne.s32 s30, $0xFFFFFFFF  }
0x104: {  	v1 =	vld.msk @!p2 [tilespmem:s0+$0x10518], $0x1;
	_ =	sdelay $0x4  }
0x105: {  	(v2sf) =	vpush @!p2 v1, $0x0;
	_ =	sdelay $0xc  }
.Ltmp15:
0x106: {  	_ = 	snop;
	(pc) =	sbr.rel @p1 .LBB3_19-.Ltmp15, $4  }
0x107: {  	_ = 	snop  }
0x108: {  	s29 =	spop @!p2 (v2sf)  }
0x109: {  	s22 =	simm.s32 @!p2 $0x0;
	s24 =	smov.u32 s29  }
0x10a: {  	[sflag:s18] =	ssyncpa.u1 $0x0;
	s29 =	smov.u32 @p2 s28;
	s24 =	smov.u32 @p2 s30  }
0x10b: {  	v1 =	vld.msk [tilespmem:s23+$0x0], $0x1;
	_ =	sdelay $0x4  }
0x10c: {  	(v2sf) =	vpush v1, $0x0;
	_ =	sdelay $0xe  }
0x10d: {  	s2 =	smul.u32 $0x1E000, s25;
	s0 =	spop (v2sf)  }
0x10e: {  	s26 =	ssub.s32 $0x0, s26;
	p1 =	seq.s32 s29, s0  }
0x10f: {  	s30 =	sadd.s32 $0x1, s26;
	s2 =	sshrl.u32 s2, $0x2;
	p2 =	sgt.s32 @!p1 s29, $0x0  }
0x110: {  	s25 =	sor.u32 $0x10738, s2;
	s2 =	smov.u32 s29;
	p2 =	por !p2, p1  }
0x111: {  	s2 =	simm.s32 @p2 $0x0;
	p2 =	seq.s32 s30, $0x0  }
.Ltmp16:
0x112: {  	_ = 	snop;
	(pc) =	sbr.rel @p2 .LBB3_11-.Ltmp16, $4  }
0x113: {  	_ = 	snop  }
0x114: {  	s28 =	simm.s32 $0x0;
	s31 =	sadd.s32 $0x1, s23;
	s2 =	smin.u32 @!p1 s2, $0x270F0  }
0x115: {  	s4 =	simm.s32 @!p1 $0x1;
	s5 =	simm.s32 @!p1 $0x7988;
	s3 =	sand.u32 @!p1 $0x3FFF8, s2  }
0x116: {  	s4 =	smov.u32 @p1 s28;
	s2 =	sand.u32 @!p1 $0x7, s2;
	s3 =	sadd.s32 @!p1 s1, s3  }
.LBB3_10:
0x117: {  	s9 =	smov.u32 s4  }
0x118: {  	[tilespmem:s5], [sflag:$0x2] =	stream.linear.gather @!p1 [hbm4b:s3+s2], $0x80, $0x38;
	[tilespmem:$0x1F6F8] =	vst v63  }
0x119: {  	s30 =	sadd.s32 $0x1, s30;
	s2 =	smov.u32 s0;
	v1 =	vld.msk [tilespmem:s31+$0x0], $0x1  }
0x11a: {  	p2 =	seq.s32 s30, $0x0;
	_ =	sdelay $0x3  }
0x11b: {  	(v2sf) =	vpush v1, $0x0;
	_ =	sdelay $0xe  }
0x11c: {  	s0 =	spop (v2sf)  }
0x11d: {  	p1 =	seq.s32 s2, s0  }
0x11e: {  	p3 =	sgt.s32 @!p1 s2, $0x0;
	s3 =	sshll.u32 @!p1 s4, $0x9;
	s4 =	sadd.s32 @!p1 $0x1, s4  }
.Ltmp17:
0x11f: {  	p3 =	por !p3, p1;
	s3 =	sshra.s32 @!p1 s3, $0x2;
	(pc) =	sbr.rel @!p2 .LBB3_10-.Ltmp17, $4  }
0x120: {  	s4 =	smov.u32 @p1 s9;
	s2 =	simm.s32 @p3 $0x0;
	s5 =	sadd.s32 @!p1 $0x7988, s3  }
0x121: {  	s2 =	smin.u32 @!p1 s2, $0x270F0  }
0x122: {  	s3 =	sand.u32 @!p1 $0x3FFF8, s2;
	s2 =	sand.u32 @!p1 $0x7, s2  }
0x123: {  	s31 =	sadd.s32 $0x1, s31;
	s3 =	sadd.s32 @!p1 s1, s3  }
.LBB3_11:
0x124: {  	[tilespmem:s5], [sflag:$0x2] =	stream.linear.gather @!p1 [hbm4b:s3+s2], $0x80, $0x38;
	[tilespmem:$0x1F6F8] =	vst v63  }
.Ltmp18:
0x125: {  	s0 =	sshll.u32 s4, $0x7;
	(pc) =	sbr.rel .LBB3_12-.Ltmp18, $4  }
0x126: {  	s30 =	simm.s32 $0x2;
	s0 =	sand.u32 $0x3FFFFF80, s0  }
0x127: {  	_ =	swait.ge [sflag:s30], s0  }
0x128: {  	s0 =	ssub.s32 $0x0, s0;
	[sflag:s30] =	ssyncset.done $0x0  }
0x129: {  	s31 =	simm.s32 $0x0;
	[sflag:s30] =	ssyncadd.s32 s0  }
.LBB3_13:
0x12a: {  	v1 =	vld [tilespmem:s25+$0xFFFFFFC0];
	_ =	sdelay $0x3  }
0x12b: {  	s0 =	sshra.s32 s0, $0x2  }
0x12c: {  	[tilespmem:s0+$0x108] =	vst.add.f32.msk $0xffff, v1  }
0x12d: {  	v1 =	vld [tilespmem:s25+$0xFFFFFFD0];
	_ =	sdelay $0x4  }
0x12e: {  	[tilespmem:s0+$0x118] =	vst.add.f32.msk $0xffff, v1  }
0x12f: {  	v1 =	vld [tilespmem:s25+$0xFFFFFFE0];
	_ =	sdelay $0x4  }
0x130: {  	[tilespmem:s0+$0x128] =	vst.add.f32.msk $0xffff, v1  }
0x131: {  	v1 =	vld [tilespmem:s25+$0xFFFFFFF0];
	_ =	sdelay $0x4  }
0x132: {  	[tilespmem:s0+$0x138] =	vst.add.f32.msk $0xffff, v1  }
0x133: {  	v1 =	vld [tilespmem:s25+$0x0];
	_ =	sdelay $0x4  }
0x134: {  	[tilespmem:s0+$0x148] =	vst.add.f32.msk $0xffff, v1  }
0x135: {  	v1 =	vld [tilespmem:s25+$0x10];
	_ =	sdelay $0x4  }
0x136: {  	[tilespmem:s0+$0x158] =	vst.add.f32.msk $0xffff, v1  }
0x137: {  	v1 =	vld [tilespmem:s25+$0x20];
	_ =	sdelay $0x4  }
0x138: {  	[tilespmem:s0+$0x168] =	vst.add.f32.msk $0xffff, v1  }
0x139: {  	v1 =	vld [tilespmem:s25+$0x30];
	_ =	sdelay $0x4  }
0x13a: {  	[tilespmem:s0+$0x178] =	vst.add.f32.msk $0xffff, v1  }
.LBB3_17:
0x13b: {  	s26 =	sadd.s32 $0x1, s26  }
0x13c: {  	p1 =	seq.s32 s26, $0x0  }
.Ltmp19:
0x13d: {  	_ = 	snop;
	(pc) =	sbr.rel @p1 .LBB3_18-.Ltmp19, $2  }
0x13e: {  	_ =	sdelay $0x2  }
0x13f: {  	s23 =	sadd.s32 $0x1, s23;
	s25 =	sadd.s32 $0x80, s25;
	s29 =	smov.u32 s30  }
.LBB3_12:
0x140: {  	v1 =	vld.msk [tilespmem:s23+$0x0], $0x1;
	_ =	sdelay $0x4  }
0x141: {  	(v2sf) =	vpush v1, $0x0;
	_ =	sdelay $0xe  }
0x142: {  	s30 =	spop (v2sf)  }
0x143: {  	p1 =	sne.s32 s29, s30  }
.Ltmp20:
0x144: {  	_ = 	snop;
	(pc) =	sbr.rel @!p1 .LBB3_13-.Ltmp20, $2  }
0x145: {  	_ =	sdelay $0x2  }
0x146: {  	s0 =	sshll.u32 s22, $0x9  }
0x147: {  	p1 =	seq.s32 s29, s24  }
.Ltmp21:
0x148: {  	_ = 	snop;
	(pc) =	sbr.rel @!p1 .LBB3_15-.Ltmp21, $1  }
0x149: {  	_ =	sdelay $0x3  }
0x14a: {  	s0 =	sshra.s32 s0, $0x2  }
.Ltmp22:
0x14b: {  	s0 =	sadd.s32 $0x108, s0;
	(pc) =	sbr.rel .LBB3_16-.Ltmp22, $4  }
0x14c: {  	[spmem:s16] =	stream.linear.scatter [tilespmem:s0], [sflag:$0x1], $0x80, $0x38;
	[tilespmem:$0x1F6F8] =	vst v63  }
0x14d: {  	_ =	swait.ge [sflag:s12], $0x80  }
0x14e: {  	[sflag:s12] =	ssyncset.done $0x0  }
0x14f: {  	[sflag:s12] =	ssyncadd.s32 $0xFFFFFF80  }
.LBB3_15:
0x150: {  	s2 =	sshll.u32 s28, $0x9  }
0x151: {  	s2 =	sshra.s32 s2, $0x2  }
0x152: {  	v1 =	vld [tilespmem:s2+$0x7988];
	_ =	sdelay $0x3  }
0x153: {  	s0 =	sshra.s32 s0, $0x2  }
0x154: {  	[tilespmem:s0+$0x108] =	vst.add.f32.msk $0xffff, v1  }
0x155: {  	v1 =	vld [tilespmem:s2+$0x7998];
	_ =	sdelay $0x4  }
0x156: {  	[tilespmem:s0+$0x118] =	vst.add.f32.msk $0xffff, v1  }
0x157: {  	v1 =	vld [tilespmem:s2+$0x79A8];
	_ =	sdelay $0x4  }
0x158: {  	[tilespmem:s0+$0x128] =	vst.add.f32.msk $0xffff, v1  }
0x159: {  	v1 =	vld [tilespmem:s2+$0x79B8];
	_ =	sdelay $0x4  }
0x15a: {  	[tilespmem:s0+$0x138] =	vst.add.f32.msk $0xffff, v1  }
0x15b: {  	v1 =	vld [tilespmem:s2+$0x79C8];
	_ =	sdelay $0x4  }
0x15c: {  	[tilespmem:s0+$0x148] =	vst.add.f32.msk $0xffff, v1  }
0x15d: {  	v1 =	vld [tilespmem:s2+$0x79D8];
	_ =	sdelay $0x4  }
0x15e: {  	[tilespmem:s0+$0x158] =	vst.add.f32.msk $0xffff, v1  }
0x15f: {  	v1 =	vld [tilespmem:s2+$0x79E8];
	_ =	sdelay $0x4  }
0x160: {  	[tilespmem:s0+$0x168] =	vst.add.f32.msk $0xffff, v1  }
0x161: {  	v1 =	vld [tilespmem:s2+$0x79F8];
	_ =	sdelay $0x2  }
0x162: {  	p1 =	sgt.u32 s29, $0x270F0  }
0x163: {  	s2 =	sand.u32 @!p1 $0x3FFF8, s29  }
0x164: {  	s3 =	sadd.s32 $0x108, s0;
	[tilespmem:s0+$0x178] =	vst.add.f32.msk $0xffff, v1;
	s0 =	sadd.s32 @!p1 s1, s2;
	s2 =	sand.u32 @!p1 $0x7, s29  }
0x165: {  	[hbm4b:s0+s2] =	stream.linear.scatter @!p1 [tilespmem:s3], [sflag:$0xC], $0x80, $0x38;
	[tilespmem:$0x1F6F8] =	vst v63  }
0x166: {  	s0 =	simm.s32 $0x0  }
0x167: {  	s0 =	simm.s32 @!p1 $0x200  }
0x168: {  	s31 =	sadd.s32 s0, s31  }
.LBB3_16:
0x169: {  	s0 =	sadd.s32 $0x1, s22  }
0x16a: {  	s2 =	smulhi.u32 $0x88888889, s0;
	_ =	sdelay $0x1  }
0x16b: {  	v1 =	vld [tilespmem:s25+$0xFFFFFFC0];
	s2 =	sshrl.u32 s2, $0x7  }
0x16c: {  	s2 =	smul.u32 $0xF0, s2;
	_ =	sdelay $0x1  }
0x16d: {  	s22 =	ssub.s32 s0, s2  }
0x16e: {  	s0 =	sshll.u32 s22, $0x7  }
0x16f: {  	[tilespmem:s0+$0x108] =	vst v1  }
0x170: {  	v1 =	vld [tilespmem:s25+$0xFFFFFFD0];
	_ =	sdelay $0x4  }
0x171: {  	[tilespmem:s0+$0x118] =	vst v1  }
0x172: {  	v1 =	vld [tilespmem:s25+$0xFFFFFFE0];
	_ =	sdelay $0x4  }
0x173: {  	[tilespmem:s0+$0x128] =	vst v1  }
0x174: {  	v1 =	vld [tilespmem:s25+$0xFFFFFFF0];
	_ =	sdelay $0x4  }
0x175: {  	[tilespmem:s0+$0x138] =	vst v1  }
0x176: {  	v1 =	vld [tilespmem:s25+$0x0];
	_ =	sdelay $0x4  }
0x177: {  	[tilespmem:s0+$0x148] =	vst v1  }
0x178: {  	v1 =	vld [tilespmem:s25+$0x10];
	_ =	sdelay $0x4  }
0x179: {  	[tilespmem:s0+$0x158] =	vst v1  }
0x17a: {  	v1 =	vld [tilespmem:s25+$0x20];
	_ =	sdelay $0x4  }
0x17b: {  	[tilespmem:s0+$0x168] =	vst v1  }
0x17c: {  	v1 =	vld [tilespmem:s25+$0x30]  }
.Ltmp23:
0x17d: {  	_ = 	snop;
	(pc) =	sbr.rel .LBB3_17-.Ltmp23, $2  }
0x17e: {  	_ =	sdelay $0x2  }
0x17f: {  	s28 =	sadd.s32 $0x1, s28;
	[tilespmem:s0+$0x178] =	vst v1  }
.LBB3_19:
.Ltmp24:
0x180: {  	(pc) =	sbr.rel .LBB3_20-.Ltmp24, $4  }
0x181: {  	_ = 	snop  }
0x182: {  	s0 =	simm.s32 $0x2  }
0x183: {  	_ =	swait.ge [sflag:s0], $0x0  }
0x184: {  	s30 =	smov.u32 s29;
	[sflag:s0] =	ssyncset.done $0x0;
	s0 =	simm.s32 $0x0  }
.LBB3_22:
0x185: {  	_ =	sfence.sel $0x180000  }
0x186: {  	s0 =	simm.s32 $0x9;
	[bflag:$0x0] =	sbarrier.arrive $0xFFFF  }
0x187: {  	s24 =	simm.s32 $0xA;
	[sflag:s0] =	ssyncpa.u1 $0x1  }
0x188: {  	s25 =	simm.s32 $0xB;
	[sflag:s24] =	ssyncpa.u1 $0x1  }
0x189: {  	s26 =	simm.s32 $0x2;
	[sflag:s25] =	ssyncpa.u1 $0x1  }
0x18a: {  	[sflag:s26] =	ssyncpa.u1 $0x1  }
0x18b: {  	v0 =	vld [tilespmem:$0xF208];
	_ =	sdelay $0x4  }
0x18c: {  	(v2sf) =	vpush v0, $0x0  }
0x18d: {  	(v2sf) =	vpush v0, $0x1;
	_ =	sdelay $0x1  }
0x18e: {  	(v2sf) =	vpush v0, $0x2;
	_ =	sdelay $0xb  }
0x18f: {  	s0 =	spop (v2sf)  }
0x190: {  	s2 =	spop (v2sf)  }
0x191: {  	s3 =	smov.u32 s0;
	p0 =	sne.s32 s0, s2  }
0x192: {  	s4 =	spop (v2sf);
	s3 =	simm.s32 @!p0 $0xFFFFFFFF  }
0x193: {  	v2 =	vimm.s32 $0x1;
	v3 =	vlaneseq.u32;
	p0 =	seq.s32 s4, $0xFFFFFFFF;
	v1 =	vmov s3  }
0x194: {  	s16 =	stileid.u32;
	v0 =	vperm.xlane v0, v2;
	p1 =	sne.s32 @!p0 s0, s2;
	v1 =	vperm.xlane v1, v3  }
0x195: {  	vm0 =	vcmask $0x3F04;
	s6 =	simm.s32 $0xF208;
	s0 =	simm.s32 @!p0 $0x1;
	p1 =	por !p1, p0  }
0x196: {  	s3 =	sshll.u32 s16, $0x1;
	s2 =	sshll.u32 @!p0 s4, $0x9;
	s0 =	simm.s32 @p1 $0x0;
	v0 =	vsel vm0, v1, v0  }
0x197: {  	s5 =	sor.u32 $0x1000, s3;
	s2 =	sshra.s32 @!p0 s2, $0x2;
	s0 =	sor.u32 @!p0 s0, s3;
	[tilespmem:$0xF208] =	vst v0  }
0x198: {  	[spmem:s5] =	stream.linear.scatter [tilespmem:s6], [sflag:$0x1], $0x2, $0x38;
	[tilespmem:$0x1F6F8] =	vst v63  }
0x199: {  	s2 =	sadd.s32 @!p0 $0x108, s2;
	s0 =	sshll.u32 @!p0 s0, $0x7  }
0x19a: {  	[spmem:s0] =	stream.linear.scatter @!p0 [tilespmem:s2], [sflag:$0x1], $0x80, $0x38;
	[tilespmem:$0x1F6F8] =	vst v63  }
0x19b: {  	s0 =	simm.s32 @!p0 $0x82  }
0x19c: {  	s28 =	simm.s32 $0x1;
	s0 =	simm.s32 @p0 $0x2  }
0x19d: {  	_ =	swait.ge [sflag:s28], s0  }
0x19e: {  	s0 =	ssub.s32 $0x0, s0;
	[sflag:s28] =	ssyncset.done $0x0  }
0x19f: {  	p0 =	sne.s32 s16, $0x0;
	[sflag:s28] =	ssyncadd.s32 s0  }
.Ltmp25:
0x1a0: {  	_ =	sfence.stream.spmem;
	(pc) =	sbr.rel @p0 .LBB3_39-.Ltmp25, $4  }
0x1a1: {  	s29 =	simm.s32 $0x3;
	[bflag:$0x0] =	sbarrier.arrive $0xFFFF  }
0x1a2: {  	s30 =	simm.s32 $0x4;
	[sflag:s29] =	ssyncpa.u1 $0x1  }
0x1a3: {  	s31 =	simm.s32 $0x3C;
	[sflag:s30] =	ssyncpa.u1 $0x1  }
0x1a4: {  	s15 =	rddreg [dreg:$0x4];
	[sflag:s31] =	ssyncpa.u1 $0x1  }
0x1a5: {  	_ =	sfence.stream.spmem;
	s0 =	simm.s32 $0x5  }
0x1a6: {  	s2 =	simm.s32 $0x1000;
	s3 =	simm.s32 $0xF218;
	[sflag:s0] =	ssyncpa.u1 $0x0  }
0x1a7: {  	[tilespmem:s3], [sflag:$0x5] =	stream.linear.gather [spmem:s2], $0x20, $0x38;
	[tilespmem:$0x1F6F8] =	vst v63  }
0x1a8: {  	s26 =	simm.s32 $0x0;
	s28 =	simm.s32 $0xF238  }
0x1a9: {  	[tilespmem:s28], [sflag:$0x5] =	stream.linear.gather [spmem:s26], $0x1000, $0x38;
	[tilespmem:$0x1F6F8] =	vst v63  }
0x1aa: {  	_ =	swait.ge [sflag:s0], $0x1020  }
0x1ab: {  	[sflag:s0] =	ssyncset.done $0x0  }
0x1ac: {  	s29 =	simm.s32 $0x0;
	[sflag:s0] =	ssyncadd.s32 $0xFFFFEFE0  }
0x1ad: {  	v0 =	vld.msk [tilespmem:s29+$0xF218], $0x1;
	_ =	sdelay $0x1  }
0x1ae: {  	s30 =	simm.s32 $0x1  }
0x1af: {  	v1 =	vld.msk [tilespmem:s30+$0xF218], $0x1;
	_ =	sdelay $0x1  }
0x1b0: {  	(v2sf) =	vpush v0, $0x0;
	_ =	sdelay $0x2  }
0x1b1: {  	(v2sf) =	vpush v1, $0x0;
	_ =	sdelay $0x2  }
0x1b2: {  	s31 =	simm.s32 $0x2  }
0x1b3: {  	v0 =	vld.msk [tilespmem:s31+$0xF218], $0x1;
	_ =	sdelay $0x2  }
0x1b4: {  	s4 =	simm.s32 $0xFFFFFFFF;
	s5 =	simm.s32 $0xFFFFFFFF;
	s0 =	simm.s32 $0xC  }
.LBB3_24:
0x1b5: {  	s2 =	smov.u32 s5;
	s3 =	smov.u32 s4  }
0x1b6: {  	s4 =	sshra.s32 s0, $0x2;
	p1 =	sne.s32 s0, $0x7C;
	s0 =	sadd.s32 $0x4, s0;
	(v2sf) =	vpush v0, $0x0  }
0x1b7: {  	v0 =	vld.msk [tilespmem:s4+$0xF218], $0x1  }
.Ltmp26:
0x1b8: {  	(pc) =	sbr.rel @p1 .LBB3_24-.Ltmp26, $4  }
0x1b9: {  	s5 =	spop (v2sf)  }
0x1ba: {  	p2 =	sne.s32 s3, $0xFFFFFFFF;
	s4 =	smov.u32 s5  }
0x1bb: {  	p3 =	seq.s32 s5, $0xFFFFFFFF;
	s4 =	smov.u32 @p2 s3  }
0x1bc: {  	s5 =	smov.u32 @p3 s2;
	s4 =	smov.u32 @p3 s3  }
0x1bd: {  	(v2sf) =	vpush v0, $0x0;
	_ =	sdelay $0x8  }
0x1be: {  	s0 =	spop (v2sf)  }
0x1bf: {  	p1 =	sne.s32 s4, $0xFFFFFFFF;
	s2 =	smov.u32 s0  }
0x1c0: {  	s9 =	simm.s32 $0x6;
	p2 =	seq.s32 s0, $0xFFFFFFFF;
	s2 =	smov.u32 @p1 s4  }
0x1c1: {  	s6 =	simm.s32 $0x0;
	s2 =	smov.u32 @p2 s4;
	s3 =	spop (v2sf)  }
0x1c2: {  	s0 =	smov.u32 @p2 s5;
	p1 =	sne.s32 s2, $0xFFFFFFFF;
	s4 =	smov.u32 s3  }
.Ltmp27:
0x1c3: {  	p2 =	seq.s32 s3, $0xFFFFFFFF;
	s4 =	smov.u32 @p1 s2;
	(pc) =	sbr.rel .LBB3_26-.Ltmp27, $4  }
0x1c4: {  	s10 =	simm.s32 $0xF188;
	s4 =	smov.u32 @p2 s2;
	s7 =	spop (v2sf)  }
0x1c5: {  	s11 =	simm.s32 $0x0;
	p1 =	sne.s32 s4, $0xFFFFFFFF;
	s8 =	smov.u32 s7  }
0x1c6: {  	s3 =	smov.u32 @p2 s0;
	p2 =	seq.s32 s7, $0xFFFFFFFF;
	s8 =	smov.u32 @p1 s4  }
0x1c7: {  	[sflag:s9] =	ssyncpa.u1 $0x0;
	s7 =	smov.u32 @p2 s3;
	s8 =	smov.u32 @p2 s4  }
.LBB3_32:
0x1c8: {  	p1 =	sgt.u32 s12, $0x270F0  }
0x1c9: {  	p2 =	seq.s32 @!p1 s12, s8  }
0x1ca: {  	p1 =	por p1, p2  }
0x1cb: {  	p2 =	sne.s32 @!p1 s12, s7  }
0x1cc: {  	p1 =	por p1, !p2  }
0x1cd: {  	s0 =	sshll.u32 @p1 s11, $0x9  }
0x1ce: {  	s0 =	sand.u32 @!p1 $0x3FFF8, s12  }
0x1cf: {  	s2 =	sand.u32 @!p1 $0x7, s12;
	s0 =	sadd.s32 @!p1 s1, s0  }
0x1d0: {  	[tilespmem:s10], [sflag:$0x6] =	stream.linear.gather @!p1 [hbm4b:s0+s2], $0x80, $0x38;
	[tilespmem:$0x1F6F8] =	vst v63  }
0x1d1: {  	_ =	swait.ge @!p1 [sflag:s9], $0x80  }
0x1d2: {  	[sflag:s9] =	ssyncset.done @!p1 $0x0  }
0x1d3: {  	[sflag:s9] =	ssyncadd.s32 @!p1 $0xFFFFFF80  }
0x1d4: {  	v1 =	vld @!p1 [tilespmem:$0xF188];
	_ =	sdelay $0x2  }
0x1d5: {  	s0 =	sshll.u32 @!p1 s11, $0x9  }
0x1d6: {  	s2 =	sshrl.u32 @!p1 s0, $0x2  }
0x1d7: {  	[tilespmem:s2+$0xF238] =	vst.add.f32.msk @!p1 $0xffff, v1  }
0x1d8: {  	v1 =	vld @!p1 [tilespmem:$0xF198];
	_ =	sdelay $0x4  }
0x1d9: {  	[tilespmem:s2+$0xF248] =	vst.add.f32.msk @!p1 $0xffff, v1  }
0x1da: {  	v1 =	vld @!p1 [tilespmem:$0xF1A8];
	_ =	sdelay $0x4  }
0x1db: {  	[tilespmem:s2+$0xF258] =	vst.add.f32.msk @!p1 $0xffff, v1  }
0x1dc: {  	v1 =	vld @!p1 [tilespmem:$0xF1B8];
	_ =	sdelay $0x4  }
0x1dd: {  	[tilespmem:s2+$0xF268] =	vst.add.f32.msk @!p1 $0xffff, v1  }
0x1de: {  	v1 =	vld @!p1 [tilespmem:$0xF1C8];
	_ =	sdelay $0x4  }
0x1df: {  	[tilespmem:s2+$0xF278] =	vst.add.f32.msk @!p1 $0xffff, v1  }
0x1e0: {  	v1 =	vld @!p1 [tilespmem:$0xF1D8];
	_ =	sdelay $0x4  }
0x1e1: {  	[tilespmem:s2+$0xF288] =	vst.add.f32.msk @!p1 $0xffff, v1  }
0x1e2: {  	v1 =	vld @!p1 [tilespmem:$0xF1E8];
	_ =	sdelay $0x4  }
0x1e3: {  	[tilespmem:s2+$0xF298] =	vst.add.f32.msk @!p1 $0xffff, v1  }
0x1e4: {  	v1 =	vld @!p1 [tilespmem:$0xF1F8];
	_ =	sdelay $0x4  }
0x1e5: {  	[tilespmem:s2+$0xF2A8] =	vst.add.f32.msk @!p1 $0xffff, v1  }
0x1e6: {  	s0 =	sshrl.u32 s0, $0x2;
	[tilespmem:s6+$0xF218] =	vst.msk $0x1, v0  }
0x1e7: {  	v0 =	vld [tilespmem:s0+$0xF238];
	_ =	sdelay $0x2  }
0x1e8: {  	s31 =	sshll.u32 s6, $0x9  }
0x1e9: {  	s2 =	sshra.s32 s31, $0x2  }
0x1ea: {  	[tilespmem:s2+$0xF238] =	vst v0  }
0x1eb: {  	v0 =	vld [tilespmem:s0+$0xF248];
	_ =	sdelay $0x4  }
0x1ec: {  	[tilespmem:s2+$0xF248] =	vst v0  }
0x1ed: {  	v0 =	vld [tilespmem:s0+$0xF258];
	_ =	sdelay $0x4  }
0x1ee: {  	[tilespmem:s2+$0xF258] =	vst v0  }
0x1ef: {  	v0 =	vld [tilespmem:s0+$0xF268];
	_ =	sdelay $0x4  }
0x1f0: {  	[tilespmem:s2+$0xF268] =	vst v0  }
0x1f1: {  	v0 =	vld [tilespmem:s0+$0xF278];
	_ =	sdelay $0x4  }
0x1f2: {  	[tilespmem:s2+$0xF278] =	vst v0  }
0x1f3: {  	v0 =	vld [tilespmem:s0+$0xF288];
	_ =	sdelay $0x4  }
0x1f4: {  	[tilespmem:s2+$0xF288] =	vst v0  }
0x1f5: {  	v0 =	vld [tilespmem:s0+$0xF298];
	_ =	sdelay $0x4  }
0x1f6: {  	[tilespmem:s2+$0xF298] =	vst v0  }
0x1f7: {  	v0 =	vld [tilespmem:s0+$0xF2A8];
	_ =	sdelay $0x4  }
0x1f8: {  	s6 =	sadd.s32 $0x1, s6;
	[tilespmem:s2+$0xF2A8] =	vst v0  }
.LBB3_33:
0x1f9: {  	s11 =	sadd.s32 $0x1, s11  }
0x1fa: {  	p1 =	sne.s32 s11, $0x20  }
.Ltmp28:
0x1fb: {  	_ = 	snop;
	(pc) =	sbr.rel @!p1 .LBB3_34-.Ltmp28, $1  }
0x1fc: {  	_ =	sdelay $0x3  }
.LBB3_26:
0x1fd: {  	v0 =	vld.msk [tilespmem:s11+$0xF218], $0x1;
	_ =	sdelay $0x4  }
0x1fe: {  	(v2sf) =	vpush v0, $0x0;
	_ =	sdelay $0xe  }
0x1ff: {  	s12 =	spop (v2sf)  }
0x200: {  	p1 =	seq.s32 s12, $0xFFFFFFFF  }
.Ltmp29:
0x201: {  	_ = 	snop;
	(pc) =	sbr.rel @p1 .LBB3_33-.Ltmp29, $1  }
0x202: {  	_ =	sdelay $0x3  }
0x203: {  	p1 =	slt.s32 s6, $0x1  }
.Ltmp30:
0x204: {  	_ = 	snop;
	(pc) =	sbr.rel @p1 .LBB3_32-.Ltmp30, $1  }
0x205: {  	_ =	sdelay $0x3  }
0x206: {  	s13 =	simm.s32 $0xF218;
	p1 =	por $0x0, $0x0  }
0x207: {  	v1 =	vld.msk @!p1 [tilespmem:s13+$0x0], $0x1;
	_ =	sdelay $0x4  }
0x208: {  	(v2sf) =	vpush @!p1 v1, $0x0;
	_ =	sdelay $0xd  }
0x209: {  	p3 =	sne.s32 s6, $0x1  }
.Ltmp31:
0x20a: {  	s0 =	spop @!p1 (v2sf);
	(pc) =	sbr.rel @!p3 .LBB3_30-.Ltmp31, $4  }
0x20b: {  	p2 =	seq.s32 @!p1 s12, s0  }
0x20c: {  	s14 =	simm.s32 $0x0;
	p2 =	por !p2, p1  }
0x20d: {  	s2 =	simm.s32 $0xFFFFFFFF;
	s14 =	simm.s32 @p2 $0xFFFFFFFF  }
0x20e: {  	s0 =	simm.s32 $0x1;
	s14 =	smov.u32 @p1 s2  }
.LBB3_29:
0x20f: {  	s2 =	smov.u32 s14;
	p1 =	sne.s32 s14, $0xFFFFFFFF  }
0x210: {  	s13 =	sadd.s32 $0x1, s13;
	s14 =	smov.u32 s0;
	s0 =	sadd.s32 $0x1, s0  }
0x211: {  	p2 =	sne.s32 s6, s0;
	v1 =	vld.msk @!p1 [tilespmem:s13+$0x0], $0x1;
	_ =	sdelay $0x4  }
0x212: {  	(v2sf) =	vpush @!p1 v1, $0x0;
	_ =	sdelay $0xe  }
.Ltmp32:
0x213: {  	s3 =	spop @!p1 (v2sf);
	(pc) =	sbr.rel @p2 .LBB3_29-.Ltmp32, $4  }
0x214: {  	p3 =	seq.s32 @!p1 s12, s3  }
0x215: {  	p3 =	por !p3, p1  }
0x216: {  	s14 =	simm.s32 @p3 $0xFFFFFFFF  }
0x217: {  	s14 =	smov.u32 @p1 s2  }
.LBB3_30:
0x218: {  	p1 =	seq.s32 s14, $0xFFFFFFFF  }
.Ltmp33:
0x219: {  	_ = 	snop;
	(pc) =	sbr.rel @p1 .LBB3_32-.Ltmp33, $1  }
0x21a: {  	_ =	sdelay $0x3  }
0x21b: {  	s0 =	sshll.u32 s11, $0x7  }
0x21c: {  	s0 =	sand.u32 $0x3FFFFF80, s0  }
0x21d: {  	v0 =	vld [tilespmem:s0+$0xF238];
	_ =	sdelay $0x2  }
0x21e: {  	s2 =	sshll.u32 s14, $0x9  }
0x21f: {  	s2 =	sshra.s32 s2, $0x2  }
0x220: {  	[tilespmem:s2+$0xF238] =	vst.add.f32.msk $0xffff, v0  }
0x221: {  	v0 =	vld [tilespmem:s0+$0xF248];
	_ =	sdelay $0x4  }
0x222: {  	[tilespmem:s2+$0xF248] =	vst.add.f32.msk $0xffff, v0  }
0x223: {  	v0 =	vld [tilespmem:s0+$0xF258];
	_ =	sdelay $0x4  }
0x224: {  	[tilespmem:s2+$0xF258] =	vst.add.f32.msk $0xffff, v0  }
0x225: {  	v0 =	vld [tilespmem:s0+$0xF268];
	_ =	sdelay $0x4  }
0x226: {  	[tilespmem:s2+$0xF268] =	vst.add.f32.msk $0xffff, v0  }
0x227: {  	v0 =	vld [tilespmem:s0+$0xF278];
	_ =	sdelay $0x4  }
0x228: {  	[tilespmem:s2+$0xF278] =	vst.add.f32.msk $0xffff, v0  }
0x229: {  	v0 =	vld [tilespmem:s0+$0xF288];
	_ =	sdelay $0x4  }
0x22a: {  	[tilespmem:s2+$0xF288] =	vst.add.f32.msk $0xffff, v0  }
0x22b: {  	v0 =	vld [tilespmem:s0+$0xF298];
	_ =	sdelay $0x4  }
0x22c: {  	[tilespmem:s2+$0xF298] =	vst.add.f32.msk $0xffff, v0  }
0x22d: {  	v0 =	vld [tilespmem:s0+$0xF2A8]  }
.Ltmp34:
0x22e: {  	_ = 	snop;
	(pc) =	sbr.rel .LBB3_33-.Ltmp34, $2  }
0x22f: {  	_ =	sdelay $0x2  }
0x230: {  	[tilespmem:s2+$0xF2A8] =	vst.add.f32.msk $0xffff, v0  }
.LBB3_34:
0x231: {  	s0 =	simm.s32 $0x6;
	p1 =	seq.s32 s6, $0x0  }
0x232: {  	[sflag:s0] =	ssyncpa.u1 $0x1;
	v0 =	vimm.s32 @p1 $0xFFFFFFFF  }
0x233: {  	s9 =	sadd.s32 $0xFFFFFFFF, s6;
	[tilespmem:$0x10238] =	vst @p1 v0  }
0x234: {  	v0 =	vld.msk @!p1 [tilespmem:s9+$0xF218], $0x1;
	_ =	sdelay $0x1  }
0x235: {  	v1 =	vld.msk @!p1 [tilespmem:$0xF218], $0x1;
	_ =	sdelay $0x2  }
0x236: {  	p2 =	seq.s32 @!p1 s9, $0x0;
	v0 =	vbroadcast @!p1 v0, $0x0  }
0x237: {  	vm0 =	vmmov @!p1 $0x1;
	p2 =	por !p2, p1  }
0x238: {  	v1 =	vnsel @!p1 vm0, $0xFFFFFFFF, v1;
	vm0 =	vcmask @!p1 $0x308;
	v0 =	vpsel !p2, $0xFFFFFFFF, v0  }
0x239: {  	p2 =	sne.s32 @!p1 s8, s7;
	v0 =	vsel @!p1 vm0, v1, v0  }
0x23a: {  	s0 =	simm.s32 @!p1 $0xF238;
	s2 =	simm.s32 @!p1 $0x0;
	p3 =	por !p2, p1;
	[tilespmem:$0x10238] =	vst @!p1 v0  }
0x23b: {  	[spmem:s2] =	stream.linear.scatter @!p1 [tilespmem:s0], [sflag:$0x1], $0x80, $0x38;
	[tilespmem:$0x1F6F8] =	vst v63  }
0x23c: {  	s0 =	sshll.u32 @!p3 s9, $0x9  }
0x23d: {  	s0 =	sshra.s32 @!p3 s0, $0x2  }
0x23e: {  	s2 =	simm.s32 @!p3 $0x80;
	s0 =	sadd.s32 @!p3 $0xF238, s0  }
0x23f: {  	[spmem:s2] =	stream.linear.scatter @!p3 [tilespmem:s0], [sflag:$0x1], $0x80, $0x38;
	[tilespmem:$0x1F6F8] =	vst v63  }
0x240: {  	s0 =	simm.s32 @!p3 $0x1  }
0x241: {  	_ =	swait.ge @!p3 [sflag:s0], $0x100  }
0x242: {  	p1 =	por p2, p1;
	[sflag:s0] =	ssyncset.done @!p3 $0x0  }
0x243: {  	[sflag:s0] =	ssyncadd.s32 @!p3 $0xFFFFFF00;
	s0 =	simm.s32 @!p1 $0x1  }
0x244: {  	_ =	swait.ge @!p1 [sflag:s0], $0x80  }
0x245: {  	s29 =	simm.s32 $0x10238;
	[sflag:s0] =	ssyncset.done @!p1 $0x0  }
0x246: {  	s30 =	simm.s32 $0x1000;
	s31 =	simm.s32 $0x1;
	[sflag:s0] =	ssyncadd.s32 @!p1 $0xFFFFFF80  }
0x247: {  	[spmem:s30] =	stream.linear.scatter [tilespmem:s29], [sflag:$0x1], $0x10, $0x38;
	[tilespmem:$0x1F6F8] =	vst v63  }
0x248: {  	_ =	swait.ge [sflag:s31], $0x10  }
0x249: {  	[sflag:s31] =	ssyncset.done $0x0  }
0x24a: {  	p1 =	seq.s32 s15, $0x0;
	s8 =	rddreg [dreg:$0x1];
	[sflag:s31] =	ssyncadd.s32 $0xFFFFFFF0  }
0x24b: {  	s2 =	sshll.u32 @p1 s8, $0xE;
	s7 =	rddreg [dreg:$0x2]  }
0x24c: {  	s0 =	sadd.s32 @p1 $0x15C3C, s2;
	s2 =	sshll.u32 @p1 s7, $0x11  }
0x24d: {  	_ =	sfence.stream.spmem;
	s0 =	sor.u32 @p1 s2, s0  }
0x24e: {  	[sflag:s0] =	ssyncadd.remote.s32 @p1 $0x1;
	s0 =	simm.s32 @p1 $0x4  }
0x24f: {  	s3 =	simm.s32 @!p1 $0x3C;
	s2 =	sand.u32 $0xFFFFFFFE, s8;
	_ =	swait.ge @p1 [sflag:s0], $0x22  }
0x250: {  	s4 =	simm.s32 @!p1 $0x0;
	s2 =	sadd.s32 @!p1 $0x4, s2;
	[sflag:s0] =	ssyncset.done @p1 $0x0  }
0x251: {  	s5 =	simm.s32 @!p1 $0x100;
	[sflag:s0] =	ssyncadd.s32 @p1 $0xFFFFFFDE;
	s0 =	sshll.u32 @!p1 s2, $0x1A  }
0x252: {  	s2 =	sshll.u32 @!p1 s2, $0xD;
	s0 =	sor.u32 @!p1 s0, s7;
	_ =	swait.eq @!p1 [sflag:s3], $0x1  }
0x253: {  	s2 =	sor.u32 @!p1 $0x1C04, s2;
	s3 =	simm.s32 @!p1 $0x1C03;
	s0 =	sor.u32 @!p1 $0x80004000, s0  }
0x254: {  	[spmem:s5], [sflag:s2] =	dma.general @!p1 [spmem:s4], [sflag:s3], length:$0x20, [dreg:$0x0], stride_count:$0x0, ici_dest:s0, dma_misc:DstOpCode:WRITE  }
0x255: {  	p2 =	slt.s32 s9, $0x2;
	s4 =	simm.s32 @!p1 $0x200;
	s5 =	simm.s32 @!p1 $0x202  }
0x256: {  	[spmem:s5], [sflag:s2] =	dma.general @!p1 [spmem:s4], [sflag:s3], length:$0x2, [dreg:$0x0], stride_count:$0x0, ici_dest:s0, dma_misc:DstOpCode:WRITE  }
.Ltmp35:
0x257: {  	s0 =	simm.s32 @!p1 $0x3;
	(pc) =	sbr.rel @p2 .LBB3_38-.Ltmp35, $4  }
0x258: {  	s2 =	sshll.u32 @!p1 s8, $0xE;
	_ =	swait.ge @!p1 [sflag:s0], $0x22  }
0x259: {  	s3 =	sshll.u32 @!p1 s7, $0x11;
	s2 =	sadd.s32 @!p1 $0x11C3C, s2;
	[sflag:s0] =	ssyncset.done @!p1 $0x0  }
0x25a: {  	[sflag:s0] =	ssyncadd.s32 @!p1 $0xFFFFFFDE;
	s0 =	sor.u32 @!p1 s3, s2  }
0x25b: {  	[sflag:s0] =	ssyncadd.remote.s32 @!p1 $0xFFFFFFFF;
	s0 =	simm.s32 $0x0  }
0x25c: {  	s0 =	simm.s32 $0xF219  }
0x25d: {  	v0 =	vld.msk [tilespmem:s0+$0x0], $0x1;
	_ =	sdelay $0x4  }
0x25e: {  	(v2sf) =	vpush v0, $0x0;
	_ =	sdelay $0xb  }
0x25f: {  	s31 =	sadd.s32 $0xFFFFFFFE, s6  }
0x260: {  	s0 =	sadd.s32 $0xFFFFFFFF, s31  }
0x261: {  	p2 =	sne.s32 s0, $0x0  }
.Ltmp36:
0x262: {  	s2 =	spop (v2sf);
	(pc) =	sbr.rel @!p2 .LBB3_37-.Ltmp36, $4  }
0x263: {  	s4 =	simm.s32 $0xF2B8;
	s7 =	simm.s32 $0x0;
	p1 =	sgt.u32 s2, $0x270F0  }
0x264: {  	s5 =	simm.s32 $0x0;
	s6 =	simm.s32 $0xF21A;
	s3 =	sand.u32 @!p1 $0x3FFF8, s2  }
0x265: {  	s2 =	sand.u32 @!p1 $0x7, s2;
	s7 =	simm.s32 @!p1 $0x200;
	s3 =	sadd.s32 @!p1 s1, s3  }
0x266: {  	[hbm4b:s3+s2] =	stream.linear.scatter @!p1 [tilespmem:s4], [sflag:$0x5], $0x80, $0x38;
	[tilespmem:$0x1F6F8] =	vst v63  }
.LBB3_36:
0x267: {  	v0 =	vld.msk [tilespmem:s6+$0x0], $0x1;
	s0 =	sadd.s32 $0xFFFFFFFF, s0;
	s5 =	sadd.s32 s5, s7  }
0x268: {  	p1 =	sne.s32 s0, $0x0;
	_ =	sdelay $0x3  }
0x269: {  	(v2sf) =	vpush v0, $0x0;
	_ =	sdelay $0xe  }
.Ltmp37:
0x26a: {  	s2 =	spop (v2sf);
	(pc) =	sbr.rel @p1 .LBB3_36-.Ltmp37, $4  }
0x26b: {  	s7 =	simm.s32 $0x0;
	p2 =	sgt.u32 s2, $0x270F0  }
0x26c: {  	s4 =	sadd.s32 $0x80, s4;
	s7 =	simm.s32 @!p2 $0x200;
	s3 =	sand.u32 @!p2 $0x3FFF8, s2  }
0x26d: {  	s6 =	sadd.s32 $0x1, s6;
	s2 =	sand.u32 @!p2 $0x7, s2;
	s3 =	sadd.s32 @!p2 s1, s3  }
0x26e: {  	[hbm4b:s3+s2] =	stream.linear.scatter @!p2 [tilespmem:s4], [sflag:$0x5], $0x80, $0x38;
	[tilespmem:$0x1F6F8] =	vst v63  }
.LBB3_37:
0x26f: {  	s0 =	sadd.s32 s5, s7  }
0x270: {  	s0 =	sshrl.u32 s0, $0x2  }
.LBB3_38:
0x271: {  	s2 =	simm.s32 $0x5  }
0x272: {  	_ =	swait.ge [sflag:s2], s0  }
0x273: {  	s31 =	ssub.s32 $0x0, s0;
	[sflag:s2] =	ssyncset.done $0x0  }
0x274: {  	[sflag:s2] =	ssyncadd.s32 s31  }
0x275: {  	[sflag:s2] =	ssyncpa.u1 $0x1  }
.LBB3_39:
0x276: {  	s0 =	sor.u32 s15, s16  }
0x277: {  	p1 =	sne.s32 s0, $0x0  }
.Ltmp38:
0x278: {  	_ = 	snop;
	(pc) =	sbr.rel @p1 .LBB3_54-.Ltmp38, $3  }
0x279: {  	_ =	sdelay $0x1  }
0x27a: {  	[bflag:$0x0] =	sbarrier.arrive $0xFFFF  }
0x27b: {  	_ =	sfence  }
0x27c: {  	s0 =	simm.s32 $0x7  }
0x27d: {  	s2 =	simm.s32 $0x1000;
	s3 =	simm.s32 $0xF218;
	[sflag:s0] =	ssyncpa.u1 $0x0  }
0x27e: {  	[tilespmem:s3], [sflag:$0x7] =	stream.linear.gather [spmem:s2], $0x20, $0x38;
	[tilespmem:$0x1F6F8] =	vst v63  }
0x27f: {  	s30 =	simm.s32 $0xF238;
	s2 =	simm.s32 $0x0  }
0x280: {  	[tilespmem:s30], [sflag:$0x7] =	stream.linear.gather [spmem:s2], $0x1000, $0x38;
	[tilespmem:$0x1F6F8] =	vst v63  }
.Ltmp39:
0x281: {  	_ = 	snop;
	(pc) =	sbr.rel .LBB3_41-.Ltmp39, $4  }
0x282: {  	_ =	swait.ge [sflag:s0], $0x1020  }
0x283: {  	[sflag:s0] =	ssyncset.done $0x0  }
0x284: {  	s31 =	simm.s32 $0x8;
	[sflag:s0] =	ssyncadd.s32 $0xFFFFEFE0  }
0x285: {  	s3 =	simm.s32 $0x0;
	[sflag:s31] =	ssyncpa.u1 $0x0  }
.LBB3_47:
0x286: {  	p1 =	slt.u32 s4, $0x270F1  }
0x287: {  	s0 =	sand.u32 @p1 $0x3FFF8, s4  }
0x288: {  	s4 =	sand.u32 @p1 $0x7, s4;
	s5 =	simm.s32 @p1 $0xF188;
	s0 =	sadd.s32 @p1 s1, s0  }
0x289: {  	[tilespmem:s5], [sflag:$0x8] =	stream.linear.gather @p1 [hbm4b:s0+s4], $0x80, $0x38;
	[tilespmem:$0x1F6F8] =	vst v63  }
0x28a: {  	s0 =	simm.s32 @p1 $0x8  }
0x28b: {  	_ =	swait.ge @p1 [sflag:s0], $0x80  }
0x28c: {  	[sflag:s0] =	ssyncset.done @p1 $0x0  }
0x28d: {  	[sflag:s0] =	ssyncadd.s32 @p1 $0xFFFFFF80  }
0x28e: {  	v1 =	vld @p1 [tilespmem:$0xF188];
	_ =	sdelay $0x2  }
0x28f: {  	s0 =	sshll.u32 @p1 s3, $0x9  }
0x290: {  	s4 =	sshrl.u32 @p1 s0, $0x2  }
0x291: {  	[tilespmem:s4+$0xF238] =	vst.add.f32.msk @p1 $0xffff, v1  }
0x292: {  	v1 =	vld @p1 [tilespmem:$0xF198];
	_ =	sdelay $0x4  }
0x293: {  	[tilespmem:s4+$0xF248] =	vst.add.f32.msk @p1 $0xffff, v1  }
0x294: {  	v1 =	vld @p1 [tilespmem:$0xF1A8];
	_ =	sdelay $0x4  }
0x295: {  	[tilespmem:s4+$0xF258] =	vst.add.f32.msk @p1 $0xffff, v1  }
0x296: {  	v1 =	vld @p1 [tilespmem:$0xF1B8];
	_ =	sdelay $0x4  }
0x297: {  	[tilespmem:s4+$0xF268] =	vst.add.f32.msk @p1 $0xffff, v1  }
0x298: {  	v1 =	vld @p1 [tilespmem:$0xF1C8];
	_ =	sdelay $0x4  }
0x299: {  	[tilespmem:s4+$0xF278] =	vst.add.f32.msk @p1 $0xffff, v1  }
0x29a: {  	v1 =	vld @p1 [tilespmem:$0xF1D8];
	_ =	sdelay $0x4  }
0x29b: {  	[tilespmem:s4+$0xF288] =	vst.add.f32.msk @p1 $0xffff, v1  }
0x29c: {  	v1 =	vld @p1 [tilespmem:$0xF1E8];
	_ =	sdelay $0x4  }
0x29d: {  	[tilespmem:s4+$0xF298] =	vst.add.f32.msk @p1 $0xffff, v1  }
0x29e: {  	v1 =	vld @p1 [tilespmem:$0xF1F8];
	_ =	sdelay $0x3  }
0x29f: {  	s5 =	sshll.u32 @!p1 s3, $0x9  }
0x2a0: {  	s5 =	smov.u32 @p1 s0;
	[tilespmem:s4+$0xF2A8] =	vst.add.f32.msk @p1 $0xffff, v1  }
0x2a1: {  	s0 =	sshrl.u32 s5, $0x2;
	[tilespmem:s2+$0xF218] =	vst.msk $0x1, v0  }
0x2a2: {  	v0 =	vld [tilespmem:s0+$0xF238];
	_ =	sdelay $0x2  }
0x2a3: {  	s31 =	sshll.u32 s2, $0x9  }
0x2a4: {  	s4 =	sshra.s32 s31, $0x2  }
0x2a5: {  	[tilespmem:s4+$0xF238] =	vst v0  }
0x2a6: {  	v0 =	vld [tilespmem:s0+$0xF248];
	_ =	sdelay $0x4  }
0x2a7: {  	[tilespmem:s4+$0xF248] =	vst v0  }
0x2a8: {  	v0 =	vld [tilespmem:s0+$0xF258];
	_ =	sdelay $0x4  }
0x2a9: {  	[tilespmem:s4+$0xF258] =	vst v0  }
0x2aa: {  	v0 =	vld [tilespmem:s0+$0xF268];
	_ =	sdelay $0x4  }
0x2ab: {  	[tilespmem:s4+$0xF268] =	vst v0  }
0x2ac: {  	v0 =	vld [tilespmem:s0+$0xF278];
	_ =	sdelay $0x4  }
0x2ad: {  	[tilespmem:s4+$0xF278] =	vst v0  }
0x2ae: {  	v0 =	vld [tilespmem:s0+$0xF288];
	_ =	sdelay $0x4  }
0x2af: {  	[tilespmem:s4+$0xF288] =	vst v0  }
0x2b0: {  	v0 =	vld [tilespmem:s0+$0xF298];
	_ =	sdelay $0x4  }
0x2b1: {  	[tilespmem:s4+$0xF298] =	vst v0  }
0x2b2: {  	v0 =	vld [tilespmem:s0+$0xF2A8];
	_ =	sdelay $0x4  }
0x2b3: {  	s2 =	sadd.s32 $0x1, s2;
	[tilespmem:s4+$0xF2A8] =	vst v0  }
.LBB3_48:
0x2b4: {  	s3 =	sadd.s32 $0x1, s3  }
0x2b5: {  	p1 =	sne.s32 s3, $0x20  }
.Ltmp40:
0x2b6: {  	_ = 	snop;
	(pc) =	sbr.rel @!p1 .LBB3_49-.Ltmp40, $1  }
0x2b7: {  	_ =	sdelay $0x3  }
.LBB3_41:
0x2b8: {  	v0 =	vld.msk [tilespmem:s3+$0xF218], $0x1;
	_ =	sdelay $0x4  }
0x2b9: {  	(v2sf) =	vpush v0, $0x0;
	_ =	sdelay $0xe  }
0x2ba: {  	s4 =	spop (v2sf)  }
0x2bb: {  	p1 =	seq.s32 s4, $0xFFFFFFFF  }
.Ltmp41:
0x2bc: {  	_ = 	snop;
	(pc) =	sbr.rel @p1 .LBB3_48-.Ltmp41, $1  }
0x2bd: {  	_ =	sdelay $0x3  }
0x2be: {  	p1 =	slt.s32 s2, $0x1  }
.Ltmp42:
0x2bf: {  	_ = 	snop;
	(pc) =	sbr.rel @p1 .LBB3_47-.Ltmp42, $1  }
0x2c0: {  	_ =	sdelay $0x3  }
0x2c1: {  	s5 =	simm.s32 $0xF218;
	p1 =	por $0x0, $0x0  }
0x2c2: {  	v1 =	vld.msk @!p1 [tilespmem:s5+$0x0], $0x1;
	_ =	sdelay $0x4  }
0x2c3: {  	(v2sf) =	vpush @!p1 v1, $0x0;
	_ =	sdelay $0xd  }
0x2c4: {  	p3 =	sne.s32 s2, $0x1  }
.Ltmp43:
0x2c5: {  	s0 =	spop @!p1 (v2sf);
	(pc) =	sbr.rel @!p3 .LBB3_45-.Ltmp43, $4  }
0x2c6: {  	p2 =	seq.s32 @!p1 s4, s0  }
0x2c7: {  	s6 =	simm.s32 $0x0;
	p2 =	por !p2, p1  }
0x2c8: {  	s7 =	simm.s32 $0xFFFFFFFF;
	s6 =	simm.s32 @p2 $0xFFFFFFFF  }
0x2c9: {  	s0 =	simm.s32 $0x1;
	s6 =	smov.u32 @p1 s7  }
.LBB3_44:
0x2ca: {  	s7 =	smov.u32 s6;
	p1 =	sne.s32 s6, $0xFFFFFFFF  }
0x2cb: {  	s5 =	sadd.s32 $0x1, s5;
	s6 =	smov.u32 s0;
	s0 =	sadd.s32 $0x1, s0  }
0x2cc: {  	p2 =	sne.s32 s2, s0;
	v1 =	vld.msk @!p1 [tilespmem:s5+$0x0], $0x1;
	_ =	sdelay $0x4  }
0x2cd: {  	(v2sf) =	vpush @!p1 v1, $0x0;
	_ =	sdelay $0xe  }
.Ltmp44:
0x2ce: {  	s8 =	spop @!p1 (v2sf);
	(pc) =	sbr.rel @p2 .LBB3_44-.Ltmp44, $4  }
0x2cf: {  	p3 =	seq.s32 @!p1 s4, s8  }
0x2d0: {  	p3 =	por !p3, p1  }
0x2d1: {  	s6 =	simm.s32 @p3 $0xFFFFFFFF  }
0x2d2: {  	s6 =	smov.u32 @p1 s7  }
.LBB3_45:
0x2d3: {  	p1 =	seq.s32 s6, $0xFFFFFFFF  }
.Ltmp45:
0x2d4: {  	_ = 	snop;
	(pc) =	sbr.rel @p1 .LBB3_47-.Ltmp45, $1  }
0x2d5: {  	_ =	sdelay $0x3  }
0x2d6: {  	s0 =	sshll.u32 s3, $0x7  }
0x2d7: {  	s0 =	sand.u32 $0x3FFFFF80, s0  }
0x2d8: {  	v0 =	vld [tilespmem:s0+$0xF238];
	_ =	sdelay $0x2  }
0x2d9: {  	s4 =	sshll.u32 s6, $0x9  }
0x2da: {  	s4 =	sshra.s32 s4, $0x2  }
0x2db: {  	[tilespmem:s4+$0xF238] =	vst.add.f32.msk $0xffff, v0  }
0x2dc: {  	v0 =	vld [tilespmem:s0+$0xF248];
	_ =	sdelay $0x4  }
0x2dd: {  	[tilespmem:s4+$0xF248] =	vst.add.f32.msk $0xffff, v0  }
0x2de: {  	v0 =	vld [tilespmem:s0+$0xF258];
	_ =	sdelay $0x4  }
0x2df: {  	[tilespmem:s4+$0xF258] =	vst.add.f32.msk $0xffff, v0  }
0x2e0: {  	v0 =	vld [tilespmem:s0+$0xF268];
	_ =	sdelay $0x4  }
0x2e1: {  	[tilespmem:s4+$0xF268] =	vst.add.f32.msk $0xffff, v0  }
0x2e2: {  	v0 =	vld [tilespmem:s0+$0xF278];
	_ =	sdelay $0x4  }
0x2e3: {  	[tilespmem:s4+$0xF278] =	vst.add.f32.msk $0xffff, v0  }
0x2e4: {  	v0 =	vld [tilespmem:s0+$0xF288];
	_ =	sdelay $0x4  }
0x2e5: {  	[tilespmem:s4+$0xF288] =	vst.add.f32.msk $0xffff, v0  }
0x2e6: {  	v0 =	vld [tilespmem:s0+$0xF298];
	_ =	sdelay $0x4  }
0x2e7: {  	[tilespmem:s4+$0xF298] =	vst.add.f32.msk $0xffff, v0  }
0x2e8: {  	v0 =	vld [tilespmem:s0+$0xF2A8]  }
.Ltmp46:
0x2e9: {  	_ = 	snop;
	(pc) =	sbr.rel .LBB3_48-.Ltmp46, $2  }
0x2ea: {  	_ =	sdelay $0x2  }
0x2eb: {  	[tilespmem:s4+$0xF2A8] =	vst.add.f32.msk $0xffff, v0  }
.LBB3_49:
0x2ec: {  	p1 =	slt.s32 s2, $0x1  }
.Ltmp47:
0x2ed: {  	_ = 	snop;
	(pc) =	sbr.rel @p1 .LBB3_53-.Ltmp47, $3  }
0x2ee: {  	_ =	sdelay $0x1  }
0x2ef: {  	s0 =	simm.s32 $0x8  }
0x2f0: {  	s3 =	simm.s32 $0x0;
	[sflag:s0] =	ssyncpa.u1 $0x1  }
0x2f1: {  	s0 =	simm.s32 $0xF218  }
0x2f2: {  	v0 =	vld.msk [tilespmem:s0+$0x0], $0x1;
	_ =	sdelay $0x4  }
0x2f3: {  	(v2sf) =	vpush v0, $0x0;
	_ =	sdelay $0xe  }
0x2f4: {  	s0 =	sadd.s32 $0xFFFFFFFF, s2;
	s5 =	spop (v2sf)  }
0x2f5: {  	p2 =	sne.s32 s0, $0x0;
	p1 =	sgt.u32 s5, $0x270F0  }
.Ltmp48:
0x2f6: {  	s6 =	sand.u32 @!p1 $0x3FFF8, s5;
	(pc) =	sbr.rel @!p2 .LBB3_52-.Ltmp48, $4  }
0x2f7: {  	s4 =	simm.s32 $0xF238;
	s5 =	sand.u32 @!p1 $0x7, s5;
	s2 =	sadd.s32 @!p1 s1, s6  }
0x2f8: {  	[hbm4b:s2+s5] =	stream.linear.scatter @!p1 [tilespmem:s4], [sflag:$0x7], $0x80, $0x38;
	[tilespmem:$0x1F6F8] =	vst v63  }
0x2f9: {  	s5 =	simm.s32 $0x0  }
0x2fa: {  	s2 =	simm.s32 $0xF219;
	s5 =	simm.s32 @!p1 $0x200  }
.LBB3_51:
0x2fb: {  	v0 =	vld.msk [tilespmem:s2+$0x0], $0x1;
	s0 =	sadd.s32 $0xFFFFFFFF, s0;
	s3 =	sadd.s32 s3, s5  }
0x2fc: {  	p1 =	sne.s32 s0, $0x0;
	_ =	sdelay $0x3  }
0x2fd: {  	(v2sf) =	vpush v0, $0x0;
	_ =	sdelay $0xe  }
.Ltmp49:
0x2fe: {  	s6 =	spop (v2sf);
	(pc) =	sbr.rel @p1 .LBB3_51-.Ltmp49, $4  }
0x2ff: {  	s5 =	simm.s32 $0x0;
	p2 =	sgt.u32 s6, $0x270F0  }
0x300: {  	s4 =	sadd.s32 $0x80, s4;
	s5 =	simm.s32 @!p2 $0x200;
	s7 =	sand.u32 @!p2 $0x3FFF8, s6  }
0x301: {  	s2 =	sadd.s32 $0x1, s2;
	s6 =	sand.u32 @!p2 $0x7, s6;
	s7 =	sadd.s32 @!p2 s1, s7  }
0x302: {  	[hbm4b:s7+s6] =	stream.linear.scatter @!p2 [tilespmem:s4], [sflag:$0x7], $0x80, $0x38;
	[tilespmem:$0x1F6F8] =	vst v63  }
.LBB3_52:
0x303: {  	s0 =	sadd.s32 s3, s5  }
0x304: {  	s3 =	sshrl.u32 s0, $0x2  }
.LBB3_53:
0x305: {  	s0 =	simm.s32 $0x7  }
0x306: {  	_ =	swait.ge [sflag:s0], s3  }
0x307: {  	s1 =	ssub.s32 $0x0, s3;
	[sflag:s0] =	ssyncset.done $0x0  }
0x308: {  	[sflag:s0] =	ssyncadd.s32 s1  }
0x309: {  	[sflag:s0] =	ssyncpa.u1 $0x1  }
.LBB3_54:
0x30a: {  	_ =	sfence;
	s0 =	simm.s32 $0x1  }
0x30b: {  	[sflag:s0] =	ssyncpa.u1 $0x1  }
0x30c: {  	_ =	strace $0x9000004D  }
0x30d: {  	[bflag:$0x2] =	sbarrier.arrive $0xFFFF  }
0x30e: {  	s0 =	rddreg [dreg:$0x3]  }
0x30f: {  	s0 =	sadd.s32 @!p0 $0x100000, s0  }
0x310: {  	[sflag:s0] =	ssyncadd.tile.s32 @!p0 $0x1;
	_ =	shalt  }
.Lfunc_end3:
_tile_overlayer_lowered:
.L_overlay_start_3:
0x311: {  	(tag) =	ssettag $0x3  }
0x312: {  	s0 =	rddreg [dreg:$0x0];
	s2 =	stileid.u32  }
0x313: {  	s1 =	rddreg [dreg:$0x1];
	p0 =	sne.s32 s2, $0x0  }
0x314: {  	s3 =	rddreg [dreg:$0x2];
	[bflag:$0x3] =	sbarrier.arrive $0xFFFF;
	s2 =	simm.s32 @!p0 $0x1C01  }
0x315: {  	[timem:s3], [sflag:s2] =	dma.local @!p0 [hbm:s0], s1  }
0x316: {  	s0 =	simm.s32 @!p0 $0x1  }
0x317: {  	_ =	swait.ge @!p0 [sflag:s0], s1  }
0x318: {  	s1 =	ssub.s32 @!p0 $0x0, s1;
	[sflag:s0] =	ssyncset.done @!p0 $0x0  }
0x319: {  	[sflag:s0] =	ssyncadd.s32 @!p0 s1  }
0x31a: {  	[bflag:$0x3] =	sbarrier.arrive $0xFFFF  }
0x31b: {  	_ =	shalt  }

// kernel: scatter_offload_async_start.2
scs
__scs_entry_jumppad:
0x0: {  	(pc) =	sbr.rel $0x88, $3  }
0x1: {  	(tag) =	ssettag $0x0;
	lr =	simm.s32 $0x1  }
0x2: {  	[smem:$0x3F8C] =	sst lr;
	_ =	strace $0xD0000000  }
0x3: {  	_ = 	snop  }
0x4: {  	_ = 	snop  }
0x5: {  	_ = 	snop  }
0x6: {  	_ = 	snop  }
0x7: {  	_ = 	snop  }
__scs_overlays_trampoline_lowered:
0x8: {  	[smem:$0x3F9B] =	sst s0  }
0x9: {  	[smem:$0x3F9C] =	sst s1  }
0xa: {  	[smem:$0x3F9D] =	sst s2  }
0xb: {  	[smem:$0x3F9E] =	sst s3  }
0xc: {  	[smem:$0x3F9F] =	sst s4  }
0xd: {  	[smem:$0x3FA0] =	sst s5  }
0xe: {  	[smem:$0x3FA1] =	sst s6  }
0xf: {  	[smem:$0x3FA2] =	sst s7  }
0x10: {  	[smem:$0x3FA3] =	sst s8  }
0x11: {  	[smem:$0x3FA4] =	sst s9;
	s0 =	simm.s32 @!p0 $0x0  }
0x12: {  	s1 =	sld [smem:$0x3F8A];
	s0 =	simm.s32 @p0 $0x1  }
0x13: {  	[smem:$0x3FA5] =	sst s0;
	s0 =	simm.s32 @!p1 $0x0  }
0x14: {  	s2 =	sld [smem:$0x3F89];
	s0 =	simm.s32 @p1 $0x1  }
0x15: {  	[smem:$0x3FA6] =	sst s0;
	s0 =	simm.s32 @!p2 $0x0  }
0x16: {  	s3 =	sld [smem:$0x3FDB];
	s0 =	simm.s32 @p2 $0x1  }
0x17: {  	s4 =	simm.s32 $0x1BF5;
	[smem:$0x3FA8] =	sst s0  }
0x18: {  	s0 =	sld [smem:$0x3F8B];
	_ =	swait.ge [sflag:s4], $0x0  }
0x19: {  	s7 =	sld [smem:$0x3F8C]  }
0x1a: {  	s8 =	sadd.s32 $0xFFFFE003, lr  }
0x1b: {  	s9 =	sadd.s32 $0xFFFFFEF7, lr;
	s5 =	simm.s32 $0xFFFFFFFF;
	p2 =	slt.u32 s8, $0xFFFFF086  }
0x1c: {  	p1 =	slt.u32 s9, $0xF7A;
	s5 =	simm.s32 @!p2 $0x0  }
0x1d: {  	s5 =	simm.s32 @p1 $0x1;
	p0 =	seq.s32 s7, s2  }
0x1e: {  	s7 =	smul.u32 @!p0 $0xF7A, s2;
	p2 =	seq.s32 @!p0 s5, $0x0  }
0x1f: {  	s9 =	smul.u32 $0xF7A, s1;
	s8 =	simm.s32 @!p0 $0x1BF5;
	p2 =	por !p2, p0  }
0x20: {  	[sflag:s8] =	ssyncset.s32 @!p0 $0xFFFFF086;
	s6 =	sadd.s32 @!p0 s3, s7;
	s7 =	simm.s32 @!p0 $0x108  }
0x21: {  	s3 =	sadd.s32 s3, s9;
	s6 =	sadd.s32 @!p0 $0x88, s6;
	s7 =	simm.s32 @p2 $0x1082  }
0x22: {  	[simem:s7], [sflag:s8] =	dma.local @!p0 [hbm:s6], $0xF7A  }
0x23: {  	s9 =	sor.u32 $0xD0000000, s2;
	s6 =	simm.s32 $0x108;
	_ =	swait.ge @!p0 [sflag:s8], $0x0  }
0x24: {  	s3 =	sadd.s32 $0x88, s3;
	s6 =	simm.s32 @!p1 $0x1082;
	[sflag:s4] =	ssyncset.s32 $0xFFFFF086  }
0x25: {  	[simem:s6], [sflag:s4] =	dma.local [hbm:s3], $0xF7A  }
0x26: {  	[smem:$0x3F8C] =	sst s1;
	(tag) =	ssettag s2;
	_ =	strace s9  }
0x27: {  	s1 =	sld [smem:$0x3F9C]  }
0x28: {  	s2 =	sld [smem:$0x3F9D]  }
0x29: {  	s4 =	sld [smem:$0x3F9F]  }
0x2a: {  	p0 =	seq.s32 s5, $0x0;
	s5 =	sld [smem:$0x3FA0]  }
0x2b: {  	s6 =	sld [smem:$0x3FA1]  }
0x2c: {  	s7 =	sld [smem:$0x3FA2]  }
0x2d: {  	s3 =	simm.s32 $0x108;
	s8 =	sld [smem:$0x3FA3]  }
0x2e: {  	s3 =	simm.s32 @!p0 $0x1082;
	s9 =	sld [smem:$0x3FA4]  }
0x2f: {  	lr =	sadd.s32 s0, s3;
	s0 =	sld [smem:$0x3F9B]  }
0x30: {  	s3 =	sld [smem:$0x3F9E]  }
0x31: {  	[smem:$0x3FA7] =	sst s10  }
0x32: {  	s10 =	sld [smem:$0x3FA5];
	_ =	sdelay $0x3  }
0x33: {  	p0 =	seq.s32 s10, $0x1;
	s10 =	sld [smem:$0x3FA7];
	_ =	sdelay $0x3  }
0x34: {  	[smem:$0x3FA7] =	sst s10  }
0x35: {  	s10 =	sld [smem:$0x3FA6];
	_ =	sdelay $0x3  }
0x36: {  	p1 =	seq.s32 s10, $0x1;
	s10 =	sld [smem:$0x3FA7];
	_ =	sdelay $0x3  }
0x37: {  	[smem:$0x3FA7] =	sst s10  }
0x38: {  	s10 =	sld [smem:$0x3FA8]  }
0x39: {  	_ = 	snop;
	(pc) =	sbr.ind lr, $3  }
0x3a: {  	_ = 	snop  }
0x3b: {  	_ = 	snop  }
0x3c: {  	p2 =	seq.s32 s10, $0x1;
	s10 =	sld [smem:$0x3FA7]  }
0x3d: {  	_ =	shalt  }
0x3e: {  	_ =	shalt  }
0x3f: {  	_ =	shalt  }
0x40: {  	_ =	shalt  }
0x41: {  	_ =	shalt  }
0x42: {  	_ =	shalt  }
0x43: {  	_ =	shalt  }
0x44: {  	_ =	shalt  }
0x45: {  	_ =	shalt  }
0x46: {  	_ =	shalt  }
0x47: {  	_ =	shalt  }
0x48: {  	_ =	shalt  }
0x49: {  	_ =	shalt  }
0x4a: {  	_ =	shalt  }
0x4b: {  	_ =	shalt  }
0x4c: {  	_ =	shalt  }
0x4d: {  	_ =	shalt  }
0x4e: {  	_ =	shalt  }
0x4f: {  	_ =	shalt  }
0x50: {  	_ =	shalt  }
0x51: {  	_ =	shalt  }
0x52: {  	_ =	shalt  }
0x53: {  	_ =	shalt  }
0x54: {  	_ =	shalt  }
0x55: {  	_ =	shalt  }
0x56: {  	_ =	shalt  }
0x57: {  	_ =	shalt  }
0x58: {  	_ =	shalt  }
0x59: {  	_ =	shalt  }
0x5a: {  	_ =	shalt  }
0x5b: {  	_ =	shalt  }
0x5c: {  	_ =	shalt  }
0x5d: {  	_ =	shalt  }
0x5e: {  	_ =	shalt  }
0x5f: {  	_ =	shalt  }
0x60: {  	_ =	shalt  }
0x61: {  	_ =	shalt  }
0x62: {  	_ =	shalt  }
0x63: {  	_ =	shalt  }
0x64: {  	_ =	shalt  }
0x65: {  	_ =	shalt  }
0x66: {  	_ =	shalt  }
0x67: {  	_ =	shalt  }
0x68: {  	_ =	shalt  }
0x69: {  	_ =	shalt  }
0x6a: {  	_ =	shalt  }
0x6b: {  	_ =	shalt  }
0x6c: {  	_ =	shalt  }
0x6d: {  	_ =	shalt  }
0x6e: {  	_ =	shalt  }
0x6f: {  	_ =	shalt  }
0x70: {  	_ =	shalt  }
0x71: {  	_ =	shalt  }
0x72: {  	_ =	shalt  }
0x73: {  	_ =	shalt  }
0x74: {  	_ =	shalt  }
0x75: {  	_ =	shalt  }
0x76: {  	_ =	shalt  }
0x77: {  	_ =	shalt  }
0x78: {  	_ =	shalt  }
0x79: {  	_ =	shalt  }
0x7a: {  	_ =	shalt  }
0x7b: {  	_ =	shalt  }
0x7c: {  	_ =	shalt  }
0x7d: {  	_ =	shalt  }
0x7e: {  	_ =	shalt  }
0x7f: {  	_ =	shalt  }
0x80: {  	_ =	shalt  }
0x81: {  	_ =	shalt  }
0x82: {  	_ =	shalt  }
0x83: {  	_ =	shalt  }
0x84: {  	_ =	shalt  }
0x85: {  	_ =	shalt  }
0x86: {  	_ =	shalt  }
0x87: {  	_ =	shalt  }
.Lfunc_end0:
.L_simem_size_0:
called_computation.2_lowered:
.L_overlay_start_0:
0x88: {  	s0 =	sld [smem:$0x3FD9]  }
0x89: {  	s1 =	sld [smem:$0x3FFE];
	_ =	sdelay $0x3  }
0x8a: {  	s0 =	sadd.s32 s1, s0  }
0x8b: {  	[smem:$0x3FB3] =	sst s0  }
0x8c: {  	_ = 	snop  }
0x8d: {  	(tm) =	ssettm $0x1  }
0x8e: {  	s15 =	sld [smem:$0x3FFB];
	_ =	sdelay $0x3  }
0x8f: {  	_ =	strace s15  }
0x90: {  	s0 =	sld [smem:$0x3FFC];
	_ =	sdelay $0x3  }
0x91: {  	_ =	strace s0  }
0x92: {  	s0 =	sld [smem:$0x3FFD];
	_ =	sdelay $0x3  }
0x93: {  	_ =	strace s0  }
0x94: {  	_ =	strace $0x8FFFFFFF  }
0x95: {  	s16 =	sld [smem:$0x3FDB];
	_ =	sdelay $0x1  }
0x96: {  	s17 =	simm.s32 $_scs_section_size  }
0x97: {  	s2 =	simm.s32 $_size__tile_overlayer_lowered;
	s3 =	simm.s32 $_tile_overlayer_lowered  }
0x98: {  	s20 =	simm.s32 $0x1BFF;
	s19 =	sshll.u32 s3, $0x1;
	s0 =	sadd.s32 s17, s16  }
0x99: {  	s4 =	simm.s32 $0x0;
	s18 =	sshll.u32 s2, $0x1;
	s2 =	sadd.s32 s19, s0  }
0x9a: {  	[timem:s4], [sflag:s20] =	dma.local [hbm:s2], s18  }
0x9b: {  	_ =	swait.ge [sflag:s20], s18  }
0x9c: {  	s1 =	ssub.s32 $0x0, s18;
	[sflag:s20] =	ssyncset.done $0x0  }
0x9d: {  	[sflag:s20] =	ssyncadd.s32 s1;
	_ =	sdelay $0x1  }
0x9e: {  	s21 =	simm.s32 $0x1B8B  }
0x9f: {  	_ =	swait.ge [sflag:s21], $0x1  }
0xa0: {  	[sflag:s21] =	ssyncset.done $0x0  }
0xa1: {  	s23 =	simm.s32 $0x1B8E;
	s22 =	sld [smem:$0x3FFE];
	[sflag:s21] =	ssyncadd.s32 $0xFFFFFFFF  }
0xa2: {  	s24 =	simm.s32 $execute0_lowered;
	[smem:$0x3FD2] =	sst s23  }
0xa3: {  	s2 =	sshll.u32 s24, $0x1;
	_ =	strace $0x80000058;
	[dreg:$0x1] =	wrdreg $0xFFFFFFFF  }
0xa4: {  	s25 =	simm.s32 $_size_execute0_lowered;
	s0 =	sadd.s32 s0, s2;
	[dreg:$0x0] =	wrdreg $0x0  }
0xa5: {  	s2 =	sshll.u32 s25, $0x1;
	[dreg:$0x2] =	wrdreg s0  }
0xa6: {  	[dreg:$0x3] =	wrdreg s2  }
0xa7: {  	[dreg:$0x4] =	wrdreg $0xC0  }
0xa8: {  	_ =	task [dreg:s4], $0x5FFFF  }
0xa9: {  	[dreg:$0x1] =	wrdreg $0xFFFFFFFF  }
0xaa: {  	[dreg:$0x0] =	wrdreg $0x60  }
0xab: {  	[dreg:$0x2] =	wrdreg s22  }
0xac: {  	[dreg:$0x3] =	wrdreg $0x9  }
0xad: {  	_ =	task.clear_ibuf [dreg:s4], $0x4FFFF;
	_ =	strace $0x90000058  }
0xae: {  	s26 =	simm.s32 $0x9;
	_ =	strace $0x8000005A  }
0xaf: {  	_ =	swait.ge [sflag:s26], $0x1  }
0xb0: {  	[sflag:s26] =	ssyncadd.s32 $0xFFFFFFFF  }
0xb1: {  	_ =	strace $0x9000005A  }
0xb2: {  	_ =	sfence  }
0xb3: {  	s28 =	sld [smem:$0x0];
	_ =	sdelay $0x1  }
0xb4: {  	s29 =	srdreg.scid  }
0xb5: {  	s30 =	sshll.u32 s29, $0xD;
	s31 =	sshrl.u32 s29, $0x2  }
0xb6: {  	s1 =	sand.u32 $0x1, s29;
	s2 =	sand.u32 $0x4000, s30;
	s0 =	sadd.s32 s31, s28  }
0xb7: {  	s1 =	sor.u32 s2, s1;
	s0 =	sshll.u32 s0, $0x11  }
0xb8: {  	s0 =	sor.u32 s0, s1  }
0xb9: {  	s0 =	sadd.s32 $0x8F2B, s0  }
0xba: {  	[sflag:s0] =	ssyncadd.remote.s32 $0x1  }
0xbb: {  	_ =	sfence.sel $0xFFFF  }
0xbc: {  	[dreg:$0x0] =	wrdreg $0xFFFFFFFF;
	(pc) =	sbr.abs _section_cstart, $3  }
0xbd: {  	[dreg:$0x1] =	wrdreg $0xFFFFFFFF  }
0xbe: {  	_ =	task.clear_ibuf [dreg:s4], $0x2FFFF;
	_ =	strace $0x9FFFFFFF  }
0xbf: {  	(tm) =	ssettm $0x7FFFFFFF  }
tec
execute0_lowered:
.L_overlay_start_1:
0x0: {  	(tag) =	ssettag $0x1  }
0x1: {  	s8 =	rddreg [dreg:$0x0];
	_ =	strace $0x80000059;
	s11 =	simm.s32 $0x1  }
0x2: {  	v0 =	vimm.s32 $0x0;
	[sflag:s11] =	ssyncpa.u1 $0x0  }
0x3: {  	[tilespmem:$0x28] =	vst v0  }
0x4: {  	[tilespmem:$0x38] =	vst v0  }
0x5: {  	[tilespmem:$0x48] =	vst v0  }
0x6: {  	[tilespmem:$0x58] =	vst v0  }
0x7: {  	[tilespmem:$0x68] =	vst v0  }
0x8: {  	[tilespmem:$0x78] =	vst v0  }
0x9: {  	[tilespmem:$0x88] =	vst v0  }
0xa: {  	[tilespmem:$0x98] =	vst v0  }
0xb: {  	[tilespmem:$0xA8] =	vst v0  }
0xc: {  	[tilespmem:$0xB8] =	vst v0  }
0xd: {  	[tilespmem:$0xC8] =	vst v0  }
0xe: {  	[tilespmem:$0xD8] =	vst v0  }
0xf: {  	[tilespmem:$0xE8] =	vst v0  }
0x10: {  	[tilespmem:$0xF8] =	vst v0  }
0x11: {  	[tilespmem:$0x108] =	vst v0  }
0x12: {  	[tilespmem:$0x118] =	vst v0  }
0x13: {  	[tilespmem:$0x128] =	vst v0  }
0x14: {  	[tilespmem:$0x138] =	vst v0  }
0x15: {  	[tilespmem:$0x148] =	vst v0  }
0x16: {  	[tilespmem:$0x158] =	vst v0  }
0x17: {  	[tilespmem:$0x168] =	vst v0  }
0x18: {  	[tilespmem:$0x178] =	vst v0  }
0x19: {  	[tilespmem:$0x188] =	vst v0  }
0x1a: {  	[tilespmem:$0x198] =	vst v0  }
0x1b: {  	[tilespmem:$0x1A8] =	vst v0  }
0x1c: {  	[tilespmem:$0x1B8] =	vst v0  }
0x1d: {  	[tilespmem:$0x1C8] =	vst v0  }
0x1e: {  	[tilespmem:$0x1D8] =	vst v0  }
0x1f: {  	[tilespmem:$0x1E8] =	vst v0  }
0x20: {  	[tilespmem:$0x1F8] =	vst v0  }
0x21: {  	[tilespmem:$0x208] =	vst v0  }
0x22: {  	[tilespmem:$0x218] =	vst v0  }
0x23: {  	[tilespmem:$0x228] =	vst v0  }
0x24: {  	[tilespmem:$0x238] =	vst v0  }
0x25: {  	[tilespmem:$0x248] =	vst v0  }
0x26: {  	[tilespmem:$0x258] =	vst v0  }
0x27: {  	[tilespmem:$0x268] =	vst v0  }
0x28: {  	[tilespmem:$0x278] =	vst v0  }
0x29: {  	[tilespmem:$0x288] =	vst v0  }
0x2a: {  	[tilespmem:$0x298] =	vst v0  }
0x2b: {  	[tilespmem:$0x2A8] =	vst v0  }
0x2c: {  	[tilespmem:$0x2B8] =	vst v0  }
0x2d: {  	[tilespmem:$0x2C8] =	vst v0  }
0x2e: {  	[tilespmem:$0x2D8] =	vst v0  }
0x2f: {  	[tilespmem:$0x2E8] =	vst v0  }
0x30: {  	[tilespmem:$0x2F8] =	vst v0  }
0x31: {  	[tilespmem:$0x308] =	vst v0  }
0x32: {  	[tilespmem:$0x318] =	vst v0  }
0x33: {  	[tilespmem:$0x328] =	vst v0  }
0x34: {  	[tilespmem:$0x338] =	vst v0  }
0x35: {  	[tilespmem:$0x348] =	vst v0  }
0x36: {  	[tilespmem:$0x358] =	vst v0  }
0x37: {  	[tilespmem:$0x368] =	vst v0  }
0x38: {  	[tilespmem:$0x378] =	vst v0  }
0x39: {  	[tilespmem:$0x388] =	vst v0  }
0x3a: {  	[tilespmem:$0x398] =	vst v0  }
0x3b: {  	[tilespmem:$0x3A8] =	vst v0  }
0x3c: {  	[tilespmem:$0x3B8] =	vst v0  }
0x3d: {  	[tilespmem:$0x3C8] =	vst v0  }
0x3e: {  	[tilespmem:$0x3D8] =	vst v0  }
0x3f: {  	[tilespmem:$0x3E8] =	vst v0  }
0x40: {  	[tilespmem:$0x3F8] =	vst v0  }
0x41: {  	[tilespmem:$0x408] =	vst v0  }
0x42: {  	[tilespmem:$0x418] =	vst v0  }
0x43: {  	[tilespmem:$0x428] =	vst v0  }
0x44: {  	[tilespmem:$0x438] =	vst v0  }
0x45: {  	[tilespmem:$0x448] =	vst v0  }
0x46: {  	[tilespmem:$0x458] =	vst v0  }
0x47: {  	[tilespmem:$0x468] =	vst v0  }
0x48: {  	[tilespmem:$0x478] =	vst v0  }
0x49: {  	[tilespmem:$0x488] =	vst v0  }
0x4a: {  	[tilespmem:$0x498] =	vst v0  }
0x4b: {  	[tilespmem:$0x4A8] =	vst v0  }
0x4c: {  	[tilespmem:$0x4B8] =	vst v0  }
0x4d: {  	[tilespmem:$0x4C8] =	vst v0  }
0x4e: {  	[tilespmem:$0x4D8] =	vst v0  }
0x4f: {  	[tilespmem:$0x4E8] =	vst v0  }
0x50: {  	[tilespmem:$0x4F8] =	vst v0  }
0x51: {  	[tilespmem:$0x508] =	vst v0  }
0x52: {  	[tilespmem:$0x518] =	vst v0  }
0x53: {  	[tilespmem:$0x528] =	vst v0  }
0x54: {  	[tilespmem:$0x538] =	vst v0  }
0x55: {  	[tilespmem:$0x548] =	vst v0  }
0x56: {  	[tilespmem:$0x558] =	vst v0  }
0x57: {  	[tilespmem:$0x568] =	vst v0  }
0x58: {  	[tilespmem:$0x578] =	vst v0  }
0x59: {  	[tilespmem:$0x588] =	vst v0  }
0x5a: {  	[tilespmem:$0x598] =	vst v0  }
0x5b: {  	[tilespmem:$0x5A8] =	vst v0  }
0x5c: {  	[tilespmem:$0x5B8] =	vst v0  }
0x5d: {  	[tilespmem:$0x5C8] =	vst v0  }
0x5e: {  	[tilespmem:$0x5D8] =	vst v0  }
0x5f: {  	[tilespmem:$0x5E8] =	vst v0  }
0x60: {  	[tilespmem:$0x5F8] =	vst v0  }
0x61: {  	[tilespmem:$0x608] =	vst v0  }
0x62: {  	[tilespmem:$0x618] =	vst v0  }
0x63: {  	[tilespmem:$0x628] =	vst v0  }
0x64: {  	[tilespmem:$0x638] =	vst v0  }
0x65: {  	[tilespmem:$0x648] =	vst v0  }
0x66: {  	[tilespmem:$0x658] =	vst v0  }
0x67: {  	[tilespmem:$0x668] =	vst v0  }
0x68: {  	[tilespmem:$0x678] =	vst v0  }
0x69: {  	[tilespmem:$0x688] =	vst v0  }
0x6a: {  	[tilespmem:$0x698] =	vst v0  }
0x6b: {  	[tilespmem:$0x6A8] =	vst v0  }
0x6c: {  	[tilespmem:$0x6B8] =	vst v0  }
0x6d: {  	[tilespmem:$0x6C8] =	vst v0  }
0x6e: {  	[tilespmem:$0x6D8] =	vst v0  }
0x6f: {  	[tilespmem:$0x6E8] =	vst v0  }
0x70: {  	[tilespmem:$0x6F8] =	vst v0  }
0x71: {  	[tilespmem:$0x708] =	vst v0  }
0x72: {  	[tilespmem:$0x718] =	vst v0  }
0x73: {  	[tilespmem:$0x728] =	vst v0  }
0x74: {  	[tilespmem:$0x738] =	vst v0  }
0x75: {  	[tilespmem:$0x748] =	vst v0  }
0x76: {  	[tilespmem:$0x758] =	vst v0  }
0x77: {  	[tilespmem:$0x768] =	vst v0  }
0x78: {  	[tilespmem:$0x778] =	vst v0  }
0x79: {  	[tilespmem:$0x788] =	vst v0  }
0x7a: {  	[tilespmem:$0x798] =	vst v0  }
0x7b: {  	[tilespmem:$0x7A8] =	vst v0  }
0x7c: {  	[tilespmem:$0x7B8] =	vst v0  }
0x7d: {  	[tilespmem:$0x7C8] =	vst v0  }
0x7e: {  	[tilespmem:$0x7D8] =	vst v0  }
0x7f: {  	[tilespmem:$0x7E8] =	vst v0  }
0x80: {  	[tilespmem:$0x7F8] =	vst v0  }
0x81: {  	[tilespmem:$0x808] =	vst v0  }
0x82: {  	[tilespmem:$0x818] =	vst v0  }
0x83: {  	[tilespmem:$0x828] =	vst v0  }
0x84: {  	[tilespmem:$0x838] =	vst v0  }
0x85: {  	[tilespmem:$0x848] =	vst v0  }
0x86: {  	[tilespmem:$0x858] =	vst v0  }
0x87: {  	[tilespmem:$0x868] =	vst v0  }
0x88: {  	[tilespmem:$0x878] =	vst v0  }
0x89: {  	[tilespmem:$0x888] =	vst v0  }
0x8a: {  	[tilespmem:$0x898] =	vst v0  }
0x8b: {  	[tilespmem:$0x8A8] =	vst v0  }
0x8c: {  	[tilespmem:$0x8B8] =	vst v0  }
0x8d: {  	[tilespmem:$0x8C8] =	vst v0  }
0x8e: {  	[tilespmem:$0x8D8] =	vst v0  }
0x8f: {  	[tilespmem:$0x8E8] =	vst v0  }
0x90: {  	[tilespmem:$0x8F8] =	vst v0  }
0x91: {  	[tilespmem:$0x908] =	vst v0  }
0x92: {  	[tilespmem:$0x918] =	vst v0  }
0x93: {  	[tilespmem:$0x928] =	vst v0  }
0x94: {  	[tilespmem:$0x938] =	vst v0  }
0x95: {  	[tilespmem:$0x948] =	vst v0  }
0x96: {  	[tilespmem:$0x958] =	vst v0  }
0x97: {  	[tilespmem:$0x968] =	vst v0  }
0x98: {  	[tilespmem:$0x978] =	vst v0  }
0x99: {  	[tilespmem:$0x988] =	vst v0  }
0x9a: {  	[tilespmem:$0x998] =	vst v0  }
0x9b: {  	[tilespmem:$0x9A8] =	vst v0  }
0x9c: {  	[tilespmem:$0x9B8] =	vst v0  }
0x9d: {  	[tilespmem:$0x9C8] =	vst v0  }
0x9e: {  	[tilespmem:$0x9D8] =	vst v0  }
0x9f: {  	[tilespmem:$0x9E8] =	vst v0  }
0xa0: {  	[tilespmem:$0x9F8] =	vst v0  }
0xa1: {  	[tilespmem:$0xA08] =	vst v0  }
0xa2: {  	[tilespmem:$0xA18] =	vst v0  }
0xa3: {  	[tilespmem:$0xA28] =	vst v0  }
0xa4: {  	[tilespmem:$0xA38] =	vst v0  }
0xa5: {  	[tilespmem:$0xA48] =	vst v0  }
0xa6: {  	[tilespmem:$0xA58] =	vst v0  }
0xa7: {  	[tilespmem:$0xA68] =	vst v0  }
0xa8: {  	[tilespmem:$0xA78] =	vst v0  }
0xa9: {  	[tilespmem:$0xA88] =	vst v0  }
0xaa: {  	[tilespmem:$0xA98] =	vst v0  }
0xab: {  	[tilespmem:$0xAA8] =	vst v0  }
0xac: {  	[tilespmem:$0xAB8] =	vst v0  }
0xad: {  	[tilespmem:$0xAC8] =	vst v0  }
0xae: {  	[tilespmem:$0xAD8] =	vst v0  }
0xaf: {  	[tilespmem:$0xAE8] =	vst v0  }
0xb0: {  	[tilespmem:$0xAF8] =	vst v0  }
0xb1: {  	[tilespmem:$0xB08] =	vst v0  }
0xb2: {  	[tilespmem:$0xB18] =	vst v0  }
0xb3: {  	[tilespmem:$0xB28] =	vst v0  }
0xb4: {  	[tilespmem:$0xB38] =	vst v0  }
0xb5: {  	[tilespmem:$0xB48] =	vst v0  }
0xb6: {  	[tilespmem:$0xB58] =	vst v0  }
0xb7: {  	[tilespmem:$0xB68] =	vst v0  }
0xb8: {  	[tilespmem:$0xB78] =	vst v0  }
0xb9: {  	[tilespmem:$0xB88] =	vst v0  }
0xba: {  	[tilespmem:$0xB98] =	vst v0  }
0xbb: {  	[tilespmem:$0xBA8] =	vst v0  }
0xbc: {  	[tilespmem:$0xBB8] =	vst v0  }
0xbd: {  	[tilespmem:$0xBC8] =	vst v0  }
0xbe: {  	[tilespmem:$0xBD8] =	vst v0  }
0xbf: {  	[tilespmem:$0xBE8] =	vst v0  }
0xc0: {  	[tilespmem:$0xBF8] =	vst v0  }
0xc1: {  	[tilespmem:$0xC08] =	vst v0  }
0xc2: {  	[tilespmem:$0xC18] =	vst v0  }
0xc3: {  	[tilespmem:$0xC28] =	vst v0  }
0xc4: {  	[tilespmem:$0xC38] =	vst v0  }
0xc5: {  	[tilespmem:$0xC48] =	vst v0  }
0xc6: {  	[tilespmem:$0xC58] =	vst v0  }
0xc7: {  	[tilespmem:$0xC68] =	vst v0  }
0xc8: {  	[tilespmem:$0xC78] =	vst v0  }
0xc9: {  	[tilespmem:$0xC88] =	vst v0  }
0xca: {  	[tilespmem:$0xC98] =	vst v0  }
0xcb: {  	[tilespmem:$0xCA8] =	vst v0  }
0xcc: {  	[tilespmem:$0xCB8] =	vst v0  }
0xcd: {  	[tilespmem:$0xCC8] =	vst v0  }
0xce: {  	[tilespmem:$0xCD8] =	vst v0  }
0xcf: {  	[tilespmem:$0xCE8] =	vst v0  }
0xd0: {  	[tilespmem:$0xCF8] =	vst v0  }
0xd1: {  	[tilespmem:$0xD08] =	vst v0  }
0xd2: {  	[tilespmem:$0xD18] =	vst v0  }
0xd3: {  	[tilespmem:$0xD28] =	vst v0  }
0xd4: {  	[tilespmem:$0xD38] =	vst v0  }
0xd5: {  	[tilespmem:$0xD48] =	vst v0  }
0xd6: {  	[tilespmem:$0xD58] =	vst v0  }
0xd7: {  	[tilespmem:$0xD68] =	vst v0  }
0xd8: {  	[tilespmem:$0xD78] =	vst v0  }
0xd9: {  	[tilespmem:$0xD88] =	vst v0  }
0xda: {  	[tilespmem:$0xD98] =	vst v0  }
0xdb: {  	[tilespmem:$0xDA8] =	vst v0  }
0xdc: {  	[tilespmem:$0xDB8] =	vst v0  }
0xdd: {  	[tilespmem:$0xDC8] =	vst v0  }
0xde: {  	[tilespmem:$0xDD8] =	vst v0  }
0xdf: {  	[tilespmem:$0xDE8] =	vst v0  }
0xe0: {  	[tilespmem:$0xDF8] =	vst v0  }
0xe1: {  	[tilespmem:$0xE08] =	vst v0  }
0xe2: {  	[tilespmem:$0xE18] =	vst v0  }
0xe3: {  	[tilespmem:$0xE28] =	vst v0  }
0xe4: {  	[tilespmem:$0xE38] =	vst v0  }
0xe5: {  	[tilespmem:$0xE48] =	vst v0  }
0xe6: {  	[tilespmem:$0xE58] =	vst v0  }
0xe7: {  	[tilespmem:$0xE68] =	vst v0  }
0xe8: {  	[tilespmem:$0xE78] =	vst v0  }
0xe9: {  	[tilespmem:$0xE88] =	vst v0  }
0xea: {  	[tilespmem:$0xE98] =	vst v0  }
0xeb: {  	[tilespmem:$0xEA8] =	vst v0  }
0xec: {  	[tilespmem:$0xEB8] =	vst v0  }
0xed: {  	[tilespmem:$0xEC8] =	vst v0  }
0xee: {  	[tilespmem:$0xED8] =	vst v0  }
0xef: {  	[tilespmem:$0xEE8] =	vst v0  }
0xf0: {  	[tilespmem:$0xEF8] =	vst v0  }
0xf1: {  	[tilespmem:$0xF08] =	vst v0  }
0xf2: {  	[tilespmem:$0xF18] =	vst v0  }
0xf3: {  	[tilespmem:$0xF28] =	vst v0  }
0xf4: {  	[tilespmem:$0xF38] =	vst v0  }
0xf5: {  	[tilespmem:$0xF48] =	vst v0  }
0xf6: {  	[tilespmem:$0xF58] =	vst v0  }
0xf7: {  	[tilespmem:$0xF68] =	vst v0  }
0xf8: {  	[tilespmem:$0xF78] =	vst v0  }
0xf9: {  	[tilespmem:$0xF88] =	vst v0  }
0xfa: {  	[tilespmem:$0xF98] =	vst v0  }
0xfb: {  	[tilespmem:$0xFA8] =	vst v0  }
0xfc: {  	[tilespmem:$0xFB8] =	vst v0  }
0xfd: {  	[tilespmem:$0xFC8] =	vst v0  }
0xfe: {  	[tilespmem:$0xFD8] =	vst v0  }
0xff: {  	[tilespmem:$0xFE8] =	vst v0  }
0x100: {  	[tilespmem:$0xFF8] =	vst v0  }
0x101: {  	[tilespmem:$0x1018] =	vst v0  }
0x102: {  	[tilespmem:$0x10D8] =	vst v0  }
0x103: {  	[tilespmem:$0x1B28] =	vst v0  }
0x104: {  	[tilespmem:$0x1B18] =	vst v0  }
0x105: {  	[tilespmem:$0x1B08] =	vst v0  }
0x106: {  	[tilespmem:$0x1AF8] =	vst v0  }
0x107: {  	[tilespmem:$0x1AE8] =	vst v0  }
0x108: {  	[tilespmem:$0x1AD8] =	vst v0  }
0x109: {  	[tilespmem:$0x1AC8] =	vst v0  }
0x10a: {  	[tilespmem:$0x1AB8] =	vst v0  }
0x10b: {  	[tilespmem:$0x1AA8] =	vst v0  }
0x10c: {  	[tilespmem:$0x1A98] =	vst v0  }
0x10d: {  	[tilespmem:$0x1A88] =	vst v0  }
0x10e: {  	[tilespmem:$0x1A78] =	vst v0  }
0x10f: {  	[tilespmem:$0x1A68] =	vst v0  }
0x110: {  	[tilespmem:$0x1A58] =	vst v0  }
0x111: {  	[tilespmem:$0x1A48] =	vst v0  }
0x112: {  	[tilespmem:$0x1A38] =	vst v0  }
0x113: {  	[tilespmem:$0x1A28] =	vst v0  }
0x114: {  	[tilespmem:$0x1A18] =	vst v0  }
0x115: {  	[tilespmem:$0x1A08] =	vst v0  }
0x116: {  	[tilespmem:$0x19F8] =	vst v0  }
0x117: {  	[tilespmem:$0x19E8] =	vst v0  }
0x118: {  	[tilespmem:$0x19D8] =	vst v0  }
0x119: {  	[tilespmem:$0x19C8] =	vst v0  }
0x11a: {  	[tilespmem:$0x19B8] =	vst v0  }
0x11b: {  	[tilespmem:$0x19A8] =	vst v0  }
0x11c: {  	[tilespmem:$0x1998] =	vst v0  }
0x11d: {  	[tilespmem:$0x1988] =	vst v0  }
0x11e: {  	[tilespmem:$0x1978] =	vst v0  }
0x11f: {  	[tilespmem:$0x1968] =	vst v0  }
0x120: {  	[tilespmem:$0x1958] =	vst v0  }
0x121: {  	[tilespmem:$0x1948] =	vst v0  }
0x122: {  	[tilespmem:$0x1938] =	vst v0  }
0x123: {  	[tilespmem:$0x1928] =	vst v0  }
0x124: {  	[tilespmem:$0x1918] =	vst v0  }
0x125: {  	[tilespmem:$0x1908] =	vst v0  }
0x126: {  	[tilespmem:$0x18F8] =	vst v0  }
0x127: {  	[tilespmem:$0x18E8] =	vst v0  }
0x128: {  	[tilespmem:$0x18D8] =	vst v0  }
0x129: {  	[tilespmem:$0x18C8] =	vst v0  }
0x12a: {  	[tilespmem:$0x18B8] =	vst v0  }
0x12b: {  	[tilespmem:$0x18A8] =	vst v0  }
0x12c: {  	[tilespmem:$0x1898] =	vst v0  }
0x12d: {  	[tilespmem:$0x1888] =	vst v0  }
0x12e: {  	[tilespmem:$0x1878] =	vst v0  }
0x12f: {  	[tilespmem:$0x1868] =	vst v0  }
0x130: {  	[tilespmem:$0x1858] =	vst v0  }
0x131: {  	[tilespmem:$0x1848] =	vst v0  }
0x132: {  	[tilespmem:$0x1838] =	vst v0  }
0x133: {  	[tilespmem:$0x1828] =	vst v0  }
0x134: {  	[tilespmem:$0x1818] =	vst v0  }
0x135: {  	[tilespmem:$0x1808] =	vst v0  }
0x136: {  	[tilespmem:$0x17F8] =	vst v0  }
0x137: {  	[tilespmem:$0x17E8] =	vst v0  }
0x138: {  	[tilespmem:$0x17D8] =	vst v0  }
0x139: {  	[tilespmem:$0x17C8] =	vst v0  }
0x13a: {  	[tilespmem:$0x17B8] =	vst v0  }
0x13b: {  	[tilespmem:$0x17A8] =	vst v0  }
0x13c: {  	[tilespmem:$0x1798] =	vst v0  }
0x13d: {  	[tilespmem:$0x1788] =	vst v0  }
0x13e: {  	[tilespmem:$0x1778] =	vst v0  }
0x13f: {  	[tilespmem:$0x1768] =	vst v0  }
0x140: {  	[tilespmem:$0x1758] =	vst v0  }
0x141: {  	[tilespmem:$0x1748] =	vst v0  }
0x142: {  	[tilespmem:$0x1738] =	vst v0  }
0x143: {  	[tilespmem:$0x1728] =	vst v0  }
0x144: {  	[tilespmem:$0x1718] =	vst v0  }
0x145: {  	[tilespmem:$0x1708] =	vst v0  }
0x146: {  	[tilespmem:$0x16F8] =	vst v0  }
0x147: {  	[tilespmem:$0x16E8] =	vst v0  }
0x148: {  	[tilespmem:$0x16D8] =	vst v0  }
0x149: {  	[tilespmem:$0x16C8] =	vst v0  }
0x14a: {  	[tilespmem:$0x16B8] =	vst v0  }
0x14b: {  	[tilespmem:$0x16A8] =	vst v0  }
0x14c: {  	[tilespmem:$0x1698] =	vst v0  }
0x14d: {  	[tilespmem:$0x1688] =	vst v0  }
0x14e: {  	[tilespmem:$0x1678] =	vst v0  }
0x14f: {  	[tilespmem:$0x1668] =	vst v0  }
0x150: {  	[tilespmem:$0x1658] =	vst v0  }
0x151: {  	[tilespmem:$0x1648] =	vst v0  }
0x152: {  	[tilespmem:$0x1638] =	vst v0  }
0x153: {  	[tilespmem:$0x1628] =	vst v0  }
0x154: {  	[tilespmem:$0x1618] =	vst v0  }
0x155: {  	[tilespmem:$0x1608] =	vst v0  }
0x156: {  	[tilespmem:$0x15F8] =	vst v0  }
0x157: {  	[tilespmem:$0x15E8] =	vst v0  }
0x158: {  	[tilespmem:$0x15D8] =	vst v0  }
0x159: {  	[tilespmem:$0x15C8] =	vst v0  }
0x15a: {  	[tilespmem:$0x15B8] =	vst v0  }
0x15b: {  	[tilespmem:$0x15A8] =	vst v0  }
0x15c: {  	[tilespmem:$0x1598] =	vst v0  }
0x15d: {  	[tilespmem:$0x1588] =	vst v0  }
0x15e: {  	[tilespmem:$0x1578] =	vst v0  }
0x15f: {  	[tilespmem:$0x1568] =	vst v0  }
0x160: {  	[tilespmem:$0x1558] =	vst v0  }
0x161: {  	[tilespmem:$0x1548] =	vst v0  }
0x162: {  	[tilespmem:$0x1538] =	vst v0  }
0x163: {  	[tilespmem:$0x1528] =	vst v0  }
0x164: {  	[tilespmem:$0x1518] =	vst v0  }
0x165: {  	[tilespmem:$0x1508] =	vst v0  }
0x166: {  	[tilespmem:$0x14F8] =	vst v0  }
0x167: {  	[tilespmem:$0x14E8] =	vst v0  }
0x168: {  	[tilespmem:$0x14D8] =	vst v0  }
0x169: {  	[tilespmem:$0x14C8] =	vst v0  }
0x16a: {  	[tilespmem:$0x14B8] =	vst v0  }
0x16b: {  	[tilespmem:$0x14A8] =	vst v0  }
0x16c: {  	[tilespmem:$0x1498] =	vst v0  }
0x16d: {  	[tilespmem:$0x1488] =	vst v0  }
0x16e: {  	[tilespmem:$0x1478] =	vst v0  }
0x16f: {  	[tilespmem:$0x1468] =	vst v0  }
0x170: {  	[tilespmem:$0x1458] =	vst v0  }
0x171: {  	[tilespmem:$0x1448] =	vst v0  }
0x172: {  	[tilespmem:$0x1438] =	vst v0  }
0x173: {  	[tilespmem:$0x1428] =	vst v0  }
0x174: {  	[tilespmem:$0x1418] =	vst v0  }
0x175: {  	[tilespmem:$0x1408] =	vst v0  }
0x176: {  	[tilespmem:$0x13F8] =	vst v0  }
0x177: {  	[tilespmem:$0x13E8] =	vst v0  }
0x178: {  	[tilespmem:$0x13D8] =	vst v0  }
0x179: {  	[tilespmem:$0x13C8] =	vst v0  }
0x17a: {  	[tilespmem:$0x13B8] =	vst v0  }
0x17b: {  	[tilespmem:$0x13A8] =	vst v0  }
0x17c: {  	[tilespmem:$0x1398] =	vst v0  }
0x17d: {  	[tilespmem:$0x1388] =	vst v0  }
0x17e: {  	[tilespmem:$0x1378] =	vst v0  }
0x17f: {  	[tilespmem:$0x1368] =	vst v0  }
0x180: {  	[tilespmem:$0x1358] =	vst v0  }
0x181: {  	[tilespmem:$0x1348] =	vst v0  }
0x182: {  	[tilespmem:$0x1338] =	vst v0  }
0x183: {  	[tilespmem:$0x1328] =	vst v0  }
0x184: {  	[tilespmem:$0x1318] =	vst v0  }
0x185: {  	[tilespmem:$0x1308] =	vst v0  }
0x186: {  	[tilespmem:$0x12F8] =	vst v0  }
0x187: {  	[tilespmem:$0x12E8] =	vst v0  }
0x188: {  	[tilespmem:$0x12D8] =	vst v0  }
0x189: {  	[tilespmem:$0x12C8] =	vst v0  }
0x18a: {  	[tilespmem:$0x12B8] =	vst v0  }
0x18b: {  	[tilespmem:$0x12A8] =	vst v0  }
0x18c: {  	[tilespmem:$0x1298] =	vst v0  }
0x18d: {  	[tilespmem:$0x1288] =	vst v0  }
0x18e: {  	[tilespmem:$0x1278] =	vst v0  }
0x18f: {  	[tilespmem:$0x1268] =	vst v0  }
0x190: {  	[tilespmem:$0x1258] =	vst v0  }
0x191: {  	[tilespmem:$0x1248] =	vst v0  }
0x192: {  	[tilespmem:$0x1238] =	vst v0  }
0x193: {  	[tilespmem:$0x1228] =	vst v0  }
0x194: {  	[tilespmem:$0x1218] =	vst v0  }
0x195: {  	[tilespmem:$0x1208] =	vst v0  }
0x196: {  	[tilespmem:$0x11F8] =	vst v0  }
0x197: {  	[tilespmem:$0x11E8] =	vst v0  }
0x198: {  	[tilespmem:$0x11D8] =	vst v0  }
0x199: {  	[tilespmem:$0x11C8] =	vst v0  }
0x19a: {  	[tilespmem:$0x11B8] =	vst v0  }
0x19b: {  	[tilespmem:$0x11A8] =	vst v0  }
0x19c: {  	[tilespmem:$0x1198] =	vst v0  }
0x19d: {  	[tilespmem:$0x1188] =	vst v0  }
0x19e: {  	[tilespmem:$0x1178] =	vst v0  }
0x19f: {  	[tilespmem:$0x1168] =	vst v0  }
0x1a0: {  	[tilespmem:$0x1158] =	vst v0  }
0x1a1: {  	[tilespmem:$0x1148] =	vst v0  }
0x1a2: {  	[tilespmem:$0x1138] =	vst v0  }
0x1a3: {  	[tilespmem:$0x1128] =	vst v0  }
0x1a4: {  	[tilespmem:$0x1118] =	vst v0  }
0x1a5: {  	s2 =	stileid.u32;
	[tilespmem:$0x1108] =	vst v0  }
0x1a6: {  	s0 =	smul.u32 $0x2F, s2;
	[tilespmem:$0x10F8] =	vst v0  }
0x1a7: {  	s1 =	smin.u32 s2, $0xC;
	[tilespmem:$0x10E8] =	vst v0  }
0x1a8: {  	[tilespmem:$0x10B8] =	vst v0;
	s0 =	sadd.s32 s1, s0  }
0x1a9: {  	p0 =	slt.u32 s2, $0xC;
	[tilespmem:$0x10C8] =	vst v0;
	s1 =	simm.s32 $0x5100;
	s3 =	smul.u32 $0x1B0, s0  }
0x1aa: {  	s1 =	simm.s32 @!p0 $0x4F50;
	[tilespmem:$0x10A8] =	vst v0  }
0x1ab: {  	[tilespmem:$0x1038] =	vst v0;
	s0 =	sadd.s32 s1, s3  }
0x1ac: {  	[tilespmem:$0x1098] =	vst v0;
	s4 =	smin.u32 s0, $0x50910  }
0x1ad: {  	[tilespmem:$0x1088] =	vst v0;
	s0 =	ssub.s32 s4, s3  }
0x1ae: {  	s5 =	simm.s32 $0x2;
	s29 =	simm.s32 $0x7;
	[tilespmem:$0x1078] =	vst v0;
	p0 =	sgt.s32 s0, $0x0  }
0x1af: {  	s13 =	simm.s32 $0x8;
	s30 =	simm.s32 $0x9;
	[tilespmem:$0x1068] =	vst v0;
	s0 =	simm.s32 @!p0 $0x0  }
0x1b0: {  	p4 =	por $0x0, $0x0;
	s14 =	simm.s32 $0xA;
	[tilespmem:$0x1058] =	vst v0;
	s6 =	smulhi.u32 $0x4BDA12F7, s0  }
0x1b1: {  	s18 =	simm.s32 $0x0;
	s15 =	simm.s32 $0x0;
	s17 =	simm.s32 $0x0;
	[tilespmem:$0x1048] =	vst v0  }
0x1b2: {  	s7 =	sadd.s32 $0x191D800, s8;
	s31 =	sshll.u32 s2, $0x5;
	[tilespmem:$0x1028] =	vst v0;
	s12 =	sshrl.u32 s6, $0x7  }
0x1b3: {  	[tilespmem:$0x1008] =	vst v0;
	[sflag:s5] =	ssyncpa.u1 $0x0;
	v0 =	vimm.s32 $0xFFFFFFFF;
	s5 =	sadd.s32 $0x15800, s8;
	s10 =	smul.u32 $0x1B0, s12  }
.Ltmp0:
0x1b4: {  	[dreg:$0x2] =	wrdreg s31;
	[tilespmem:$0x3648] =	vst v0;
	[sflag:s29] =	ssyncpa.u1 $0x0;
	(pc) =	sbr.rel .LBB2_1-.Ltmp0, $4  }
0x1b5: {  	[sflag:s13] =	ssyncpa.u1 $0x0;
	s13 =	simm.s32 $0x0;
	p0 =	sne.s32 s0, s10  }
0x1b6: {  	[sflag:s30] =	ssyncpa.u1 $0x0;
	s1 =	sadd.s32 $0x51000, s8;
	s11 =	simm.s32 @!p0 $0x0  }
0x1b7: {  	s16 =	smov.u32 s3;
	[dreg:$0x3] =	wrdreg s3;
	s11 =	sadd.s32 s11, s12  }
0x1b8: {  	v0 =	vlaneseq.u32;
	s6 =	sadd.s32 $0xB600, s8;
	p0 =	por $0x1, $0x1;
	s8 =	sadd.s32 $0x1, s11  }
.LBB2_18:
0x1b9: {  	s0 =	simm.s32 $0x2  }
0x1ba: {  	_ =	swait.ge [sflag:s0], $0x0  }
0x1bb: {  	[sflag:s0] =	ssyncset.done $0x0;
	s0 =	simm.s32 $0x0  }
.LBB2_19:
0x1bc: {  	_ =	swait.ge [sflag:s14], s0  }
0x1bd: {  	s31 =	ssub.s32 $0x0, s0;
	v1 =	vmov s20;
	vm0 =	veq.s32 v0, $0x0;
	[sflag:s14] =	ssyncset.done $0x0  }
0x1be: {  	vm15 =	veq.s32 v0, $0x2;
	v1 =	vsel vm0, s24, v1;
	[sflag:s14] =	ssyncadd.s32 s31  }
0x1bf: {  	v1 =	vsel vm15, s18, v1;
	[sflag:s14] =	ssyncpa.u1 $0x1  }
0x1c0: {  	[tilespmem:$0x3648] =	vst v1  }
.LBB2_20:
0x1c1: {  	s0 =	sadd.s32 $0x1B0, s16  }
0x1c2: {  	s2 =	smov.u32 s3;
	p1 =	slt.s32 s0, s4  }
0x1c3: {  	s2 =	smov.u32 @p1 s0;
	p1 =	sne.s32 s17, s8  }
.Ltmp1:
0x1c4: {  	_ = 	snop;
	(pc) =	sbr.rel @!p1 .LBB2_21-.Ltmp1, $4  }
0x1c5: {  	_ = 	snop  }
0x1c6: {  	s18 =	smov.u32 s15  }
0x1c7: {  	s31 =	sadd.s32 $0x1, s17;
	s15 =	smov.u32 s16;
	p0 =	por !p0, !p0  }
0x1c8: {  	p4 =	por !p4, !p4;
	s17 =	smov.u32 s31;
	s16 =	smov.u32 s2  }
.LBB2_1:
0x1c9: {  	p2 =	sge.u32 s17, s11  }
0x1ca: {  	s0 =	smulhi.u32 @!p2 $0xAAAAAAAB, s17  }
0x1cb: {  	s19 =	smov.u32 s16;
	p3 =	sgt.s32 @!p2 s16, $0x50760  }
0x1cc: {  	s20 =	sshra.s32 @!p2 s16, $0x1F;
	p3 =	por !p3, p2;
	s0 =	sshrl.u32 @!p2 s0, $0x1  }
0x1cd: {  	s20 =	sand.u32 @!p2 s20, s16;
	s19 =	simm.s32 @p3 $0x50760;
	s0 =	smul.u32 @!p2 $0x3, s0  }
0x1ce: {  	s19 =	ssub.s32 @!p2 s19, s20  }
0x1cf: {  	s19 =	sadd.s32 @!p2 $0xFFFAF8A0, s19;
	s0 =	ssub.s32 @!p2 s17, s0  }
0x1d0: {  	s20 =	sshll.u32 @!p2 s19, $0x2;
	p3 =	sgt.s32 @!p2 s19, $0x1AF;
	s0 =	smul.u32 @!p2 $0x6C0, s0  }
0x1d1: {  	s21 =	sand.u32 @!p2 $0x7, s16;
	s19 =	ssub.s32 @!p2 $0x6C0, s20;
	p3 =	por !p3, p2  }
0x1d2: {  	s20 =	sshrl.u32 @!p2 s16, $0x3;
	s19 =	sshrl.u32 @!p2 s19, $0x2;
	s0 =	sshrl.u32 @!p2 s0, $0x2  }
0x1d3: {  	s20 =	sadd.s32 @!p2 s5, s20;
	s19 =	simm.s32 @!p3 $0x0;
	s0 =	sadd.s32 @!p2 $0x3878, s0  }
0x1d4: {  	[tilespmem:s0], [sflag:$0x8] =	stream.linear.gather @!p2 [hbm4b:s20+s21], s19, $0x38;
	[tilespmem:$0x1F0E8] =	vst v63  }
0x1d5: {  	s20 =	sadd.s32 $0xFFFFFFFF, s17  }
0x1d6: {  	p2 =	sge.u32 s20, s11  }
0x1d7: {  	p3 =	sgt.s32 @!p2 s15, $0x50760  }
0x1d8: {  	s0 =	smov.u32 s15;
	s19 =	sshra.s32 @!p2 s15, $0x1F;
	p3 =	por !p3, p2  }
0x1d9: {  	s19 =	sand.u32 @!p2 s19, s15;
	s0 =	simm.s32 @p3 $0x50760  }
0x1da: {  	s0 =	ssub.s32 @!p2 s0, s19  }
0x1db: {  	s0 =	sadd.s32 @!p2 $0xFFFAF8A0, s0  }
0x1dc: {  	s19 =	sshll.u32 @!p2 s0, $0x2  }
0x1dd: {  	p3 =	sgt.s32 @!p2 s0, $0x1AF;
	s0 =	ssub.s32 @!p2 $0x6C0, s19  }
0x1de: {  	p3 =	por !p3, p2;
	s0 =	sshrl.u32 @!p2 s0, $0x2  }
0x1df: {  	s21 =	simm.s32 @!p2 $0x8;
	s19 =	sand.u32 @!p2 $0x1, s20;
	s0 =	simm.s32 @!p3 $0x0  }
0x1e0: {  	s19 =	smul.u32 @!p2 $0x6C0, s19;
	_ =	swait.ge @!p2 [sflag:s21], s0  }
0x1e1: {  	s22 =	ssub.s32 @!p2 $0x0, s0;
	[sflag:s21] =	ssyncset.done @!p2 $0x0  }
0x1e2: {  	s19 =	sshrl.u32 @!p2 s19, $0x2;
	[sflag:s21] =	ssyncadd.s32 @!p2 s22;
	s21 =	sshrl.u32 @!p2 s15, $0x3  }
0x1e3: {  	s19 =	sadd.s32 @!p2 $0x3D88, s19;
	s22 =	sand.u32 @!p2 $0x7, s15;
	s21 =	sadd.s32 @!p2 s6, s21  }
0x1e4: {  	[tilespmem:s19], [sflag:$0x9] =	stream.linear.gather @!p2 [hbm4b:s21+s22], s0, $0x38;
	[tilespmem:$0x1F0E8] =	vst v63  }
0x1e5: {  	s19 =	ssub.s32 @!p2 $0x50910, s15  }
0x1e6: {  	p3 =	slt.s32 @!p2 s19, $0x1  }
0x1e7: {  	p3 =	por p2, p3  }
.Ltmp2:
0x1e8: {  	_ = 	snop;
	(pc) =	sbr.rel @p3 .LBB2_7-.Ltmp2, $1  }
0x1e9: {  	_ =	sdelay $0x3  }
0x1ea: {  	s0 =	smulhi.u32 $0xAAAAAAAB, s20;
	_ =	sdelay $0x1  }
0x1eb: {  	s0 =	sshrl.u32 s0, $0x1  }
0x1ec: {  	s0 =	smul.u32 $0x3, s0;
	_ =	sdelay $0x1  }
0x1ed: {  	s0 =	ssub.s32 s20, s0  }
0x1ee: {  	s21 =	simm.s32 $0x1;
	s0 =	smul.u32 $0x6C0, s0  }
.Ltmp3:
0x1ef: {  	s21 =	simm.s32 @!p0 $0x0;
	(pc) =	sbr.rel .LBB2_4-.Ltmp3, $4  }
0x1f0: {  	s31 =	smul.u32 $0x36000, s21  }
0x1f1: {  	p3 =	slt.s32 @!p2 s19, $0x1B0;
	s0 =	sshrl.u32 s0, $0x2  }
0x1f2: {  	p2 =	por !p3, p2;
	s20 =	sshrl.u32 s31, $0x2;
	s0 =	sadd.s32 $0x3878, s0  }
0x1f3: {  	s19 =	simm.s32 @p2 $0x1B0;
	s21 =	simm.s32 $0x0;
	s20 =	sadd.s32 $0x40E8, s20;
	v1 =	vmov s0  }
.LBB2_3:
0x1f4: {  	p2 =	sge.s32 s21, s19  }
.Ltmp4:
0x1f5: {  	_ = 	snop;
	(pc) =	sbr.rel @p2 .LBB2_7-.Ltmp4, $2  }
0x1f6: {  	_ =	sdelay $0x2  }
0x1f7: {  	s20 =	sadd.s32 $0x800, s20  }
.LBB2_4:
0x1f8: {  	p2 =	sle.s32 s19, s21  }
.Ltmp5:
0x1f9: {  	_ = 	snop;
	(pc) =	sbr.rel @p2 .LBB2_3-.Ltmp5, $2  }
0x1fa: {  	_ =	sdelay $0x2  }
0x1fb: {  	s22 =	smov.u32 s21;
	s21 =	sadd.s32 $0x10, s21  }
0x1fc: {  	s0 =	ssub.s32 s19, s22  }
0x1fd: {  	p2 =	slt.s32 s0, $0x10  }
0x1fe: {  	s0 =	simm.s32 @!p2 $0x10  }
0x1ff: {  	v2 =	vmov s0  }
0x200: {  	vm0 =	vgt.s32 v2, v0;
	_ =	sdelay $0x5  }
0x201: {  	v2 =	vld.idx.msk [tilespmem:v1+s22+$0x0 ss:$0x1], vm0;
	_ =	sdelay $0x2  }
0x202: {  	s23 =	smov.u32 s19;
	p2 =	slt.s32 s21, s19  }
0x203: {  	s24 =	smov.u32 s20;
	s25 =	simm.s32 $0x0;
	s23 =	smov.u32 @p2 s21  }
.LBB2_6:
0x204: {  	(v2sf) =	vpush v2, s25;
	_ =	sdelay $0xc  }
0x205: {  	s25 =	sadd.s32 $0x1, s25  }
0x206: {  	s31 =	sadd.s32 s25, s22  }
0x207: {  	p2 =	slt.s32 s31, s23;
	s0 =	spop (v2sf)  }
.Ltmp6:
0x208: {  	s0 =	sshll.u32 s0, $0x4;
	(pc) =	sbr.rel @p2 .LBB2_6-.Ltmp6, $4  }
0x209: {  	s0 =	sand.u32 $0x1FFFFFF0, s0  }
0x20a: {  	s0 =	sadd.s32 s7, s0  }
0x20b: {  	[tilespmem:s24], [sflag:$0x7] =	stream.linear.gather [hbm4b:s0+s13], $0x4, $0x38;
	[tilespmem:$0x1F0E8] =	vst v63  }
0x20c: {  	s24 =	sadd.s32 $0x80, s24  }
.Ltmp7:
0x20d: {  	_ = 	snop;
	(pc) =	sbr.rel .LBB2_3-.Ltmp7, $1  }
0x20e: {  	_ =	sdelay $0x3  }
.LBB2_7:
0x20f: {  	p2 =	slt.u32 s17, $0x2  }
.Ltmp8:
0x210: {  	_ = 	snop;
	(pc) =	sbr.rel @p2 .LBB2_20-.Ltmp8, $1  }
0x211: {  	_ =	sdelay $0x3  }
0x212: {  	p2 =	sgt.s32 s18, $0x50760;
	s0 =	smov.u32 s18  }
0x213: {  	s19 =	sshra.s32 s18, $0x1F;
	s20 =	ssub.s32 $0x50910, s18;
	s0 =	simm.s32 @!p2 $0x50760  }
0x214: {  	s19 =	sand.u32 s19, s18;
	p2 =	slt.s32 s20, $0x1B0;
	s21 =	smov.u32 s20  }
0x215: {  	s0 =	ssub.s32 s0, s19;
	s21 =	simm.s32 @!p2 $0x1B0  }
0x216: {  	s0 =	sadd.s32 $0xFFFAF8A0, s0;
	s26 =	sshll.u32 s21, $0x2  }
0x217: {  	s2 =	simm.s32 $0x7;
	s28 =	sshll.u32 s0, $0x2;
	s19 =	sand.u32 $0x3FFFFFFC, s26  }
0x218: {  	p2 =	sgt.s32 s0, $0x1AF;
	s29 =	ssub.s32 $0x6C0, s28;
	_ =	swait.ge [sflag:s2], s19  }
0x219: {  	s19 =	ssub.s32 $0x0, s19;
	[sflag:s2] =	ssyncset.done $0x0;
	s0 =	sshrl.u32 s29, $0x2  }
0x21a: {  	s30 =	simm.s32 $0x9;
	[sflag:s2] =	ssyncadd.s32 s19;
	s0 =	simm.s32 @p2 $0x0  }
0x21b: {  	_ =	swait.ge [sflag:s30], s0  }
0x21c: {  	s0 =	ssub.s32 $0x0, s0;
	[sflag:s30] =	ssyncset.done $0x0  }
0x21d: {  	[sflag:s30] =	ssyncadd.s32 s0  }
0x21e: {  	v1 =	vld [tilespmem:$0x3648];
	_ =	sdelay $0x4  }
0x21f: {  	(v2sf) =	vpush v1, $0x0  }
0x220: {  	(v2sf) =	vpush v1, $0x1  }
0x221: {  	(v2sf) =	vpush v1, $0x2;
	_ =	sdelay $0x3  }
0x222: {  	s0 =	sadd.s32 $0x1B0, s18  }
0x223: {  	p2 =	slt.s32 s4, s0  }
0x224: {  	s0 =	smov.u32 @p2 s4;
	p2 =	sgt.s32 s20, $0x0  }
0x225: {  	s22 =	ssub.s32 s0, s18;
	s20 =	simm.s32 @!p2 $0x0  }
0x226: {  	p2 =	slt.s32 s20, s22  }
0x227: {  	s22 =	smov.u32 @p2 s20  }
0x228: {  	s21 =	simm.s32 $0x1;
	p2 =	slt.s32 s22, $0x1  }
.Ltmp9:
0x229: {  	s21 =	simm.s32 @!p4 $0x0;
	(pc) =	sbr.rel @p2 .LBB2_12-.Ltmp9, $4  }
0x22a: {  	s31 =	smul.u32 $0x6C0, s21  }
0x22b: {  	s23 =	spop (v2sf)  }
0x22c: {  	s0 =	sshrl.u32 s31, $0x2;
	s25 =	spop (v2sf)  }
0x22d: {  	s19 =	sadd.s32 $0x3D88, s0;
	s18 =	spop (v2sf)  }
0x22e: {  	s0 =	smin.u32 s22, $0x10  }
0x22f: {  	v1 =	vmov s0  }
0x230: {  	p3 =	sgt.s32 s22, $0x10;
	vm1 =	vgt.u32 v1, v0  }
.Ltmp10:
0x231: {  	_ = 	snop;
	(pc) =	sbr.rel @!p3 .LBB2_11-.Ltmp10, $2  }
0x232: {  	_ =	sdelay $0x2  }
0x233: {  	s24 =	simm.s32 $0x10;
	s26 =	sadd.s32 $0xFFFFFFF0, s22;
	s20 =	smov.u32 s19;
	vm0 =	vmmov vm1  }
.LBB2_10:
0x234: {  	s0 =	smin.u32 s26, $0x10;
	s24 =	sadd.s32 $0x10, s24;
	v1 =	vld.msk [tilespmem:s20+$0x0 ss:$0x1], vm1  }
0x235: {  	v2 =	vmov s0;
	p3 =	slt.s32 s24, s22  }
0x236: {  	vm1 =	vgt.u32 v2, v0  }
.Ltmp11:
0x237: {  	(pc) =	sbr.rel @p3 .LBB2_10-.Ltmp11, $3  }
0x238: {  	_ =	sdelay $0x1  }
0x239: {  	v1 =	vshll.u32 v1, $0x4  }
0x23a: {  	s26 =	sadd.s32 $0xFFFFFFF0, s26;
	[tilespmem:s20+$0x0] =	vst.msk vm0, v1;
	s20 =	sadd.s32 $0x10, s20;
	vm0 =	vmmov vm1  }
.LBB2_11:
0x23b: {  	_ =	sdelay $0x4  }
0x23c: {  	v1 =	vld.msk [tilespmem:s20+$0x0 ss:$0x1], vm1;
	_ =	sdelay $0x4  }
0x23d: {  	v1 =	vshll.u32 v1, $0x4  }
0x23e: {  	[tilespmem:s20+$0x0] =	vst.msk vm0, v1  }
.LBB2_12:
0x23f: {  	s0 =	sand.u32 $0x1, s17  }
0x240: {  	s0 =	smul.u32 $0x1B0, s0  }
0x241: {  	p3 =	sne.s32 s25, $0xFFFFFFFF  }
0x242: {  	v1 =	vld.msk @!p3 [tilespmem:s0+$0x3D88], $0x1;
	_ =	sdelay $0x4  }
0x243: {  	(v2sf) =	vpush @!p3 v1, $0x0;
	_ =	sdelay $0xc  }
.Ltmp12:
0x244: {  	_ = 	snop;
	(pc) =	sbr.rel @p2 .LBB2_18-.Ltmp12, $4  }
0x245: {  	_ = 	snop  }
0x246: {  	s24 =	spop @!p3 (v2sf)  }
0x247: {  	s18 =	simm.s32 @!p3 $0x0;
	s20 =	smov.u32 s24  }
0x248: {  	[sflag:s14] =	ssyncpa.u1 $0x0;
	s24 =	smov.u32 @p3 s23;
	s20 =	smov.u32 @p3 s25  }
0x249: {  	v1 =	vld.msk [tilespmem:s19+$0x0], $0x1;
	_ =	sdelay $0x4  }
0x24a: {  	(v2sf) =	vpush v1, $0x0;
	_ =	sdelay $0xd  }
0x24b: {  	s0 =	simm.s32 @!p4 $0x0  }
0x24c: {  	s26 =	smul.u32 $0x36000, s21;
	s25 =	ssub.s32 $0x0, s22;
	s28 =	spop (v2sf)  }
0x24d: {  	s0 =	simm.s32 @p4 $0x1;
	s23 =	sadd.s32 $0x1, s25;
	p2 =	seq.s32 s24, s28  }
0x24e: {  	[smem:$0x7FD] =	sst s0;
	s0 =	sshrl.u32 s26, $0x2;
	p3 =	sgt.s32 @!p2 s24, $0x0  }
0x24f: {  	s21 =	sadd.s32 $0x40E8, s0;
	s0 =	smov.u32 s24;
	p3 =	por !p3, p2  }
0x250: {  	s0 =	simm.s32 @p3 $0x0;
	p3 =	seq.s32 s23, $0x0  }
.Ltmp13:
0x251: {  	_ = 	snop;
	(pc) =	sbr.rel @p3 .LBB2_15-.Ltmp13, $4  }
0x252: {  	s3 =	smov.u32 s8;
	s12 =	smov.u32 s5;
	s8 =	smov.u32 s6  }
0x253: {  	s22 =	simm.s32 $0x0;
	s29 =	simm.s32 @!p2 $0x1;
	s0 =	smin.u32 @!p2 s0, $0x270FF  }
0x254: {  	s30 =	simm.s32 @!p2 $0x1B38;
	s29 =	smov.u32 @p2 s22;
	s26 =	sand.u32 @!p2 $0x3FFF8, s0  }
0x255: {  	s31 =	sand.u32 @!p2 $0x7, s0;
	s0 =	sadd.s32 @!p2 s1, s26;
	s26 =	sadd.s32 $0x1, s19  }
.LBB2_14:
0x256: {  	s2 =	smov.u32 s29  }
0x257: {  	[tilespmem:s30], [sflag:$0x2] =	stream.linear.gather @!p2 [hbm4b:s0+s31], $0x4, $0x38;
	[tilespmem:$0x1F0E8] =	vst v63  }
0x258: {  	s23 =	sadd.s32 $0x1, s23;
	s0 =	smov.u32 s28;
	v1 =	vld.msk [tilespmem:s26+$0x0], $0x1  }
0x259: {  	p3 =	seq.s32 s23, $0x0;
	_ =	sdelay $0x3  }
0x25a: {  	(v2sf) =	vpush v1, $0x0;
	_ =	sdelay $0xe  }
0x25b: {  	s28 =	spop (v2sf)  }
0x25c: {  	p2 =	seq.s32 s0, s28  }
0x25d: {  	p4 =	sgt.s32 @!p2 s0, $0x0;
	s30 =	sshll.u32 @!p2 s29, $0x6;
	s29 =	sadd.s32 @!p2 $0x1, s29  }
.Ltmp14:
0x25e: {  	p4 =	por !p4, p2;
	s30 =	sshra.s32 @!p2 s30, $0x2;
	(pc) =	sbr.rel @!p3 .LBB2_14-.Ltmp14, $4  }
0x25f: {  	s29 =	smov.u32 @p2 s2;
	s0 =	simm.s32 @p4 $0x0;
	s30 =	sadd.s32 @!p2 $0x1B38, s30  }
0x260: {  	s0 =	smin.u32 @!p2 s0, $0x270FF  }
0x261: {  	s2 =	sand.u32 @!p2 $0x3FFF8, s0;
	s31 =	sand.u32 @!p2 $0x7, s0  }
0x262: {  	s26 =	sadd.s32 $0x1, s26;
	s0 =	sadd.s32 @!p2 s1, s2  }
.LBB2_15:
0x263: {  	[tilespmem:s30], [sflag:$0x2] =	stream.linear.gather @!p2 [hbm4b:s0+s31], $0x4, $0x38;
	[tilespmem:$0x1F0E8] =	vst v63  }
0x264: {  	s31 =	sshll.u32 s29, $0x2  }
0x265: {  	s2 =	simm.s32 $0x2;
	s0 =	sand.u32 $0x3FFFFFFC, s31  }
0x266: {  	_ =	swait.ge [sflag:s2], s0  }
0x267: {  	s0 =	ssub.s32 $0x0, s0;
	[sflag:s2] =	ssyncset.done $0x0  }
0x268: {  	[sflag:s2] =	ssyncadd.s32 s0  }
0x269: {  	v1 =	vld.msk [tilespmem:s19+$0x0], $0x1;
	_ =	sdelay $0x4  }
0x26a: {  	(v2sf) =	vpush v1, $0x0;
	_ =	sdelay $0xe  }
0x26b: {  	s23 =	spop (v2sf)  }
0x26c: {  	p2 =	sne.s32 s24, s23  }
0x26d: {  	p4 =	sne.s32 @p2 s24, s20  }
0x26e: {  	p3 =	por !p4, !p2  }
0x26f: {  	s0 =	simm.s32 @!p3 $0x0  }
0x270: {  	v1 =	vld.msk @!p3 [tilespmem:s0+$0x1B38], $0xf  }
0x271: {  	p5 =	sgt.u32 @!p3 s24, $0x270FF  }
0x272: {  	s2 =	sshll.u32 @!p3 s18, $0x6;
	p6 =	por @p2 p5, !p4  }
0x273: {  	s2 =	sshra.s32 @!p3 s2, $0x2;
	p1 =	por p6, !p2;
	p6 =	por p4, !p2  }
0x274: {  	s26 =	sadd.s32 @!p3 $0x28, s2;
	s28 =	sand.u32 @!p1 $0x3FFF8, s24;
	s29 =	sshll.u32 @!p6 s18, $0x6  }
0x275: {  	s24 =	sand.u32 @!p1 $0x7, s24;
	[tilespmem:s2+$0x28] =	vst.add.f32.msk @!p3 $0xf, v1;
	s2 =	sadd.s32 @!p1 s1, s28;
	s28 =	sshra.s32 @!p6 s29, $0x2  }
0x276: {  	[hbm4b:s2+s24] =	stream.linear.scatter @!p1 [tilespmem:s26], [sflag:$0xA], $0x4, $0x38;
	[tilespmem:$0x1F0E8] =	vst v63  }
0x277: {  	s0 =	rddreg [dreg:$0x2];
	s2 =	sadd.s32 @!p6 $0x28, s28;
	s24 =	simm.s32 @!p6 $0x1  }
0x278: {  	[spmem:s0] =	stream.linear.scatter @!p6 [tilespmem:s2], [sflag:$0x1], $0x4, $0x38;
	[tilespmem:$0x1F0E8] =	vst v63  }
0x279: {  	s0 =	sadd.s32 @p2 $0x1, s18;
	_ =	swait.ge @!p6 [sflag:s24], $0x4  }
0x27a: {  	s2 =	sshrl.u32 @p2 s0, $0x4;
	[sflag:s24] =	ssyncset.done @!p6 $0x0  }
0x27b: {  	s2 =	smulhi.u32 @p2 $0x97B425F, s2;
	[sflag:s24] =	ssyncadd.s32 @!p6 $0xFFFFFFFC  }
0x27c: {  	s24 =	sadd.s32 $0x1, s25;
	v1 =	vld.msk @p2 [tilespmem:s21+$0x0], $0xf  }
0x27d: {  	p1 =	por @p2 !p5, !p4;
	s2 =	smul.u32 @p2 $0x1B0, s2;
	p4 =	seq.s32 s24, $0x0  }
.Ltmp15:
0x27e: {  	p1 =	por !p1, !p2;
	s25 =	simm.s32 @!p3 $0x0;
	(pc) =	sbr.rel @p4 .LBB2_17-.Ltmp15, $4  }
0x27f: {  	s26 =	sshll.u32 @!p2 s18, $0x6;
	s25 =	simm.s32 @!p1 $0x10;
	s0 =	ssub.s32 @p2 s0, s2  }
0x280: {  	s26 =	sshra.s32 @!p2 s26, $0x2;
	s28 =	sadd.s32 @!p3 $0x0, s25;
	s29 =	sshll.u32 @p2 s0, $0x4  }
0x281: {  	s25 =	simm.s32 $0x0;
	s2 =	simm.s32 @p2 $0x1;
	s28 =	smov.u32 @p3 s22;
	[tilespmem:s29+$0x28] =	vst.msk @p2 $0xf, v1  }
0x282: {  	s18 =	smov.u32 @p2 s0;
	s25 =	smov.u32 @p2 s28;
	s22 =	smov.u32 @p2 s2;
	v1 =	vld.msk @!p2 [tilespmem:s21+$0x0], $0xf  }
.LBB2_16:
0x283: {  	_ =	sdelay $0x3  }
0x284: {  	s19 =	sadd.s32 $0x1, s19;
	[tilespmem:s26+$0x28] =	vst.add.f32.msk @!p2 $0xf, v1  }
0x285: {  	v1 =	vld.msk [tilespmem:s19+$0x0], $0x1;
	_ =	sdelay $0x4  }
0x286: {  	(v2sf) =	vpush v1, $0x0;
	_ =	sdelay $0xe  }
0x287: {  	s0 =	smov.u32 s23;
	s23 =	spop (v2sf)  }
0x288: {  	p2 =	sne.s32 s0, s23  }
0x289: {  	p5 =	sne.s32 @p2 s0, s20  }
0x28a: {  	p4 =	por !p5, !p2  }
0x28b: {  	s30 =	sshll.u32 @!p4 s22, $0x6  }
0x28c: {  	s30 =	sshra.s32 @!p4 s30, $0x2  }
0x28d: {  	p1 =	sgt.u32 @!p4 s0, $0x270FF;
	v1 =	vld.msk @!p4 [tilespmem:s30+$0x1B38], $0xf  }
0x28e: {  	s31 =	sshll.u32 @!p4 s18, $0x6;
	p6 =	por @p2 p1, !p5;
	p1 =	por @p2 !p1, !p5  }
0x28f: {  	s5 =	simm.s32 @!p4 $0x0;
	s31 =	sshra.s32 @!p4 s31, $0x2;
	p1 =	por !p1, !p2  }
0x290: {  	p5 =	por p5, !p2;
	s5 =	simm.s32 @!p1 $0x10;
	p1 =	por p6, !p2  }
0x291: {  	s30 =	sadd.s32 @!p4 $0x28, s31;
	s6 =	sshll.u32 @!p5 s18, $0x6;
	s10 =	sand.u32 @!p1 $0x3FFF8, s0  }
0x292: {  	s6 =	sshra.s32 @!p5 s6, $0x2;
	s0 =	sand.u32 @!p1 $0x7, s0;
	s10 =	sadd.s32 @!p1 s1, s10;
	[tilespmem:s31+$0x28] =	vst.add.f32.msk @!p4 $0xf, v1  }
0x293: {  	[hbm4b:s10+s0] =	stream.linear.scatter @!p1 [tilespmem:s30], [sflag:$0xA], $0x4, $0x38;
	[tilespmem:$0x1F0E8] =	vst v63  }
0x294: {  	s2 =	rddreg [dreg:$0x2];
	s0 =	sadd.s32 @!p5 $0x28, s6;
	s6 =	simm.s32 @!p5 $0x1  }
0x295: {  	[spmem:s2] =	stream.linear.scatter @!p5 [tilespmem:s0], [sflag:$0x1], $0x4, $0x38;
	[tilespmem:$0x1F0E8] =	vst v63  }
0x296: {  	s28 =	sadd.s32 @p2 $0x1, s18;
	_ =	swait.ge @!p5 [sflag:s6], $0x4  }
0x297: {  	s29 =	sshrl.u32 @p2 s28, $0x4;
	[sflag:s6] =	ssyncset.done @!p5 $0x0  }
0x298: {  	s21 =	sadd.s32 $0x80, s21;
	s29 =	smulhi.u32 @p2 $0x97B425F, s29;
	[sflag:s6] =	ssyncadd.s32 @!p5 $0xFFFFFFFC  }
0x299: {  	s24 =	sadd.s32 $0x1, s24;
	v1 =	vld.msk @p2 [tilespmem:s21+$0x0], $0xf  }
0x29a: {  	p3 =	seq.s32 s24, $0x0;
	s29 =	smul.u32 @p2 $0x1B0, s29  }
.Ltmp16:
0x29b: {  	_ = 	snop;
	(pc) =	sbr.rel @!p3 .LBB2_16-.Ltmp16, $4  }
0x29c: {  	s28 =	ssub.s32 @p2 s28, s29  }
0x29d: {  	s26 =	sshll.u32 @!p2 s18, $0x6;
	s5 =	sadd.s32 @!p4 s5, s25;
	s10 =	sshll.u32 @p2 s28, $0x4  }
0x29e: {  	s9 =	sadd.s32 @p2 $0x1, s22;
	s26 =	sshra.s32 @!p2 s26, $0x2;
	s5 =	smov.u32 @p4 s25;
	[tilespmem:s10+$0x28] =	vst.msk @p2 $0xf, v1  }
0x29f: {  	s22 =	smov.u32 @p2 s9;
	s18 =	smov.u32 @p2 s28;
	s25 =	smov.u32 @p2 s5;
	v1 =	vld.msk @!p2 [tilespmem:s21+$0x0], $0xf  }
.LBB2_17:
.Ltmp17:
0x2a0: {  	_ = 	snop;
	(pc) =	sbr.rel .LBB2_19-.Ltmp17, $4  }
0x2a1: {  	s2 =	sld [smem:$0x7FD]  }
0x2a2: {  	s0 =	sshrl.u32 s25, $0x2  }
0x2a3: {  	s24 =	smov.u32 s23;
	s6 =	smov.u32 s8;
	s5 =	smov.u32 s12  }
0x2a4: {  	s8 =	smov.u32 s3;
	s3 =	rddreg [dreg:$0x3];
	p4 =	seq.s32 s2, $0x1;
	[tilespmem:s26+$0x28] =	vst.add.f32.msk @!p2 $0xf, v1  }
.LBB2_21:
0x2a5: {  	_ =	sfence.sel $0x180000  }
0x2a6: {  	s0 =	simm.s32 $0x7;
	[bflag:$0x0] =	sbarrier.arrive $0xFFFF  }
0x2a7: {  	s25 =	simm.s32 $0x8;
	[sflag:s0] =	ssyncpa.u1 $0x1  }
0x2a8: {  	s26 =	simm.s32 $0x9;
	[sflag:s25] =	ssyncpa.u1 $0x1  }
0x2a9: {  	s28 =	simm.s32 $0x2;
	[sflag:s26] =	ssyncpa.u1 $0x1  }
0x2aa: {  	[sflag:s28] =	ssyncpa.u1 $0x1  }
0x2ab: {  	v0 =	vld [tilespmem:$0x3648];
	_ =	sdelay $0x4  }
0x2ac: {  	(v2sf) =	vpush v0, $0x0  }
0x2ad: {  	(v2sf) =	vpush v0, $0x1;
	_ =	sdelay $0x1  }
0x2ae: {  	(v2sf) =	vpush v0, $0x2;
	_ =	sdelay $0xb  }
0x2af: {  	s0 =	spop (v2sf)  }
0x2b0: {  	s2 =	spop (v2sf)  }
0x2b1: {  	s3 =	smov.u32 s0;
	p0 =	sne.s32 s0, s2  }
0x2b2: {  	s4 =	spop (v2sf);
	s3 =	simm.s32 @!p0 $0xFFFFFFFF  }
0x2b3: {  	v2 =	vimm.s32 $0x1;
	v3 =	vlaneseq.u32;
	p0 =	seq.s32 s4, $0xFFFFFFFF;
	v1 =	vmov s3  }
0x2b4: {  	s7 =	stileid.u32;
	v0 =	vperm.xlane v0, v2;
	p1 =	sne.s32 @!p0 s0, s2;
	v1 =	vperm.xlane v1, v3  }
0x2b5: {  	vm0 =	vcmask $0x3F04;
	s6 =	simm.s32 $0x3648;
	s0 =	simm.s32 @!p0 $0x1;
	p1 =	por !p1, p0  }
0x2b6: {  	s3 =	sshll.u32 s7, $0x1;
	s2 =	sshll.u32 @!p0 s4, $0x6;
	s0 =	simm.s32 @p1 $0x0;
	v0 =	vsel vm0, v1, v0  }
0x2b7: {  	s5 =	sor.u32 $0x200, s3;
	s2 =	sshra.s32 @!p0 s2, $0x2;
	s0 =	sor.u32 @!p0 s0, s3;
	[tilespmem:$0x3648] =	vst v0  }
0x2b8: {  	[spmem:s5] =	stream.linear.scatter [tilespmem:s6], [sflag:$0x1], $0x2, $0x38;
	[tilespmem:$0x1F0E8] =	vst v63  }
0x2b9: {  	s2 =	sadd.s32 @!p0 $0x28, s2;
	s0 =	sshll.u32 @!p0 s0, $0x4  }
0x2ba: {  	[spmem:s0] =	stream.linear.scatter @!p0 [tilespmem:s2], [sflag:$0x1], $0x10, $0x38;
	[tilespmem:$0x1F0E8] =	vst v63  }
0x2bb: {  	s0 =	simm.s32 @!p0 $0x12  }
0x2bc: {  	s3 =	simm.s32 $0x1;
	s0 =	simm.s32 @p0 $0x2  }
0x2bd: {  	_ =	swait.ge [sflag:s3], s0  }
0x2be: {  	s0 =	ssub.s32 $0x0, s0;
	[sflag:s3] =	ssyncset.done $0x0  }
0x2bf: {  	[sflag:s3] =	ssyncadd.s32 s0  }
0x2c0: {  	_ =	sfence.stream.spmem  }
0x2c1: {  	s29 =	simm.s32 $0x3;
	[bflag:$0x0] =	sbarrier.arrive $0xFFFF  }
0x2c2: {  	s30 =	simm.s32 $0x4;
	[sflag:s29] =	ssyncpa.u1 $0x1  }
0x2c3: {  	s31 =	simm.s32 $0x3C;
	[sflag:s30] =	ssyncpa.u1 $0x1  }
0x2c4: {  	p0 =	sne.s32 s7, $0x0;
	[sflag:s31] =	ssyncpa.u1 $0x1  }
0x2c5: {  	_ =	sfence @p0  }
0x2c6: {  	[sflag:s3] =	ssyncpa.u1 @p0 $0x1  }
0x2c7: {  	_ =	strace @p0 $0x90000059  }
0x2c8: {  	[bflag:$0x2] =	sbarrier.arrive @p0 $0xFFFF  }
0x2c9: {  	_ =	shalt @p0  }
.LBB2_22:
0x2ca: {  	_ =	sfence.stream.spmem;
	s0 =	simm.s32 $0x5  }
0x2cb: {  	s2 =	simm.s32 $0x200;
	s3 =	simm.s32 $0x3658;
	[sflag:s0] =	ssyncpa.u1 $0x0  }
0x2cc: {  	[tilespmem:s3], [sflag:$0x5] =	stream.linear.gather [spmem:s2], $0x20, $0x38;
	[tilespmem:$0x1F0E8] =	vst v63  }
0x2cd: {  	s30 =	simm.s32 $0x3678;
	s2 =	simm.s32 $0x0  }
0x2ce: {  	[tilespmem:s30], [sflag:$0x5] =	stream.linear.gather [spmem:s2], $0x200, $0x38;
	[tilespmem:$0x1F0E8] =	vst v63  }
.Ltmp18:
0x2cf: {  	_ = 	snop;
	(pc) =	sbr.rel .LBB2_23-.Ltmp18, $4  }
0x2d0: {  	_ =	swait.ge [sflag:s0], $0x220  }
0x2d1: {  	[sflag:s0] =	ssyncset.done $0x0  }
0x2d2: {  	s31 =	simm.s32 $0x6;
	[sflag:s0] =	ssyncadd.s32 $0xFFFFFDE0  }
0x2d3: {  	s3 =	simm.s32 $0x0;
	[sflag:s31] =	ssyncpa.u1 $0x0  }
.LBB2_28:
0x2d4: {  	p0 =	slt.u32 s4, $0x27100  }
0x2d5: {  	s0 =	sand.u32 @p0 $0x3FFF8, s4  }
0x2d6: {  	s4 =	sand.u32 @p0 $0x7, s4;
	s5 =	simm.s32 @p0 $0x3638;
	s0 =	sadd.s32 @p0 s1, s0  }
0x2d7: {  	[tilespmem:s5], [sflag:$0x6] =	stream.linear.gather @p0 [hbm4b:s0+s4], $0x4, $0x38;
	[tilespmem:$0x1F0E8] =	vst v63  }
0x2d8: {  	s0 =	simm.s32 @p0 $0x6  }
0x2d9: {  	_ =	swait.ge @p0 [sflag:s0], $0x4  }
0x2da: {  	[sflag:s0] =	ssyncset.done @p0 $0x0  }
0x2db: {  	[sflag:s0] =	ssyncadd.s32 @p0 $0xFFFFFFFC  }
0x2dc: {  	v1 =	vld @p0 [tilespmem:$0x3638];
	_ =	sdelay $0x2  }
0x2dd: {  	s0 =	sshll.u32 @p0 s3, $0x6  }
0x2de: {  	s5 =	sshll.u32 @!p0 s3, $0x6;
	s4 =	sshrl.u32 @p0 s0, $0x2  }
0x2df: {  	s5 =	smov.u32 @p0 s0;
	[tilespmem:s4+$0x3678] =	vst.add.f32.msk @p0 $0xffff, v1  }
0x2e0: {  	s0 =	sshrl.u32 s5, $0x2;
	[tilespmem:s2+$0x3658] =	vst.msk $0x1, v0  }
0x2e1: {  	v0 =	vld [tilespmem:s0+$0x3678];
	_ =	sdelay $0x2  }
0x2e2: {  	s31 =	sshll.u32 s2, $0x6  }
0x2e3: {  	s0 =	sshra.s32 s31, $0x2  }
0x2e4: {  	s2 =	sadd.s32 $0x1, s2;
	[tilespmem:s0+$0x3678] =	vst v0  }
.LBB2_30:
0x2e5: {  	s3 =	sadd.s32 $0x1, s3  }
0x2e6: {  	p0 =	sne.s32 s3, $0x20  }
.Ltmp19:
0x2e7: {  	_ = 	snop;
	(pc) =	sbr.rel @!p0 .LBB2_31-.Ltmp19, $1  }
0x2e8: {  	_ =	sdelay $0x3  }
.LBB2_23:
0x2e9: {  	v0 =	vld.msk [tilespmem:s3+$0x3658], $0x1;
	_ =	sdelay $0x4  }
0x2ea: {  	(v2sf) =	vpush v0, $0x0;
	_ =	sdelay $0xe  }
0x2eb: {  	s4 =	spop (v2sf)  }
0x2ec: {  	p0 =	seq.s32 s4, $0xFFFFFFFF  }
.Ltmp20:
0x2ed: {  	_ = 	snop;
	(pc) =	sbr.rel @p0 .LBB2_30-.Ltmp20, $1  }
0x2ee: {  	_ =	sdelay $0x3  }
0x2ef: {  	p0 =	slt.s32 s2, $0x1  }
.Ltmp21:
0x2f0: {  	_ = 	snop;
	(pc) =	sbr.rel @p0 .LBB2_28-.Ltmp21, $1  }
0x2f1: {  	_ =	sdelay $0x3  }
0x2f2: {  	s5 =	simm.s32 $0x3658;
	p0 =	por $0x0, $0x0  }
0x2f3: {  	v1 =	vld.msk @!p0 [tilespmem:s5+$0x0], $0x1;
	_ =	sdelay $0x4  }
0x2f4: {  	(v2sf) =	vpush @!p0 v1, $0x0;
	_ =	sdelay $0xd  }
0x2f5: {  	p2 =	sne.s32 s2, $0x1  }
.Ltmp22:
0x2f6: {  	s0 =	spop @!p0 (v2sf);
	(pc) =	sbr.rel @!p2 .LBB2_27-.Ltmp22, $4  }
0x2f7: {  	p1 =	seq.s32 @!p0 s4, s0  }
0x2f8: {  	s6 =	simm.s32 $0x0;
	p1 =	por !p1, p0  }
0x2f9: {  	s0 =	simm.s32 $0xFFFFFFFF;
	s6 =	simm.s32 @p1 $0xFFFFFFFF  }
0x2fa: {  	s7 =	simm.s32 $0x1;
	s6 =	smov.u32 @p0 s0  }
.LBB2_26:
0x2fb: {  	s0 =	smov.u32 s6;
	p0 =	sne.s32 s6, $0xFFFFFFFF  }
0x2fc: {  	s5 =	sadd.s32 $0x1, s5;
	s6 =	smov.u32 s7;
	s7 =	sadd.s32 $0x1, s7  }
0x2fd: {  	p1 =	sne.s32 s2, s7;
	v1 =	vld.msk @!p0 [tilespmem:s5+$0x0], $0x1;
	_ =	sdelay $0x4  }
0x2fe: {  	(v2sf) =	vpush @!p0 v1, $0x0;
	_ =	sdelay $0xe  }
.Ltmp23:
0x2ff: {  	s8 =	spop @!p0 (v2sf);
	(pc) =	sbr.rel @p1 .LBB2_26-.Ltmp23, $4  }
0x300: {  	p2 =	seq.s32 @!p0 s4, s8  }
0x301: {  	p2 =	por !p2, p0  }
0x302: {  	s6 =	simm.s32 @p2 $0xFFFFFFFF  }
0x303: {  	s6 =	smov.u32 @p0 s0  }
.LBB2_27:
0x304: {  	p0 =	sne.s32 s6, $0xFFFFFFFF  }
.Ltmp24:
0x305: {  	_ = 	snop;
	(pc) =	sbr.rel @!p0 .LBB2_28-.Ltmp24, $1  }
0x306: {  	_ =	sdelay $0x3  }
0x307: {  	s0 =	sshll.u32 s3, $0x4  }
0x308: {  	s0 =	sand.u32 $0x3FFFFFF0, s0  }
0x309: {  	v0 =	vld [tilespmem:s0+$0x3678]  }
.Ltmp25:
0x30a: {  	_ = 	snop;
	(pc) =	sbr.rel .LBB2_30-.Ltmp25, $4  }
0x30b: {  	_ = 	snop  }
0x30c: {  	s31 =	sshll.u32 s6, $0x6  }
0x30d: {  	s0 =	sshra.s32 s31, $0x2  }
0x30e: {  	[tilespmem:s0+$0x3678] =	vst.add.f32.msk $0xffff, v0  }
.LBB2_31:
0x30f: {  	p0 =	slt.s32 s2, $0x1  }
.Ltmp26:
0x310: {  	_ = 	snop;
	(pc) =	sbr.rel @p0 .LBB2_35-.Ltmp26, $3  }
0x311: {  	_ =	sdelay $0x1  }
0x312: {  	s0 =	simm.s32 $0x6  }
0x313: {  	s3 =	simm.s32 $0x0;
	[sflag:s0] =	ssyncpa.u1 $0x1  }
0x314: {  	s0 =	simm.s32 $0x3658  }
0x315: {  	v0 =	vld.msk [tilespmem:s0+$0x0], $0x1;
	_ =	sdelay $0x4  }
0x316: {  	(v2sf) =	vpush v0, $0x0;
	_ =	sdelay $0xd  }
0x317: {  	s2 =	sadd.s32 $0xFFFFFFFF, s2  }
0x318: {  	p1 =	sne.s32 s2, $0x0;
	s0 =	spop (v2sf)  }
.Ltmp27:
0x319: {  	p0 =	sgt.u32 s0, $0x270FF;
	(pc) =	sbr.rel @!p1 .LBB2_34-.Ltmp27, $4  }
0x31a: {  	s4 =	simm.s32 $0x3678;
	s5 =	sand.u32 @!p0 $0x3FFF8, s0  }
0x31b: {  	s6 =	simm.s32 $0x0;
	s0 =	sand.u32 @!p0 $0x7, s0;
	s5 =	sadd.s32 @!p0 s1, s5  }
0x31c: {  	[hbm4b:s5+s0] =	stream.linear.scatter @!p0 [tilespmem:s4], [sflag:$0x5], $0x4, $0x38;
	[tilespmem:$0x1F0E8] =	vst v63  }
0x31d: {  	s6 =	simm.s32 @!p0 $0x10;
	s5 =	simm.s32 $0x3659  }
.LBB2_33:
0x31e: {  	v0 =	vld.msk [tilespmem:s5+$0x0], $0x1;
	s2 =	sadd.s32 $0xFFFFFFFF, s2;
	s3 =	sadd.s32 s3, s6  }
0x31f: {  	p0 =	sne.s32 s2, $0x0;
	_ =	sdelay $0x3  }
0x320: {  	(v2sf) =	vpush v0, $0x0;
	_ =	sdelay $0xe  }
.Ltmp28:
0x321: {  	s0 =	spop (v2sf);
	(pc) =	sbr.rel @p0 .LBB2_33-.Ltmp28, $4  }
0x322: {  	s6 =	simm.s32 $0x0;
	p1 =	sgt.u32 s0, $0x270FF  }
0x323: {  	s4 =	sadd.s32 $0x10, s4;
	s6 =	simm.s32 @!p1 $0x10;
	s7 =	sand.u32 @!p1 $0x3FFF8, s0  }
0x324: {  	s5 =	sadd.s32 $0x1, s5;
	s0 =	sand.u32 @!p1 $0x7, s0;
	s7 =	sadd.s32 @!p1 s1, s7  }
0x325: {  	[hbm4b:s7+s0] =	stream.linear.scatter @!p1 [tilespmem:s4], [sflag:$0x5], $0x4, $0x38;
	[tilespmem:$0x1F0E8] =	vst v63  }
.LBB2_34:
0x326: {  	s0 =	sadd.s32 s3, s6  }
0x327: {  	s3 =	sshrl.u32 s0, $0x2  }
.LBB2_35:
0x328: {  	s0 =	simm.s32 $0x5  }
0x329: {  	_ =	swait.ge [sflag:s0], s3  }
0x32a: {  	s1 =	ssub.s32 $0x0, s3;
	[sflag:s0] =	ssyncset.done $0x0  }
0x32b: {  	[sflag:s0] =	ssyncadd.s32 s1  }
0x32c: {  	[sflag:s0] =	ssyncpa.u1 $0x1  }
0x32d: {  	s30 =	simm.s32 $0x1;
	_ =	sfence  }
0x32e: {  	[sflag:s30] =	ssyncpa.u1 $0x1  }
0x32f: {  	_ =	strace $0x90000059  }
0x330: {  	[bflag:$0x2] =	sbarrier.arrive $0xFFFF  }
0x331: {  	s31 =	rddreg [dreg:$0x1]  }
0x332: {  	s0 =	sadd.s32 $0x100000, s31  }
0x333: {  	[sflag:s0] =	ssyncadd.tile.s32 $0x1;
	_ =	shalt  }
.Lfunc_end2:
_tile_overlayer_lowered:
.L_overlay_start_2:
0x334: {  	(tag) =	ssettag $0x2  }
0x335: {  	s0 =	rddreg [dreg:$0x0];
	s2 =	stileid.u32  }
0x336: {  	s1 =	rddreg [dreg:$0x1];
	p0 =	sne.s32 s2, $0x0  }
0x337: {  	s3 =	rddreg [dreg:$0x2];
	[bflag:$0x3] =	sbarrier.arrive $0xFFFF;
	s2 =	simm.s32 @!p0 $0x1C01  }
0x338: {  	[timem:s3], [sflag:s2] =	dma.local @!p0 [hbm:s0], s1  }
0x339: {  	s0 =	simm.s32 @!p0 $0x1  }
0x33a: {  	_ =	swait.ge @!p0 [sflag:s0], s1  }
0x33b: {  	s1 =	ssub.s32 @!p0 $0x0, s1;
	[sflag:s0] =	ssyncset.done @!p0 $0x0  }
0x33c: {  	[sflag:s0] =	ssyncadd.s32 @!p0 s1  }
0x33d: {  	[bflag:$0x3] =	sbarrier.arrive $0xFFFF  }
0x33e: {  	_ =	shalt  }

// kernel: scatter_offload_async_start.3
scs
__scs_entry_jumppad:
0x0: {  	(pc) =	sbr.rel $0x88, $3  }
0x1: {  	(tag) =	ssettag $0x0;
	lr =	simm.s32 $0x1  }
0x2: {  	[smem:$0x3F8C] =	sst lr;
	_ =	strace $0xD0000000  }
0x3: {  	_ = 	snop  }
0x4: {  	_ = 	snop  }
0x5: {  	_ = 	snop  }
0x6: {  	_ = 	snop  }
0x7: {  	_ = 	snop  }
__scs_overlays_trampoline_lowered:
0x8: {  	[smem:$0x3F9B] =	sst s0  }
0x9: {  	[smem:$0x3F9C] =	sst s1  }
0xa: {  	[smem:$0x3F9D] =	sst s2  }
0xb: {  	[smem:$0x3F9E] =	sst s3  }
0xc: {  	[smem:$0x3F9F] =	sst s4  }
0xd: {  	[smem:$0x3FA0] =	sst s5  }
0xe: {  	[smem:$0x3FA1] =	sst s6  }
0xf: {  	[smem:$0x3FA2] =	sst s7  }
0x10: {  	[smem:$0x3FA3] =	sst s8  }
0x11: {  	[smem:$0x3FA4] =	sst s9;
	s0 =	simm.s32 @!p0 $0x0  }
0x12: {  	s1 =	sld [smem:$0x3F8A];
	s0 =	simm.s32 @p0 $0x1  }
0x13: {  	[smem:$0x3FA5] =	sst s0;
	s0 =	simm.s32 @!p1 $0x0  }
0x14: {  	s2 =	sld [smem:$0x3F89];
	s0 =	simm.s32 @p1 $0x1  }
0x15: {  	[smem:$0x3FA6] =	sst s0;
	s0 =	simm.s32 @!p2 $0x0  }
0x16: {  	s3 =	sld [smem:$0x3FDB];
	s0 =	simm.s32 @p2 $0x1  }
0x17: {  	s4 =	simm.s32 $0x1BF5;
	[smem:$0x3FA8] =	sst s0  }
0x18: {  	s0 =	sld [smem:$0x3F8B];
	_ =	swait.ge [sflag:s4], $0x0  }
0x19: {  	s7 =	sld [smem:$0x3F8C]  }
0x1a: {  	s8 =	sadd.s32 $0xFFFFE003, lr  }
0x1b: {  	s9 =	sadd.s32 $0xFFFFFEF7, lr;
	s5 =	simm.s32 $0xFFFFFFFF;
	p2 =	slt.u32 s8, $0xFFFFF086  }
0x1c: {  	p1 =	slt.u32 s9, $0xF7A;
	s5 =	simm.s32 @!p2 $0x0  }
0x1d: {  	s5 =	simm.s32 @p1 $0x1;
	p0 =	seq.s32 s7, s2  }
0x1e: {  	s7 =	smul.u32 @!p0 $0xF7A, s2;
	p2 =	seq.s32 @!p0 s5, $0x0  }
0x1f: {  	s9 =	smul.u32 $0xF7A, s1;
	s8 =	simm.s32 @!p0 $0x1BF5;
	p2 =	por !p2, p0  }
0x20: {  	[sflag:s8] =	ssyncset.s32 @!p0 $0xFFFFF086;
	s6 =	sadd.s32 @!p0 s3, s7;
	s7 =	simm.s32 @!p0 $0x108  }
0x21: {  	s3 =	sadd.s32 s3, s9;
	s6 =	sadd.s32 @!p0 $0x88, s6;
	s7 =	simm.s32 @p2 $0x1082  }
0x22: {  	[simem:s7], [sflag:s8] =	dma.local @!p0 [hbm:s6], $0xF7A  }
0x23: {  	s9 =	sor.u32 $0xD0000000, s2;
	s6 =	simm.s32 $0x108;
	_ =	swait.ge @!p0 [sflag:s8], $0x0  }
0x24: {  	s3 =	sadd.s32 $0x88, s3;
	s6 =	simm.s32 @!p1 $0x1082;
	[sflag:s4] =	ssyncset.s32 $0xFFFFF086  }
0x25: {  	[simem:s6], [sflag:s4] =	dma.local [hbm:s3], $0xF7A  }
0x26: {  	[smem:$0x3F8C] =	sst s1;
	(tag) =	ssettag s2;
	_ =	strace s9  }
0x27: {  	s1 =	sld [smem:$0x3F9C]  }
0x28: {  	s2 =	sld [smem:$0x3F9D]  }
0x29: {  	s4 =	sld [smem:$0x3F9F]  }
0x2a: {  	p0 =	seq.s32 s5, $0x0;
	s5 =	sld [smem:$0x3FA0]  }
0x2b: {  	s6 =	sld [smem:$0x3FA1]  }
0x2c: {  	s7 =	sld [smem:$0x3FA2]  }
0x2d: {  	s3 =	simm.s32 $0x108;
	s8 =	sld [smem:$0x3FA3]  }
0x2e: {  	s3 =	simm.s32 @!p0 $0x1082;
	s9 =	sld [smem:$0x3FA4]  }
0x2f: {  	lr =	sadd.s32 s0, s3;
	s0 =	sld [smem:$0x3F9B]  }
0x30: {  	s3 =	sld [smem:$0x3F9E]  }
0x31: {  	[smem:$0x3FA7] =	sst s10  }
0x32: {  	s10 =	sld [smem:$0x3FA5];
	_ =	sdelay $0x3  }
0x33: {  	p0 =	seq.s32 s10, $0x1;
	s10 =	sld [smem:$0x3FA7];
	_ =	sdelay $0x3  }
0x34: {  	[smem:$0x3FA7] =	sst s10  }
0x35: {  	s10 =	sld [smem:$0x3FA6];
	_ =	sdelay $0x3  }
0x36: {  	p1 =	seq.s32 s10, $0x1;
	s10 =	sld [smem:$0x3FA7];
	_ =	sdelay $0x3  }
0x37: {  	[smem:$0x3FA7] =	sst s10  }
0x38: {  	s10 =	sld [smem:$0x3FA8]  }
0x39: {  	_ = 	snop;
	(pc) =	sbr.ind lr, $3  }
0x3a: {  	_ = 	snop  }
0x3b: {  	_ = 	snop  }
0x3c: {  	p2 =	seq.s32 s10, $0x1;
	s10 =	sld [smem:$0x3FA7]  }
0x3d: {  	_ =	shalt  }
0x3e: {  	_ =	shalt  }
0x3f: {  	_ =	shalt  }
0x40: {  	_ =	shalt  }
0x41: {  	_ =	shalt  }
0x42: {  	_ =	shalt  }
0x43: {  	_ =	shalt  }
0x44: {  	_ =	shalt  }
0x45: {  	_ =	shalt  }
0x46: {  	_ =	shalt  }
0x47: {  	_ =	shalt  }
0x48: {  	_ =	shalt  }
0x49: {  	_ =	shalt  }
0x4a: {  	_ =	shalt  }
0x4b: {  	_ =	shalt  }
0x4c: {  	_ =	shalt  }
0x4d: {  	_ =	shalt  }
0x4e: {  	_ =	shalt  }
0x4f: {  	_ =	shalt  }
0x50: {  	_ =	shalt  }
0x51: {  	_ =	shalt  }
0x52: {  	_ =	shalt  }
0x53: {  	_ =	shalt  }
0x54: {  	_ =	shalt  }
0x55: {  	_ =	shalt  }
0x56: {  	_ =	shalt  }
0x57: {  	_ =	shalt  }
0x58: {  	_ =	shalt  }
0x59: {  	_ =	shalt  }
0x5a: {  	_ =	shalt  }
0x5b: {  	_ =	shalt  }
0x5c: {  	_ =	shalt  }
0x5d: {  	_ =	shalt  }
0x5e: {  	_ =	shalt  }
0x5f: {  	_ =	shalt  }
0x60: {  	_ =	shalt  }
0x61: {  	_ =	shalt  }
0x62: {  	_ =	shalt  }
0x63: {  	_ =	shalt  }
0x64: {  	_ =	shalt  }
0x65: {  	_ =	shalt  }
0x66: {  	_ =	shalt  }
0x67: {  	_ =	shalt  }
0x68: {  	_ =	shalt  }
0x69: {  	_ =	shalt  }
0x6a: {  	_ =	shalt  }
0x6b: {  	_ =	shalt  }
0x6c: {  	_ =	shalt  }
0x6d: {  	_ =	shalt  }
0x6e: {  	_ =	shalt  }
0x6f: {  	_ =	shalt  }
0x70: {  	_ =	shalt  }
0x71: {  	_ =	shalt  }
0x72: {  	_ =	shalt  }
0x73: {  	_ =	shalt  }
0x74: {  	_ =	shalt  }
0x75: {  	_ =	shalt  }
0x76: {  	_ =	shalt  }
0x77: {  	_ =	shalt  }
0x78: {  	_ =	shalt  }
0x79: {  	_ =	shalt  }
0x7a: {  	_ =	shalt  }
0x7b: {  	_ =	shalt  }
0x7c: {  	_ =	shalt  }
0x7d: {  	_ =	shalt  }
0x7e: {  	_ =	shalt  }
0x7f: {  	_ =	shalt  }
0x80: {  	_ =	shalt  }
0x81: {  	_ =	shalt  }
0x82: {  	_ =	shalt  }
0x83: {  	_ =	shalt  }
0x84: {  	_ =	shalt  }
0x85: {  	_ =	shalt  }
0x86: {  	_ =	shalt  }
0x87: {  	_ =	shalt  }
.Lfunc_end0:
.L_simem_size_0:
called_computation.3_lowered:
.L_overlay_start_0:
0x88: {  	s0 =	sld [smem:$0x3FD9]  }
0x89: {  	s1 =	sld [smem:$0x3FFE];
	_ =	sdelay $0x3  }
0x8a: {  	s0 =	sadd.s32 s1, s0  }
0x8b: {  	[smem:$0x3FB3] =	sst s0  }
0x8c: {  	_ = 	snop  }
0x8d: {  	s14 =	sld [smem:$0x3FD0];
	(tm) =	ssettm $0x1  }
0x8e: {  	s15 =	sld [smem:$0x3FFB];
	_ =	sdelay $0x3  }
0x8f: {  	_ =	strace s15  }
0x90: {  	s0 =	sld [smem:$0x3FFC];
	_ =	sdelay $0x3  }
0x91: {  	_ =	strace s0  }
0x92: {  	s0 =	sld [smem:$0x3FFD];
	_ =	sdelay $0x3  }
0x93: {  	_ =	strace s0  }
0x94: {  	_ =	strace $0x8FFFFFFF  }
0x95: {  	s16 =	sld [smem:$0x3FDB];
	_ =	sdelay $0x1  }
0x96: {  	s2 =	simm.s32 $_scs_section_size  }
0x97: {  	s3 =	simm.s32 $_size__tile_overlayer_lowered;
	s4 =	simm.s32 $_tile_overlayer_lowered  }
0x98: {  	s5 =	simm.s32 $0x1BFF;
	s17 =	sshll.u32 s4, $0x1;
	s2 =	sadd.s32 s2, s16  }
0x99: {  	s18 =	simm.s32 $0x0;
	s3 =	sshll.u32 s3, $0x1;
	s4 =	sadd.s32 s17, s2  }
0x9a: {  	[timem:s18], [sflag:s5] =	dma.local [hbm:s4], s3  }
0x9b: {  	_ =	swait.ge [sflag:s5], s3  }
0x9c: {  	s3 =	ssub.s32 $0x0, s3;
	[sflag:s5] =	ssyncset.done $0x0  }
0x9d: {  	[sflag:s5] =	ssyncadd.s32 s3;
	_ =	sdelay $0x1  }
0x9e: {  	s19 =	simm.s32 $0x1B8B  }
0x9f: {  	_ =	swait.ge [sflag:s19], $0x1  }
0xa0: {  	[sflag:s19] =	ssyncset.done $0x0  }
0xa1: {  	s21 =	simm.s32 $0x1B8E;
	s20 =	sld [smem:$0x3FFE];
	[sflag:s19] =	ssyncadd.s32 $0xFFFFFFFF  }
0xa2: {  	s22 =	simm.s32 $execute0_lowered;
	[smem:$0x3FD2] =	sst s21  }
0xa3: {  	s4 =	sshll.u32 s22, $0x1;
	_ =	strace $0x8000005B;
	[dreg:$0x1] =	wrdreg $0xFFFFFFFF  }
0xa4: {  	s23 =	simm.s32 $_size_execute0_lowered;
	s4 =	sadd.s32 s2, s4;
	[dreg:$0x0] =	wrdreg $0x0  }
0xa5: {  	s5 =	sshll.u32 s23, $0x1;
	[dreg:$0x2] =	wrdreg s4  }
0xa6: {  	[dreg:$0x3] =	wrdreg s5  }
0xa7: {  	[dreg:$0x4] =	wrdreg $0xC0  }
0xa8: {  	s24 =	simm.s32 $execute1_lowered;
	_ =	task [dreg:s18], $0x5FFFF  }
0xa9: {  	s4 =	sshll.u32 s24, $0x1;
	[dreg:$0x1] =	wrdreg $0xFFFFFFFF  }
0xaa: {  	s2 =	sadd.s32 s2, s4;
	[dreg:$0x0] =	wrdreg $0x60  }
0xab: {  	[dreg:$0x2] =	wrdreg s2  }
0xac: {  	[dreg:$0x3] =	wrdreg s14  }
0xad: {  	[dreg:$0x4] =	wrdreg s20  }
0xae: {  	[dreg:$0x5] =	wrdreg $0xA  }
0xaf: {  	_ =	task.clear_ibuf [dreg:s18], $0x6FFFF;
	_ =	strace $0x9000005B  }
0xb0: {  	s25 =	simm.s32 $0xA;
	_ =	strace $0x8000005D  }
0xb1: {  	_ =	swait.ge [sflag:s25], $0x1  }
0xb2: {  	[sflag:s25] =	ssyncadd.s32 $0xFFFFFFFF  }
0xb3: {  	_ =	strace $0x9000005D  }
0xb4: {  	_ =	strace $0x8000005E;
	[dreg:$0x1] =	wrdreg $0xFFFFFFFF  }
0xb5: {  	[dreg:$0x0] =	wrdreg $0x2030  }
0xb6: {  	[dreg:$0x2] =	wrdreg s20  }
0xb7: {  	[dreg:$0x3] =	wrdreg $0xB  }
0xb8: {  	_ =	task.clear_ibuf [dreg:s18], $0x4FFFF;
	_ =	strace $0x9000005E  }
0xb9: {  	s26 =	simm.s32 $0xB;
	_ =	strace $0x80000060  }
0xba: {  	_ =	swait.ge [sflag:s26], $0x1  }
0xbb: {  	[sflag:s26] =	ssyncadd.s32 $0xFFFFFFFF  }
0xbc: {  	_ =	strace $0x90000060  }
0xbd: {  	_ =	sfence  }
0xbe: {  	s28 =	sld [smem:$0x0];
	_ =	sdelay $0x1  }
0xbf: {  	s29 =	srdreg.scid  }
0xc0: {  	s30 =	sshll.u32 s29, $0xD;
	s31 =	sshrl.u32 s29, $0x2  }
0xc1: {  	s3 =	sand.u32 $0x4000, s30;
	s2 =	sand.u32 $0x1, s29;
	s1 =	sadd.s32 s31, s28  }
0xc2: {  	s2 =	sor.u32 s3, s2;
	s1 =	sshll.u32 s1, $0x11  }
0xc3: {  	s1 =	sor.u32 s1, s2  }
0xc4: {  	s1 =	sadd.s32 $0x8F2B, s1  }
0xc5: {  	[sflag:s1] =	ssyncadd.remote.s32 $0x1  }
0xc6: {  	_ =	sfence.sel $0xFFFF  }
0xc7: {  	[dreg:$0x0] =	wrdreg $0xFFFFFFFF;
	(pc) =	sbr.abs _section_cstart, $3  }
0xc8: {  	[dreg:$0x1] =	wrdreg $0xFFFFFFFF  }
0xc9: {  	_ =	task.clear_ibuf [dreg:s18], $0x2FFFF;
	_ =	strace $0x9FFFFFFF  }
0xca: {  	(tm) =	ssettm $0x7FFFFFFF  }
0xcb: {  	_ =	shalt  }
tec
execute0_lowered:
.L_overlay_start_1:
0x0: {  	(tag) =	ssettag $0x1  }
0x1: {  	s3 =	rddreg [dreg:$0x0]  }
0x2: {  	s2 =	rddreg [dreg:$0x1]  }
0x3: {  	s4 =	rddreg [dreg:$0x2]  }
0x4: {  	s0 =	rddreg [dreg:$0x3];
	s5 =	stileid.u32;
	[bflag:$0x3] =	sbarrier.arrive $0xFFFF  }
0x5: {  	s1 =	simm.s32 $_size_execute1_lowered;
	s31 =	simm.s32 $0x2;
	p0 =	sne.s32 s5, $0x0  }
0x6: {  	s1 =	sshll.u32 s1, $0x1;
	s6 =	simm.s32 @!p0 $0x1C3F;
	s7 =	simm.s32 @!p0 $0x4060  }
0x7: {  	[timem:s7], [sflag:s6] =	dma.local @!p0 [hbm:s3], s1  }
.Ltmp0:
0x8: {  	s8 =	simm.s32 $0x0;
	s12 =	simm.s32 $0x0;
	(pc) =	sbr.rel .LBB2_1-.Ltmp0, $4  }
0x9: {  	s10 =	simm.s32 $0x0;
	s11 =	simm.s32 $0x0;
	s3 =	sshll.u32 s5, $0x7  }
0xa: {  	s5 =	simm.s32 $0x1;
	_ =	strace $0x8000005C;
	s30 =	ssub.s32 $0x2700, s3  }
0xb: {  	s4 =	sadd.s32 $0x581400, s4;
	[sflag:s5] =	ssyncpa.u1 $0x0;
	s6 =	sshrl.u32 s30, $0xB  }
0xc: {  	s9 =	smov.u32 s3;
	[sflag:s31] =	ssyncpa.u1 $0x0;
	s7 =	sadd.s32 $0x2, s6  }
.LBB2_4:
0xd: {  	_ = 	snop  }
.LBB2_7:
0xe: {  	_ =	sdelay $0x3  }
0xf: {  	[tilespmem:v0+s16+$0x0 ss:$0x1] =	vst.idx.msk @p1 $0xffff, v2  }
0x10: {  	v56 =	vld.idx.msk [tilespmem:v1+s15+$0x0 ss:$0x1], $0xffff;
	s24 =	sor.u32 $0x70, s15;
	[tilespmem:v0+s17+$0x0 ss:$0x1] =	vst.idx.msk @p1 $0xffff, v4  }
0x11: {  	s25 =	sor.u32 $0x10, s15;
	[tilespmem:v0+s18+$0x0 ss:$0x1] =	vst.idx.msk @p1 $0xffff, v3;
	v57 =	vld.idx.msk [tilespmem:v1+s24+$0x0 ss:$0x1], $0xffff  }
0x12: {  	s26 =	sor.u32 $0x20, s15;
	[tilespmem:v0+s19+$0x0 ss:$0x1] =	vst.idx.msk @p1 $0xffff, v5;
	v58 =	vld.idx.msk [tilespmem:v1+s25+$0x0 ss:$0x1], $0xffff  }
0x13: {  	s28 =	sor.u32 $0x30, s15;
	[tilespmem:v0+s20+$0x0 ss:$0x1] =	vst.idx.msk @p1 $0xffff, v6;
	v59 =	vld.idx.msk [tilespmem:v1+s26+$0x0 ss:$0x1], $0xffff  }
0x14: {  	s29 =	sor.u32 $0x40, s15;
	[tilespmem:v0+s21+$0x0 ss:$0x1] =	vst.idx.msk @p1 $0xffff, v7;
	v60 =	vld.idx.msk [tilespmem:v1+s28+$0x0 ss:$0x1], $0xffff  }
0x15: {  	s30 =	sor.u32 $0x50, s15;
	v61 =	vld.idx.msk [tilespmem:v1+s29+$0x0 ss:$0x1], $0xffff;
	[tilespmem:v0+s15+$0x0 ss:$0x1] =	vst.idx.msk $0xffff, v56  }
0x16: {  	s31 =	sor.u32 $0x60, s15;
	v62 =	vld.idx.msk [tilespmem:v1+s30+$0x0 ss:$0x1], $0xffff;
	[tilespmem:v0+s24+$0x0 ss:$0x1] =	vst.idx.msk $0xffff, v57  }
0x17: {  	v63 =	vld.idx.msk [tilespmem:v1+s31+$0x0 ss:$0x1], $0xffff;
	[tilespmem:v0+s25+$0x0 ss:$0x1] =	vst.idx.msk $0xffff, v58  }
0x18: {  	[tilespmem:v0+s26+$0x0 ss:$0x1] =	vst.idx.msk $0xffff, v59  }
0x19: {  	[tilespmem:v0+s28+$0x0 ss:$0x1] =	vst.idx.msk $0xffff, v60  }
0x1a: {  	[tilespmem:v0+s29+$0x0 ss:$0x1] =	vst.idx.msk $0xffff, v61  }
0x1b: {  	[tilespmem:v0+s30+$0x0 ss:$0x1] =	vst.idx.msk $0xffff, v62  }
0x1c: {  	[tilespmem:v0+s31+$0x0 ss:$0x1] =	vst.idx.msk $0xffff, v63  }
.LBB2_8:
0x1d: {  	s15 =	sand.u32 $0x1FFFFFF, s10  }
0x1e: {  	s16 =	smulhi.u32 $0x1A36E2F, s15;
	_ =	sdelay $0x1  }
0x1f: {  	s16 =	sshrl.u32 s16, $0x6  }
0x20: {  	s16 =	smul.u32 $0x2710, s16;
	_ =	sdelay $0x1  }
0x21: {  	s15 =	ssub.s32 s15, s16  }
0x22: {  	s15 =	sshll.u32 s15, $0x4  }
0x23: {  	s15 =	sadd.s32 s4, s15  }
0x24: {  	[hbm4b:s15+s8] =	stream.linear.scatter [tilespmem:s14], [sflag:$0x2], s13, $0x38;
	[tilespmem:$0x10000] =	vst v63  }
.LBB2_9:
0x25: {  	p1 =	slt.u32 s11, $0x2  }
0x26: {  	p2 =	sgt.s32 @!p1 s12, $0x2690  }
0x27: {  	s13 =	smov.u32 s12;
	s14 =	sshra.s32 @!p1 s12, $0x1F;
	p2 =	por !p2, p1  }
0x28: {  	s12 =	sand.u32 @!p1 s14, s12;
	s13 =	simm.s32 @p2 $0x2690  }
0x29: {  	s12 =	ssub.s32 @!p1 s13, s12  }
0x2a: {  	s12 =	sadd.s32 @!p1 $0xFFFFD970, s12  }
0x2b: {  	s13 =	sshll.u32 @!p1 s12, $0x9  }
0x2c: {  	p2 =	sgt.s32 @!p1 s12, $0x7F;
	s12 =	ssub.s32 @!p1 $0x10000, s13  }
0x2d: {  	s14 =	sadd.s32 $0x800, s9;
	p2 =	por !p2, p1;
	s12 =	sshrl.u32 @!p1 s12, $0x2  }
0x2e: {  	s12 =	simm.s32 @!p2 $0x0;
	p2 =	sgt.s32 s14, $0x270F  }
0x2f: {  	s14 =	smov.u32 @p2 s3;
	p2 =	sne.s32 s11, s7  }
.Ltmp1:
0x30: {  	_ = 	snop;
	(pc) =	sbr.rel @!p2 .LBB2_10-.Ltmp1, $4  }
0x31: {  	s13 =	simm.s32 @!p1 $0x2  }
0x32: {  	_ =	swait.ge @!p1 [sflag:s13], s12;
	s15 =	ssub.s32 @!p1 $0x0, s12  }
0x33: {  	s12 =	smov.u32 s10;
	s11 =	sadd.s32 $0x1, s11;
	[sflag:s13] =	ssyncset.done @!p1 $0x0  }
0x34: {  	s10 =	smov.u32 s9;
	s9 =	smov.u32 s14;
	[sflag:s13] =	ssyncadd.s32 @!p1 s15  }
.LBB2_1:
0x35: {  	p1 =	sgt.u32 s11, s6  }
0x36: {  	s13 =	sand.u32 @!p1 $0x1FFFFFF, s9  }
0x37: {  	p2 =	sgt.s32 @!p1 s9, $0x2690;
	s14 =	smulhi.u32 @!p1 $0x1A36E2F, s13  }
0x38: {  	s15 =	smov.u32 s9;
	s16 =	sshra.s32 @!p1 s9, $0x1F;
	p2 =	por !p2, p1  }
0x39: {  	s16 =	sand.u32 @!p1 s16, s9;
	s15 =	simm.s32 @p2 $0x2690;
	s14 =	sshrl.u32 @!p1 s14, $0x6  }
0x3a: {  	s15 =	ssub.s32 @!p1 s15, s16;
	s14 =	smul.u32 @!p1 $0x2710, s14  }
0x3b: {  	s16 =	sxor.u32 @!p1 $0xFFFFFFFF, s11;
	s15 =	sadd.s32 @!p1 $0xFFFFD970, s15  }
0x3c: {  	s16 =	sshll.u32 @!p1 s16, $0xE;
	s13 =	ssub.s32 @!p1 s13, s14;
	s14 =	sshll.u32 @!p1 s15, $0x9  }
0x3d: {  	s16 =	sand.u32 @!p1 $0x4000, s16;
	p2 =	sgt.s32 @!p1 s15, $0x7F;
	s14 =	ssub.s32 @!p1 $0x10000, s14  }
0x3e: {  	p2 =	por !p2, p1;
	s13 =	sshll.u32 @!p1 s13, $0x4;
	s14 =	sshrl.u32 @!p1 s14, $0x2  }
0x3f: {  	s15 =	simm.s32 @!p1 $0x0;
	s13 =	sadd.s32 @!p1 s2, s13;
	s14 =	simm.s32 @!p2 $0x0  }
0x40: {  	[tilespmem:s16], [sflag:$0x1] =	stream.linear.gather @!p1 [hbm4b:s13+s15], s14, $0x38;
	[tilespmem:$0x10000] =	vst v63  }
0x41: {  	p1 =	seq.s32 s11, $0x0  }
0x42: {  	p2 =	sge.u32 @!p1 s11, s7  }
0x43: {  	p1 =	por p1, p2  }
.Ltmp2:
0x44: {  	_ = 	snop;
	(pc) =	sbr.rel @p1 .LBB2_9-.Ltmp2, $1  }
0x45: {  	_ =	sdelay $0x3  }
0x46: {  	p1 =	sgt.s32 s10, $0x2690;
	s13 =	smov.u32 s10;
	s14 =	sshra.s32 s10, $0x1F  }
0x47: {  	s13 =	simm.s32 @!p1 $0x2690;
	s14 =	sand.u32 s14, s10  }
0x48: {  	s13 =	ssub.s32 s13, s14  }
0x49: {  	s13 =	sadd.s32 $0xFFFFD970, s13  }
0x4a: {  	s31 =	sshll.u32 s13, $0x9  }
0x4b: {  	s14 =	ssub.s32 $0x10000, s31  }
0x4c: {  	p1 =	sgt.s32 s13, $0x7F;
	s13 =	sshrl.u32 s14, $0x2;
	s14 =	sadd.s32 $0x80, s10  }
0x4d: {  	s13 =	simm.s32 @p1 $0x0;
	p1 =	slt.s32 s14, $0x2710  }
0x4e: {  	s14 =	simm.s32 @!p1 $0x2710  }
0x4f: {  	s16 =	ssub.s32 s14, s10  }
0x50: {  	p1 =	slt.s32 s16, $0x1  }
.Ltmp3:
0x51: {  	_ = 	snop;
	(pc) =	sbr.rel @p1 .LBB2_8-.Ltmp3, $4  }
0x52: {  	_ = 	snop  }
0x53: {  	s15 =	sshll.u32 s11, $0xE;
	_ =	swait.ge [sflag:s5], s13  }
0x54: {  	s15 =	sand.u32 $0x4000, s15;
	s17 =	ssub.s32 $0x0, s13;
	[sflag:s5] =	ssyncset.done $0x0  }
0x55: {  	s14 =	sor.u32 $0x8000, s15;
	[sflag:s5] =	ssyncadd.s32 s17  }
0x56: {  	p2 =	sne.s32 s16, $0x1  }
.Ltmp4:
0x57: {  	v1 =	vmov s15;
	v0 =	vmov s14;
	(pc) =	sbr.rel @!p2 .LBB2_4-.Ltmp4, $3  }
0x58: {  	_ =	sdelay $0x1  }
0x59: {  	s17 =	simm.s32 $0x0  }
0x5a: {  	s23 =	sadd.s32 $0xFFFFFFFF, s16;
	p1 =	por $0x0, $0x0;
	s15 =	sand.u32 $0x3F80, s17  }
0x5b: {  	_ =	sdelay $0x3  }
0x5c: {  	v6 =	vld.idx.msk [tilespmem:v1+s15+$0x0 ss:$0x1], $0xffff;
	s24 =	sor.u32 $0x70, s15  }
0x5d: {  	s16 =	sor.u32 $0x10, s15;
	v8 =	vld.idx.msk [tilespmem:v1+s24+$0x0 ss:$0x1], $0xffff  }
0x5e: {  	s17 =	sor.u32 $0x20, s15;
	p2 =	sne.s32 s23, $0x1;
	v2 =	vld.idx.msk [tilespmem:v1+s16+$0x0 ss:$0x1], $0xffff  }
.Ltmp5:
0x5f: {  	s18 =	sor.u32 $0x30, s15;
	v4 =	vld.idx.msk [tilespmem:v1+s17+$0x0 ss:$0x1], $0xffff;
	(pc) =	sbr.rel @!p2 .LBB2_7-.Ltmp5, $4  }
0x60: {  	s19 =	sor.u32 $0x40, s15;
	v3 =	vld.idx.msk [tilespmem:v1+s18+$0x0 ss:$0x1], $0xffff  }
0x61: {  	s21 =	sor.u32 $0x60, s15;
	v5 =	vld.idx.msk [tilespmem:v1+s19+$0x0 ss:$0x1], $0xffff  }
0x62: {  	s20 =	sor.u32 $0x50, s15;
	s22 =	simm.s32 $0x80;
	v7 =	vld.idx.msk [tilespmem:v1+s21+$0x0 ss:$0x1], $0xffff;
	[tilespmem:v0+s15+$0x0 ss:$0x1] =	vst.idx.msk $0xffff, v6  }
0x63: {  	s23 =	sadd.s32 $0xFFFFFFFF, s23;
	p1 =	por $0x1, $0x1;
	v6 =	vld.idx.msk [tilespmem:v1+s20+$0x0 ss:$0x1], $0xffff;
	s15 =	sand.u32 $0x3F80, s22;
	[tilespmem:v0+s24+$0x0 ss:$0x1] =	vst.idx.msk $0xffff, v8  }
.LBB2_6:
0x64: {  	p2 =	sne.s32 s23, $0x1;
	v8 =	vld.idx.msk [tilespmem:v1+s15+$0x0 ss:$0x1], $0xffff;
	s24 =	sor.u32 $0x70, s15;
	[tilespmem:v0+s16+$0x0 ss:$0x1] =	vst.idx.msk $0xffff, v2;
	s16 =	sor.u32 $0x10, s15  }
0x65: {  	s25 =	sor.u32 $0x30, s15;
	s26 =	sor.u32 $0x40, s15;
	v9 =	vld.idx.msk [tilespmem:v1+s24+$0x0 ss:$0x1], $0xffff;
	[tilespmem:v0+s17+$0x0 ss:$0x1] =	vst.idx.msk $0xffff, v4;
	s17 =	sor.u32 $0x20, s15  }
0x66: {  	s28 =	sor.u32 $0x50, s15;
	s29 =	sor.u32 $0x60, s15;
	v2 =	vld.idx.msk [tilespmem:v1+s16+$0x0 ss:$0x1], $0xffff;
	[tilespmem:v0+s18+$0x0 ss:$0x1] =	vst.idx.msk $0xffff, v3;
	s18 =	smov.u32 s25  }
.Ltmp6:
0x67: {  	v4 =	vld.idx.msk [tilespmem:v1+s17+$0x0 ss:$0x1], $0xffff;
	[tilespmem:v0+s19+$0x0 ss:$0x1] =	vst.idx.msk $0xffff, v5;
	s19 =	smov.u32 s26;
	(pc) =	sbr.rel @p2 .LBB2_6-.Ltmp6, $4  }
0x68: {  	v3 =	vld.idx.msk [tilespmem:v1+s18+$0x0 ss:$0x1], $0xffff;
	[tilespmem:v0+s20+$0x0 ss:$0x1] =	vst.idx.msk $0xffff, v6;
	s20 =	smov.u32 s28  }
0x69: {  	v5 =	vld.idx.msk [tilespmem:v1+s19+$0x0 ss:$0x1], $0xffff;
	[tilespmem:v0+s21+$0x0 ss:$0x1] =	vst.idx.msk $0xffff, v7;
	s21 =	smov.u32 s29  }
0x6a: {  	s22 =	sadd.s32 $0x80, s22;
	[tilespmem:v0+s15+$0x0 ss:$0x1] =	vst.idx.msk $0xffff, v8;
	v6 =	vld.idx.msk [tilespmem:v1+s20+$0x0 ss:$0x1], $0xffff  }
0x6b: {  	s23 =	sadd.s32 $0xFFFFFFFF, s23;
	s15 =	sand.u32 $0x3F80, s22;
	v7 =	vld.idx.msk [tilespmem:v1+s21+$0x0 ss:$0x1], $0xffff;
	[tilespmem:v0+s24+$0x0 ss:$0x1] =	vst.idx.msk $0xffff, v9  }
.Ltmp7:
0x6c: {  	_ = 	snop;
	(pc) =	sbr.rel .LBB2_7-.Ltmp7, $1  }
0x6d: {  	_ =	sdelay $0x3  }
.LBB2_10:
0x6e: {  	_ =	sfence.sel $0x180000  }
0x6f: {  	s2 =	simm.s32 $0x1;
	[bflag:$0x0] =	sbarrier.arrive $0xFFFF  }
0x70: {  	s31 =	simm.s32 $0x2;
	[sflag:s2] =	ssyncpa.u1 $0x1  }
0x71: {  	[sflag:s31] =	ssyncpa.u1 $0x1  }
0x72: {  	_ =	strace $0x9000005C  }
0x73: {  	s0 =	sadd.s32 @!p0 $0x100000, s0;
	[bflag:$0x2] =	sbarrier.arrive $0xFFFF  }
0x74: {  	[sflag:s0] =	ssyncadd.tile.s32 @!p0 $0x1;
	s0 =	simm.s32 @!p0 $0x3F  }
0x75: {  	_ =	swait.ge @!p0 [sflag:s0], s1  }
0x76: {  	s1 =	ssub.s32 @!p0 $0x0, s1;
	[sflag:s0] =	ssyncset.done @!p0 $0x0  }
0x77: {  	[sflag:s0] =	ssyncadd.s32 @!p0 s1  }
0x78: {  	[bflag:$0x3] =	sbarrier.arrive $0xFFFF  }
0x79: {  	_ =	shalt  }
.Lfunc_end2:
execute1_lowered:
.L_overlay_start_2:
0x7a: {  	(tag) =	ssettag $0x2  }
0x7b: {  	s0 =	rddreg [dreg:$0x0];
	_ =	strace $0x8000005F;
	s1 =	simm.s32 $0x1  }
0x7c: {  	s8 =	simm.s32 $0x108;
	v0 =	vimm.s32 $0x0;
	[sflag:s1] =	ssyncpa.u1 $0x0  }
0x7d: {  	[tilespmem:s8+$0x70] =	vst v0  }
0x7e: {  	[tilespmem:s8+$0x60] =	vst v0  }
0x7f: {  	[tilespmem:s8+$0x50] =	vst v0  }
0x80: {  	[tilespmem:s8+$0x40] =	vst v0  }
0x81: {  	[tilespmem:s8+$0x30] =	vst v0  }
0x82: {  	s2 =	simm.s32 $0x40;
	s1 =	sadd.s32 $0x581400, s0;
	[tilespmem:s8+$0x20] =	vst v0  }
0x83: {  	s3 =	sadd.s32 $0xB600, s0;
	s4 =	sadd.s32 $0x78200, s0;
	s5 =	sadd.s32 $0x15800, s0;
	[tilespmem:s8+$0x10] =	vst v0  }
.LBB3_1:
0x84: {  	s2 =	sadd.s32 $0x40, s2;
	[tilespmem:s8+$0x0] =	vst v0;
	s8 =	sadd.s32 $0x80, s8  }
0x85: {  	p0 =	slt.u32 s2, $0x3C40;
	[tilespmem:s8+$0x70] =	vst v0  }
0x86: {  	[tilespmem:s8+$0x60] =	vst v0  }
.Ltmp8:
0x87: {  	[tilespmem:s8+$0x50] =	vst v0;
	(pc) =	sbr.rel @p0 .LBB3_1-.Ltmp8, $4  }
0x88: {  	[tilespmem:s8+$0x40] =	vst v0  }
0x89: {  	[tilespmem:s8+$0x30] =	vst v0  }
0x8a: {  	[tilespmem:s8+$0x20] =	vst v0  }
0x8b: {  	[tilespmem:s8+$0x10] =	vst v0  }
0x8c: {  	s13 =	stileid.u32  }
0x8d: {  	s0 =	simm.s32 $0x4FB0;
	s6 =	smul.u32 $0x50A0, s13;
	p0 =	seq.s32 s13, $0xF  }
0x8e: {  	s0 =	simm.s32 @!p0 $0x50A0  }
0x8f: {  	s0 =	sadd.s32 s6, s0  }
0x90: {  	s7 =	smin.u32 s0, $0x50910  }
0x91: {  	s0 =	ssub.s32 s7, s6  }
0x92: {  	p0 =	sgt.s32 s0, $0x0  }
0x93: {  	s0 =	simm.s32 @!p0 $0x0  }
0x94: {  	s2 =	simm.s32 $0x2;
	s9 =	simm.s32 $0x7;
	s31 =	smulhi.u32 $0x1111112, s0  }
0x95: {  	s10 =	simm.s32 $0x8;
	s19 =	simm.s32 $0x0;
	s15 =	simm.s32 $0xA  }
0x96: {  	s17 =	simm.s32 $0x0;
	s18 =	simm.s32 $0x0;
	s11 =	smul.u32 $0xF0, s31  }
.Ltmp9:
0x97: {  	[tilespmem:s8+$0x0] =	vst v0;
	v0 =	vimm.s32 $0xFFFFFFFF;
	[sflag:s2] =	ssyncpa.u1 $0x0;
	s13 =	sshll.u32 s13, $0x8;
	(pc) =	sbr.rel .LBB3_3-.Ltmp9, $4  }
0x98: {  	[tilespmem:$0xF208] =	vst v0;
	[sflag:s9] =	ssyncpa.u1 $0x0;
	p0 =	sne.s32 s0, s11;
	s0 =	simm.s32 $0x1  }
0x99: {  	[sflag:s10] =	ssyncpa.u1 $0x0;
	s10 =	simm.s32 $0x9;
	s0 =	simm.s32 @!p0 $0x0  }
0x9a: {  	s16 =	smov.u32 s6;
	[sflag:s10] =	ssyncpa.u1 $0x0;
	s12 =	sadd.s32 s0, s31  }
0x9b: {  	v0 =	vlaneseq.u32;
	s11 =	simm.s32 $0x1;
	p0 =	por $0x0, $0x0;
	s14 =	sadd.s32 $0x1, s12  }
.LBB3_18:
0x9c: {  	s0 =	sshrl.u32 s28, $0x2  }
.LBB3_20:
0x9d: {  	_ =	swait.ge [sflag:s15], s0  }
0x9e: {  	s31 =	ssub.s32 $0x0, s0;
	v1 =	vmov s21;
	vm0 =	veq.s32 v0, $0x0;
	[sflag:s15] =	ssyncset.done $0x0  }
0x9f: {  	vm15 =	veq.s32 v0, $0x2;
	v1 =	vsel vm0, s26, v1;
	[sflag:s15] =	ssyncadd.s32 s31  }
0xa0: {  	v1 =	vsel vm15, s19, v1;
	[sflag:s15] =	ssyncpa.u1 $0x1  }
0xa1: {  	[tilespmem:$0xF208] =	vst v1  }
.LBB3_21:
0xa2: {  	s0 =	sadd.s32 $0xF0, s16  }
0xa3: {  	s2 =	smov.u32 s6;
	p1 =	slt.s32 s0, s7  }
0xa4: {  	s2 =	smov.u32 @p1 s0;
	p1 =	sne.s32 s18, s14  }
.Ltmp10:
0xa5: {  	_ = 	snop;
	(pc) =	sbr.rel @!p1 .LBB3_22-.Ltmp10, $3  }
0xa6: {  	_ =	sdelay $0x1  }
0xa7: {  	s19 =	smov.u32 s17;
	s31 =	sadd.s32 $0x1, s18;
	s17 =	smov.u32 s16  }
0xa8: {  	p0 =	por !p0, !p0;
	s18 =	smov.u32 s31;
	s16 =	smov.u32 s2  }
.LBB3_3:
0xa9: {  	p1 =	sge.u32 s18, s12  }
0xaa: {  	s0 =	smulhi.u32 @!p1 $0xAAAAAAAB, s18  }
0xab: {  	s2 =	smov.u32 s16;
	p2 =	sgt.s32 @!p1 s16, $0x50820  }
0xac: {  	s20 =	sshra.s32 @!p1 s16, $0x1F;
	p2 =	por !p2, p1;
	s0 =	sshrl.u32 @!p1 s0, $0x1  }
0xad: {  	s20 =	sand.u32 @!p1 s20, s16;
	s2 =	simm.s32 @p2 $0x50820;
	s0 =	smul.u32 @!p1 $0x3, s0  }
0xae: {  	s2 =	ssub.s32 @!p1 s2, s20  }
0xaf: {  	s2 =	sadd.s32 @!p1 $0xFFFAF7E0, s2;
	s0 =	ssub.s32 @!p1 s18, s0  }
0xb0: {  	s20 =	sshll.u32 @!p1 s2, $0x2;
	p2 =	sgt.s32 @!p1 s2, $0xEF;
	s0 =	smul.u32 @!p1 $0x3C0, s0  }
0xb1: {  	s21 =	sand.u32 @!p1 $0x7, s16;
	s2 =	ssub.s32 @!p1 $0x3C0, s20;
	p2 =	por !p2, p1  }
0xb2: {  	s20 =	sshrl.u32 @!p1 s16, $0x3;
	s2 =	sshrl.u32 @!p1 s2, $0x2;
	s0 =	sshrl.u32 @!p1 s0, $0x2  }
0xb3: {  	s20 =	sadd.s32 @!p1 s5, s20;
	s2 =	simm.s32 @!p2 $0x0;
	s0 =	sadd.s32 @!p1 $0x10238, s0  }
0xb4: {  	[tilespmem:s0], [sflag:$0x8] =	stream.linear.gather @!p1 [hbm4b:s20+s21], s2, $0x38;
	[tilespmem:$0x1F6E8] =	vst v63  }
0xb5: {  	s0 =	sadd.s32 $0xFFFFFFFF, s18  }
0xb6: {  	p1 =	sge.u32 s0, s12  }
0xb7: {  	p2 =	sgt.s32 @!p1 s17, $0x50820  }
0xb8: {  	s2 =	smov.u32 s17;
	s20 =	sshra.s32 @!p1 s17, $0x1F;
	p2 =	por !p2, p1  }
0xb9: {  	s20 =	sand.u32 @!p1 s20, s17;
	s2 =	simm.s32 @p2 $0x50820  }
0xba: {  	s2 =	ssub.s32 @!p1 s2, s20  }
0xbb: {  	s2 =	sadd.s32 @!p1 $0xFFFAF7E0, s2  }
0xbc: {  	s21 =	smulhi.u32 @!p1 $0xAAAAAAAB, s0;
	s22 =	sand.u32 @!p1 $0x1, s0;
	s20 =	sshll.u32 @!p1 s2, $0x2  }
0xbd: {  	s24 =	smul.u32 @!p1 $0x3C0, s22;
	p2 =	sgt.s32 @!p1 s2, $0xEF;
	s2 =	ssub.s32 @!p1 $0x3C0, s20  }
0xbe: {  	p2 =	por !p2, p1;
	s20 =	sshrl.u32 @!p1 s21, $0x1;
	s2 =	sshrl.u32 @!p1 s2, $0x2  }
0xbf: {  	s21 =	simm.s32 @!p1 $0x8;
	s20 =	smul.u32 @!p1 $0x3, s20;
	s2 =	simm.s32 @!p2 $0x0  }
0xc0: {  	s22 =	smul.u32 @!p1 $0x1E000, s22;
	_ =	swait.ge @!p1 [sflag:s21], s2;
	s23 =	ssub.s32 @!p1 $0x0, s2  }
0xc1: {  	s0 =	ssub.s32 @!p1 s0, s20;
	s20 =	sshrl.u32 @!p1 s17, $0x3;
	[sflag:s21] =	ssyncset.done @!p1 $0x0  }
0xc2: {  	s20 =	sadd.s32 @!p1 s3, s20;
	[sflag:s21] =	ssyncadd.s32 @!p1 s23;
	s21 =	sshrl.u32 @!p1 s24, $0x2  }
0xc3: {  	s0 =	smul.u32 @!p1 $0x3C0, s0;
	s23 =	sand.u32 @!p1 $0x7, s17;
	s21 =	sor.u32 @!p1 $0x10508, s21  }
0xc4: {  	[tilespmem:s21], [sflag:$0x9] =	stream.linear.gather @!p1 [hbm4b:s20+s23], s2, $0x38;
	[tilespmem:$0x1F6E8] =	vst v63  }
0xc5: {  	s0 =	sshrl.u32 @!p1 s0, $0x2;
	s2 =	sshrl.u32 @!p1 s22, $0x2  }
0xc6: {  	s0 =	sadd.s32 @!p1 $0x10238, s0;
	s20 =	simm.s32 @!p1 $0xF0;
	s2 =	sor.u32 @!p1 $0x106E8, s2  }
0xc7: {  	[tilespmem:s2], [sflag:$0x7] =	stream.indirect.gather @!p1 [hbm4b:s4+s20], $0x80, s0, s20, $0xb8;
	[tilespmem:$0x1F6E8] =	vst v63  }
0xc8: {  	p1 =	slt.u32 s18, $0x2  }
.Ltmp11:
0xc9: {  	_ = 	snop;
	(pc) =	sbr.rel @p1 .LBB3_21-.Ltmp11, $1  }
0xca: {  	_ =	sdelay $0x3  }
0xcb: {  	p1 =	sgt.s32 s19, $0x50820;
	s0 =	smov.u32 s19;
	s2 =	sshra.s32 s19, $0x1F  }
0xcc: {  	s0 =	simm.s32 @!p1 $0x50820;
	s2 =	sand.u32 s2, s19  }
0xcd: {  	s0 =	ssub.s32 s0, s2  }
0xce: {  	s0 =	sadd.s32 $0xFFFAF7E0, s0  }
0xcf: {  	s30 =	sshll.u32 s0, $0x2  }
0xd0: {  	_ =	swait.ge [sflag:s9], $0x7800;
	s2 =	ssub.s32 $0x3C0, s30  }
0xd1: {  	[sflag:s9] =	ssyncset.done $0x0;
	p1 =	sgt.s32 s0, $0xEF;
	s0 =	sshrl.u32 s2, $0x2  }
0xd2: {  	[sflag:s9] =	ssyncadd.s32 $0xFFFF8800;
	s0 =	simm.s32 @p1 $0x0  }
0xd3: {  	_ =	swait.ge [sflag:s10], s0  }
0xd4: {  	s0 =	ssub.s32 $0x0, s0;
	[sflag:s10] =	ssyncset.done $0x0  }
0xd5: {  	[sflag:s10] =	ssyncadd.s32 s0  }
0xd6: {  	v1 =	vld [tilespmem:$0xF208];
	_ =	sdelay $0x4  }
0xd7: {  	(v2sf) =	vpush v1, $0x0  }
0xd8: {  	(v2sf) =	vpush v1, $0x1  }
0xd9: {  	(v2sf) =	vpush v1, $0x2;
	_ =	sdelay $0x3  }
0xda: {  	s0 =	sadd.s32 $0xF0, s19  }
0xdb: {  	s2 =	ssub.s32 $0x50910, s19;
	p1 =	slt.s32 s7, s0  }
0xdc: {  	s0 =	smov.u32 @p1 s7;
	p1 =	sgt.s32 s2, $0x0  }
0xdd: {  	s23 =	ssub.s32 s0, s19;
	s2 =	simm.s32 @!p1 $0x0  }
0xde: {  	p1 =	slt.s32 s2, s23  }
0xdf: {  	s23 =	smov.u32 @p1 s2  }
0xe0: {  	s22 =	simm.s32 $0x1;
	p1 =	slt.s32 s23, $0x1  }
.Ltmp12:
0xe1: {  	s22 =	simm.s32 @!p0 $0x0;
	(pc) =	sbr.rel @p1 .LBB3_8-.Ltmp12, $4  }
0xe2: {  	s31 =	smul.u32 $0x3C0, s22  }
0xe3: {  	s24 =	spop (v2sf)  }
0xe4: {  	s0 =	sshrl.u32 s31, $0x2;
	s26 =	spop (v2sf)  }
0xe5: {  	s20 =	sor.u32 $0x10508, s0;
	s19 =	spop (v2sf)  }
0xe6: {  	s0 =	smin.u32 s23, $0x10  }
0xe7: {  	v1 =	vmov s0  }
0xe8: {  	p2 =	sgt.s32 s23, $0x10;
	vm1 =	vgt.u32 v1, v0  }
.Ltmp13:
0xe9: {  	_ = 	snop;
	(pc) =	sbr.rel @!p2 .LBB3_7-.Ltmp13, $2  }
0xea: {  	_ =	sdelay $0x2  }
0xeb: {  	s25 =	simm.s32 $0x10;
	s28 =	sadd.s32 $0xFFFFFFF0, s23;
	s21 =	smov.u32 s20;
	vm0 =	vmmov vm1  }
.LBB3_6:
0xec: {  	s0 =	smin.u32 s28, $0x10;
	s25 =	sadd.s32 $0x10, s25;
	v1 =	vld.msk [tilespmem:s21+$0x0 ss:$0x1], vm1  }
0xed: {  	v2 =	vmov s0;
	p2 =	slt.s32 s25, s23  }
0xee: {  	vm1 =	vgt.u32 v2, v0  }
.Ltmp14:
0xef: {  	(pc) =	sbr.rel @p2 .LBB3_6-.Ltmp14, $3  }
0xf0: {  	_ =	sdelay $0x1  }
0xf1: {  	v1 =	vshll.u32 v1, $0x4  }
0xf2: {  	s28 =	sadd.s32 $0xFFFFFFF0, s28;
	[tilespmem:s21+$0x0] =	vst.msk vm0, v1;
	s21 =	sadd.s32 $0x10, s21;
	vm0 =	vmmov vm1  }
.LBB3_7:
0xf3: {  	_ =	sdelay $0x4  }
0xf4: {  	v1 =	vld.msk [tilespmem:s21+$0x0 ss:$0x1], vm1;
	_ =	sdelay $0x4  }
0xf5: {  	v1 =	vshll.u32 v1, $0x4  }
0xf6: {  	[tilespmem:s21+$0x0] =	vst.msk vm0, v1  }
.LBB3_8:
0xf7: {  	s0 =	sand.u32 $0x1, s18  }
0xf8: {  	s0 =	smul.u32 $0xF0, s0  }
0xf9: {  	p2 =	sne.s32 s26, $0xFFFFFFFF  }
0xfa: {  	v1 =	vld.msk @!p2 [tilespmem:s0+$0x10508], $0x1;
	_ =	sdelay $0x4  }
0xfb: {  	(v2sf) =	vpush @!p2 v1, $0x0;
	_ =	sdelay $0xc  }
.Ltmp15:
0xfc: {  	_ = 	snop;
	(pc) =	sbr.rel @p1 .LBB3_19-.Ltmp15, $4  }
0xfd: {  	_ = 	snop  }
0xfe: {  	s25 =	spop @!p2 (v2sf)  }
0xff: {  	s19 =	simm.s32 @!p2 $0x0;
	s21 =	smov.u32 s25  }
0x100: {  	[sflag:s15] =	ssyncpa.u1 $0x0;
	s25 =	smov.u32 @p2 s24;
	s21 =	smov.u32 @p2 s26  }
0x101: {  	v1 =	vld.msk [tilespmem:s20+$0x0], $0x1;
	_ =	sdelay $0x4  }
0x102: {  	(v2sf) =	vpush v1, $0x0;
	_ =	sdelay $0xe  }
0x103: {  	s0 =	smul.u32 $0x1E000, s22;
	s29 =	spop (v2sf)  }
0x104: {  	s23 =	ssub.s32 $0x0, s23;
	p1 =	seq.s32 s25, s29  }
0x105: {  	s26 =	sadd.s32 $0x1, s23;
	s0 =	sshrl.u32 s0, $0x2;
	p2 =	sgt.s32 @!p1 s25, $0x0  }
0x106: {  	s22 =	sor.u32 $0x10728, s0;
	s0 =	smov.u32 s25;
	p2 =	por !p2, p1  }
0x107: {  	s0 =	simm.s32 @p2 $0x0;
	p2 =	seq.s32 s26, $0x0  }
.Ltmp16:
0x108: {  	_ = 	snop;
	(pc) =	sbr.rel @p2 .LBB3_11-.Ltmp16, $4  }
0x109: {  	_ = 	snop  }
0x10a: {  	s24 =	simm.s32 $0x0;
	s28 =	sadd.s32 $0x1, s20;
	s0 =	smin.u32 @!p1 s0, $0x270F0  }
0x10b: {  	s30 =	simm.s32 @!p1 $0x1;
	s31 =	simm.s32 @!p1 $0x7988;
	s2 =	sand.u32 @!p1 $0x3FFF8, s0  }
0x10c: {  	s30 =	smov.u32 @p1 s24;
	s0 =	sand.u32 @!p1 $0x7, s0;
	s2 =	sadd.s32 @!p1 s1, s2  }
.LBB3_10:
0x10d: {  	s8 =	smov.u32 s30  }
0x10e: {  	[tilespmem:s31], [sflag:$0x2] =	stream.linear.gather @!p1 [hbm4b:s2+s0], $0x80, $0x38;
	[tilespmem:$0x1F6E8] =	vst v63  }
0x10f: {  	s26 =	sadd.s32 $0x1, s26;
	s0 =	smov.u32 s29;
	v1 =	vld.msk [tilespmem:s28+$0x0], $0x1  }
0x110: {  	p2 =	seq.s32 s26, $0x0;
	_ =	sdelay $0x3  }
0x111: {  	(v2sf) =	vpush v1, $0x0;
	_ =	sdelay $0xe  }
0x112: {  	s29 =	spop (v2sf)  }
0x113: {  	p1 =	seq.s32 s0, s29  }
0x114: {  	p3 =	sgt.s32 @!p1 s0, $0x0;
	s2 =	sshll.u32 @!p1 s30, $0x9;
	s30 =	sadd.s32 @!p1 $0x1, s30  }
.Ltmp17:
0x115: {  	p3 =	por !p3, p1;
	s2 =	sshra.s32 @!p1 s2, $0x2;
	(pc) =	sbr.rel @!p2 .LBB3_10-.Ltmp17, $4  }
0x116: {  	s30 =	smov.u32 @p1 s8;
	s0 =	simm.s32 @p3 $0x0;
	s31 =	sadd.s32 @!p1 $0x7988, s2  }
0x117: {  	s0 =	smin.u32 @!p1 s0, $0x270F0  }
0x118: {  	s2 =	sand.u32 @!p1 $0x3FFF8, s0;
	s0 =	sand.u32 @!p1 $0x7, s0  }
0x119: {  	s28 =	sadd.s32 $0x1, s28;
	s2 =	sadd.s32 @!p1 s1, s2  }
.LBB3_11:
0x11a: {  	[tilespmem:s31], [sflag:$0x2] =	stream.linear.gather @!p1 [hbm4b:s2+s0], $0x80, $0x38;
	[tilespmem:$0x1F6E8] =	vst v63  }
.Ltmp18:
0x11b: {  	s30 =	sshll.u32 s30, $0x7;
	(pc) =	sbr.rel .LBB3_12-.Ltmp18, $4  }
0x11c: {  	s31 =	simm.s32 $0x2;
	s0 =	sand.u32 $0x3FFFFF80, s30  }
0x11d: {  	_ =	swait.ge [sflag:s31], s0  }
0x11e: {  	s0 =	ssub.s32 $0x0, s0;
	[sflag:s31] =	ssyncset.done $0x0  }
0x11f: {  	s28 =	simm.s32 $0x0;
	[sflag:s31] =	ssyncadd.s32 s0  }
.LBB3_13:
0x120: {  	v1 =	vld [tilespmem:s22+$0xFFFFFFC0];
	_ =	sdelay $0x3  }
0x121: {  	s0 =	sshra.s32 s0, $0x2  }
0x122: {  	[tilespmem:s0+$0x108] =	vst.add.f32.msk $0xffff, v1  }
0x123: {  	v1 =	vld [tilespmem:s22+$0xFFFFFFD0];
	_ =	sdelay $0x4  }
0x124: {  	[tilespmem:s0+$0x118] =	vst.add.f32.msk $0xffff, v1  }
0x125: {  	v1 =	vld [tilespmem:s22+$0xFFFFFFE0];
	_ =	sdelay $0x4  }
0x126: {  	[tilespmem:s0+$0x128] =	vst.add.f32.msk $0xffff, v1  }
0x127: {  	v1 =	vld [tilespmem:s22+$0xFFFFFFF0];
	_ =	sdelay $0x4  }
0x128: {  	[tilespmem:s0+$0x138] =	vst.add.f32.msk $0xffff, v1  }
0x129: {  	v1 =	vld [tilespmem:s22+$0x0];
	_ =	sdelay $0x4  }
0x12a: {  	[tilespmem:s0+$0x148] =	vst.add.f32.msk $0xffff, v1  }
0x12b: {  	v1 =	vld [tilespmem:s22+$0x10];
	_ =	sdelay $0x4  }
0x12c: {  	[tilespmem:s0+$0x158] =	vst.add.f32.msk $0xffff, v1  }
0x12d: {  	v1 =	vld [tilespmem:s22+$0x20];
	_ =	sdelay $0x4  }
0x12e: {  	[tilespmem:s0+$0x168] =	vst.add.f32.msk $0xffff, v1  }
0x12f: {  	v1 =	vld [tilespmem:s22+$0x30];
	_ =	sdelay $0x4  }
0x130: {  	[tilespmem:s0+$0x178] =	vst.add.f32.msk $0xffff, v1  }
.LBB3_17:
0x131: {  	s23 =	sadd.s32 $0x1, s23  }
0x132: {  	p1 =	seq.s32 s23, $0x0  }
.Ltmp19:
0x133: {  	_ = 	snop;
	(pc) =	sbr.rel @p1 .LBB3_18-.Ltmp19, $2  }
0x134: {  	_ =	sdelay $0x2  }
0x135: {  	s20 =	sadd.s32 $0x1, s20;
	s22 =	sadd.s32 $0x80, s22;
	s25 =	smov.u32 s26  }
.LBB3_12:
0x136: {  	v1 =	vld.msk [tilespmem:s20+$0x0], $0x1;
	_ =	sdelay $0x4  }
0x137: {  	(v2sf) =	vpush v1, $0x0;
	_ =	sdelay $0xe  }
0x138: {  	s26 =	spop (v2sf)  }
0x139: {  	p1 =	sne.s32 s25, s26  }
.Ltmp20:
0x13a: {  	_ = 	snop;
	(pc) =	sbr.rel @!p1 .LBB3_13-.Ltmp20, $2  }
0x13b: {  	_ =	sdelay $0x2  }
0x13c: {  	s0 =	sshll.u32 s19, $0x9  }
0x13d: {  	p1 =	seq.s32 s25, s21  }
.Ltmp21:
0x13e: {  	_ = 	snop;
	(pc) =	sbr.rel @!p1 .LBB3_15-.Ltmp21, $1  }
0x13f: {  	_ =	sdelay $0x3  }
0x140: {  	s0 =	sshra.s32 s0, $0x2  }
.Ltmp22:
0x141: {  	s0 =	sadd.s32 $0x108, s0;
	(pc) =	sbr.rel .LBB3_16-.Ltmp22, $4  }
0x142: {  	[spmem:s13] =	stream.linear.scatter [tilespmem:s0], [sflag:$0x1], $0x80, $0x38;
	[tilespmem:$0x1F6E8] =	vst v63  }
0x143: {  	_ =	swait.ge [sflag:s11], $0x80  }
0x144: {  	[sflag:s11] =	ssyncset.done $0x0  }
0x145: {  	[sflag:s11] =	ssyncadd.s32 $0xFFFFFF80  }
.LBB3_15:
0x146: {  	s2 =	sshll.u32 s24, $0x9  }
0x147: {  	s2 =	sshra.s32 s2, $0x2  }
0x148: {  	v1 =	vld [tilespmem:s2+$0x7988];
	_ =	sdelay $0x3  }
0x149: {  	s0 =	sshra.s32 s0, $0x2  }
0x14a: {  	[tilespmem:s0+$0x108] =	vst.add.f32.msk $0xffff, v1  }
0x14b: {  	v1 =	vld [tilespmem:s2+$0x7998];
	_ =	sdelay $0x4  }
0x14c: {  	[tilespmem:s0+$0x118] =	vst.add.f32.msk $0xffff, v1  }
0x14d: {  	v1 =	vld [tilespmem:s2+$0x79A8];
	_ =	sdelay $0x4  }
0x14e: {  	[tilespmem:s0+$0x128] =	vst.add.f32.msk $0xffff, v1  }
0x14f: {  	v1 =	vld [tilespmem:s2+$0x79B8];
	_ =	sdelay $0x4  }
0x150: {  	[tilespmem:s0+$0x138] =	vst.add.f32.msk $0xffff, v1  }
0x151: {  	v1 =	vld [tilespmem:s2+$0x79C8];
	_ =	sdelay $0x4  }
0x152: {  	[tilespmem:s0+$0x148] =	vst.add.f32.msk $0xffff, v1  }
0x153: {  	v1 =	vld [tilespmem:s2+$0x79D8];
	_ =	sdelay $0x4  }
0x154: {  	[tilespmem:s0+$0x158] =	vst.add.f32.msk $0xffff, v1  }
0x155: {  	v1 =	vld [tilespmem:s2+$0x79E8];
	_ =	sdelay $0x4  }
0x156: {  	[tilespmem:s0+$0x168] =	vst.add.f32.msk $0xffff, v1  }
0x157: {  	v1 =	vld [tilespmem:s2+$0x79F8];
	_ =	sdelay $0x2  }
0x158: {  	p1 =	sgt.u32 s25, $0x270F0  }
0x159: {  	s2 =	sand.u32 @!p1 $0x3FFF8, s25  }
0x15a: {  	s8 =	sadd.s32 $0x108, s0;
	[tilespmem:s0+$0x178] =	vst.add.f32.msk $0xffff, v1;
	s0 =	sadd.s32 @!p1 s1, s2;
	s2 =	sand.u32 @!p1 $0x7, s25  }
0x15b: {  	[hbm4b:s0+s2] =	stream.linear.scatter @!p1 [tilespmem:s8], [sflag:$0xA], $0x80, $0x38;
	[tilespmem:$0x1F6E8] =	vst v63  }
0x15c: {  	s0 =	simm.s32 $0x0  }
0x15d: {  	s0 =	simm.s32 @!p1 $0x200  }
0x15e: {  	s28 =	sadd.s32 s0, s28  }
.LBB3_16:
0x15f: {  	s0 =	sadd.s32 $0x1, s19  }
0x160: {  	s2 =	smulhi.u32 $0x88888889, s0;
	_ =	sdelay $0x1  }
0x161: {  	v1 =	vld [tilespmem:s22+$0xFFFFFFC0];
	s2 =	sshrl.u32 s2, $0x7  }
0x162: {  	s2 =	smul.u32 $0xF0, s2;
	_ =	sdelay $0x1  }
0x163: {  	s19 =	ssub.s32 s0, s2  }
0x164: {  	s0 =	sshll.u32 s19, $0x7  }
0x165: {  	[tilespmem:s0+$0x108] =	vst v1  }
0x166: {  	v1 =	vld [tilespmem:s22+$0xFFFFFFD0];
	_ =	sdelay $0x4  }
0x167: {  	[tilespmem:s0+$0x118] =	vst v1  }
0x168: {  	v1 =	vld [tilespmem:s22+$0xFFFFFFE0];
	_ =	sdelay $0x4  }
0x169: {  	[tilespmem:s0+$0x128] =	vst v1  }
0x16a: {  	v1 =	vld [tilespmem:s22+$0xFFFFFFF0];
	_ =	sdelay $0x4  }
0x16b: {  	[tilespmem:s0+$0x138] =	vst v1  }
0x16c: {  	v1 =	vld [tilespmem:s22+$0x0];
	_ =	sdelay $0x4  }
0x16d: {  	[tilespmem:s0+$0x148] =	vst v1  }
0x16e: {  	v1 =	vld [tilespmem:s22+$0x10];
	_ =	sdelay $0x4  }
0x16f: {  	[tilespmem:s0+$0x158] =	vst v1  }
0x170: {  	v1 =	vld [tilespmem:s22+$0x20];
	_ =	sdelay $0x4  }
0x171: {  	[tilespmem:s0+$0x168] =	vst v1  }
0x172: {  	v1 =	vld [tilespmem:s22+$0x30]  }
.Ltmp23:
0x173: {  	_ = 	snop;
	(pc) =	sbr.rel .LBB3_17-.Ltmp23, $2  }
0x174: {  	_ =	sdelay $0x2  }
0x175: {  	s24 =	sadd.s32 $0x1, s24;
	[tilespmem:s0+$0x178] =	vst v1  }
.LBB3_19:
.Ltmp24:
0x176: {  	(pc) =	sbr.rel .LBB3_20-.Ltmp24, $4  }
0x177: {  	_ = 	snop  }
0x178: {  	s0 =	simm.s32 $0x2  }
0x179: {  	_ =	swait.ge [sflag:s0], $0x0  }
0x17a: {  	s26 =	smov.u32 s25;
	[sflag:s0] =	ssyncset.done $0x0;
	s0 =	simm.s32 $0x0  }
.LBB3_22:
0x17b: {  	_ =	sfence.sel $0x180000  }
0x17c: {  	s0 =	simm.s32 $0x7;
	[bflag:$0x0] =	sbarrier.arrive $0xFFFF  }
0x17d: {  	s25 =	simm.s32 $0x8;
	[sflag:s0] =	ssyncpa.u1 $0x1  }
0x17e: {  	s26 =	simm.s32 $0x9;
	[sflag:s25] =	ssyncpa.u1 $0x1  }
0x17f: {  	s28 =	simm.s32 $0x2;
	[sflag:s26] =	ssyncpa.u1 $0x1  }
0x180: {  	[sflag:s28] =	ssyncpa.u1 $0x1  }
0x181: {  	v0 =	vld [tilespmem:$0xF208];
	_ =	sdelay $0x4  }
0x182: {  	(v2sf) =	vpush v0, $0x0  }
0x183: {  	(v2sf) =	vpush v0, $0x1;
	_ =	sdelay $0x1  }
0x184: {  	(v2sf) =	vpush v0, $0x2;
	_ =	sdelay $0xb  }
0x185: {  	s0 =	spop (v2sf)  }
0x186: {  	s2 =	spop (v2sf)  }
0x187: {  	s3 =	smov.u32 s0;
	p0 =	sne.s32 s0, s2  }
0x188: {  	s4 =	spop (v2sf);
	s3 =	simm.s32 @!p0 $0xFFFFFFFF  }
0x189: {  	v2 =	vimm.s32 $0x1;
	v3 =	vlaneseq.u32;
	p0 =	seq.s32 s4, $0xFFFFFFFF;
	v1 =	vmov s3  }
0x18a: {  	s7 =	stileid.u32;
	v0 =	vperm.xlane v0, v2;
	p1 =	sne.s32 @!p0 s0, s2;
	v1 =	vperm.xlane v1, v3  }
0x18b: {  	vm0 =	vcmask $0x3F04;
	s6 =	simm.s32 $0xF208;
	s0 =	simm.s32 @!p0 $0x1;
	p1 =	por !p1, p0  }
0x18c: {  	s3 =	sshll.u32 s7, $0x1;
	s2 =	sshll.u32 @!p0 s4, $0x9;
	s0 =	simm.s32 @p1 $0x0;
	v0 =	vsel vm0, v1, v0  }
0x18d: {  	s5 =	sor.u32 $0x1000, s3;
	s2 =	sshra.s32 @!p0 s2, $0x2;
	s0 =	sor.u32 @!p0 s0, s3;
	[tilespmem:$0xF208] =	vst v0  }
0x18e: {  	[spmem:s5] =	stream.linear.scatter [tilespmem:s6], [sflag:$0x1], $0x2, $0x38;
	[tilespmem:$0x1F6E8] =	vst v63  }
0x18f: {  	s2 =	sadd.s32 @!p0 $0x108, s2;
	s0 =	sshll.u32 @!p0 s0, $0x7  }
0x190: {  	[spmem:s0] =	stream.linear.scatter @!p0 [tilespmem:s2], [sflag:$0x1], $0x80, $0x38;
	[tilespmem:$0x1F6E8] =	vst v63  }
0x191: {  	s0 =	simm.s32 @!p0 $0x82  }
0x192: {  	s3 =	simm.s32 $0x1;
	s0 =	simm.s32 @p0 $0x2  }
0x193: {  	_ =	swait.ge [sflag:s3], s0  }
0x194: {  	s0 =	ssub.s32 $0x0, s0;
	[sflag:s3] =	ssyncset.done $0x0  }
0x195: {  	[sflag:s3] =	ssyncadd.s32 s0  }
0x196: {  	_ =	sfence.stream.spmem  }
0x197: {  	s29 =	simm.s32 $0x3;
	[bflag:$0x0] =	sbarrier.arrive $0xFFFF  }
0x198: {  	s30 =	simm.s32 $0x4;
	[sflag:s29] =	ssyncpa.u1 $0x1  }
0x199: {  	s31 =	simm.s32 $0x3C;
	[sflag:s30] =	ssyncpa.u1 $0x1  }
0x19a: {  	p0 =	sne.s32 s7, $0x0;
	[sflag:s31] =	ssyncpa.u1 $0x1  }
0x19b: {  	_ =	sfence @p0  }
0x19c: {  	[sflag:s3] =	ssyncpa.u1 @p0 $0x1  }
0x19d: {  	_ =	strace @p0 $0x9000005F  }
0x19e: {  	[bflag:$0x2] =	sbarrier.arrive @p0 $0xFFFF  }
0x19f: {  	_ =	shalt @p0  }
.LBB3_23:
0x1a0: {  	_ =	sfence.stream.spmem;
	s0 =	simm.s32 $0x5  }
0x1a1: {  	s2 =	simm.s32 $0x1000;
	s3 =	simm.s32 $0xF218;
	[sflag:s0] =	ssyncpa.u1 $0x0  }
0x1a2: {  	[tilespmem:s3], [sflag:$0x5] =	stream.linear.gather [spmem:s2], $0x20, $0x38;
	[tilespmem:$0x1F6E8] =	vst v63  }
0x1a3: {  	s30 =	simm.s32 $0xF238;
	s2 =	simm.s32 $0x0  }
0x1a4: {  	[tilespmem:s30], [sflag:$0x5] =	stream.linear.gather [spmem:s2], $0x1000, $0x38;
	[tilespmem:$0x1F6E8] =	vst v63  }
.Ltmp25:
0x1a5: {  	_ = 	snop;
	(pc) =	sbr.rel .LBB3_24-.Ltmp25, $4  }
0x1a6: {  	_ =	swait.ge [sflag:s0], $0x1020  }
0x1a7: {  	[sflag:s0] =	ssyncset.done $0x0  }
0x1a8: {  	s31 =	simm.s32 $0x6;
	[sflag:s0] =	ssyncadd.s32 $0xFFFFEFE0  }
0x1a9: {  	s3 =	simm.s32 $0x0;
	[sflag:s31] =	ssyncpa.u1 $0x0  }
.LBB3_30:
0x1aa: {  	p0 =	slt.u32 s4, $0x270F1  }
0x1ab: {  	s0 =	sand.u32 @p0 $0x3FFF8, s4  }
0x1ac: {  	s4 =	sand.u32 @p0 $0x7, s4;
	s5 =	simm.s32 @p0 $0xF188;
	s0 =	sadd.s32 @p0 s1, s0  }
0x1ad: {  	[tilespmem:s5], [sflag:$0x6] =	stream.linear.gather @p0 [hbm4b:s0+s4], $0x80, $0x38;
	[tilespmem:$0x1F6E8] =	vst v63  }
0x1ae: {  	s0 =	simm.s32 @p0 $0x6  }
0x1af: {  	_ =	swait.ge @p0 [sflag:s0], $0x80  }
0x1b0: {  	[sflag:s0] =	ssyncset.done @p0 $0x0  }
0x1b1: {  	[sflag:s0] =	ssyncadd.s32 @p0 $0xFFFFFF80  }
0x1b2: {  	v1 =	vld @p0 [tilespmem:$0xF188];
	_ =	sdelay $0x2  }
0x1b3: {  	s0 =	sshll.u32 @p0 s3, $0x9  }
0x1b4: {  	s4 =	sshrl.u32 @p0 s0, $0x2  }
0x1b5: {  	[tilespmem:s4+$0xF238] =	vst.add.f32.msk @p0 $0xffff, v1  }
0x1b6: {  	v1 =	vld @p0 [tilespmem:$0xF198];
	_ =	sdelay $0x4  }
0x1b7: {  	[tilespmem:s4+$0xF248] =	vst.add.f32.msk @p0 $0xffff, v1  }
0x1b8: {  	v1 =	vld @p0 [tilespmem:$0xF1A8];
	_ =	sdelay $0x4  }
0x1b9: {  	[tilespmem:s4+$0xF258] =	vst.add.f32.msk @p0 $0xffff, v1  }
0x1ba: {  	v1 =	vld @p0 [tilespmem:$0xF1B8];
	_ =	sdelay $0x4  }
0x1bb: {  	[tilespmem:s4+$0xF268] =	vst.add.f32.msk @p0 $0xffff, v1  }
0x1bc: {  	v1 =	vld @p0 [tilespmem:$0xF1C8];
	_ =	sdelay $0x4  }
0x1bd: {  	[tilespmem:s4+$0xF278] =	vst.add.f32.msk @p0 $0xffff, v1  }
0x1be: {  	v1 =	vld @p0 [tilespmem:$0xF1D8];
	_ =	sdelay $0x4  }
0x1bf: {  	[tilespmem:s4+$0xF288] =	vst.add.f32.msk @p0 $0xffff, v1  }
0x1c0: {  	v1 =	vld @p0 [tilespmem:$0xF1E8];
	_ =	sdelay $0x4  }
0x1c1: {  	[tilespmem:s4+$0xF298] =	vst.add.f32.msk @p0 $0xffff, v1  }
0x1c2: {  	v1 =	vld @p0 [tilespmem:$0xF1F8];
	_ =	sdelay $0x3  }
0x1c3: {  	s5 =	sshll.u32 @!p0 s3, $0x9  }
0x1c4: {  	s5 =	smov.u32 @p0 s0;
	[tilespmem:s4+$0xF2A8] =	vst.add.f32.msk @p0 $0xffff, v1  }
0x1c5: {  	s0 =	sshrl.u32 s5, $0x2;
	[tilespmem:s2+$0xF218] =	vst.msk $0x1, v0  }
0x1c6: {  	v0 =	vld [tilespmem:s0+$0xF238];
	_ =	sdelay $0x2  }
0x1c7: {  	s31 =	sshll.u32 s2, $0x9  }
0x1c8: {  	s4 =	sshra.s32 s31, $0x2  }
0x1c9: {  	[tilespmem:s4+$0xF238] =	vst v0  }
0x1ca: {  	v0 =	vld [tilespmem:s0+$0xF248];
	_ =	sdelay $0x4  }
0x1cb: {  	[tilespmem:s4+$0xF248] =	vst v0  }
0x1cc: {  	v0 =	vld [tilespmem:s0+$0xF258];
	_ =	sdelay $0x4  }
0x1cd: {  	[tilespmem:s4+$0xF258] =	vst v0  }
0x1ce: {  	v0 =	vld [tilespmem:s0+$0xF268];
	_ =	sdelay $0x4  }
0x1cf: {  	[tilespmem:s4+$0xF268] =	vst v0  }
0x1d0: {  	v0 =	vld [tilespmem:s0+$0xF278];
	_ =	sdelay $0x4  }
0x1d1: {  	[tilespmem:s4+$0xF278] =	vst v0  }
0x1d2: {  	v0 =	vld [tilespmem:s0+$0xF288];
	_ =	sdelay $0x4  }
0x1d3: {  	[tilespmem:s4+$0xF288] =	vst v0  }
0x1d4: {  	v0 =	vld [tilespmem:s0+$0xF298];
	_ =	sdelay $0x4  }
0x1d5: {  	[tilespmem:s4+$0xF298] =	vst v0  }
0x1d6: {  	v0 =	vld [tilespmem:s0+$0xF2A8];
	_ =	sdelay $0x4  }
0x1d7: {  	s2 =	sadd.s32 $0x1, s2;
	[tilespmem:s4+$0xF2A8] =	vst v0  }
.LBB3_31:
0x1d8: {  	s3 =	sadd.s32 $0x1, s3  }
0x1d9: {  	p0 =	sne.s32 s3, $0x20  }
.Ltmp26:
0x1da: {  	_ = 	snop;
	(pc) =	sbr.rel @!p0 .LBB3_32-.Ltmp26, $1  }
0x1db: {  	_ =	sdelay $0x3  }
.LBB3_24:
0x1dc: {  	v0 =	vld.msk [tilespmem:s3+$0xF218], $0x1;
	_ =	sdelay $0x4  }
0x1dd: {  	(v2sf) =	vpush v0, $0x0;
	_ =	sdelay $0xe  }
0x1de: {  	s4 =	spop (v2sf)  }
0x1df: {  	p0 =	seq.s32 s4, $0xFFFFFFFF  }
.Ltmp27:
0x1e0: {  	_ = 	snop;
	(pc) =	sbr.rel @p0 .LBB3_31-.Ltmp27, $1  }
0x1e1: {  	_ =	sdelay $0x3  }
0x1e2: {  	p0 =	slt.s32 s2, $0x1  }
.Ltmp28:
0x1e3: {  	_ = 	snop;
	(pc) =	sbr.rel @p0 .LBB3_30-.Ltmp28, $1  }
0x1e4: {  	_ =	sdelay $0x3  }
0x1e5: {  	s5 =	simm.s32 $0xF218;
	p0 =	por $0x0, $0x0  }
0x1e6: {  	v1 =	vld.msk @!p0 [tilespmem:s5+$0x0], $0x1;
	_ =	sdelay $0x4  }
0x1e7: {  	(v2sf) =	vpush @!p0 v1, $0x0;
	_ =	sdelay $0xd  }
0x1e8: {  	p2 =	sne.s32 s2, $0x1  }
.Ltmp29:
0x1e9: {  	s0 =	spop @!p0 (v2sf);
	(pc) =	sbr.rel @!p2 .LBB3_28-.Ltmp29, $4  }
0x1ea: {  	p1 =	seq.s32 @!p0 s4, s0  }
0x1eb: {  	s6 =	simm.s32 $0x0;
	p1 =	por !p1, p0  }
0x1ec: {  	s0 =	simm.s32 $0xFFFFFFFF;
	s6 =	simm.s32 @p1 $0xFFFFFFFF  }
0x1ed: {  	s7 =	simm.s32 $0x1;
	s6 =	smov.u32 @p0 s0  }
.LBB3_27:
0x1ee: {  	s0 =	smov.u32 s6;
	p0 =	sne.s32 s6, $0xFFFFFFFF  }
0x1ef: {  	s5 =	sadd.s32 $0x1, s5;
	s6 =	smov.u32 s7;
	s7 =	sadd.s32 $0x1, s7  }
0x1f0: {  	p1 =	sne.s32 s2, s7;
	v1 =	vld.msk @!p0 [tilespmem:s5+$0x0], $0x1;
	_ =	sdelay $0x4  }
0x1f1: {  	(v2sf) =	vpush @!p0 v1, $0x0;
	_ =	sdelay $0xe  }
.Ltmp30:
0x1f2: {  	s8 =	spop @!p0 (v2sf);
	(pc) =	sbr.rel @p1 .LBB3_27-.Ltmp30, $4  }
0x1f3: {  	p2 =	seq.s32 @!p0 s4, s8  }
0x1f4: {  	p2 =	por !p2, p0  }
0x1f5: {  	s6 =	simm.s32 @p2 $0xFFFFFFFF  }
0x1f6: {  	s6 =	smov.u32 @p0 s0  }
.LBB3_28:
0x1f7: {  	p0 =	seq.s32 s6, $0xFFFFFFFF  }
.Ltmp31:
0x1f8: {  	_ = 	snop;
	(pc) =	sbr.rel @p0 .LBB3_30-.Ltmp31, $1  }
0x1f9: {  	_ =	sdelay $0x3  }
0x1fa: {  	s0 =	sshll.u32 s3, $0x7  }
0x1fb: {  	s0 =	sand.u32 $0x3FFFFF80, s0  }
0x1fc: {  	v0 =	vld [tilespmem:s0+$0xF238];
	_ =	sdelay $0x2  }
0x1fd: {  	s4 =	sshll.u32 s6, $0x9  }
0x1fe: {  	s4 =	sshra.s32 s4, $0x2  }
0x1ff: {  	[tilespmem:s4+$0xF238] =	vst.add.f32.msk $0xffff, v0  }
0x200: {  	v0 =	vld [tilespmem:s0+$0xF248];
	_ =	sdelay $0x4  }
0x201: {  	[tilespmem:s4+$0xF248] =	vst.add.f32.msk $0xffff, v0  }
0x202: {  	v0 =	vld [tilespmem:s0+$0xF258];
	_ =	sdelay $0x4  }
0x203: {  	[tilespmem:s4+$0xF258] =	vst.add.f32.msk $0xffff, v0  }
0x204: {  	v0 =	vld [tilespmem:s0+$0xF268];
	_ =	sdelay $0x4  }
0x205: {  	[tilespmem:s4+$0xF268] =	vst.add.f32.msk $0xffff, v0  }
0x206: {  	v0 =	vld [tilespmem:s0+$0xF278];
	_ =	sdelay $0x4  }
0x207: {  	[tilespmem:s4+$0xF278] =	vst.add.f32.msk $0xffff, v0  }
0x208: {  	v0 =	vld [tilespmem:s0+$0xF288];
	_ =	sdelay $0x4  }
0x209: {  	[tilespmem:s4+$0xF288] =	vst.add.f32.msk $0xffff, v0  }
0x20a: {  	v0 =	vld [tilespmem:s0+$0xF298];
	_ =	sdelay $0x4  }
0x20b: {  	[tilespmem:s4+$0xF298] =	vst.add.f32.msk $0xffff, v0  }
0x20c: {  	v0 =	vld [tilespmem:s0+$0xF2A8]  }
.Ltmp32:
0x20d: {  	_ = 	snop;
	(pc) =	sbr.rel .LBB3_31-.Ltmp32, $2  }
0x20e: {  	_ =	sdelay $0x2  }
0x20f: {  	[tilespmem:s4+$0xF2A8] =	vst.add.f32.msk $0xffff, v0  }
.LBB3_32:
0x210: {  	p0 =	slt.s32 s2, $0x1  }
.Ltmp33:
0x211: {  	_ = 	snop;
	(pc) =	sbr.rel @p0 .LBB3_36-.Ltmp33, $3  }
0x212: {  	_ =	sdelay $0x1  }
0x213: {  	s0 =	simm.s32 $0x6  }
0x214: {  	s3 =	simm.s32 $0x0;
	[sflag:s0] =	ssyncpa.u1 $0x1  }
0x215: {  	s0 =	simm.s32 $0xF218  }
0x216: {  	v0 =	vld.msk [tilespmem:s0+$0x0], $0x1;
	_ =	sdelay $0x4  }
0x217: {  	(v2sf) =	vpush v0, $0x0;
	_ =	sdelay $0xd  }
0x218: {  	s2 =	sadd.s32 $0xFFFFFFFF, s2  }
0x219: {  	p1 =	sne.s32 s2, $0x0;
	s0 =	spop (v2sf)  }
.Ltmp34:
0x21a: {  	p0 =	sgt.u32 s0, $0x270F0;
	(pc) =	sbr.rel @!p1 .LBB3_35-.Ltmp34, $4  }
0x21b: {  	s4 =	simm.s32 $0xF238;
	s5 =	sand.u32 @!p0 $0x3FFF8, s0  }
0x21c: {  	s6 =	simm.s32 $0x0;
	s0 =	sand.u32 @!p0 $0x7, s0;
	s5 =	sadd.s32 @!p0 s1, s5  }
0x21d: {  	[hbm4b:s5+s0] =	stream.linear.scatter @!p0 [tilespmem:s4], [sflag:$0x5], $0x80, $0x38;
	[tilespmem:$0x1F6E8] =	vst v63  }
0x21e: {  	s6 =	simm.s32 @!p0 $0x200;
	s5 =	simm.s32 $0xF219  }
.LBB3_34:
0x21f: {  	v0 =	vld.msk [tilespmem:s5+$0x0], $0x1;
	s2 =	sadd.s32 $0xFFFFFFFF, s2;
	s3 =	sadd.s32 s3, s6  }
0x220: {  	p0 =	sne.s32 s2, $0x0;
	_ =	sdelay $0x3  }
0x221: {  	(v2sf) =	vpush v0, $0x0;
	_ =	sdelay $0xe  }
.Ltmp35:
0x222: {  	s0 =	spop (v2sf);
	(pc) =	sbr.rel @p0 .LBB3_34-.Ltmp35, $4  }
0x223: {  	s6 =	simm.s32 $0x0;
	p1 =	sgt.u32 s0, $0x270F0  }
0x224: {  	s4 =	sadd.s32 $0x80, s4;
	s6 =	simm.s32 @!p1 $0x200;
	s7 =	sand.u32 @!p1 $0x3FFF8, s0  }
0x225: {  	s5 =	sadd.s32 $0x1, s5;
	s0 =	sand.u32 @!p1 $0x7, s0;
	s7 =	sadd.s32 @!p1 s1, s7  }
0x226: {  	[hbm4b:s7+s0] =	stream.linear.scatter @!p1 [tilespmem:s4], [sflag:$0x5], $0x80, $0x38;
	[tilespmem:$0x1F6E8] =	vst v63  }
.LBB3_35:
0x227: {  	s0 =	sadd.s32 s3, s6  }
0x228: {  	s3 =	sshrl.u32 s0, $0x2  }
.LBB3_36:
0x229: {  	s0 =	simm.s32 $0x5  }
0x22a: {  	_ =	swait.ge [sflag:s0], s3  }
0x22b: {  	s1 =	ssub.s32 $0x0, s3;
	[sflag:s0] =	ssyncset.done $0x0  }
0x22c: {  	[sflag:s0] =	ssyncadd.s32 s1  }
0x22d: {  	[sflag:s0] =	ssyncpa.u1 $0x1  }
0x22e: {  	s30 =	simm.s32 $0x1;
	_ =	sfence  }
0x22f: {  	[sflag:s30] =	ssyncpa.u1 $0x1  }
0x230: {  	_ =	strace $0x9000005F  }
0x231: {  	[bflag:$0x2] =	sbarrier.arrive $0xFFFF  }
0x232: {  	s31 =	rddreg [dreg:$0x1]  }
0x233: {  	s0 =	sadd.s32 $0x100000, s31  }
0x234: {  	[sflag:s0] =	ssyncadd.tile.s32 $0x1;
	_ =	shalt  }
.Lfunc_end3:
_tile_overlayer_lowered:
.L_overlay_start_3:
0x235: {  	(tag) =	ssettag $0x3  }
0x236: {  	s0 =	rddreg [dreg:$0x0];
	s2 =	stileid.u32  }
0x237: {  	s1 =	rddreg [dreg:$0x1];
	p0 =	sne.s32 s2, $0x0  }
0x238: {  	s3 =	rddreg [dreg:$0x2];
	[bflag:$0x3] =	sbarrier.arrive $0xFFFF;
	s2 =	simm.s32 @!p0 $0x1C01  }
0x239: {  	[timem:s3], [sflag:s2] =	dma.local @!p0 [hbm:s0], s1  }
0x23a: {  	s0 =	simm.s32 @!p0 $0x1  }
0x23b: {  	_ =	swait.ge @!p0 [sflag:s0], s1  }
0x23c: {  	s1 =	ssub.s32 @!p0 $0x0, s1;
	[sflag:s0] =	ssyncset.done @!p0 $0x0  }
0x23d: {  	[sflag:s0] =	ssyncadd.s32 @!p0 s1  }
0x23e: {  	[bflag:$0x3] =	sbarrier.arrive $0xFFFF  }
0x23f: {  	_ =	shalt  }

// kernel: scatter_offload_async_start.4
scs
__scs_entry_jumppad:
0x0: {  	(pc) =	sbr.rel $0x88, $3  }
0x1: {  	(tag) =	ssettag $0x0;
	lr =	simm.s32 $0x1  }
0x2: {  	[smem:$0x3F8C] =	sst lr;
	_ =	strace $0xD0000000  }
0x3: {  	_ = 	snop  }
0x4: {  	_ = 	snop  }
0x5: {  	_ = 	snop  }
0x6: {  	_ = 	snop  }
0x7: {  	_ = 	snop  }
__scs_overlays_trampoline_lowered:
0x8: {  	[smem:$0x3F9B] =	sst s0  }
0x9: {  	[smem:$0x3F9C] =	sst s1  }
0xa: {  	[smem:$0x3F9D] =	sst s2  }
0xb: {  	[smem:$0x3F9E] =	sst s3  }
0xc: {  	[smem:$0x3F9F] =	sst s4  }
0xd: {  	[smem:$0x3FA0] =	sst s5  }
0xe: {  	[smem:$0x3FA1] =	sst s6  }
0xf: {  	[smem:$0x3FA2] =	sst s7  }
0x10: {  	[smem:$0x3FA3] =	sst s8  }
0x11: {  	[smem:$0x3FA4] =	sst s9;
	s0 =	simm.s32 @!p0 $0x0  }
0x12: {  	s1 =	sld [smem:$0x3F8A];
	s0 =	simm.s32 @p0 $0x1  }
0x13: {  	[smem:$0x3FA5] =	sst s0;
	s0 =	simm.s32 @!p1 $0x0  }
0x14: {  	s2 =	sld [smem:$0x3F89];
	s0 =	simm.s32 @p1 $0x1  }
0x15: {  	[smem:$0x3FA6] =	sst s0;
	s0 =	simm.s32 @!p2 $0x0  }
0x16: {  	s3 =	sld [smem:$0x3FDB];
	s0 =	simm.s32 @p2 $0x1  }
0x17: {  	s4 =	simm.s32 $0x1BF5;
	[smem:$0x3FA8] =	sst s0  }
0x18: {  	s0 =	sld [smem:$0x3F8B];
	_ =	swait.ge [sflag:s4], $0x0  }
0x19: {  	s7 =	sld [smem:$0x3F8C]  }
0x1a: {  	s8 =	sadd.s32 $0xFFFFE003, lr  }
0x1b: {  	s9 =	sadd.s32 $0xFFFFFEF7, lr;
	s5 =	simm.s32 $0xFFFFFFFF;
	p2 =	slt.u32 s8, $0xFFFFF086  }
0x1c: {  	p1 =	slt.u32 s9, $0xF7A;
	s5 =	simm.s32 @!p2 $0x0  }
0x1d: {  	s5 =	simm.s32 @p1 $0x1;
	p0 =	seq.s32 s7, s2  }
0x1e: {  	s7 =	smul.u32 @!p0 $0xF7A, s2;
	p2 =	seq.s32 @!p0 s5, $0x0  }
0x1f: {  	s9 =	smul.u32 $0xF7A, s1;
	s8 =	simm.s32 @!p0 $0x1BF5;
	p2 =	por !p2, p0  }
0x20: {  	[sflag:s8] =	ssyncset.s32 @!p0 $0xFFFFF086;
	s6 =	sadd.s32 @!p0 s3, s7;
	s7 =	simm.s32 @!p0 $0x108  }
0x21: {  	s3 =	sadd.s32 s3, s9;
	s6 =	sadd.s32 @!p0 $0x88, s6;
	s7 =	simm.s32 @p2 $0x1082  }
0x22: {  	[simem:s7], [sflag:s8] =	dma.local @!p0 [hbm:s6], $0xF7A  }
0x23: {  	s9 =	sor.u32 $0xD0000000, s2;
	s6 =	simm.s32 $0x108;
	_ =	swait.ge @!p0 [sflag:s8], $0x0  }
0x24: {  	s3 =	sadd.s32 $0x88, s3;
	s6 =	simm.s32 @!p1 $0x1082;
	[sflag:s4] =	ssyncset.s32 $0xFFFFF086  }
0x25: {  	[simem:s6], [sflag:s4] =	dma.local [hbm:s3], $0xF7A  }
0x26: {  	[smem:$0x3F8C] =	sst s1;
	(tag) =	ssettag s2;
	_ =	strace s9  }
0x27: {  	s1 =	sld [smem:$0x3F9C]  }
0x28: {  	s2 =	sld [smem:$0x3F9D]  }
0x29: {  	s4 =	sld [smem:$0x3F9F]  }
0x2a: {  	p0 =	seq.s32 s5, $0x0;
	s5 =	sld [smem:$0x3FA0]  }
0x2b: {  	s6 =	sld [smem:$0x3FA1]  }
0x2c: {  	s7 =	sld [smem:$0x3FA2]  }
0x2d: {  	s3 =	simm.s32 $0x108;
	s8 =	sld [smem:$0x3FA3]  }
0x2e: {  	s3 =	simm.s32 @!p0 $0x1082;
	s9 =	sld [smem:$0x3FA4]  }
0x2f: {  	lr =	sadd.s32 s0, s3;
	s0 =	sld [smem:$0x3F9B]  }
0x30: {  	s3 =	sld [smem:$0x3F9E]  }
0x31: {  	[smem:$0x3FA7] =	sst s10  }
0x32: {  	s10 =	sld [smem:$0x3FA5];
	_ =	sdelay $0x3  }
0x33: {  	p0 =	seq.s32 s10, $0x1;
	s10 =	sld [smem:$0x3FA7];
	_ =	sdelay $0x3  }
0x34: {  	[smem:$0x3FA7] =	sst s10  }
0x35: {  	s10 =	sld [smem:$0x3FA6];
	_ =	sdelay $0x3  }
0x36: {  	p1 =	seq.s32 s10, $0x1;
	s10 =	sld [smem:$0x3FA7];
	_ =	sdelay $0x3  }
0x37: {  	[smem:$0x3FA7] =	sst s10  }
0x38: {  	s10 =	sld [smem:$0x3FA8]  }
0x39: {  	_ = 	snop;
	(pc) =	sbr.ind lr, $3  }
0x3a: {  	_ = 	snop  }
0x3b: {  	_ = 	snop  }
0x3c: {  	p2 =	seq.s32 s10, $0x1;
	s10 =	sld [smem:$0x3FA7]  }
0x3d: {  	_ =	shalt  }
0x3e: {  	_ =	shalt  }
0x3f: {  	_ =	shalt  }
0x40: {  	_ =	shalt  }
0x41: {  	_ =	shalt  }
0x42: {  	_ =	shalt  }
0x43: {  	_ =	shalt  }
0x44: {  	_ =	shalt  }
0x45: {  	_ =	shalt  }
0x46: {  	_ =	shalt  }
0x47: {  	_ =	shalt  }
0x48: {  	_ =	shalt  }
0x49: {  	_ =	shalt  }
0x4a: {  	_ =	shalt  }
0x4b: {  	_ =	shalt  }
0x4c: {  	_ =	shalt  }
0x4d: {  	_ =	shalt  }
0x4e: {  	_ =	shalt  }
0x4f: {  	_ =	shalt  }
0x50: {  	_ =	shalt  }
0x51: {  	_ =	shalt  }
0x52: {  	_ =	shalt  }
0x53: {  	_ =	shalt  }
0x54: {  	_ =	shalt  }
0x55: {  	_ =	shalt  }
0x56: {  	_ =	shalt  }
0x57: {  	_ =	shalt  }
0x58: {  	_ =	shalt  }
0x59: {  	_ =	shalt  }
0x5a: {  	_ =	shalt  }
0x5b: {  	_ =	shalt  }
0x5c: {  	_ =	shalt  }
0x5d: {  	_ =	shalt  }
0x5e: {  	_ =	shalt  }
0x5f: {  	_ =	shalt  }
0x60: {  	_ =	shalt  }
0x61: {  	_ =	shalt  }
0x62: {  	_ =	shalt  }
0x63: {  	_ =	shalt  }
0x64: {  	_ =	shalt  }
0x65: {  	_ =	shalt  }
0x66: {  	_ =	shalt  }
0x67: {  	_ =	shalt  }
0x68: {  	_ =	shalt  }
0x69: {  	_ =	shalt  }
0x6a: {  	_ =	shalt  }
0x6b: {  	_ =	shalt  }
0x6c: {  	_ =	shalt  }
0x6d: {  	_ =	shalt  }
0x6e: {  	_ =	shalt  }
0x6f: {  	_ =	shalt  }
0x70: {  	_ =	shalt  }
0x71: {  	_ =	shalt  }
0x72: {  	_ =	shalt  }
0x73: {  	_ =	shalt  }
0x74: {  	_ =	shalt  }
0x75: {  	_ =	shalt  }
0x76: {  	_ =	shalt  }
0x77: {  	_ =	shalt  }
0x78: {  	_ =	shalt  }
0x79: {  	_ =	shalt  }
0x7a: {  	_ =	shalt  }
0x7b: {  	_ =	shalt  }
0x7c: {  	_ =	shalt  }
0x7d: {  	_ =	shalt  }
0x7e: {  	_ =	shalt  }
0x7f: {  	_ =	shalt  }
0x80: {  	_ =	shalt  }
0x81: {  	_ =	shalt  }
0x82: {  	_ =	shalt  }
0x83: {  	_ =	shalt  }
0x84: {  	_ =	shalt  }
0x85: {  	_ =	shalt  }
0x86: {  	_ =	shalt  }
0x87: {  	_ =	shalt  }
.Lfunc_end0:
.L_simem_size_0:
called_computation.4_lowered:
.L_overlay_start_0:
0x88: {  	s0 =	sld [smem:$0x3FD9]  }
0x89: {  	s1 =	sld [smem:$0x3FFE];
	_ =	sdelay $0x3  }
0x8a: {  	s0 =	sadd.s32 s1, s0  }
0x8b: {  	[smem:$0x3FB3] =	sst s0  }
0x8c: {  	_ = 	snop  }
0x8d: {  	(tm) =	ssettm $0x1  }
0x8e: {  	s15 =	sld [smem:$0x3FFB];
	_ =	sdelay $0x3  }
0x8f: {  	_ =	strace s15  }
0x90: {  	s0 =	sld [smem:$0x3FFC];
	_ =	sdelay $0x3  }
0x91: {  	_ =	strace s0  }
0x92: {  	s0 =	sld [smem:$0x3FFD];
	_ =	sdelay $0x3  }
0x93: {  	_ =	strace s0  }
0x94: {  	_ =	strace $0x8FFFFFFF  }
0x95: {  	s16 =	sld [smem:$0x3FDB];
	_ =	sdelay $0x1  }
0x96: {  	s17 =	simm.s32 $_scs_section_size  }
0x97: {  	s2 =	simm.s32 $_size__tile_overlayer_lowered;
	s3 =	simm.s32 $_tile_overlayer_lowered  }
0x98: {  	s20 =	simm.s32 $0x1BFF;
	s19 =	sshll.u32 s3, $0x1;
	s0 =	sadd.s32 s17, s16  }
0x99: {  	s4 =	simm.s32 $0x0;
	s18 =	sshll.u32 s2, $0x1;
	s2 =	sadd.s32 s19, s0  }
0x9a: {  	[timem:s4], [sflag:s20] =	dma.local [hbm:s2], s18  }
0x9b: {  	_ =	swait.ge [sflag:s20], s18  }
0x9c: {  	s1 =	ssub.s32 $0x0, s18;
	[sflag:s20] =	ssyncset.done $0x0  }
0x9d: {  	[sflag:s20] =	ssyncadd.s32 s1;
	_ =	sdelay $0x1  }
0x9e: {  	s21 =	simm.s32 $0x1B8B  }
0x9f: {  	_ =	swait.ge [sflag:s21], $0x1  }
0xa0: {  	[sflag:s21] =	ssyncset.done $0x0  }
0xa1: {  	s23 =	simm.s32 $0x1B8E;
	s22 =	sld [smem:$0x3FFE];
	[sflag:s21] =	ssyncadd.s32 $0xFFFFFFFF  }
0xa2: {  	s24 =	simm.s32 $execute0_lowered;
	[smem:$0x3FD2] =	sst s23  }
0xa3: {  	s2 =	sshll.u32 s24, $0x1;
	_ =	strace $0x80000064;
	[dreg:$0x1] =	wrdreg $0xFFFFFFFF  }
0xa4: {  	s25 =	simm.s32 $_size_execute0_lowered;
	s0 =	sadd.s32 s0, s2;
	[dreg:$0x0] =	wrdreg $0x0  }
0xa5: {  	s2 =	sshll.u32 s25, $0x1;
	[dreg:$0x2] =	wrdreg s0  }
0xa6: {  	[dreg:$0x3] =	wrdreg s2  }
0xa7: {  	[dreg:$0x4] =	wrdreg $0xC0  }
0xa8: {  	_ =	task [dreg:s4], $0x5FFFF  }
0xa9: {  	[dreg:$0x1] =	wrdreg $0xFFFFFFFF  }
0xaa: {  	[dreg:$0x0] =	wrdreg $0x60  }
0xab: {  	[dreg:$0x2] =	wrdreg s22  }
0xac: {  	[dreg:$0x3] =	wrdreg $0x9  }
0xad: {  	_ =	task.clear_ibuf [dreg:s4], $0x4FFFF;
	_ =	strace $0x90000064  }
0xae: {  	s26 =	simm.s32 $0x9;
	_ =	strace $0x80000066  }
0xaf: {  	_ =	swait.ge [sflag:s26], $0x1  }
0xb0: {  	[sflag:s26] =	ssyncadd.s32 $0xFFFFFFFF  }
0xb1: {  	_ =	strace $0x90000066  }
0xb2: {  	_ =	sfence  }
0xb3: {  	s28 =	sld [smem:$0x0];
	_ =	sdelay $0x1  }
0xb4: {  	s29 =	srdreg.scid  }
0xb5: {  	s30 =	sshll.u32 s29, $0xD;
	s31 =	sshrl.u32 s29, $0x2  }
0xb6: {  	s1 =	sand.u32 $0x1, s29;
	s2 =	sand.u32 $0x4000, s30;
	s0 =	sadd.s32 s31, s28  }
0xb7: {  	s1 =	sor.u32 s2, s1;
	s0 =	sshll.u32 s0, $0x11  }
0xb8: {  	s0 =	sor.u32 s0, s1  }
0xb9: {  	s0 =	sadd.s32 $0x8F2B, s0  }
0xba: {  	[sflag:s0] =	ssyncadd.remote.s32 $0x1  }
0xbb: {  	_ =	sfence.sel $0xFFFF  }
0xbc: {  	[dreg:$0x0] =	wrdreg $0xFFFFFFFF;
	(pc) =	sbr.abs _section_cstart, $3  }
0xbd: {  	[dreg:$0x1] =	wrdreg $0xFFFFFFFF  }
0xbe: {  	_ =	task.clear_ibuf [dreg:s4], $0x2FFFF;
	_ =	strace $0x9FFFFFFF  }
0xbf: {  	(tm) =	ssettm $0x7FFFFFFF  }
tec
execute0_lowered:
.L_overlay_start_1:
0x0: {  	(tag) =	ssettag $0x1  }
0x1: {  	s0 =	rddreg [dreg:$0x0]  }
0x2: {  	s6 =	stileid.u32;
	_ =	strace $0x80000065;
	s2 =	simm.s32 $0x1  }
0x3: {  	v1 =	vimm.s32 $0xFFFFFFFF;
	s1 =	smul.u32 $0x3, s6;
	[sflag:s2] =	ssyncpa.u1 $0x0  }
0x4: {  	s3 =	smin.u32 s6, $0x7;
	[tilespmem:$0x10] =	vst v1  }
0x5: {  	v0 =	vimm.f32 $0.0e+00;
	[tilespmem:$0x20] =	vst v1;
	s1 =	sadd.s32 s3, s1  }
0x6: {  	p0 =	slt.u32 s6, $0x7;
	[tilespmem:$0x30] =	vst v0;
	s3 =	smul.u32 $0x1770, s1;
	s1 =	simm.s32 $0x5DC0  }
0x7: {  	[tilespmem:$0x40] =	vst v0;
	s1 =	simm.s32 @!p0 $0x4650  }
0x8: {  	[tilespmem:$0x50] =	vst v0;
	s1 =	sadd.s32 s1, s3  }
0x9: {  	[tilespmem:$0x60] =	vst v1;
	s4 =	smin.u32 s1, $0x50910  }
0xa: {  	s7 =	simm.s32 $0x2;
	[tilespmem:$0x70] =	vst v1;
	s9 =	ssub.s32 s4, s3  }
0xb: {  	s8 =	simm.s32 $0x8;
	s31 =	simm.s32 $0x9;
	[tilespmem:$0x80] =	vst v1;
	p0 =	sgt.s32 s9, $0x0  }
0xc: {  	s16 =	simm.s32 $0x0;
	s17 =	simm.s32 $0xF0;
	v1 =	vimm.s32 $0x0;
	[tilespmem:$0xB0] =	vst v0;
	s9 =	simm.s32 @!p0 $0x0  }
0xd: {  	s18 =	simm.s32 $0xFFFFFFFF;
	s19 =	simm.s32 $0xFFFFD220;
	[tilespmem:$0x90] =	vst v1;
	s5 =	smulhi.u32 $0x57619F1, s9  }
0xe: {  	s20 =	simm.s32 $0xFFFFFFFE;
	[tilespmem:$0xA0] =	vst v1;
	[sflag:s7] =	ssyncpa.u1 $0x0;
	s7 =	simm.s32 $0x7  }
0xf: {  	s21 =	simm.s32 $0xF;
	[sflag:s7] =	ssyncpa.u1 $0x0;
	s10 =	sshrl.u32 s5, $0x7  }
0x10: {  	s25 =	simm.s32 $0x0;
	[sflag:s8] =	ssyncpa.u1 $0x0;
	s11 =	smul.u32 $0x1770, s10  }
0x11: {  	s24 =	simm.s32 $0x0;
	s14 =	sshllo.u32 s6, $0x1;
	[sflag:s31] =	ssyncpa.u1 $0x0  }
.Ltmp0:
0x12: {  	s1 =	sadd.s32 $0x532E00, s0;
	p0 =	sne.s32 s9, s11;
	(pc) =	sbr.rel .LBB2_1-.Ltmp0, $4  }
0x13: {  	s5 =	sadd.s32 $0x1200, s0;
	s0 =	sadd.s32 $0x1FA00, s0;
	s2 =	simm.s32 @!p0 $0x0  }
0x14: {  	s23 =	smov.u32 s3;
	[dreg:$0x2] =	wrdreg s0;
	s9 =	sadd.s32 s2, s10  }
0x15: {  	vm0 =	vmmov $0xffff;
	v2 =	vlaneseq.u32;
	p0 =	por $0x0, $0x0;
	s10 =	sshll.u32 s6, $0x1;
	s11 =	sadd.s32 $0x1, s9  }
0x16: {  	vm1 =	vmxor vm1, vm1;
	vm2 =	vmmov $0x1;
	vm3 =	vcmask $0x3F3C;
	s12 =	sadd.s32 $0x2, s9;
	s13 =	sor.u32 $0x81, s10;
	s15 =	sor.u32 $0x80, s10  }
.LBB2_9:
0x17: {  	p1 =	slt.u32 s24, $0x3  }
0x18: {  	s0 =	simm.s32 @!p1 $0x2  }
0x19: {  	_ =	swait.ge @!p1 [sflag:s0], $0x1770  }
0x1a: {  	[sflag:s0] =	ssyncset.done @!p1 $0x0  }
0x1b: {  	[sflag:s0] =	ssyncadd.s32 @!p1 $0xFFFFE890;
	s0 =	simm.s32 @!p1 $0x9  }
0x1c: {  	_ =	swait.ge @!p1 [sflag:s0], $0x10  }
0x1d: {  	[sflag:s0] =	ssyncset.done @!p1 $0x0  }
0x1e: {  	[sflag:s0] =	ssyncadd.s32 @!p1 $0xFFFFFFF0;
	p1 =	sne.s32 s24, s12  }
.Ltmp1:
0x1f: {  	s2 =	sadd.s32 $0x1770, s23;
	(pc) =	sbr.rel @!p1 .LBB2_10-.Ltmp1, $4  }
0x20: {  	s6 =	smov.u32 s3;
	s31 =	sadd.s32 $0x1, s24;
	s17 =	sadd.s32 $0x1770, s17  }
0x21: {  	s18 =	sadd.s32 $0x1, s18;
	s25 =	smov.u32 s23;
	p2 =	slt.s32 s2, s4  }
0x22: {  	p0 =	por !p0, !p0;
	s19 =	sadd.s32 $0x1770, s19;
	s6 =	smov.u32 @p2 s2  }
0x23: {  	s20 =	sadd.s32 $0x1, s20;
	s23 =	smov.u32 s6;
	s24 =	smov.u32 s31  }
.LBB2_1:
0x24: {  	p1 =	sge.u32 s24, s9  }
0x25: {  	s0 =	smulhi.u32 @!p1 $0xAAAAAAAB, s24;
	_ =	sdelay $0x1  }
0x26: {  	s0 =	sshrl.u32 @!p1 s0, $0x1  }
0x27: {  	s0 =	smul.u32 @!p1 $0x3, s0;
	_ =	sdelay $0x1  }
0x28: {  	s0 =	ssub.s32 @!p1 s24, s0  }
0x29: {  	s0 =	smul.u32 @!p1 $0x5DC0, s0;
	_ =	sdelay $0x1  }
0x2a: {  	s2 =	sshrl.u32 @!p1 s23, $0x3;
	s0 =	sshrl.u32 @!p1 s0, $0x2  }
0x2b: {  	s22 =	sand.u32 @!p1 $0x7, s23;
	s2 =	sadd.s32 @!p1 s5, s2;
	s0 =	sadd.s32 @!p1 $0x100, s0  }
0x2c: {  	[tilespmem:s0], [sflag:$0x7] =	stream.linear.gather @!p1 [hbm4b:s2+s22], $0x1770, $0x38;
	[tilespmem:$0xD410] =	vst v63  }
0x2d: {  	s0 =	sadd.s32 $0xFFFFFFFF, s24  }
0x2e: {  	p1 =	sge.u32 s0, s9  }
.Ltmp2:
0x2f: {  	_ = 	snop;
	(pc) =	sbr.rel @p1 .LBB2_5-.Ltmp2, $1  }
0x30: {  	_ =	sdelay $0x3  }
0x31: {  	s2 =	smulhi.u32 $0xAAAAAAAB, s0;
	_ =	sdelay $0x1  }
0x32: {  	s2 =	sshrl.u32 s2, $0x1  }
0x33: {  	s2 =	smul.u32 $0x3, s2;
	_ =	sdelay $0x1  }
0x34: {  	s2 =	ssub.s32 s0, s2  }
0x35: {  	s2 =	smul.u32 $0x5DC0, s2  }
0x36: {  	_ =	swait.ge [sflag:s7], $0x1770  }
0x37: {  	[sflag:s7] =	ssyncset.done $0x0;
	s2 =	sshrl.u32 s2, $0x2  }
0x38: {  	[sflag:s7] =	ssyncadd.s32 $0xFFFFE890;
	(ifvalue) =	ssetifvalue $0xFFFFFFFF;
	v3 =	vld.msk [tilespmem:s2+$0x100 ss:$0x1], $0xffff;
	_ =	sdelay $0x2  }
0x39: {  	s30 =	smulhi.u32 $0xAAAAAAAB, s18;
	p1 =	sne.s32 s24, $0x1  }
0x3a: {  	v4 =	vimm.s32 @!p1 $0x0  }
0x3b: {  	s2 =	sshrl.u32 s30, $0x1;
	v4 =	vperm.xlane @!p1 v3, v4  }
0x3c: {  	s22 =	sshll.u32 s24, $0x4;
	s2 =	smul.u32 $0xFFFEE6C0, s2;
	vm4 =	vlt.u32 v3, $0x2800  }
0x3d: {  	s22 =	sand.u32 $0x10, s22;
	v3 =	vnsel vm4, $0xFFFFFFFE, v3;
	vm4 =	vlt.u32 @!p1 v4, $0x2800  }
0x3e: {  	s2 =	sshra.s32 s2, $0x2;
	[tilespmem:s22+$0x60] =	vst v3;
	v3 =	vnsel @!p1 vm4, $0xFFFFFFFE, v4  }
0x3f: {  	s28 =	sadd.s32 s2, s17;
	[tilespmem:$0x80] =	vst @!p1 v3  }
0x40: {  	v3 =	vld.msk [tilespmem:s28+$0x0 ss:$0x1], $0xffff;
	_ =	sdelay $0x4  }
0x41: {  	(xrf1) =	vunique.msk.u32 $0xffff, v3;
	_ =	sdelay $0xd  }
0x42: {  	v4 =	vimm.s32 $0xFFFFFFFF;
	v5, _, _ =	vpop (xrf1)  }
0x43: {  	vm5 =	vne.s32 v3, v4;
	vm4 =	veq.s32 v5, v2  }
0x44: {  	vm6 =	vlt.u32 v3, $0x2800;
	vm4 =	vmand vm5, vm4  }
0x45: {  	vm4 =	vmand vm6, vm4  }
0x46: {  	v4 =	vnsel vm4, $0xFFFFFFFF, v3  }
0x47: {  	s31 =	sand.u32 $0x1, s0  }
0x48: {  	s0 =	simm.s32 $0x1770;
	p1 =	seq.s32 s31, $0x1  }
0x49: {  	s0 =	simm.s32 @!p1 $0x0  }
0x4a: {  	s26 =	sadd.s32 $0x5EB0, s0;
	(ifvalue) =	ssetifvalue $0xFFFFFFFF  }
0x4b: {  	v3 =	vperm.xlane v3, v1;
	[tilespmem:s26], [sflag:$0x8] =	stream.indirect_vreg.gather [hbm4b:s1+s16], $0x1, v4, vm0, $0x4038;
	v4 =	vnsel vm6, $0xFFFFFFFE, v4;
	[tilespmem:$0xD410] =	vst v63  }
0x4c: {  	s2 =	simm.s32 $0x0;
	s22 =	sadd.s32 $0xFFFFFFF0, s28;
	[tilespmem:s28+$0x0] =	vst v4  }
.LBB2_3:
0x4d: {  	v4 =	vld.msk [tilespmem:s22+$0x0 ss:$0x1], $0xffff;
	s2 =	sadd.s32 $0x10, s2;
	v5 =	vmov v3;
	s28 =	smov.u32 s22  }
0x4e: {  	p1 =	slt.u32 s2, $0x1760;
	_ =	sdelay $0x4  }
0x4f: {  	v3 =	vperm.xlane v4, v1;
	(xrf1) =	vunique.msk.u32 $0xffff, v4;
	_ =	sdelay $0xd  }
0x50: {  	v6, _, _ =	vpop (xrf1)  }
0x51: {  	vm5 =	vne.s32 v4, v5;
	vm4 =	veq.s32 v6, v2  }
0x52: {  	vm6 =	vlt.u32 v4, $0x2800;
	vm4 =	vmand vm5, vm4  }
0x53: {  	vm4 =	vmand vm6, vm4  }
0x54: {  	v4 =	vnsel vm4, $0xFFFFFFFF, v4  }
.Ltmp3:
0x55: {  	v5 =	vnsel vm6, $0xFFFFFFFE, v4;
	(pc) =	sbr.rel @p1 .LBB2_3-.Ltmp3, $3  }
0x56: {  	_ =	sdelay $0x1  }
0x57: {  	s22 =	sadd.s32 $0xFFFFFFF0, s22;
	s26 =	sadd.s32 $0xFFFFFFF0, s26;
	(ifvalue) =	ssetifvalue $0xFFFFFFFF  }
0x58: {  	[tilespmem:s26], [sflag:$0x8] =	stream.indirect_vreg.gather [hbm4b:s1+s16], $0x1, v4, vm0, $0x4038;
	[tilespmem:s28+$0x0] =	vst v5  }
0x59: {  	s2 =	sshrl.u32 s25, $0x3;
	s6 =	rddreg [dreg:$0x2]  }
0x5a: {  	s0 =	sadd.s32 $0x7630, s0;
	s2 =	sadd.s32 s6, s2  }
0x5b: {  	[tilespmem:s0], [sflag:$0x8] =	stream.linear.gather [hbm:s2], $0x1770, $0x38;
	[tilespmem:$0xD410] =	vst v63  }
.LBB2_5:
0x5c: {  	p1 =	slt.u32 s24, $0x2  }
0x5d: {  	p2 =	sge.u32 @!p1 s24, s12  }
0x5e: {  	p1 =	por p1, p2  }
.Ltmp4:
0x5f: {  	_ = 	snop;
	(pc) =	sbr.rel @p1 .LBB2_9-.Ltmp4, $1  }
0x60: {  	_ =	sdelay $0x3  }
0x61: {  	s0 =	sadd.s32 $0xFFFFFFFE, s24  }
0x62: {  	s2 =	smulhi.u32 $0xAAAAAAAB, s0;
	_ =	sdelay $0x1  }
0x63: {  	s2 =	sshrl.u32 s2, $0x1  }
0x64: {  	s2 =	smul.u32 $0x3, s2;
	_ =	sdelay $0x1  }
0x65: {  	s0 =	ssub.s32 s0, s2  }
0x66: {  	_ =	swait.ge [sflag:s8], $0x2EE0;
	s0 =	smul.u32 $0x1770, s0  }
0x67: {  	p1 =	sne.s32 s24, s11;
	[sflag:s8] =	ssyncset.done $0x0  }
0x68: {  	[sflag:s8] =	ssyncadd.s32 $0xFFFFD120;
	s2 =	sadd.s32 @!p1 $0x186F, s0  }
0x69: {  	[spmem:s13] =	stream.linear.scatter @!p1 [tilespmem:s2], [sflag:$0x1], $0x1, $0x38;
	[tilespmem:$0xD410] =	vst v63  }
0x6a: {  	s2 =	simm.s32 @!p1 $0x1  }
0x6b: {  	_ =	swait.ge @!p1 [sflag:s2], $0x1  }
0x6c: {  	s22 =	sshll.u32 s24, $0x4;
	[sflag:s2] =	ssyncset.done @!p1 $0x0  }
0x6d: {  	s25 =	sand.u32 $0x10, s22;
	[sflag:s2] =	ssyncadd.s32 @!p1 $0xFFFFFFFF  }
0x6e: {  	s2 =	sxor.u32 $0x10, s25;
	v4 =	vld [tilespmem:s25+$0x10]  }
0x6f: {  	v5 =	vld [tilespmem:s2+$0x60]  }
0x70: {  	v3 =	vld [tilespmem:$0x80];
	_ =	sdelay $0x2  }
0x71: {  	(v2sf) =	vpush v4, $0x0  }
0x72: {  	(v2sf) =	vpush v5, $0x0  }
0x73: {  	(v2sf) =	vpush v3, $0x0;
	_ =	sdelay $0xc  }
0x74: {  	s6 =	spop (v2sf)  }
0x75: {  	s28 =	spop (v2sf)  }
0x76: {  	s26 =	spop (v2sf)  }
0x77: {  	p2 =	seq.s32 s6, s28;
	p3 =	seq.s32 s26, s6  }
0x78: {  	p3 =	por p2, p3  }
0x79: {  	s6 =	sand.u32 $0x1, s24;
	v4 =	vpsel p3, $0xFFFFFFFF, v4  }
0x7a: {  	s28 =	smul.u32 $0x1770, s6;
	[tilespmem:s25+$0x10] =	vst.msk $0x1, v4  }
0x7b: {  	v4 =	vld [tilespmem:$0x30]  }
0x7c: {  	v5 =	vld [tilespmem:s28+$0x7630]  }
0x7d: {  	v6 =	vld [tilespmem:s25+$0x40];
	_ =	sdelay $0x3  }
0x7e: {  	vm4 =	vmmov vm1;
	v5 =	vadd.f32 v5, v4  }
0x7f: {  	vm5 =	vmmov vm2;
	vm4 =	vmmov @p2 vm2;
	v4 =	vadd.f32 v6, v4  }
0x80: {  	s22 =	sshll.u32 s6, $0x4;
	vm5 =	vmmov @p3 vm1;
	[tilespmem:s28+$0x7630] =	vst.msk vm4, v5  }
0x81: {  	[tilespmem:s22+$0xD3F0] =	vst.msk vm5, v4  }
0x82: {  	v4 =	vld [tilespmem:s28+$0x5EB0];
	_ =	sdelay $0x3  }
0x83: {  	v5 =	vimm.f32 $0.0e+00  }
0x84: {  	v4 =	vshift.insert v4, v5, s21  }
0x85: {  	s29 =	sor.u32 $0x40, s2  }
0x86: {  	[tilespmem:s29+$0x0] =	vst.msk $0x1, v4  }
0x87: {  	[tilespmem:s28+$0x5EBF] =	vst.msk $0x1, v5  }
0x88: {  	v4 =	vld [tilespmem:s0+$0x1860];
	_ =	sdelay $0x1  }
0x89: {  	s29 =	smulhi.u32 $0xAAAAAAAB, s20;
	s0 =	simm.s32 $0x1  }
0x8a: {  	s0 =	simm.s32 @!p0 $0x0  }
0x8b: {  	s29 =	sshrl.u32 s29, $0x1;
	s0 =	smul.u32 $0x5DC0, s0  }
0x8c: {  	s29 =	smul.u32 $0xFFFEE6C0, s29;
	v4 =	vshift.insert v4, v1, s21  }
0x8d: {  	s0 =	sshrl.u32 s0, $0x2  }
0x8e: {  	s29 =	sshra.s32 s29, $0x2;
	s30 =	sadd.s32 $0x7630, s0;
	[tilespmem:s2+$0x10] =	vst.msk $0x1, v4  }
0x8f: {  	s6 =	sadd.s32 s29, s19;
	v6 =	vld [tilespmem:s30+$0x0]  }
0x90: {  	v7 =	vld [tilespmem:s6+$0x0];
	_ =	sdelay $0x3  }
0x91: {  	v5 =	vadd.f32 v6, v5  }
0x92: {  	vm4 =	vne.s32 v7, $0xFFFFFFFF  }
0x93: {  	(xrf2) =	vadd.seg.scan.f32 vm4, v5;
	_ =	sdelay $0x3  }
0x94: {  	s31 =	sadd.s32 $0x4750, s0;
	v5 =	vperm.xlane v4, v1  }
0x95: {  	v6 =	vld [tilespmem:s31+$0x0]  }
0x96: {  	vm5 =	veq.s32 v7, v3;
	vm6 =	veq.s32 v7, v5  }
0x97: {  	vm7 =	vgt.u32 v7, $0xFFFFFFFD;
	vm6 =	vmor vm6, vm5  }
0x98: {  	vm6 =	vmor vm6, vm7  }
0x99: {  	v9 =	vld [tilespmem:$0xA0];
	v7 =	vsel vm6, $0xFFFFFFFF, v7  }
0x9a: {  	v10 =	vld [tilespmem:$0x90];
	v6 =	vsel vm5, $0x0, v6;
	v8, _, _ =	vpop (xrf2)  }
0x9b: {  	v6 =	vadd.f32 v8, v6  }
0x9c: {  	s0 =	sadd.s32 $0xA510, s0  }
0x9d: {  	vm4 =	vmand vm4, vm3;
	[tilespmem:s0+$0x0] =	vst v6;
	(ifvalue) =	ssetifvalue $0xFFFFFFFF  }
0x9e: {  	vm6 =	veq.s32 v9, $0x1;
	[hbm4b:s1+s16] =	stream.indirect_vreg.scatter [tilespmem:s0], [sflag:$0x2], $0x1, v7, vm0, $0x4038;
	v7 =	vsel vm4, $0x0, v8;
	[tilespmem:$0xD410] =	vst v63  }
0x9f: {  	s29 =	sadd.s32 $0xD3F0, s22;
	s22 =	sadd.s32 $0x10, s6;
	s2 =	simm.s32 $0x0;
	vm4 =	vmor vm6, vm5;
	v6 =	vsel vm5, v8, v10;
	v7 =	vshift.insert v7, v0, s21  }
.LBB2_7:
0xa0: {  	v8 =	vld [tilespmem:s22+$0x0];
	s30 =	sadd.s32 $0x10, s30  }
0xa1: {  	s31 =	sadd.s32 $0x10, s31;
	v9 =	vld [tilespmem:s30+$0x0]  }
0xa2: {  	s2 =	sadd.s32 $0x10, s2;
	v10 =	vld [tilespmem:s31+$0x0]  }
0xa3: {  	p2 =	slt.u32 s2, $0x1760;
	_ =	sdelay $0x2  }
0xa4: {  	v7 =	vadd.f32 v9, v7  }
0xa5: {  	vm5 =	vne.s32 v8, $0xFFFFFFFF  }
0xa6: {  	vm6 =	vmand vm5, vm3;
	(xrf2) =	vadd.seg.scan.f32 vm5, v7;
	_ =	sdelay $0x5  }
0xa7: {  	vm7 =	veq.s32 v8, v5;
	vm5 =	veq.s32 v8, v3  }
0xa8: {  	vm8 =	vgt.u32 v8, $0xFFFFFFFD;
	vm4 =	vmor vm4, vm5;
	vm7 =	vmor vm7, vm5  }
0xa9: {  	vm7 =	vmor vm7, vm8  }
0xaa: {  	v8 =	vsel vm7, $0xFFFFFFFF, v8  }
.Ltmp5:
0xab: {  	v7 =	vsel vm5, $0x0, v10;
	v9, _, _ =	vpop (xrf2);
	(pc) =	sbr.rel @p2 .LBB2_7-.Ltmp5, $4  }
0xac: {  	v6 =	vsel vm5, v9, v6;
	v10 =	vadd.f32 v9, v7;
	v7 =	vsel vm6, $0x0, v9  }
0xad: {  	s0 =	sadd.s32 $0x10, s0;
	v7 =	vshift.insert v7, v0, s21  }
0xae: {  	s22 =	sadd.s32 $0x10, s22;
	[tilespmem:s0+$0x0] =	vst v10;
	(ifvalue) =	ssetifvalue $0xFFFFFFFF  }
0xaf: {  	[hbm4b:s1+s16] =	stream.indirect_vreg.scatter [tilespmem:s0], [sflag:$0x2], $0x1, v8, vm0, $0x4038;
	[tilespmem:$0xD410] =	vst v63  }
0xb0: {  	v3 =	vld [tilespmem:s28+$0xBC70];
	_ =	sdelay $0x4  }
0xb1: {  	v3 =	vshift.insert v3, v0, s21  }
0xb2: {  	s0 =	simm.s32 $0x30  }
0xb3: {  	[tilespmem:s0+$0x0] =	vst.msk $0x1, v3  }
0xb4: {  	v3 =	vsel vm4, $0x1, v1;
	[tilespmem:$0x90] =	vst v6  }
0xb5: {  	s0 =	sadd.s32 @!p1 $0xBC7F, s28;
	[tilespmem:$0xA0] =	vst v3  }
0xb6: {  	[spmem:s14] =	stream.linear.scatter @!p1 [tilespmem:s0], [sflag:$0x1], $0x1, $0x38;
	[tilespmem:$0xD410] =	vst v63  }
0xb7: {  	s0 =	simm.s32 @!p1 $0x1  }
0xb8: {  	v3 =	vmctz.xlane @!p1 vm4;
	_ =	swait.ge @!p1 [sflag:s0], $0x1  }
0xb9: {  	(v2sf) =	vpush @!p1 v4, $0x0  }
0xba: {  	(v2sf) =	vpush @!p1 v3, $0x0;
	_ =	sdelay $0xd  }
0xbb: {  	s2 =	spop @!p1 (v2sf)  }
0xbc: {  	s6 =	spop @!p1 (v2sf)  }
0xbd: {  	p2 =	sne.s32 @!p1 s26, s2;
	p3 =	slt.s32 @!p1 s6, $0xF  }
0xbe: {  	[sflag:s0] =	ssyncset.done @!p1 $0x0;
	p2 =	por p2, p1;
	p3 =	por !p3, p1  }
0xbf: {  	[sflag:s0] =	ssyncadd.s32 @!p1 $0xFFFFFFFF;
	v3 =	vimm.s32 @!p2 $0xFFFFFFFF;
	s6 =	simm.s32 @p3 $0xF  }
0xc0: {  	[tilespmem:$0x80] =	vst @!p2 v3;
	s2 =	sadd.s32 @!p1 $0x90, s6  }
0xc1: {  	[spmem:s10] =	stream.linear.scatter @!p1 [tilespmem:s2], [sflag:$0x1], $0x1, $0x38;
	[tilespmem:$0xD410] =	vst v63  }
0xc2: {  	_ =	swait.ge @!p1 [sflag:s0], $0x1  }
0xc3: {  	[sflag:s0] =	ssyncset.done @!p1 $0x0  }
0xc4: {  	s2 =	simm.s32 @!p1 $0x80;
	[sflag:s0] =	ssyncadd.s32 @!p1 $0xFFFFFFFF  }
0xc5: {  	[spmem:s15] =	stream.linear.scatter @!p1 [tilespmem:s2], [sflag:$0x1], $0x1, $0x38;
	[tilespmem:$0xD410] =	vst v63  }
0xc6: {  	_ =	swait.ge @!p1 [sflag:s0], $0x1  }
0xc7: {  	[sflag:s0] =	ssyncset.done @!p1 $0x0  }
0xc8: {  	[sflag:s0] =	ssyncadd.s32 @!p1 $0xFFFFFFFF;
	(ifvalue) =	ssetifvalue $0xFFFFFFFF;
	v3 =	vld [tilespmem:s25+$0x10];
	_ =	sdelay $0x3  }
.Ltmp6:
0xc9: {  	_ = 	snop;
	(pc) =	sbr.rel .LBB2_9-.Ltmp6, $3  }
0xca: {  	_ =	sdelay $0x1  }
0xcb: {  	(ifvalue) =	ssetifvalue $0xFFFFFFFF  }
0xcc: {  	[hbm4b:s1+s16] =	stream.indirect_vreg.scatter [tilespmem:s29], [sflag:$0x9], $0x1, v3, vm0, $0x4038;
	[tilespmem:$0xD410] =	vst v63  }
.LBB2_10:
0xcd: {  	_ =	sfence.sel $0x180000  }
0xce: {  	s0 =	simm.s32 $0x7;
	[bflag:$0x0] =	sbarrier.arrive $0xFFFF  }
0xcf: {  	s26 =	simm.s32 $0x8;
	[sflag:s0] =	ssyncpa.u1 $0x1  }
0xd0: {  	s28 =	simm.s32 $0x9;
	[sflag:s26] =	ssyncpa.u1 $0x1  }
0xd1: {  	[sflag:s28] =	ssyncpa.u1 $0x1  }
0xd2: {  	_ =	sfence.stream.spmem  }
0xd3: {  	s29 =	simm.s32 $0x3;
	[bflag:$0x0] =	sbarrier.arrive $0xFFFF  }
0xd4: {  	s30 =	simm.s32 $0x4;
	[sflag:s29] =	ssyncpa.u1 $0x1  }
0xd5: {  	s31 =	simm.s32 $0x3C;
	s2 =	stileid.u32;
	[sflag:s30] =	ssyncpa.u1 $0x1  }
0xd6: {  	p0 =	sne.s32 s2, $0x0;
	[sflag:s31] =	ssyncpa.u1 $0x1  }
0xd7: {  	s0 =	simm.s32 @p0 $0x1;
	_ =	sfence @p0  }
0xd8: {  	[sflag:s0] =	ssyncpa.u1 @p0 $0x1;
	s0 =	simm.s32 @p0 $0x2  }
0xd9: {  	[sflag:s0] =	ssyncpa.u1 @p0 $0x1  }
0xda: {  	_ =	strace @p0 $0x90000065  }
0xdb: {  	[bflag:$0x2] =	sbarrier.arrive @p0 $0xFFFF  }
0xdc: {  	_ =	shalt @p0  }
.LBB2_11:
0xdd: {  	_ =	sfence.stream.spmem;
	s0 =	simm.s32 $0x5  }
0xde: {  	s2 =	simm.s32 $0x80;
	s3 =	simm.s32 $0xC0;
	[sflag:s0] =	ssyncpa.u1 $0x0  }
0xdf: {  	[tilespmem:s3], [sflag:$0x5] =	stream.linear.gather [spmem:s2], $0x20, $0x38;
	[tilespmem:$0xD410] =	vst v63  }
0xe0: {  	s2 =	simm.s32 $0x0;
	s3 =	simm.s32 $0xE0  }
0xe1: {  	[tilespmem:s3], [sflag:$0x5] =	stream.linear.gather [spmem:s2], $0x20, $0x38;
	[tilespmem:$0xD410] =	vst v63  }
.Ltmp7:
0xe2: {  	_ = 	snop;
	(pc) =	sbr.rel .LBB2_12-.Ltmp7, $4  }
0xe3: {  	_ =	swait.ge [sflag:s0], $0x40  }
0xe4: {  	[sflag:s0] =	ssyncset.done $0x0  }
0xe5: {  	s31 =	simm.s32 $0x6;
	[sflag:s0] =	ssyncadd.s32 $0xFFFFFFC0  }
0xe6: {  	s4 =	simm.s32 $0x0;
	[sflag:s31] =	ssyncpa.u1 $0x0  }
.LBB2_17:
0xe7: {  	p0 =	sgt.u32 s5, $0x27FF  }
0xe8: {  	s0 =	sshrl.u32 @!p0 s5, $0x3  }
0xe9: {  	s5 =	sand.u32 @!p0 $0x7, s5;
	s6 =	simm.s32 @!p0 $0xB0;
	s0 =	sadd.s32 @!p0 s1, s0  }
0xea: {  	[tilespmem:s6], [sflag:$0x6] =	stream.linear.gather @!p0 [hbm4b:s0+s5], $0x1, $0x38;
	[tilespmem:$0xD410] =	vst v63  }
0xeb: {  	s0 =	simm.s32 @!p0 $0x6  }
0xec: {  	_ =	swait.ge @!p0 [sflag:s0], $0x1  }
0xed: {  	[sflag:s0] =	ssyncset.done @!p0 $0x0  }
0xee: {  	[sflag:s0] =	ssyncadd.s32 @!p0 $0xFFFFFFFF  }
0xef: {  	v2 =	vmov @!p0 s4;
	v1 =	vld.msk @!p0 [tilespmem:$0xB0], $0x1;
	_ =	sdelay $0x3  }
0xf0: {  	s0 =	simm.s32 @!p0 $0xE0  }
0xf1: {  	[tilespmem:v2+s0+$0x0], v1 =	vst.idx.ret.add.f32.msk @!p0 $0x1, v1  }
0xf2: {  	[tilespmem:s2+$0xC0] =	vst.msk $0x1, v0  }
0xf3: {  	v0 =	vld.msk [tilespmem:s4+$0xE0], $0x1;
	_ =	sdelay $0x4  }
0xf4: {  	[tilespmem:s2+$0xE0] =	vst.msk $0x1, v0;
	s2 =	sadd.s32 $0x1, s2  }
.LBB2_19:
0xf5: {  	s4 =	sadd.s32 $0x1, s4  }
0xf6: {  	p0 =	sne.s32 s4, $0x20  }
.Ltmp8:
0xf7: {  	_ = 	snop;
	(pc) =	sbr.rel @!p0 .LBB2_20-.Ltmp8, $1  }
0xf8: {  	_ =	sdelay $0x3  }
.LBB2_12:
0xf9: {  	v0 =	vld.msk [tilespmem:s4+$0xC0], $0x1;
	_ =	sdelay $0x4  }
0xfa: {  	(v2sf) =	vpush v0, $0x0;
	_ =	sdelay $0xe  }
0xfb: {  	s5 =	spop (v2sf)  }
0xfc: {  	p0 =	seq.s32 s5, $0xFFFFFFFF  }
.Ltmp9:
0xfd: {  	_ = 	snop;
	(pc) =	sbr.rel @p0 .LBB2_19-.Ltmp9, $1  }
0xfe: {  	_ =	sdelay $0x3  }
0xff: {  	p0 =	slt.s32 s2, $0x1  }
.Ltmp10:
0x100: {  	_ = 	snop;
	(pc) =	sbr.rel @p0 .LBB2_17-.Ltmp10, $1  }
0x101: {  	_ =	sdelay $0x3  }
0x102: {  	s0 =	simm.s32 $0xC0;
	p0 =	por $0x0, $0x0  }
0x103: {  	v1 =	vld.msk @!p0 [tilespmem:s0+$0x0], $0x1;
	_ =	sdelay $0x4  }
0x104: {  	(v2sf) =	vpush @!p0 v1, $0x0;
	_ =	sdelay $0xd  }
0x105: {  	p2 =	sne.s32 s2, $0x1  }
.Ltmp11:
0x106: {  	s6 =	spop @!p0 (v2sf);
	(pc) =	sbr.rel @!p2 .LBB2_16-.Ltmp11, $4  }
0x107: {  	p1 =	seq.s32 @!p0 s5, s6  }
0x108: {  	s6 =	simm.s32 $0x0;
	p1 =	por !p1, p0  }
0x109: {  	s8 =	simm.s32 $0xFFFFFFFF;
	s6 =	simm.s32 @p1 $0xFFFFFFFF  }
0x10a: {  	s7 =	simm.s32 $0x1;
	s6 =	smov.u32 @p0 s8  }
.LBB2_15:
0x10b: {  	s8 =	smov.u32 s6;
	p0 =	sne.s32 s6, $0xFFFFFFFF  }
0x10c: {  	s0 =	sadd.s32 $0x1, s0;
	s6 =	smov.u32 s7;
	s7 =	sadd.s32 $0x1, s7  }
0x10d: {  	p1 =	sne.s32 s2, s7;
	v1 =	vld.msk @!p0 [tilespmem:s0+$0x0], $0x1;
	_ =	sdelay $0x4  }
0x10e: {  	(v2sf) =	vpush @!p0 v1, $0x0;
	_ =	sdelay $0xe  }
.Ltmp12:
0x10f: {  	s9 =	spop @!p0 (v2sf);
	(pc) =	sbr.rel @p1 .LBB2_15-.Ltmp12, $4  }
0x110: {  	p2 =	seq.s32 @!p0 s5, s9  }
0x111: {  	p2 =	por !p2, p0  }
0x112: {  	s6 =	simm.s32 @p2 $0xFFFFFFFF  }
0x113: {  	s6 =	smov.u32 @p0 s8  }
.LBB2_16:
0x114: {  	p0 =	sne.s32 s6, $0xFFFFFFFF  }
.Ltmp13:
0x115: {  	_ = 	snop;
	(pc) =	sbr.rel @!p0 .LBB2_17-.Ltmp13, $1  }
0x116: {  	_ =	sdelay $0x3  }
0x117: {  	v0 =	vld.msk [tilespmem:s4+$0xE0], $0x1;
	v1 =	vmov s6  }
.Ltmp14:
0x118: {  	_ = 	snop;
	(pc) =	sbr.rel .LBB2_19-.Ltmp14, $2  }
0x119: {  	_ =	sdelay $0x2  }
0x11a: {  	[tilespmem:v1+s3+$0x0], v0 =	vst.idx.ret.add.f32.msk $0x1, v0  }
.LBB2_20:
0x11b: {  	p0 =	slt.s32 s2, $0x1  }
.Ltmp15:
0x11c: {  	_ = 	snop;
	(pc) =	sbr.rel @p0 .LBB2_24-.Ltmp15, $3  }
0x11d: {  	_ =	sdelay $0x1  }
0x11e: {  	s0 =	simm.s32 $0x6  }
0x11f: {  	s3 =	simm.s32 $0x0;
	[sflag:s0] =	ssyncpa.u1 $0x1  }
0x120: {  	s0 =	simm.s32 $0xC0  }
0x121: {  	v0 =	vld.msk [tilespmem:s0+$0x0], $0x1;
	_ =	sdelay $0x4  }
0x122: {  	(v2sf) =	vpush v0, $0x0;
	_ =	sdelay $0xe  }
0x123: {  	s2 =	sadd.s32 $0xFFFFFFFF, s2;
	s4 =	spop (v2sf)  }
0x124: {  	p1 =	sne.s32 s2, $0x0;
	p0 =	sgt.u32 s4, $0x27FF  }
.Ltmp16:
0x125: {  	s5 =	sshrl.u32 @!p0 s4, $0x3;
	(pc) =	sbr.rel @!p1 .LBB2_23-.Ltmp16, $4  }
0x126: {  	s0 =	simm.s32 $0xE0;
	s4 =	sand.u32 @!p0 $0x7, s4;
	s5 =	sadd.s32 @!p0 s1, s5  }
0x127: {  	[hbm4b:s5+s4] =	stream.linear.scatter @!p0 [tilespmem:s0], [sflag:$0x5], $0x1, $0x38;
	[tilespmem:$0xD410] =	vst v63  }
0x128: {  	s5 =	simm.s32 $0x0  }
0x129: {  	s4 =	simm.s32 $0xC1;
	s5 =	simm.s32 @!p0 $0x4  }
.LBB2_22:
0x12a: {  	v0 =	vld.msk [tilespmem:s4+$0x0], $0x1;
	s2 =	sadd.s32 $0xFFFFFFFF, s2;
	s3 =	sadd.s32 s3, s5  }
0x12b: {  	p0 =	sne.s32 s2, $0x0;
	_ =	sdelay $0x3  }
0x12c: {  	(v2sf) =	vpush v0, $0x0;
	_ =	sdelay $0xe  }
.Ltmp17:
0x12d: {  	s6 =	spop (v2sf);
	(pc) =	sbr.rel @p0 .LBB2_22-.Ltmp17, $4  }
0x12e: {  	s5 =	simm.s32 $0x0;
	p1 =	sgt.u32 s6, $0x27FF  }
0x12f: {  	s0 =	sadd.s32 $0x1, s0;
	s5 =	simm.s32 @!p1 $0x4;
	s7 =	sshrl.u32 @!p1 s6, $0x3  }
0x130: {  	s4 =	sadd.s32 $0x1, s4;
	s6 =	sand.u32 @!p1 $0x7, s6;
	s7 =	sadd.s32 @!p1 s1, s7  }
0x131: {  	[hbm4b:s7+s6] =	stream.linear.scatter @!p1 [tilespmem:s0], [sflag:$0x5], $0x1, $0x38;
	[tilespmem:$0xD410] =	vst v63  }
.LBB2_23:
0x132: {  	s0 =	sadd.s32 s3, s5  }
0x133: {  	s3 =	sshrl.u32 s0, $0x2  }
.LBB2_24:
0x134: {  	s0 =	simm.s32 $0x5  }
0x135: {  	_ =	swait.ge [sflag:s0], s3  }
0x136: {  	s1 =	ssub.s32 $0x0, s3;
	[sflag:s0] =	ssyncset.done $0x0  }
0x137: {  	[sflag:s0] =	ssyncadd.s32 s1  }
0x138: {  	[sflag:s0] =	ssyncpa.u1 $0x1  }
0x139: {  	s29 =	simm.s32 $0x1;
	_ =	sfence  }
0x13a: {  	s30 =	simm.s32 $0x2;
	[sflag:s29] =	ssyncpa.u1 $0x1  }
0x13b: {  	[sflag:s30] =	ssyncpa.u1 $0x1  }
0x13c: {  	_ =	strace $0x90000065  }
0x13d: {  	[bflag:$0x2] =	sbarrier.arrive $0xFFFF  }
0x13e: {  	s31 =	rddreg [dreg:$0x1]  }
0x13f: {  	s0 =	sadd.s32 $0x100000, s31  }
0x140: {  	[sflag:s0] =	ssyncadd.tile.s32 $0x1;
	_ =	shalt  }
.Lfunc_end2:
_tile_overlayer_lowered:
.L_overlay_start_2:
0x141: {  	(tag) =	ssettag $0x2  }
0x142: {  	s0 =	rddreg [dreg:$0x0];
	s2 =	stileid.u32  }
0x143: {  	s1 =	rddreg [dreg:$0x1];
	p0 =	sne.s32 s2, $0x0  }
0x144: {  	s3 =	rddreg [dreg:$0x2];
	[bflag:$0x3] =	sbarrier.arrive $0xFFFF;
	s2 =	simm.s32 @!p0 $0x1C01  }
0x145: {  	[timem:s3], [sflag:s2] =	dma.local @!p0 [hbm:s0], s1  }
0x146: {  	s0 =	simm.s32 @!p0 $0x1  }
0x147: {  	_ =	swait.ge @!p0 [sflag:s0], s1  }
0x148: {  	s1 =	ssub.s32 @!p0 $0x0, s1;
	[sflag:s0] =	ssyncset.done @!p0 $0x0  }
0x149: {  	[sflag:s0] =	ssyncadd.s32 @!p0 s1  }
0x14a: {  	[bflag:$0x3] =	sbarrier.arrive $0xFFFF  }
0x14b: {  	_ =	shalt  }

// kernel: scatter_offload_async_start.5
scs
__scs_entry_jumppad:
0x0: {  	(pc) =	sbr.rel $0x88, $3  }
0x1: {  	(tag) =	ssettag $0x0;
	lr =	simm.s32 $0x1  }
0x2: {  	[smem:$0x3F8C] =	sst lr;
	_ =	strace $0xD0000000  }
0x3: {  	_ = 	snop  }
0x4: {  	_ = 	snop  }
0x5: {  	_ = 	snop  }
0x6: {  	_ = 	snop  }
0x7: {  	_ = 	snop  }
__scs_overlays_trampoline_lowered:
0x8: {  	[smem:$0x3F9B] =	sst s0  }
0x9: {  	[smem:$0x3F9C] =	sst s1  }
0xa: {  	[smem:$0x3F9D] =	sst s2  }
0xb: {  	[smem:$0x3F9E] =	sst s3  }
0xc: {  	[smem:$0x3F9F] =	sst s4  }
0xd: {  	[smem:$0x3FA0] =	sst s5  }
0xe: {  	[smem:$0x3FA1] =	sst s6  }
0xf: {  	[smem:$0x3FA2] =	sst s7  }
0x10: {  	[smem:$0x3FA3] =	sst s8  }
0x11: {  	[smem:$0x3FA4] =	sst s9;
	s0 =	simm.s32 @!p0 $0x0  }
0x12: {  	s1 =	sld [smem:$0x3F8A];
	s0 =	simm.s32 @p0 $0x1  }
0x13: {  	[smem:$0x3FA5] =	sst s0;
	s0 =	simm.s32 @!p1 $0x0  }
0x14: {  	s2 =	sld [smem:$0x3F89];
	s0 =	simm.s32 @p1 $0x1  }
0x15: {  	[smem:$0x3FA6] =	sst s0;
	s0 =	simm.s32 @!p2 $0x0  }
0x16: {  	s3 =	sld [smem:$0x3FDB];
	s0 =	simm.s32 @p2 $0x1  }
0x17: {  	s4 =	simm.s32 $0x1BF5;
	[smem:$0x3FA8] =	sst s0  }
0x18: {  	s0 =	sld [smem:$0x3F8B];
	_ =	swait.ge [sflag:s4], $0x0  }
0x19: {  	s7 =	sld [smem:$0x3F8C]  }
0x1a: {  	s8 =	sadd.s32 $0xFFFFE003, lr  }
0x1b: {  	s9 =	sadd.s32 $0xFFFFFEF7, lr;
	s5 =	simm.s32 $0xFFFFFFFF;
	p2 =	slt.u32 s8, $0xFFFFF086  }
0x1c: {  	p1 =	slt.u32 s9, $0xF7A;
	s5 =	simm.s32 @!p2 $0x0  }
0x1d: {  	s5 =	simm.s32 @p1 $0x1;
	p0 =	seq.s32 s7, s2  }
0x1e: {  	s7 =	smul.u32 @!p0 $0xF7A, s2;
	p2 =	seq.s32 @!p0 s5, $0x0  }
0x1f: {  	s9 =	smul.u32 $0xF7A, s1;
	s8 =	simm.s32 @!p0 $0x1BF5;
	p2 =	por !p2, p0  }
0x20: {  	[sflag:s8] =	ssyncset.s32 @!p0 $0xFFFFF086;
	s6 =	sadd.s32 @!p0 s3, s7;
	s7 =	simm.s32 @!p0 $0x108  }
0x21: {  	s3 =	sadd.s32 s3, s9;
	s6 =	sadd.s32 @!p0 $0x88, s6;
	s7 =	simm.s32 @p2 $0x1082  }
0x22: {  	[simem:s7], [sflag:s8] =	dma.local @!p0 [hbm:s6], $0xF7A  }
0x23: {  	s9 =	sor.u32 $0xD0000000, s2;
	s6 =	simm.s32 $0x108;
	_ =	swait.ge @!p0 [sflag:s8], $0x0  }
0x24: {  	s3 =	sadd.s32 $0x88, s3;
	s6 =	simm.s32 @!p1 $0x1082;
	[sflag:s4] =	ssyncset.s32 $0xFFFFF086  }
0x25: {  	[simem:s6], [sflag:s4] =	dma.local [hbm:s3], $0xF7A  }
0x26: {  	[smem:$0x3F8C] =	sst s1;
	(tag) =	ssettag s2;
	_ =	strace s9  }
0x27: {  	s1 =	sld [smem:$0x3F9C]  }
0x28: {  	s2 =	sld [smem:$0x3F9D]  }
0x29: {  	s4 =	sld [smem:$0x3F9F]  }
0x2a: {  	p0 =	seq.s32 s5, $0x0;
	s5 =	sld [smem:$0x3FA0]  }
0x2b: {  	s6 =	sld [smem:$0x3FA1]  }
0x2c: {  	s7 =	sld [smem:$0x3FA2]  }
0x2d: {  	s3 =	simm.s32 $0x108;
	s8 =	sld [smem:$0x3FA3]  }
0x2e: {  	s3 =	simm.s32 @!p0 $0x1082;
	s9 =	sld [smem:$0x3FA4]  }
0x2f: {  	lr =	sadd.s32 s0, s3;
	s0 =	sld [smem:$0x3F9B]  }
0x30: {  	s3 =	sld [smem:$0x3F9E]  }
0x31: {  	[smem:$0x3FA7] =	sst s10  }
0x32: {  	s10 =	sld [smem:$0x3FA5];
	_ =	sdelay $0x3  }
0x33: {  	p0 =	seq.s32 s10, $0x1;
	s10 =	sld [smem:$0x3FA7];
	_ =	sdelay $0x3  }
0x34: {  	[smem:$0x3FA7] =	sst s10  }
0x35: {  	s10 =	sld [smem:$0x3FA6];
	_ =	sdelay $0x3  }
0x36: {  	p1 =	seq.s32 s10, $0x1;
	s10 =	sld [smem:$0x3FA7];
	_ =	sdelay $0x3  }
0x37: {  	[smem:$0x3FA7] =	sst s10  }
0x38: {  	s10 =	sld [smem:$0x3FA8]  }
0x39: {  	_ = 	snop;
	(pc) =	sbr.ind lr, $3  }
0x3a: {  	_ = 	snop  }
0x3b: {  	_ = 	snop  }
0x3c: {  	p2 =	seq.s32 s10, $0x1;
	s10 =	sld [smem:$0x3FA7]  }
0x3d: {  	_ =	shalt  }
0x3e: {  	_ =	shalt  }
0x3f: {  	_ =	shalt  }
0x40: {  	_ =	shalt  }
0x41: {  	_ =	shalt  }
0x42: {  	_ =	shalt  }
0x43: {  	_ =	shalt  }
0x44: {  	_ =	shalt  }
0x45: {  	_ =	shalt  }
0x46: {  	_ =	shalt  }
0x47: {  	_ =	shalt  }
0x48: {  	_ =	shalt  }
0x49: {  	_ =	shalt  }
0x4a: {  	_ =	shalt  }
0x4b: {  	_ =	shalt  }
0x4c: {  	_ =	shalt  }
0x4d: {  	_ =	shalt  }
0x4e: {  	_ =	shalt  }
0x4f: {  	_ =	shalt  }
0x50: {  	_ =	shalt  }
0x51: {  	_ =	shalt  }
0x52: {  	_ =	shalt  }
0x53: {  	_ =	shalt  }
0x54: {  	_ =	shalt  }
0x55: {  	_ =	shalt  }
0x56: {  	_ =	shalt  }
0x57: {  	_ =	shalt  }
0x58: {  	_ =	shalt  }
0x59: {  	_ =	shalt  }
0x5a: {  	_ =	shalt  }
0x5b: {  	_ =	shalt  }
0x5c: {  	_ =	shalt  }
0x5d: {  	_ =	shalt  }
0x5e: {  	_ =	shalt  }
0x5f: {  	_ =	shalt  }
0x60: {  	_ =	shalt  }
0x61: {  	_ =	shalt  }
0x62: {  	_ =	shalt  }
0x63: {  	_ =	shalt  }
0x64: {  	_ =	shalt  }
0x65: {  	_ =	shalt  }
0x66: {  	_ =	shalt  }
0x67: {  	_ =	shalt  }
0x68: {  	_ =	shalt  }
0x69: {  	_ =	shalt  }
0x6a: {  	_ =	shalt  }
0x6b: {  	_ =	shalt  }
0x6c: {  	_ =	shalt  }
0x6d: {  	_ =	shalt  }
0x6e: {  	_ =	shalt  }
0x6f: {  	_ =	shalt  }
0x70: {  	_ =	shalt  }
0x71: {  	_ =	shalt  }
0x72: {  	_ =	shalt  }
0x73: {  	_ =	shalt  }
0x74: {  	_ =	shalt  }
0x75: {  	_ =	shalt  }
0x76: {  	_ =	shalt  }
0x77: {  	_ =	shalt  }
0x78: {  	_ =	shalt  }
0x79: {  	_ =	shalt  }
0x7a: {  	_ =	shalt  }
0x7b: {  	_ =	shalt  }
0x7c: {  	_ =	shalt  }
0x7d: {  	_ =	shalt  }
0x7e: {  	_ =	shalt  }
0x7f: {  	_ =	shalt  }
0x80: {  	_ =	shalt  }
0x81: {  	_ =	shalt  }
0x82: {  	_ =	shalt  }
0x83: {  	_ =	shalt  }
0x84: {  	_ =	shalt  }
0x85: {  	_ =	shalt  }
0x86: {  	_ =	shalt  }
0x87: {  	_ =	shalt  }
.Lfunc_end0:
.L_simem_size_0:
called_computation.5_lowered:
.L_overlay_start_0:
0x88: {  	s0 =	sld [smem:$0x3FD9]  }
0x89: {  	s1 =	sld [smem:$0x3FFE];
	_ =	sdelay $0x3  }
0x8a: {  	s0 =	sadd.s32 s1, s0  }
0x8b: {  	[smem:$0x3FB3] =	sst s0  }
0x8c: {  	_ = 	snop  }
0x8d: {  	s0 =	sld [smem:$0x3FD0];
	(tm) =	ssettm $0x1  }
0x8e: {  	s16 =	sld [smem:$0x3FFB];
	_ =	sdelay $0x3  }
0x8f: {  	_ =	strace s16  }
0x90: {  	s1 =	sld [smem:$0x3FFC];
	_ =	sdelay $0x3  }
0x91: {  	_ =	strace s1  }
0x92: {  	s1 =	sld [smem:$0x3FFD];
	_ =	sdelay $0x3  }
0x93: {  	_ =	strace s1  }
0x94: {  	_ =	strace $0x8FFFFFFF  }
0x95: {  	s17 =	sld [smem:$0x3FDB];
	_ =	sdelay $0x1  }
0x96: {  	s2 =	simm.s32 $_scs_section_size  }
0x97: {  	s3 =	simm.s32 $_size__tile_overlayer_lowered;
	s4 =	simm.s32 $_tile_overlayer_lowered  }
0x98: {  	s20 =	simm.s32 $0x1BFF;
	s19 =	sshll.u32 s4, $0x1;
	s1 =	sadd.s32 s2, s17  }
0x99: {  	s5 =	simm.s32 $0x0;
	s18 =	sshll.u32 s3, $0x1;
	s3 =	sadd.s32 s19, s1  }
0x9a: {  	[timem:s5], [sflag:s20] =	dma.local [hbm:s3], s18  }
0x9b: {  	_ =	swait.ge [sflag:s20], s18  }
0x9c: {  	s2 =	ssub.s32 $0x0, s18;
	[sflag:s20] =	ssyncset.done $0x0  }
0x9d: {  	[sflag:s20] =	ssyncadd.s32 s2;
	_ =	sdelay $0x1  }
0x9e: {  	s21 =	simm.s32 $0x1B8B  }
0x9f: {  	_ =	swait.ge [sflag:s21], $0x1  }
0xa0: {  	[sflag:s21] =	ssyncset.done $0x0  }
0xa1: {  	s23 =	simm.s32 $0x1B8E;
	s22 =	sld [smem:$0x3FFE];
	[sflag:s21] =	ssyncadd.s32 $0xFFFFFFFF  }
0xa2: {  	s24 =	simm.s32 $execute0_lowered;
	[smem:$0x3FD2] =	sst s23  }
0xa3: {  	s3 =	sshll.u32 s24, $0x1;
	_ =	strace $0x80000067;
	[dreg:$0x1] =	wrdreg $0xFFFFFFFF  }
0xa4: {  	s25 =	simm.s32 $_size_execute0_lowered;
	s1 =	sadd.s32 s1, s3;
	[dreg:$0x0] =	wrdreg $0x0  }
0xa5: {  	s3 =	sshll.u32 s25, $0x1;
	[dreg:$0x2] =	wrdreg s1  }
0xa6: {  	[dreg:$0x3] =	wrdreg s3  }
0xa7: {  	[dreg:$0x4] =	wrdreg $0xC0  }
0xa8: {  	_ =	task [dreg:s5], $0x5FFFF  }
0xa9: {  	[dreg:$0x1] =	wrdreg $0xFFFFFFFF  }
0xaa: {  	[dreg:$0x0] =	wrdreg $0x60  }
0xab: {  	[dreg:$0x2] =	wrdreg s0  }
0xac: {  	[dreg:$0x3] =	wrdreg s22  }
0xad: {  	[dreg:$0x4] =	wrdreg $0xA  }
0xae: {  	_ =	task.clear_ibuf [dreg:s5], $0x5FFFF;
	_ =	strace $0x90000067  }
0xaf: {  	s26 =	simm.s32 $0xA;
	_ =	strace $0x80000069  }
0xb0: {  	_ =	swait.ge [sflag:s26], $0x1  }
0xb1: {  	[sflag:s26] =	ssyncadd.s32 $0xFFFFFFFF  }
0xb2: {  	_ =	strace $0x90000069  }
0xb3: {  	_ =	sfence  }
0xb4: {  	s28 =	sld [smem:$0x0];
	_ =	sdelay $0x1  }
0xb5: {  	s29 =	srdreg.scid  }
0xb6: {  	s30 =	sshll.u32 s29, $0xD;
	s31 =	sshrl.u32 s29, $0x2  }
0xb7: {  	s2 =	sand.u32 $0x4000, s30;
	s1 =	sand.u32 $0x1, s29;
	s0 =	sadd.s32 s31, s28  }
0xb8: {  	s1 =	sor.u32 s2, s1;
	s0 =	sshll.u32 s0, $0x11  }
0xb9: {  	s0 =	sor.u32 s0, s1  }
0xba: {  	s0 =	sadd.s32 $0x8F2B, s0  }
0xbb: {  	[sflag:s0] =	ssyncadd.remote.s32 $0x1  }
0xbc: {  	_ =	sfence.sel $0xFFFF  }
0xbd: {  	[dreg:$0x0] =	wrdreg $0xFFFFFFFF;
	(pc) =	sbr.abs _section_cstart, $3  }
0xbe: {  	[dreg:$0x1] =	wrdreg $0xFFFFFFFF  }
0xbf: {  	_ =	task.clear_ibuf [dreg:s5], $0x2FFFF;
	_ =	strace $0x9FFFFFFF  }
0xc0: {  	(tm) =	ssettm $0x7FFFFFFF  }
0xc1: {  	_ =	shalt  }
tec
execute0_lowered:
.L_overlay_start_1:
0x0: {  	(tag) =	ssettag $0x1  }
0x1: {  	s1 =	rddreg [dreg:$0x0]  }
0x2: {  	s0 =	rddreg [dreg:$0x1];
	_ =	strace $0x80000068;
	s2 =	simm.s32 $0x1  }
0x3: {  	s8 =	simm.s32 $0x108;
	v0 =	vimm.s32 $0x0;
	[sflag:s2] =	ssyncpa.u1 $0x0  }
0x4: {  	[tilespmem:s8+$0x70] =	vst v0  }
0x5: {  	[tilespmem:s8+$0x60] =	vst v0  }
0x6: {  	[tilespmem:s8+$0x50] =	vst v0  }
0x7: {  	[tilespmem:s8+$0x40] =	vst v0  }
0x8: {  	[tilespmem:s8+$0x30] =	vst v0  }
0x9: {  	s3 =	sadd.s32 $0xB600, s0;
	[tilespmem:s8+$0x20] =	vst v0  }
0xa: {  	s4 =	sadd.s32 $0x29C00, s0;
	s5 =	sadd.s32 $0x15800, s0;
	s2 =	simm.s32 $0x40;
	[tilespmem:s8+$0x10] =	vst v0  }
.LBB2_1:
0xb: {  	s2 =	sadd.s32 $0x40, s2;
	[tilespmem:s8+$0x0] =	vst v0;
	s8 =	sadd.s32 $0x80, s8  }
0xc: {  	p0 =	slt.u32 s2, $0x3C40;
	[tilespmem:s8+$0x70] =	vst v0  }
0xd: {  	[tilespmem:s8+$0x60] =	vst v0  }
.Ltmp0:
0xe: {  	[tilespmem:s8+$0x50] =	vst v0;
	(pc) =	sbr.rel @p0 .LBB2_1-.Ltmp0, $4  }
0xf: {  	[tilespmem:s8+$0x40] =	vst v0  }
0x10: {  	[tilespmem:s8+$0x30] =	vst v0  }
0x11: {  	[tilespmem:s8+$0x20] =	vst v0  }
0x12: {  	[tilespmem:s8+$0x10] =	vst v0  }
0x13: {  	s13 =	stileid.u32  }
0x14: {  	s0 =	simm.s32 $0x4FB0;
	s6 =	smul.u32 $0x50A0, s13;
	p0 =	seq.s32 s13, $0xF  }
0x15: {  	s0 =	simm.s32 @!p0 $0x50A0  }
0x16: {  	s0 =	sadd.s32 s6, s0  }
0x17: {  	s7 =	smin.u32 s0, $0x50910  }
0x18: {  	s0 =	ssub.s32 s7, s6  }
0x19: {  	p0 =	sgt.s32 s0, $0x0  }
0x1a: {  	s0 =	simm.s32 @!p0 $0x0  }
0x1b: {  	s2 =	simm.s32 $0x2;
	s9 =	simm.s32 $0x7;
	s31 =	smulhi.u32 $0x1111112, s0  }
0x1c: {  	s10 =	simm.s32 $0x8;
	s19 =	simm.s32 $0x0;
	s15 =	simm.s32 $0xA  }
0x1d: {  	s17 =	simm.s32 $0x0;
	s18 =	simm.s32 $0x0;
	s11 =	smul.u32 $0xF0, s31  }
.Ltmp1:
0x1e: {  	[tilespmem:s8+$0x0] =	vst v0;
	v0 =	vimm.s32 $0xFFFFFFFF;
	[sflag:s2] =	ssyncpa.u1 $0x0;
	s13 =	sshll.u32 s13, $0x8;
	(pc) =	sbr.rel .LBB2_3-.Ltmp1, $4  }
0x1f: {  	[tilespmem:$0xF208] =	vst v0;
	[sflag:s9] =	ssyncpa.u1 $0x0;
	p0 =	sne.s32 s0, s11;
	s0 =	simm.s32 $0x1  }
0x20: {  	[sflag:s10] =	ssyncpa.u1 $0x0;
	s10 =	simm.s32 $0x9;
	s0 =	simm.s32 @!p0 $0x0  }
0x21: {  	s16 =	smov.u32 s6;
	[sflag:s10] =	ssyncpa.u1 $0x0;
	s12 =	sadd.s32 s0, s31  }
0x22: {  	v0 =	vlaneseq.u32;
	s11 =	simm.s32 $0x1;
	p0 =	por $0x0, $0x0;
	s14 =	sadd.s32 $0x1, s12  }
.LBB2_18:
0x23: {  	s0 =	sshrl.u32 s28, $0x2  }
.LBB2_20:
0x24: {  	_ =	swait.ge [sflag:s15], s0  }
0x25: {  	s31 =	ssub.s32 $0x0, s0;
	v1 =	vmov s21;
	vm0 =	veq.s32 v0, $0x0;
	[sflag:s15] =	ssyncset.done $0x0  }
0x26: {  	vm15 =	veq.s32 v0, $0x2;
	v1 =	vsel vm0, s26, v1;
	[sflag:s15] =	ssyncadd.s32 s31  }
0x27: {  	v1 =	vsel vm15, s19, v1;
	[sflag:s15] =	ssyncpa.u1 $0x1  }
0x28: {  	[tilespmem:$0xF208] =	vst v1  }
.LBB2_21:
0x29: {  	s0 =	sadd.s32 $0xF0, s16  }
0x2a: {  	s2 =	smov.u32 s6;
	p1 =	slt.s32 s0, s7  }
0x2b: {  	s2 =	smov.u32 @p1 s0;
	p1 =	sne.s32 s18, s14  }
.Ltmp2:
0x2c: {  	_ = 	snop;
	(pc) =	sbr.rel @!p1 .LBB2_22-.Ltmp2, $3  }
0x2d: {  	_ =	sdelay $0x1  }
0x2e: {  	s19 =	smov.u32 s17;
	s31 =	sadd.s32 $0x1, s18;
	s17 =	smov.u32 s16  }
0x2f: {  	p0 =	por !p0, !p0;
	s18 =	smov.u32 s31;
	s16 =	smov.u32 s2  }
.LBB2_3:
0x30: {  	p1 =	sge.u32 s18, s12  }
0x31: {  	s0 =	smulhi.u32 @!p1 $0xAAAAAAAB, s18  }
0x32: {  	s2 =	smov.u32 s16;
	p2 =	sgt.s32 @!p1 s16, $0x50820  }
0x33: {  	s20 =	sshra.s32 @!p1 s16, $0x1F;
	p2 =	por !p2, p1;
	s0 =	sshrl.u32 @!p1 s0, $0x1  }
0x34: {  	s20 =	sand.u32 @!p1 s20, s16;
	s2 =	simm.s32 @p2 $0x50820;
	s0 =	smul.u32 @!p1 $0x3, s0  }
0x35: {  	s2 =	ssub.s32 @!p1 s2, s20  }
0x36: {  	s2 =	sadd.s32 @!p1 $0xFFFAF7E0, s2;
	s0 =	ssub.s32 @!p1 s18, s0  }
0x37: {  	s20 =	sshll.u32 @!p1 s2, $0x2;
	p2 =	sgt.s32 @!p1 s2, $0xEF;
	s0 =	smul.u32 @!p1 $0x3C0, s0  }
0x38: {  	s21 =	sand.u32 @!p1 $0x7, s16;
	s2 =	ssub.s32 @!p1 $0x3C0, s20;
	p2 =	por !p2, p1  }
0x39: {  	s20 =	sshrl.u32 @!p1 s16, $0x3;
	s2 =	sshrl.u32 @!p1 s2, $0x2;
	s0 =	sshrl.u32 @!p1 s0, $0x2  }
0x3a: {  	s20 =	sadd.s32 @!p1 s5, s20;
	s2 =	simm.s32 @!p2 $0x0;
	s0 =	sadd.s32 @!p1 $0x10238, s0  }
0x3b: {  	[tilespmem:s0], [sflag:$0x8] =	stream.linear.gather @!p1 [hbm4b:s20+s21], s2, $0x38;
	[tilespmem:$0x1F6E8] =	vst v63  }
0x3c: {  	s0 =	sadd.s32 $0xFFFFFFFF, s18  }
0x3d: {  	p1 =	sge.u32 s0, s12  }
0x3e: {  	p2 =	sgt.s32 @!p1 s17, $0x50820  }
0x3f: {  	s2 =	smov.u32 s17;
	s20 =	sshra.s32 @!p1 s17, $0x1F;
	p2 =	por !p2, p1  }
0x40: {  	s20 =	sand.u32 @!p1 s20, s17;
	s2 =	simm.s32 @p2 $0x50820  }
0x41: {  	s2 =	ssub.s32 @!p1 s2, s20  }
0x42: {  	s2 =	sadd.s32 @!p1 $0xFFFAF7E0, s2  }
0x43: {  	s21 =	smulhi.u32 @!p1 $0xAAAAAAAB, s0;
	s22 =	sand.u32 @!p1 $0x1, s0;
	s20 =	sshll.u32 @!p1 s2, $0x2  }
0x44: {  	s24 =	smul.u32 @!p1 $0x3C0, s22;
	p2 =	sgt.s32 @!p1 s2, $0xEF;
	s2 =	ssub.s32 @!p1 $0x3C0, s20  }
0x45: {  	p2 =	por !p2, p1;
	s20 =	sshrl.u32 @!p1 s21, $0x1;
	s2 =	sshrl.u32 @!p1 s2, $0x2  }
0x46: {  	s21 =	simm.s32 @!p1 $0x8;
	s20 =	smul.u32 @!p1 $0x3, s20;
	s2 =	simm.s32 @!p2 $0x0  }
0x47: {  	s22 =	smul.u32 @!p1 $0x1E000, s22;
	_ =	swait.ge @!p1 [sflag:s21], s2;
	s23 =	ssub.s32 @!p1 $0x0, s2  }
0x48: {  	s0 =	ssub.s32 @!p1 s0, s20;
	s20 =	sshrl.u32 @!p1 s17, $0x3;
	[sflag:s21] =	ssyncset.done @!p1 $0x0  }
0x49: {  	s20 =	sadd.s32 @!p1 s3, s20;
	[sflag:s21] =	ssyncadd.s32 @!p1 s23;
	s21 =	sshrl.u32 @!p1 s24, $0x2  }
0x4a: {  	s0 =	smul.u32 @!p1 $0x3C0, s0;
	s23 =	sand.u32 @!p1 $0x7, s17;
	s21 =	sor.u32 @!p1 $0x10508, s21  }
0x4b: {  	[tilespmem:s21], [sflag:$0x9] =	stream.linear.gather @!p1 [hbm4b:s20+s23], s2, $0x38;
	[tilespmem:$0x1F6E8] =	vst v63  }
0x4c: {  	s0 =	sshrl.u32 @!p1 s0, $0x2;
	s2 =	sshrl.u32 @!p1 s22, $0x2  }
0x4d: {  	s0 =	sadd.s32 @!p1 $0x10238, s0;
	s20 =	simm.s32 @!p1 $0xF0;
	s2 =	sor.u32 @!p1 $0x106E8, s2  }
0x4e: {  	[tilespmem:s2], [sflag:$0x7] =	stream.indirect.gather @!p1 [hbm4b:s4+s20], $0x80, s0, s20, $0xb8;
	[tilespmem:$0x1F6E8] =	vst v63  }
0x4f: {  	p1 =	slt.u32 s18, $0x2  }
.Ltmp3:
0x50: {  	_ = 	snop;
	(pc) =	sbr.rel @p1 .LBB2_21-.Ltmp3, $1  }
0x51: {  	_ =	sdelay $0x3  }
0x52: {  	p1 =	sgt.s32 s19, $0x50820;
	s0 =	smov.u32 s19;
	s2 =	sshra.s32 s19, $0x1F  }
0x53: {  	s0 =	simm.s32 @!p1 $0x50820;
	s2 =	sand.u32 s2, s19  }
0x54: {  	s0 =	ssub.s32 s0, s2  }
0x55: {  	s0 =	sadd.s32 $0xFFFAF7E0, s0  }
0x56: {  	s30 =	sshll.u32 s0, $0x2  }
0x57: {  	_ =	swait.ge [sflag:s9], $0x7800;
	s2 =	ssub.s32 $0x3C0, s30  }
0x58: {  	[sflag:s9] =	ssyncset.done $0x0;
	p1 =	sgt.s32 s0, $0xEF;
	s0 =	sshrl.u32 s2, $0x2  }
0x59: {  	[sflag:s9] =	ssyncadd.s32 $0xFFFF8800;
	s0 =	simm.s32 @p1 $0x0  }
0x5a: {  	_ =	swait.ge [sflag:s10], s0  }
0x5b: {  	s0 =	ssub.s32 $0x0, s0;
	[sflag:s10] =	ssyncset.done $0x0  }
0x5c: {  	[sflag:s10] =	ssyncadd.s32 s0  }
0x5d: {  	v1 =	vld [tilespmem:$0xF208];
	_ =	sdelay $0x4  }
0x5e: {  	(v2sf) =	vpush v1, $0x0  }
0x5f: {  	(v2sf) =	vpush v1, $0x1  }
0x60: {  	(v2sf) =	vpush v1, $0x2;
	_ =	sdelay $0x3  }
0x61: {  	s0 =	sadd.s32 $0xF0, s19  }
0x62: {  	s2 =	ssub.s32 $0x50910, s19;
	p1 =	slt.s32 s7, s0  }
0x63: {  	s0 =	smov.u32 @p1 s7;
	p1 =	sgt.s32 s2, $0x0  }
0x64: {  	s23 =	ssub.s32 s0, s19;
	s2 =	simm.s32 @!p1 $0x0  }
0x65: {  	p1 =	slt.s32 s2, s23  }
0x66: {  	s23 =	smov.u32 @p1 s2  }
0x67: {  	s22 =	simm.s32 $0x1;
	p1 =	slt.s32 s23, $0x1  }
.Ltmp4:
0x68: {  	s22 =	simm.s32 @!p0 $0x0;
	(pc) =	sbr.rel @p1 .LBB2_8-.Ltmp4, $4  }
0x69: {  	s31 =	smul.u32 $0x3C0, s22  }
0x6a: {  	s24 =	spop (v2sf)  }
0x6b: {  	s0 =	sshrl.u32 s31, $0x2;
	s26 =	spop (v2sf)  }
0x6c: {  	s20 =	sor.u32 $0x10508, s0;
	s19 =	spop (v2sf)  }
0x6d: {  	s0 =	smin.u32 s23, $0x10  }
0x6e: {  	v1 =	vmov s0  }
0x6f: {  	p2 =	sgt.s32 s23, $0x10;
	vm1 =	vgt.u32 v1, v0  }
.Ltmp5:
0x70: {  	_ = 	snop;
	(pc) =	sbr.rel @!p2 .LBB2_7-.Ltmp5, $2  }
0x71: {  	_ =	sdelay $0x2  }
0x72: {  	s25 =	simm.s32 $0x10;
	s28 =	sadd.s32 $0xFFFFFFF0, s23;
	s21 =	smov.u32 s20;
	vm0 =	vmmov vm1  }
.LBB2_6:
0x73: {  	s0 =	smin.u32 s28, $0x10;
	s25 =	sadd.s32 $0x10, s25;
	v1 =	vld.msk [tilespmem:s21+$0x0 ss:$0x1], vm1  }
0x74: {  	v2 =	vmov s0;
	p2 =	slt.s32 s25, s23  }
0x75: {  	vm1 =	vgt.u32 v2, v0  }
.Ltmp6:
0x76: {  	(pc) =	sbr.rel @p2 .LBB2_6-.Ltmp6, $3  }
0x77: {  	_ =	sdelay $0x1  }
0x78: {  	v1 =	vshll.u32 v1, $0x4  }
0x79: {  	s28 =	sadd.s32 $0xFFFFFFF0, s28;
	[tilespmem:s21+$0x0] =	vst.msk vm0, v1;
	s21 =	sadd.s32 $0x10, s21;
	vm0 =	vmmov vm1  }
.LBB2_7:
0x7a: {  	_ =	sdelay $0x4  }
0x7b: {  	v1 =	vld.msk [tilespmem:s21+$0x0 ss:$0x1], vm1;
	_ =	sdelay $0x4  }
0x7c: {  	v1 =	vshll.u32 v1, $0x4  }
0x7d: {  	[tilespmem:s21+$0x0] =	vst.msk vm0, v1  }
.LBB2_8:
0x7e: {  	s0 =	sand.u32 $0x1, s18  }
0x7f: {  	s0 =	smul.u32 $0xF0, s0  }
0x80: {  	p2 =	sne.s32 s26, $0xFFFFFFFF  }
0x81: {  	v1 =	vld.msk @!p2 [tilespmem:s0+$0x10508], $0x1;
	_ =	sdelay $0x4  }
0x82: {  	(v2sf) =	vpush @!p2 v1, $0x0;
	_ =	sdelay $0xc  }
.Ltmp7:
0x83: {  	_ = 	snop;
	(pc) =	sbr.rel @p1 .LBB2_19-.Ltmp7, $4  }
0x84: {  	_ = 	snop  }
0x85: {  	s25 =	spop @!p2 (v2sf)  }
0x86: {  	s19 =	simm.s32 @!p2 $0x0;
	s21 =	smov.u32 s25  }
0x87: {  	[sflag:s15] =	ssyncpa.u1 $0x0;
	s25 =	smov.u32 @p2 s24;
	s21 =	smov.u32 @p2 s26  }
0x88: {  	v1 =	vld.msk [tilespmem:s20+$0x0], $0x1;
	_ =	sdelay $0x4  }
0x89: {  	(v2sf) =	vpush v1, $0x0;
	_ =	sdelay $0xe  }
0x8a: {  	s0 =	smul.u32 $0x1E000, s22;
	s29 =	spop (v2sf)  }
0x8b: {  	s23 =	ssub.s32 $0x0, s23;
	p1 =	seq.s32 s25, s29  }
0x8c: {  	s26 =	sadd.s32 $0x1, s23;
	s0 =	sshrl.u32 s0, $0x2;
	p2 =	sgt.s32 @!p1 s25, $0x0  }
0x8d: {  	s22 =	sor.u32 $0x10728, s0;
	s0 =	smov.u32 s25;
	p2 =	por !p2, p1  }
0x8e: {  	s0 =	simm.s32 @p2 $0x0;
	p2 =	seq.s32 s26, $0x0  }
.Ltmp8:
0x8f: {  	_ = 	snop;
	(pc) =	sbr.rel @p2 .LBB2_11-.Ltmp8, $4  }
0x90: {  	_ = 	snop  }
0x91: {  	s24 =	simm.s32 $0x0;
	s28 =	sadd.s32 $0x1, s20;
	s0 =	smin.u32 @!p1 s0, $0x270F0  }
0x92: {  	s30 =	simm.s32 @!p1 $0x1;
	s31 =	simm.s32 @!p1 $0x7988;
	s2 =	sand.u32 @!p1 $0x3FFF8, s0  }
0x93: {  	s30 =	smov.u32 @p1 s24;
	s0 =	sand.u32 @!p1 $0x7, s0;
	s2 =	sadd.s32 @!p1 s1, s2  }
.LBB2_10:
0x94: {  	s8 =	smov.u32 s30  }
0x95: {  	[tilespmem:s31], [sflag:$0x2] =	stream.linear.gather @!p1 [hbm4b:s2+s0], $0x80, $0x38;
	[tilespmem:$0x1F6E8] =	vst v63  }
0x96: {  	s26 =	sadd.s32 $0x1, s26;
	s0 =	smov.u32 s29;
	v1 =	vld.msk [tilespmem:s28+$0x0], $0x1  }
0x97: {  	p2 =	seq.s32 s26, $0x0;
	_ =	sdelay $0x3  }
0x98: {  	(v2sf) =	vpush v1, $0x0;
	_ =	sdelay $0xe  }
0x99: {  	s29 =	spop (v2sf)  }
0x9a: {  	p1 =	seq.s32 s0, s29  }
0x9b: {  	p3 =	sgt.s32 @!p1 s0, $0x0;
	s2 =	sshll.u32 @!p1 s30, $0x9;
	s30 =	sadd.s32 @!p1 $0x1, s30  }
.Ltmp9:
0x9c: {  	p3 =	por !p3, p1;
	s2 =	sshra.s32 @!p1 s2, $0x2;
	(pc) =	sbr.rel @!p2 .LBB2_10-.Ltmp9, $4  }
0x9d: {  	s30 =	smov.u32 @p1 s8;
	s0 =	simm.s32 @p3 $0x0;
	s31 =	sadd.s32 @!p1 $0x7988, s2  }
0x9e: {  	s0 =	smin.u32 @!p1 s0, $0x270F0  }
0x9f: {  	s2 =	sand.u32 @!p1 $0x3FFF8, s0;
	s0 =	sand.u32 @!p1 $0x7, s0  }
0xa0: {  	s28 =	sadd.s32 $0x1, s28;
	s2 =	sadd.s32 @!p1 s1, s2  }
.LBB2_11:
0xa1: {  	[tilespmem:s31], [sflag:$0x2] =	stream.linear.gather @!p1 [hbm4b:s2+s0], $0x80, $0x38;
	[tilespmem:$0x1F6E8] =	vst v63  }
.Ltmp10:
0xa2: {  	s30 =	sshll.u32 s30, $0x7;
	(pc) =	sbr.rel .LBB2_12-.Ltmp10, $4  }
0xa3: {  	s31 =	simm.s32 $0x2;
	s0 =	sand.u32 $0x3FFFFF80, s30  }
0xa4: {  	_ =	swait.ge [sflag:s31], s0  }
0xa5: {  	s0 =	ssub.s32 $0x0, s0;
	[sflag:s31] =	ssyncset.done $0x0  }
0xa6: {  	s28 =	simm.s32 $0x0;
	[sflag:s31] =	ssyncadd.s32 s0  }
.LBB2_13:
0xa7: {  	v1 =	vld [tilespmem:s22+$0xFFFFFFC0];
	_ =	sdelay $0x3  }
0xa8: {  	s0 =	sshra.s32 s0, $0x2  }
0xa9: {  	[tilespmem:s0+$0x108] =	vst.add.f32.msk $0xffff, v1  }
0xaa: {  	v1 =	vld [tilespmem:s22+$0xFFFFFFD0];
	_ =	sdelay $0x4  }
0xab: {  	[tilespmem:s0+$0x118] =	vst.add.f32.msk $0xffff, v1  }
0xac: {  	v1 =	vld [tilespmem:s22+$0xFFFFFFE0];
	_ =	sdelay $0x4  }
0xad: {  	[tilespmem:s0+$0x128] =	vst.add.f32.msk $0xffff, v1  }
0xae: {  	v1 =	vld [tilespmem:s22+$0xFFFFFFF0];
	_ =	sdelay $0x4  }
0xaf: {  	[tilespmem:s0+$0x138] =	vst.add.f32.msk $0xffff, v1  }
0xb0: {  	v1 =	vld [tilespmem:s22+$0x0];
	_ =	sdelay $0x4  }
0xb1: {  	[tilespmem:s0+$0x148] =	vst.add.f32.msk $0xffff, v1  }
0xb2: {  	v1 =	vld [tilespmem:s22+$0x10];
	_ =	sdelay $0x4  }
0xb3: {  	[tilespmem:s0+$0x158] =	vst.add.f32.msk $0xffff, v1  }
0xb4: {  	v1 =	vld [tilespmem:s22+$0x20];
	_ =	sdelay $0x4  }
0xb5: {  	[tilespmem:s0+$0x168] =	vst.add.f32.msk $0xffff, v1  }
0xb6: {  	v1 =	vld [tilespmem:s22+$0x30];
	_ =	sdelay $0x4  }
0xb7: {  	[tilespmem:s0+$0x178] =	vst.add.f32.msk $0xffff, v1  }
.LBB2_17:
0xb8: {  	s23 =	sadd.s32 $0x1, s23  }
0xb9: {  	p1 =	seq.s32 s23, $0x0  }
.Ltmp11:
0xba: {  	_ = 	snop;
	(pc) =	sbr.rel @p1 .LBB2_18-.Ltmp11, $2  }
0xbb: {  	_ =	sdelay $0x2  }
0xbc: {  	s20 =	sadd.s32 $0x1, s20;
	s22 =	sadd.s32 $0x80, s22;
	s25 =	smov.u32 s26  }
.LBB2_12:
0xbd: {  	v1 =	vld.msk [tilespmem:s20+$0x0], $0x1;
	_ =	sdelay $0x4  }
0xbe: {  	(v2sf) =	vpush v1, $0x0;
	_ =	sdelay $0xe  }
0xbf: {  	s26 =	spop (v2sf)  }
0xc0: {  	p1 =	sne.s32 s25, s26  }
.Ltmp12:
0xc1: {  	_ = 	snop;
	(pc) =	sbr.rel @!p1 .LBB2_13-.Ltmp12, $2  }
0xc2: {  	_ =	sdelay $0x2  }
0xc3: {  	s0 =	sshll.u32 s19, $0x9  }
0xc4: {  	p1 =	seq.s32 s25, s21  }
.Ltmp13:
0xc5: {  	_ = 	snop;
	(pc) =	sbr.rel @!p1 .LBB2_15-.Ltmp13, $1  }
0xc6: {  	_ =	sdelay $0x3  }
0xc7: {  	s0 =	sshra.s32 s0, $0x2  }
.Ltmp14:
0xc8: {  	s0 =	sadd.s32 $0x108, s0;
	(pc) =	sbr.rel .LBB2_16-.Ltmp14, $4  }
0xc9: {  	[spmem:s13] =	stream.linear.scatter [tilespmem:s0], [sflag:$0x1], $0x80, $0x38;
	[tilespmem:$0x1F6E8] =	vst v63  }
0xca: {  	_ =	swait.ge [sflag:s11], $0x80  }
0xcb: {  	[sflag:s11] =	ssyncset.done $0x0  }
0xcc: {  	[sflag:s11] =	ssyncadd.s32 $0xFFFFFF80  }
.LBB2_15:
0xcd: {  	s2 =	sshll.u32 s24, $0x9  }
0xce: {  	s2 =	sshra.s32 s2, $0x2  }
0xcf: {  	v1 =	vld [tilespmem:s2+$0x7988];
	_ =	sdelay $0x3  }
0xd0: {  	s0 =	sshra.s32 s0, $0x2  }
0xd1: {  	[tilespmem:s0+$0x108] =	vst.add.f32.msk $0xffff, v1  }
0xd2: {  	v1 =	vld [tilespmem:s2+$0x7998];
	_ =	sdelay $0x4  }
0xd3: {  	[tilespmem:s0+$0x118] =	vst.add.f32.msk $0xffff, v1  }
0xd4: {  	v1 =	vld [tilespmem:s2+$0x79A8];
	_ =	sdelay $0x4  }
0xd5: {  	[tilespmem:s0+$0x128] =	vst.add.f32.msk $0xffff, v1  }
0xd6: {  	v1 =	vld [tilespmem:s2+$0x79B8];
	_ =	sdelay $0x4  }
0xd7: {  	[tilespmem:s0+$0x138] =	vst.add.f32.msk $0xffff, v1  }
0xd8: {  	v1 =	vld [tilespmem:s2+$0x79C8];
	_ =	sdelay $0x4  }
0xd9: {  	[tilespmem:s0+$0x148] =	vst.add.f32.msk $0xffff, v1  }
0xda: {  	v1 =	vld [tilespmem:s2+$0x79D8];
	_ =	sdelay $0x4  }
0xdb: {  	[tilespmem:s0+$0x158] =	vst.add.f32.msk $0xffff, v1  }
0xdc: {  	v1 =	vld [tilespmem:s2+$0x79E8];
	_ =	sdelay $0x4  }
0xdd: {  	[tilespmem:s0+$0x168] =	vst.add.f32.msk $0xffff, v1  }
0xde: {  	v1 =	vld [tilespmem:s2+$0x79F8];
	_ =	sdelay $0x2  }
0xdf: {  	p1 =	sgt.u32 s25, $0x270F0  }
0xe0: {  	s2 =	sand.u32 @!p1 $0x3FFF8, s25  }
0xe1: {  	s8 =	sadd.s32 $0x108, s0;
	[tilespmem:s0+$0x178] =	vst.add.f32.msk $0xffff, v1;
	s0 =	sadd.s32 @!p1 s1, s2;
	s2 =	sand.u32 @!p1 $0x7, s25  }
0xe2: {  	[hbm4b:s0+s2] =	stream.linear.scatter @!p1 [tilespmem:s8], [sflag:$0xA], $0x80, $0x38;
	[tilespmem:$0x1F6E8] =	vst v63  }
0xe3: {  	s0 =	simm.s32 $0x0  }
0xe4: {  	s0 =	simm.s32 @!p1 $0x200  }
0xe5: {  	s28 =	sadd.s32 s0, s28  }
.LBB2_16:
0xe6: {  	s0 =	sadd.s32 $0x1, s19  }
0xe7: {  	s2 =	smulhi.u32 $0x88888889, s0;
	_ =	sdelay $0x1  }
0xe8: {  	v1 =	vld [tilespmem:s22+$0xFFFFFFC0];
	s2 =	sshrl.u32 s2, $0x7  }
0xe9: {  	s2 =	smul.u32 $0xF0, s2;
	_ =	sdelay $0x1  }
0xea: {  	s19 =	ssub.s32 s0, s2  }
0xeb: {  	s0 =	sshll.u32 s19, $0x7  }
0xec: {  	[tilespmem:s0+$0x108] =	vst v1  }
0xed: {  	v1 =	vld [tilespmem:s22+$0xFFFFFFD0];
	_ =	sdelay $0x4  }
0xee: {  	[tilespmem:s0+$0x118] =	vst v1  }
0xef: {  	v1 =	vld [tilespmem:s22+$0xFFFFFFE0];
	_ =	sdelay $0x4  }
0xf0: {  	[tilespmem:s0+$0x128] =	vst v1  }
0xf1: {  	v1 =	vld [tilespmem:s22+$0xFFFFFFF0];
	_ =	sdelay $0x4  }
0xf2: {  	[tilespmem:s0+$0x138] =	vst v1  }
0xf3: {  	v1 =	vld [tilespmem:s22+$0x0];
	_ =	sdelay $0x4  }
0xf4: {  	[tilespmem:s0+$0x148] =	vst v1  }
0xf5: {  	v1 =	vld [tilespmem:s22+$0x10];
	_ =	sdelay $0x4  }
0xf6: {  	[tilespmem:s0+$0x158] =	vst v1  }
0xf7: {  	v1 =	vld [tilespmem:s22+$0x20];
	_ =	sdelay $0x4  }
0xf8: {  	[tilespmem:s0+$0x168] =	vst v1  }
0xf9: {  	v1 =	vld [tilespmem:s22+$0x30]  }
.Ltmp15:
0xfa: {  	_ = 	snop;
	(pc) =	sbr.rel .LBB2_17-.Ltmp15, $2  }
0xfb: {  	_ =	sdelay $0x2  }
0xfc: {  	s24 =	sadd.s32 $0x1, s24;
	[tilespmem:s0+$0x178] =	vst v1  }
.LBB2_19:
.Ltmp16:
0xfd: {  	(pc) =	sbr.rel .LBB2_20-.Ltmp16, $4  }
0xfe: {  	_ = 	snop  }
0xff: {  	s0 =	simm.s32 $0x2  }
0x100: {  	_ =	swait.ge [sflag:s0], $0x0  }
0x101: {  	s26 =	smov.u32 s25;
	[sflag:s0] =	ssyncset.done $0x0;
	s0 =	simm.s32 $0x0  }
.LBB2_22:
0x102: {  	_ =	sfence.sel $0x180000  }
0x103: {  	s0 =	simm.s32 $0x7;
	[bflag:$0x0] =	sbarrier.arrive $0xFFFF  }
0x104: {  	s25 =	simm.s32 $0x8;
	[sflag:s0] =	ssyncpa.u1 $0x1  }
0x105: {  	s26 =	simm.s32 $0x9;
	[sflag:s25] =	ssyncpa.u1 $0x1  }
0x106: {  	s28 =	simm.s32 $0x2;
	[sflag:s26] =	ssyncpa.u1 $0x1  }
0x107: {  	[sflag:s28] =	ssyncpa.u1 $0x1  }
0x108: {  	v0 =	vld [tilespmem:$0xF208];
	_ =	sdelay $0x4  }
0x109: {  	(v2sf) =	vpush v0, $0x0  }
0x10a: {  	(v2sf) =	vpush v0, $0x1;
	_ =	sdelay $0x1  }
0x10b: {  	(v2sf) =	vpush v0, $0x2;
	_ =	sdelay $0xb  }
0x10c: {  	s0 =	spop (v2sf)  }
0x10d: {  	s2 =	spop (v2sf)  }
0x10e: {  	s3 =	smov.u32 s0;
	p0 =	sne.s32 s0, s2  }
0x10f: {  	s4 =	spop (v2sf);
	s3 =	simm.s32 @!p0 $0xFFFFFFFF  }
0x110: {  	v2 =	vimm.s32 $0x1;
	v3 =	vlaneseq.u32;
	p0 =	seq.s32 s4, $0xFFFFFFFF;
	v1 =	vmov s3  }
0x111: {  	s7 =	stileid.u32;
	v0 =	vperm.xlane v0, v2;
	p1 =	sne.s32 @!p0 s0, s2;
	v1 =	vperm.xlane v1, v3  }
0x112: {  	vm0 =	vcmask $0x3F04;
	s6 =	simm.s32 $0xF208;
	s0 =	simm.s32 @!p0 $0x1;
	p1 =	por !p1, p0  }
0x113: {  	s3 =	sshll.u32 s7, $0x1;
	s2 =	sshll.u32 @!p0 s4, $0x9;
	s0 =	simm.s32 @p1 $0x0;
	v0 =	vsel vm0, v1, v0  }
0x114: {  	s5 =	sor.u32 $0x1000, s3;
	s2 =	sshra.s32 @!p0 s2, $0x2;
	s0 =	sor.u32 @!p0 s0, s3;
	[tilespmem:$0xF208] =	vst v0  }
0x115: {  	[spmem:s5] =	stream.linear.scatter [tilespmem:s6], [sflag:$0x1], $0x2, $0x38;
	[tilespmem:$0x1F6E8] =	vst v63  }
0x116: {  	s2 =	sadd.s32 @!p0 $0x108, s2;
	s0 =	sshll.u32 @!p0 s0, $0x7  }
0x117: {  	[spmem:s0] =	stream.linear.scatter @!p0 [tilespmem:s2], [sflag:$0x1], $0x80, $0x38;
	[tilespmem:$0x1F6E8] =	vst v63  }
0x118: {  	s0 =	simm.s32 @!p0 $0x82  }
0x119: {  	s3 =	simm.s32 $0x1;
	s0 =	simm.s32 @p0 $0x2  }
0x11a: {  	_ =	swait.ge [sflag:s3], s0  }
0x11b: {  	s0 =	ssub.s32 $0x0, s0;
	[sflag:s3] =	ssyncset.done $0x0  }
0x11c: {  	[sflag:s3] =	ssyncadd.s32 s0  }
0x11d: {  	_ =	sfence.stream.spmem  }
0x11e: {  	s29 =	simm.s32 $0x3;
	[bflag:$0x0] =	sbarrier.arrive $0xFFFF  }
0x11f: {  	s30 =	simm.s32 $0x4;
	[sflag:s29] =	ssyncpa.u1 $0x1  }
0x120: {  	s31 =	simm.s32 $0x3C;
	[sflag:s30] =	ssyncpa.u1 $0x1  }
0x121: {  	p0 =	sne.s32 s7, $0x0;
	[sflag:s31] =	ssyncpa.u1 $0x1  }
0x122: {  	_ =	sfence @p0  }
0x123: {  	[sflag:s3] =	ssyncpa.u1 @p0 $0x1  }
0x124: {  	_ =	strace @p0 $0x90000068  }
0x125: {  	[bflag:$0x2] =	sbarrier.arrive @p0 $0xFFFF  }
0x126: {  	_ =	shalt @p0  }
.LBB2_23:
0x127: {  	_ =	sfence.stream.spmem;
	s0 =	simm.s32 $0x5  }
0x128: {  	s2 =	simm.s32 $0x1000;
	s3 =	simm.s32 $0xF218;
	[sflag:s0] =	ssyncpa.u1 $0x0  }
0x129: {  	[tilespmem:s3], [sflag:$0x5] =	stream.linear.gather [spmem:s2], $0x20, $0x38;
	[tilespmem:$0x1F6E8] =	vst v63  }
0x12a: {  	s30 =	simm.s32 $0xF238;
	s2 =	simm.s32 $0x0  }
0x12b: {  	[tilespmem:s30], [sflag:$0x5] =	stream.linear.gather [spmem:s2], $0x1000, $0x38;
	[tilespmem:$0x1F6E8] =	vst v63  }
.Ltmp17:
0x12c: {  	_ = 	snop;
	(pc) =	sbr.rel .LBB2_24-.Ltmp17, $4  }
0x12d: {  	_ =	swait.ge [sflag:s0], $0x1020  }
0x12e: {  	[sflag:s0] =	ssyncset.done $0x0  }
0x12f: {  	s31 =	simm.s32 $0x6;
	[sflag:s0] =	ssyncadd.s32 $0xFFFFEFE0  }
0x130: {  	s3 =	simm.s32 $0x0;
	[sflag:s31] =	ssyncpa.u1 $0x0  }
.LBB2_30:
0x131: {  	p0 =	slt.u32 s4, $0x270F1  }
0x132: {  	s0 =	sand.u32 @p0 $0x3FFF8, s4  }
0x133: {  	s4 =	sand.u32 @p0 $0x7, s4;
	s5 =	simm.s32 @p0 $0xF188;
	s0 =	sadd.s32 @p0 s1, s0  }
0x134: {  	[tilespmem:s5], [sflag:$0x6] =	stream.linear.gather @p0 [hbm4b:s0+s4], $0x80, $0x38;
	[tilespmem:$0x1F6E8] =	vst v63  }
0x135: {  	s0 =	simm.s32 @p0 $0x6  }
0x136: {  	_ =	swait.ge @p0 [sflag:s0], $0x80  }
0x137: {  	[sflag:s0] =	ssyncset.done @p0 $0x0  }
0x138: {  	[sflag:s0] =	ssyncadd.s32 @p0 $0xFFFFFF80  }
0x139: {  	v1 =	vld @p0 [tilespmem:$0xF188];
	_ =	sdelay $0x2  }
0x13a: {  	s0 =	sshll.u32 @p0 s3, $0x9  }
0x13b: {  	s4 =	sshrl.u32 @p0 s0, $0x2  }
0x13c: {  	[tilespmem:s4+$0xF238] =	vst.add.f32.msk @p0 $0xffff, v1  }
0x13d: {  	v1 =	vld @p0 [tilespmem:$0xF198];
	_ =	sdelay $0x4  }
0x13e: {  	[tilespmem:s4+$0xF248] =	vst.add.f32.msk @p0 $0xffff, v1  }
0x13f: {  	v1 =	vld @p0 [tilespmem:$0xF1A8];
	_ =	sdelay $0x4  }
0x140: {  	[tilespmem:s4+$0xF258] =	vst.add.f32.msk @p0 $0xffff, v1  }
0x141: {  	v1 =	vld @p0 [tilespmem:$0xF1B8];
	_ =	sdelay $0x4  }
0x142: {  	[tilespmem:s4+$0xF268] =	vst.add.f32.msk @p0 $0xffff, v1  }
0x143: {  	v1 =	vld @p0 [tilespmem:$0xF1C8];
	_ =	sdelay $0x4  }
0x144: {  	[tilespmem:s4+$0xF278] =	vst.add.f32.msk @p0 $0xffff, v1  }
0x145: {  	v1 =	vld @p0 [tilespmem:$0xF1D8];
	_ =	sdelay $0x4  }
0x146: {  	[tilespmem:s4+$0xF288] =	vst.add.f32.msk @p0 $0xffff, v1  }
0x147: {  	v1 =	vld @p0 [tilespmem:$0xF1E8];
	_ =	sdelay $0x4  }
0x148: {  	[tilespmem:s4+$0xF298] =	vst.add.f32.msk @p0 $0xffff, v1  }
0x149: {  	v1 =	vld @p0 [tilespmem:$0xF1F8];
	_ =	sdelay $0x3  }
0x14a: {  	s5 =	sshll.u32 @!p0 s3, $0x9  }
0x14b: {  	s5 =	smov.u32 @p0 s0;
	[tilespmem:s4+$0xF2A8] =	vst.add.f32.msk @p0 $0xffff, v1  }
0x14c: {  	s0 =	sshrl.u32 s5, $0x2;
	[tilespmem:s2+$0xF218] =	vst.msk $0x1, v0  }
0x14d: {  	v0 =	vld [tilespmem:s0+$0xF238];
	_ =	sdelay $0x2  }
0x14e: {  	s31 =	sshll.u32 s2, $0x9  }
0x14f: {  	s4 =	sshra.s32 s31, $0x2  }
0x150: {  	[tilespmem:s4+$0xF238] =	vst v0  }
0x151: {  	v0 =	vld [tilespmem:s0+$0xF248];
	_ =	sdelay $0x4  }
0x152: {  	[tilespmem:s4+$0xF248] =	vst v0  }
0x153: {  	v0 =	vld [tilespmem:s0+$0xF258];
	_ =	sdelay $0x4  }
0x154: {  	[tilespmem:s4+$0xF258] =	vst v0  }
0x155: {  	v0 =	vld [tilespmem:s0+$0xF268];
	_ =	sdelay $0x4  }
0x156: {  	[tilespmem:s4+$0xF268] =	vst v0  }
0x157: {  	v0 =	vld [tilespmem:s0+$0xF278];
	_ =	sdelay $0x4  }
0x158: {  	[tilespmem:s4+$0xF278] =	vst v0  }
0x159: {  	v0 =	vld [tilespmem:s0+$0xF288];
	_ =	sdelay $0x4  }
0x15a: {  	[tilespmem:s4+$0xF288] =	vst v0  }
0x15b: {  	v0 =	vld [tilespmem:s0+$0xF298];
	_ =	sdelay $0x4  }
0x15c: {  	[tilespmem:s4+$0xF298] =	vst v0  }
0x15d: {  	v0 =	vld [tilespmem:s0+$0xF2A8];
	_ =	sdelay $0x4  }
0x15e: {  	s2 =	sadd.s32 $0x1, s2;
	[tilespmem:s4+$0xF2A8] =	vst v0  }
.LBB2_31:
0x15f: {  	s3 =	sadd.s32 $0x1, s3  }
0x160: {  	p0 =	sne.s32 s3, $0x20  }
.Ltmp18:
0x161: {  	_ = 	snop;
	(pc) =	sbr.rel @!p0 .LBB2_32-.Ltmp18, $1  }
0x162: {  	_ =	sdelay $0x3  }
.LBB2_24:
0x163: {  	v0 =	vld.msk [tilespmem:s3+$0xF218], $0x1;
	_ =	sdelay $0x4  }
0x164: {  	(v2sf) =	vpush v0, $0x0;
	_ =	sdelay $0xe  }
0x165: {  	s4 =	spop (v2sf)  }
0x166: {  	p0 =	seq.s32 s4, $0xFFFFFFFF  }
.Ltmp19:
0x167: {  	_ = 	snop;
	(pc) =	sbr.rel @p0 .LBB2_31-.Ltmp19, $1  }
0x168: {  	_ =	sdelay $0x3  }
0x169: {  	p0 =	slt.s32 s2, $0x1  }
.Ltmp20:
0x16a: {  	_ = 	snop;
	(pc) =	sbr.rel @p0 .LBB2_30-.Ltmp20, $1  }
0x16b: {  	_ =	sdelay $0x3  }
0x16c: {  	s5 =	simm.s32 $0xF218;
	p0 =	por $0x0, $0x0  }
0x16d: {  	v1 =	vld.msk @!p0 [tilespmem:s5+$0x0], $0x1;
	_ =	sdelay $0x4  }
0x16e: {  	(v2sf) =	vpush @!p0 v1, $0x0;
	_ =	sdelay $0xd  }
0x16f: {  	p2 =	sne.s32 s2, $0x1  }
.Ltmp21:
0x170: {  	s0 =	spop @!p0 (v2sf);
	(pc) =	sbr.rel @!p2 .LBB2_28-.Ltmp21, $4  }
0x171: {  	p1 =	seq.s32 @!p0 s4, s0  }
0x172: {  	s6 =	simm.s32 $0x0;
	p1 =	por !p1, p0  }
0x173: {  	s0 =	simm.s32 $0xFFFFFFFF;
	s6 =	simm.s32 @p1 $0xFFFFFFFF  }
0x174: {  	s7 =	simm.s32 $0x1;
	s6 =	smov.u32 @p0 s0  }
.LBB2_27:
0x175: {  	s0 =	smov.u32 s6;
	p0 =	sne.s32 s6, $0xFFFFFFFF  }
0x176: {  	s5 =	sadd.s32 $0x1, s5;
	s6 =	smov.u32 s7;
	s7 =	sadd.s32 $0x1, s7  }
0x177: {  	p1 =	sne.s32 s2, s7;
	v1 =	vld.msk @!p0 [tilespmem:s5+$0x0], $0x1;
	_ =	sdelay $0x4  }
0x178: {  	(v2sf) =	vpush @!p0 v1, $0x0;
	_ =	sdelay $0xe  }
.Ltmp22:
0x179: {  	s8 =	spop @!p0 (v2sf);
	(pc) =	sbr.rel @p1 .LBB2_27-.Ltmp22, $4  }
0x17a: {  	p2 =	seq.s32 @!p0 s4, s8  }
0x17b: {  	p2 =	por !p2, p0  }
0x17c: {  	s6 =	simm.s32 @p2 $0xFFFFFFFF  }
0x17d: {  	s6 =	smov.u32 @p0 s0  }
.LBB2_28:
0x17e: {  	p0 =	seq.s32 s6, $0xFFFFFFFF  }
.Ltmp23:
0x17f: {  	_ = 	snop;
	(pc) =	sbr.rel @p0 .LBB2_30-.Ltmp23, $1  }
0x180: {  	_ =	sdelay $0x3  }
0x181: {  	s0 =	sshll.u32 s3, $0x7  }
0x182: {  	s0 =	sand.u32 $0x3FFFFF80, s0  }
0x183: {  	v0 =	vld [tilespmem:s0+$0xF238];
	_ =	sdelay $0x2  }
0x184: {  	s4 =	sshll.u32 s6, $0x9  }
0x185: {  	s4 =	sshra.s32 s4, $0x2  }
0x186: {  	[tilespmem:s4+$0xF238] =	vst.add.f32.msk $0xffff, v0  }
0x187: {  	v0 =	vld [tilespmem:s0+$0xF248];
	_ =	sdelay $0x4  }
0x188: {  	[tilespmem:s4+$0xF248] =	vst.add.f32.msk $0xffff, v0  }
0x189: {  	v0 =	vld [tilespmem:s0+$0xF258];
	_ =	sdelay $0x4  }
0x18a: {  	[tilespmem:s4+$0xF258] =	vst.add.f32.msk $0xffff, v0  }
0x18b: {  	v0 =	vld [tilespmem:s0+$0xF268];
	_ =	sdelay $0x4  }
0x18c: {  	[tilespmem:s4+$0xF268] =	vst.add.f32.msk $0xffff, v0  }
0x18d: {  	v0 =	vld [tilespmem:s0+$0xF278];
	_ =	sdelay $0x4  }
0x18e: {  	[tilespmem:s4+$0xF278] =	vst.add.f32.msk $0xffff, v0  }
0x18f: {  	v0 =	vld [tilespmem:s0+$0xF288];
	_ =	sdelay $0x4  }
0x190: {  	[tilespmem:s4+$0xF288] =	vst.add.f32.msk $0xffff, v0  }
0x191: {  	v0 =	vld [tilespmem:s0+$0xF298];
	_ =	sdelay $0x4  }
0x192: {  	[tilespmem:s4+$0xF298] =	vst.add.f32.msk $0xffff, v0  }
0x193: {  	v0 =	vld [tilespmem:s0+$0xF2A8]  }
.Ltmp24:
0x194: {  	_ = 	snop;
	(pc) =	sbr.rel .LBB2_31-.Ltmp24, $2  }
0x195: {  	_ =	sdelay $0x2  }
0x196: {  	[tilespmem:s4+$0xF2A8] =	vst.add.f32.msk $0xffff, v0  }
.LBB2_32:
0x197: {  	p0 =	slt.s32 s2, $0x1  }
.Ltmp25:
0x198: {  	_ = 	snop;
	(pc) =	sbr.rel @p0 .LBB2_36-.Ltmp25, $3  }
0x199: {  	_ =	sdelay $0x1  }
0x19a: {  	s0 =	simm.s32 $0x6  }
0x19b: {  	s3 =	simm.s32 $0x0;
	[sflag:s0] =	ssyncpa.u1 $0x1  }
0x19c: {  	s0 =	simm.s32 $0xF218  }
0x19d: {  	v0 =	vld.msk [tilespmem:s0+$0x0], $0x1;
	_ =	sdelay $0x4  }
0x19e: {  	(v2sf) =	vpush v0, $0x0;
	_ =	sdelay $0xd  }
0x19f: {  	s2 =	sadd.s32 $0xFFFFFFFF, s2  }
0x1a0: {  	p1 =	sne.s32 s2, $0x0;
	s0 =	spop (v2sf)  }
.Ltmp26:
0x1a1: {  	p0 =	sgt.u32 s0, $0x270F0;
	(pc) =	sbr.rel @!p1 .LBB2_35-.Ltmp26, $4  }
0x1a2: {  	s4 =	simm.s32 $0xF238;
	s5 =	sand.u32 @!p0 $0x3FFF8, s0  }
0x1a3: {  	s6 =	simm.s32 $0x0;
	s0 =	sand.u32 @!p0 $0x7, s0;
	s5 =	sadd.s32 @!p0 s1, s5  }
0x1a4: {  	[hbm4b:s5+s0] =	stream.linear.scatter @!p0 [tilespmem:s4], [sflag:$0x5], $0x80, $0x38;
	[tilespmem:$0x1F6E8] =	vst v63  }
0x1a5: {  	s6 =	simm.s32 @!p0 $0x200;
	s5 =	simm.s32 $0xF219  }
.LBB2_34:
0x1a6: {  	v0 =	vld.msk [tilespmem:s5+$0x0], $0x1;
	s2 =	sadd.s32 $0xFFFFFFFF, s2;
	s3 =	sadd.s32 s3, s6  }
0x1a7: {  	p0 =	sne.s32 s2, $0x0;
	_ =	sdelay $0x3  }
0x1a8: {  	(v2sf) =	vpush v0, $0x0;
	_ =	sdelay $0xe  }
.Ltmp27:
0x1a9: {  	s0 =	spop (v2sf);
	(pc) =	sbr.rel @p0 .LBB2_34-.Ltmp27, $4  }
0x1aa: {  	s6 =	simm.s32 $0x0;
	p1 =	sgt.u32 s0, $0x270F0  }
0x1ab: {  	s4 =	sadd.s32 $0x80, s4;
	s6 =	simm.s32 @!p1 $0x200;
	s7 =	sand.u32 @!p1 $0x3FFF8, s0  }
0x1ac: {  	s5 =	sadd.s32 $0x1, s5;
	s0 =	sand.u32 @!p1 $0x7, s0;
	s7 =	sadd.s32 @!p1 s1, s7  }
0x1ad: {  	[hbm4b:s7+s0] =	stream.linear.scatter @!p1 [tilespmem:s4], [sflag:$0x5], $0x80, $0x38;
	[tilespmem:$0x1F6E8] =	vst v63  }
.LBB2_35:
0x1ae: {  	s0 =	sadd.s32 s3, s6  }
0x1af: {  	s3 =	sshrl.u32 s0, $0x2  }
.LBB2_36:
0x1b0: {  	s0 =	simm.s32 $0x5  }
0x1b1: {  	_ =	swait.ge [sflag:s0], s3  }
0x1b2: {  	s1 =	ssub.s32 $0x0, s3;
	[sflag:s0] =	ssyncset.done $0x0  }
0x1b3: {  	[sflag:s0] =	ssyncadd.s32 s1  }
0x1b4: {  	[sflag:s0] =	ssyncpa.u1 $0x1  }
0x1b5: {  	s30 =	simm.s32 $0x1;
	_ =	sfence  }
0x1b6: {  	[sflag:s30] =	ssyncpa.u1 $0x1  }
0x1b7: {  	_ =	strace $0x90000068  }
0x1b8: {  	[bflag:$0x2] =	sbarrier.arrive $0xFFFF  }
0x1b9: {  	s31 =	rddreg [dreg:$0x2]  }
0x1ba: {  	s0 =	sadd.s32 $0x100000, s31  }
0x1bb: {  	[sflag:s0] =	ssyncadd.tile.s32 $0x1;
	_ =	shalt  }
.Lfunc_end2:
_tile_overlayer_lowered:
.L_overlay_start_2:
0x1bc: {  	(tag) =	ssettag $0x2  }
0x1bd: {  	s0 =	rddreg [dreg:$0x0];
	s2 =	stileid.u32  }
0x1be: {  	s1 =	rddreg [dreg:$0x1];
	p0 =	sne.s32 s2, $0x0  }
0x1bf: {  	s3 =	rddreg [dreg:$0x2];
	[bflag:$0x3] =	sbarrier.arrive $0xFFFF;
	s2 =	simm.s32 @!p0 $0x1C01  }
0x1c0: {  	[timem:s3], [sflag:s2] =	dma.local @!p0 [hbm:s0], s1  }
0x1c1: {  	s0 =	simm.s32 @!p0 $0x1  }
0x1c2: {  	_ =	swait.ge @!p0 [sflag:s0], s1  }
0x1c3: {  	s1 =	ssub.s32 @!p0 $0x0, s1;
	[sflag:s0] =	ssyncset.done @!p0 $0x0  }
0x1c4: {  	[sflag:s0] =	ssyncadd.s32 @!p0 s1  }
0x1c5: {  	[bflag:$0x3] =	sbarrier.arrive $0xFFFF  }
0x1c6: {  	_ =	shalt  }

// kernel: scatter_offload_async_start
scs
__scs_entry_jumppad:
0x0: {  	(pc) =	sbr.rel $0x88, $3  }
0x1: {  	(tag) =	ssettag $0x0;
	lr =	simm.s32 $0x1  }
0x2: {  	[smem:$0x3F8C] =	sst lr;
	_ =	strace $0xD0000000  }
0x3: {  	_ = 	snop  }
0x4: {  	_ = 	snop  }
0x5: {  	_ = 	snop  }
0x6: {  	_ = 	snop  }
0x7: {  	_ = 	snop  }
__scs_overlays_trampoline_lowered:
0x8: {  	[smem:$0x3F9B] =	sst s0  }
0x9: {  	[smem:$0x3F9C] =	sst s1  }
0xa: {  	[smem:$0x3F9D] =	sst s2  }
0xb: {  	[smem:$0x3F9E] =	sst s3  }
0xc: {  	[smem:$0x3F9F] =	sst s4  }
0xd: {  	[smem:$0x3FA0] =	sst s5  }
0xe: {  	[smem:$0x3FA1] =	sst s6  }
0xf: {  	[smem:$0x3FA2] =	sst s7  }
0x10: {  	[smem:$0x3FA3] =	sst s8  }
0x11: {  	[smem:$0x3FA4] =	sst s9;
	s0 =	simm.s32 @!p0 $0x0  }
0x12: {  	s1 =	sld [smem:$0x3F8A];
	s0 =	simm.s32 @p0 $0x1  }
0x13: {  	[smem:$0x3FA5] =	sst s0;
	s0 =	simm.s32 @!p1 $0x0  }
0x14: {  	s2 =	sld [smem:$0x3F89];
	s0 =	simm.s32 @p1 $0x1  }
0x15: {  	[smem:$0x3FA6] =	sst s0;
	s0 =	simm.s32 @!p2 $0x0  }
0x16: {  	s3 =	sld [smem:$0x3FDB];
	s0 =	simm.s32 @p2 $0x1  }
0x17: {  	s4 =	simm.s32 $0x1BF5;
	[smem:$0x3FA8] =	sst s0  }
0x18: {  	s0 =	sld [smem:$0x3F8B];
	_ =	swait.ge [sflag:s4], $0x0  }
0x19: {  	s7 =	sld [smem:$0x3F8C]  }
0x1a: {  	s8 =	sadd.s32 $0xFFFFE003, lr  }
0x1b: {  	s9 =	sadd.s32 $0xFFFFFEF7, lr;
	s5 =	simm.s32 $0xFFFFFFFF;
	p2 =	slt.u32 s8, $0xFFFFF086  }
0x1c: {  	p1 =	slt.u32 s9, $0xF7A;
	s5 =	simm.s32 @!p2 $0x0  }
0x1d: {  	s5 =	simm.s32 @p1 $0x1;
	p0 =	seq.s32 s7, s2  }
0x1e: {  	s7 =	smul.u32 @!p0 $0xF7A, s2;
	p2 =	seq.s32 @!p0 s5, $0x0  }
0x1f: {  	s9 =	smul.u32 $0xF7A, s1;
	s8 =	simm.s32 @!p0 $0x1BF5;
	p2 =	por !p2, p0  }
0x20: {  	[sflag:s8] =	ssyncset.s32 @!p0 $0xFFFFF086;
	s6 =	sadd.s32 @!p0 s3, s7;
	s7 =	simm.s32 @!p0 $0x108  }
0x21: {  	s3 =	sadd.s32 s3, s9;
	s6 =	sadd.s32 @!p0 $0x88, s6;
	s7 =	simm.s32 @p2 $0x1082  }
0x22: {  	[simem:s7], [sflag:s8] =	dma.local @!p0 [hbm:s6], $0xF7A  }
0x23: {  	s9 =	sor.u32 $0xD0000000, s2;
	s6 =	simm.s32 $0x108;
	_ =	swait.ge @!p0 [sflag:s8], $0x0  }
0x24: {  	s3 =	sadd.s32 $0x88, s3;
	s6 =	simm.s32 @!p1 $0x1082;
	[sflag:s4] =	ssyncset.s32 $0xFFFFF086  }
0x25: {  	[simem:s6], [sflag:s4] =	dma.local [hbm:s3], $0xF7A  }
0x26: {  	[smem:$0x3F8C] =	sst s1;
	(tag) =	ssettag s2;
	_ =	strace s9  }
0x27: {  	s1 =	sld [smem:$0x3F9C]  }
0x28: {  	s2 =	sld [smem:$0x3F9D]  }
0x29: {  	s4 =	sld [smem:$0x3F9F]  }
0x2a: {  	p0 =	seq.s32 s5, $0x0;
	s5 =	sld [smem:$0x3FA0]  }
0x2b: {  	s6 =	sld [smem:$0x3FA1]  }
0x2c: {  	s7 =	sld [smem:$0x3FA2]  }
0x2d: {  	s3 =	simm.s32 $0x108;
	s8 =	sld [smem:$0x3FA3]  }
0x2e: {  	s3 =	simm.s32 @!p0 $0x1082;
	s9 =	sld [smem:$0x3FA4]  }
0x2f: {  	lr =	sadd.s32 s0, s3;
	s0 =	sld [smem:$0x3F9B]  }
0x30: {  	s3 =	sld [smem:$0x3F9E]  }
0x31: {  	[smem:$0x3FA7] =	sst s10  }
0x32: {  	s10 =	sld [smem:$0x3FA5];
	_ =	sdelay $0x3  }
0x33: {  	p0 =	seq.s32 s10, $0x1;
	s10 =	sld [smem:$0x3FA7];
	_ =	sdelay $0x3  }
0x34: {  	[smem:$0x3FA7] =	sst s10  }
0x35: {  	s10 =	sld [smem:$0x3FA6];
	_ =	sdelay $0x3  }
0x36: {  	p1 =	seq.s32 s10, $0x1;
	s10 =	sld [smem:$0x3FA7];
	_ =	sdelay $0x3  }
0x37: {  	[smem:$0x3FA7] =	sst s10  }
0x38: {  	s10 =	sld [smem:$0x3FA8]  }
0x39: {  	_ = 	snop;
	(pc) =	sbr.ind lr, $3  }
0x3a: {  	_ = 	snop  }
0x3b: {  	_ = 	snop  }
0x3c: {  	p2 =	seq.s32 s10, $0x1;
	s10 =	sld [smem:$0x3FA7]  }
0x3d: {  	_ =	shalt  }
0x3e: {  	_ =	shalt  }
0x3f: {  	_ =	shalt  }
0x40: {  	_ =	shalt  }
0x41: {  	_ =	shalt  }
0x42: {  	_ =	shalt  }
0x43: {  	_ =	shalt  }
0x44: {  	_ =	shalt  }
0x45: {  	_ =	shalt  }
0x46: {  	_ =	shalt  }
0x47: {  	_ =	shalt  }
0x48: {  	_ =	shalt  }
0x49: {  	_ =	shalt  }
0x4a: {  	_ =	shalt  }
0x4b: {  	_ =	shalt  }
0x4c: {  	_ =	shalt  }
0x4d: {  	_ =	shalt  }
0x4e: {  	_ =	shalt  }
0x4f: {  	_ =	shalt  }
0x50: {  	_ =	shalt  }
0x51: {  	_ =	shalt  }
0x52: {  	_ =	shalt  }
0x53: {  	_ =	shalt  }
0x54: {  	_ =	shalt  }
0x55: {  	_ =	shalt  }
0x56: {  	_ =	shalt  }
0x57: {  	_ =	shalt  }
0x58: {  	_ =	shalt  }
0x59: {  	_ =	shalt  }
0x5a: {  	_ =	shalt  }
0x5b: {  	_ =	shalt  }
0x5c: {  	_ =	shalt  }
0x5d: {  	_ =	shalt  }
0x5e: {  	_ =	shalt  }
0x5f: {  	_ =	shalt  }
0x60: {  	_ =	shalt  }
0x61: {  	_ =	shalt  }
0x62: {  	_ =	shalt  }
0x63: {  	_ =	shalt  }
0x64: {  	_ =	shalt  }
0x65: {  	_ =	shalt  }
0x66: {  	_ =	shalt  }
0x67: {  	_ =	shalt  }
0x68: {  	_ =	shalt  }
0x69: {  	_ =	shalt  }
0x6a: {  	_ =	shalt  }
0x6b: {  	_ =	shalt  }
0x6c: {  	_ =	shalt  }
0x6d: {  	_ =	shalt  }
0x6e: {  	_ =	shalt  }
0x6f: {  	_ =	shalt  }
0x70: {  	_ =	shalt  }
0x71: {  	_ =	shalt  }
0x72: {  	_ =	shalt  }
0x73: {  	_ =	shalt  }
0x74: {  	_ =	shalt  }
0x75: {  	_ =	shalt  }
0x76: {  	_ =	shalt  }
0x77: {  	_ =	shalt  }
0x78: {  	_ =	shalt  }
0x79: {  	_ =	shalt  }
0x7a: {  	_ =	shalt  }
0x7b: {  	_ =	shalt  }
0x7c: {  	_ =	shalt  }
0x7d: {  	_ =	shalt  }
0x7e: {  	_ =	shalt  }
0x7f: {  	_ =	shalt  }
0x80: {  	_ =	shalt  }
0x81: {  	_ =	shalt  }
0x82: {  	_ =	shalt  }
0x83: {  	_ =	shalt  }
0x84: {  	_ =	shalt  }
0x85: {  	_ =	shalt  }
0x86: {  	_ =	shalt  }
0x87: {  	_ =	shalt  }
.Lfunc_end0:
.L_simem_size_0:
called_computation_lowered:
.L_overlay_start_0:
0x88: {  	s0 =	sld [smem:$0x3FD9]  }
0x89: {  	s1 =	sld [smem:$0x3FFE];
	_ =	sdelay $0x3  }
0x8a: {  	s0 =	sadd.s32 s1, s0  }
0x8b: {  	[smem:$0x3FB3] =	sst s0  }
0x8c: {  	_ = 	snop  }
0x8d: {  	(tm) =	ssettm $0x1  }
0x8e: {  	s15 =	sld [smem:$0x3FFB];
	_ =	sdelay $0x3  }
0x8f: {  	_ =	strace s15  }
0x90: {  	s0 =	sld [smem:$0x3FFC];
	_ =	sdelay $0x3  }
0x91: {  	_ =	strace s0  }
0x92: {  	s0 =	sld [smem:$0x3FFD];
	_ =	sdelay $0x3  }
0x93: {  	_ =	strace s0  }
0x94: {  	_ =	strace $0x8FFFFFFF  }
0x95: {  	s16 =	sld [smem:$0x3FDB];
	_ =	sdelay $0x1  }
0x96: {  	s17 =	simm.s32 $_scs_section_size  }
0x97: {  	s2 =	simm.s32 $_size__tile_overlayer_lowered;
	s3 =	simm.s32 $_tile_overlayer_lowered  }
0x98: {  	s20 =	simm.s32 $0x1BFF;
	s19 =	sshll.u32 s3, $0x1;
	s0 =	sadd.s32 s17, s16  }
0x99: {  	s4 =	simm.s32 $0x0;
	s18 =	sshll.u32 s2, $0x1;
	s2 =	sadd.s32 s19, s0  }
0x9a: {  	[timem:s4], [sflag:s20] =	dma.local [hbm:s2], s18  }
0x9b: {  	_ =	swait.ge [sflag:s20], s18  }
0x9c: {  	s1 =	ssub.s32 $0x0, s18;
	[sflag:s20] =	ssyncset.done $0x0  }
0x9d: {  	[sflag:s20] =	ssyncadd.s32 s1;
	_ =	sdelay $0x1  }
0x9e: {  	s21 =	simm.s32 $0x1B8B  }
0x9f: {  	_ =	swait.ge [sflag:s21], $0x1  }
0xa0: {  	[sflag:s21] =	ssyncset.done $0x0  }
0xa1: {  	s23 =	simm.s32 $0x1B8E;
	s22 =	sld [smem:$0x3FFE];
	[sflag:s21] =	ssyncadd.s32 $0xFFFFFFFF  }
0xa2: {  	s24 =	simm.s32 $execute0_lowered;
	[smem:$0x3FD2] =	sst s23  }
0xa3: {  	s2 =	sshll.u32 s24, $0x1;
	_ =	strace $0x80000046;
	[dreg:$0x1] =	wrdreg $0xFFFFFFFF  }
0xa4: {  	s25 =	simm.s32 $_size_execute0_lowered;
	s0 =	sadd.s32 s0, s2;
	[dreg:$0x0] =	wrdreg $0x0  }
0xa5: {  	s2 =	sshll.u32 s25, $0x1;
	[dreg:$0x2] =	wrdreg s0  }
0xa6: {  	[dreg:$0x3] =	wrdreg s2  }
0xa7: {  	[dreg:$0x4] =	wrdreg $0xC0  }
0xa8: {  	_ =	task [dreg:s4], $0x5FFFF  }
0xa9: {  	[dreg:$0x1] =	wrdreg $0xFFFFFFFF  }
0xaa: {  	[dreg:$0x0] =	wrdreg $0x60  }
0xab: {  	[dreg:$0x2] =	wrdreg s22  }
0xac: {  	[dreg:$0x3] =	wrdreg $0x9  }
0xad: {  	_ =	task.clear_ibuf [dreg:s4], $0x4FFFF;
	_ =	strace $0x90000046  }
0xae: {  	s26 =	simm.s32 $0x9;
	_ =	strace $0x80000048  }
0xaf: {  	_ =	swait.ge [sflag:s26], $0x1  }
0xb0: {  	[sflag:s26] =	ssyncadd.s32 $0xFFFFFFFF  }
0xb1: {  	_ =	strace $0x90000048  }
0xb2: {  	_ =	sfence  }
0xb3: {  	s28 =	sld [smem:$0x0];
	_ =	sdelay $0x1  }
0xb4: {  	s29 =	srdreg.scid  }
0xb5: {  	s30 =	sshll.u32 s29, $0xD;
	s31 =	sshrl.u32 s29, $0x2  }
0xb6: {  	s1 =	sand.u32 $0x1, s29;
	s2 =	sand.u32 $0x4000, s30;
	s0 =	sadd.s32 s31, s28  }
0xb7: {  	s1 =	sor.u32 s2, s1;
	s0 =	sshll.u32 s0, $0x11  }
0xb8: {  	s0 =	sor.u32 s0, s1  }
0xb9: {  	s0 =	sadd.s32 $0x8F2B, s0  }
0xba: {  	[sflag:s0] =	ssyncadd.remote.s32 $0x1  }
0xbb: {  	_ =	sfence.sel $0xFFFF  }
0xbc: {  	[dreg:$0x0] =	wrdreg $0xFFFFFFFF;
	(pc) =	sbr.abs _section_cstart, $3  }
0xbd: {  	[dreg:$0x1] =	wrdreg $0xFFFFFFFF  }
0xbe: {  	_ =	task.clear_ibuf [dreg:s4], $0x2FFFF;
	_ =	strace $0x9FFFFFFF  }
0xbf: {  	(tm) =	ssettm $0x7FFFFFFF  }
tec
execute0_lowered:
.L_overlay_start_1:
0x0: {  	(tag) =	ssettag $0x1  }
0x1: {  	s0 =	rddreg [dreg:$0x0];
	_ =	strace $0x80000047;
	s15 =	stileid.u32  }
0x2: {  	s2 =	simm.s32 $0x1;
	s1 =	smin.u32 s15, $0x8;
	s3 =	sshll.u32 s15, $0x1  }
0x3: {  	v1 =	vimm.s32 $0xFFFFFFFF;
	[sflag:s2] =	ssyncpa.u1 $0x0;
	s1 =	sadd.s32 s1, s3  }
0x4: {  	p0 =	slt.u32 s15, $0x8;
	[tilespmem:$0x10] =	vst v1;
	s4 =	smul.u32 $0x1F40, s1;
	s1 =	simm.s32 $0x5DC0  }
0x5: {  	v0 =	vimm.f32 $0.0e+00;
	[tilespmem:$0x20] =	vst v1;
	s1 =	simm.s32 @!p0 $0x3E80  }
0x6: {  	[tilespmem:$0x30] =	vst v0;
	s1 =	sadd.s32 s1, s4  }
0x7: {  	[tilespmem:$0x40] =	vst v0;
	s5 =	smin.u32 s1, $0x4E200  }
0x8: {  	s7 =	simm.s32 $0x2;
	s8 =	simm.s32 $0x8;
	[tilespmem:$0x50] =	vst v0;
	s9 =	ssub.s32 s5, s4  }
0x9: {  	s31 =	simm.s32 $0x9;
	s16 =	simm.s32 $0x0;
	[tilespmem:$0x60] =	vst v1;
	p0 =	sgt.s32 s9, $0x0  }
0xa: {  	s17 =	simm.s32 $0xF0;
	s18 =	simm.s32 $0xFFFFFFFF;
	[tilespmem:$0x70] =	vst v1;
	s9 =	simm.s32 @!p0 $0x0  }
0xb: {  	s19 =	simm.s32 $0xFFFFC280;
	s20 =	simm.s32 $0xFFFFFFFE;
	[tilespmem:$0x80] =	vst v1;
	s30 =	smulhi.u32 $0x10624DD3, s9  }
0xc: {  	s21 =	simm.s32 $0xF;
	s25 =	simm.s32 $0x0;
	s24 =	simm.s32 $0x0;
	v1 =	vimm.s32 $0x0;
	[tilespmem:$0xB0] =	vst v0  }
0xd: {  	s6 =	sadd.s32 $0x50AA00, s0;
	s15 =	sshllo.u32 s15, $0x1;
	[tilespmem:$0x90] =	vst v1;
	s10 =	sshrl.u32 s30, $0x9  }
0xe: {  	[tilespmem:$0xA0] =	vst v1;
	[sflag:s7] =	ssyncpa.u1 $0x0;
	s7 =	simm.s32 $0x7;
	s11 =	smul.u32 $0x1F40, s10  }
.Ltmp0:
0xf: {  	s13 =	sor.u32 $0x80, s3;
	[sflag:s7] =	ssyncpa.u1 $0x0;
	(pc) =	sbr.rel .LBB2_1-.Ltmp0, $4  }
0x10: {  	s14 =	sor.u32 $0x81, s3;
	[sflag:s8] =	ssyncpa.u1 $0x0;
	p0 =	sne.s32 s9, s11  }
0x11: {  	s23 =	smov.u32 s4;
	s1 =	sadd.s32 $0x14E00, s0;
	s2 =	simm.s32 @!p0 $0x0  }
0x12: {  	vm0 =	vmmov $0xffff;
	v2 =	vlaneseq.u32;
	[sflag:s31] =	ssyncpa.u1 $0x0;
	s9 =	sadd.s32 $0x514800, s0;
	s10 =	sadd.s32 s2, s10  }
0x13: {  	vm1 =	vmxor vm1, vm1;
	vm2 =	vmmov $0x1;
	vm3 =	vcmask $0x3F3C;
	p0 =	por $0x0, $0x0;
	s11 =	sadd.s32 $0x1, s10;
	s12 =	sadd.s32 $0x2, s10  }
.LBB2_9:
0x14: {  	p1 =	slt.u32 s24, $0x3  }
0x15: {  	s0 =	simm.s32 @!p1 $0x2  }
0x16: {  	_ =	swait.ge @!p1 [sflag:s0], $0x1F40  }
0x17: {  	[sflag:s0] =	ssyncset.done @!p1 $0x0  }
0x18: {  	[sflag:s0] =	ssyncadd.s32 @!p1 $0xFFFFE0C0;
	s0 =	simm.s32 @!p1 $0x9  }
0x19: {  	_ =	swait.ge @!p1 [sflag:s0], $0x10  }
0x1a: {  	[sflag:s0] =	ssyncset.done @!p1 $0x0  }
0x1b: {  	[sflag:s0] =	ssyncadd.s32 @!p1 $0xFFFFFFF0;
	p1 =	sne.s32 s24, s12  }
.Ltmp1:
0x1c: {  	s2 =	sadd.s32 $0x1F40, s23;
	(pc) =	sbr.rel @!p1 .LBB2_10-.Ltmp1, $4  }
0x1d: {  	s22 =	smov.u32 s4;
	s31 =	sadd.s32 $0x1, s24;
	s17 =	sadd.s32 $0x1F40, s17  }
0x1e: {  	s18 =	sadd.s32 $0x1, s18;
	s25 =	smov.u32 s23;
	p2 =	slt.s32 s2, s5  }
0x1f: {  	p0 =	por !p0, !p0;
	s19 =	sadd.s32 $0x1F40, s19;
	s22 =	smov.u32 @p2 s2  }
0x20: {  	s20 =	sadd.s32 $0x1, s20;
	s23 =	smov.u32 s22;
	s24 =	smov.u32 s31  }
.LBB2_1:
0x21: {  	p1 =	sge.u32 s24, s10  }
0x22: {  	s0 =	smulhi.u32 @!p1 $0xAAAAAAAB, s24;
	_ =	sdelay $0x1  }
0x23: {  	s0 =	sshrl.u32 @!p1 s0, $0x1  }
0x24: {  	s0 =	smul.u32 @!p1 $0x3, s0;
	_ =	sdelay $0x1  }
0x25: {  	s0 =	ssub.s32 @!p1 s24, s0  }
0x26: {  	s0 =	smul.u32 @!p1 $0x7D00, s0;
	_ =	sdelay $0x1  }
0x27: {  	s2 =	sshrl.u32 @!p1 s23, $0x3;
	s0 =	sshrl.u32 @!p1 s0, $0x2  }
0x28: {  	s22 =	sand.u32 @!p1 $0x7, s23;
	s2 =	sadd.s32 @!p1 s6, s2;
	s0 =	sadd.s32 @!p1 $0x100, s0  }
0x29: {  	[tilespmem:s0], [sflag:$0x7] =	stream.linear.gather @!p1 [hbm4b:s2+s22], $0x1F40, $0x38;
	[tilespmem:$0x11A60] =	vst v63  }
0x2a: {  	s0 =	sadd.s32 $0xFFFFFFFF, s24  }
0x2b: {  	p1 =	sge.u32 s0, s10  }
.Ltmp2:
0x2c: {  	_ = 	snop;
	(pc) =	sbr.rel @p1 .LBB2_5-.Ltmp2, $1  }
0x2d: {  	_ =	sdelay $0x3  }
0x2e: {  	s2 =	smulhi.u32 $0xAAAAAAAB, s0;
	_ =	sdelay $0x1  }
0x2f: {  	s2 =	sshrl.u32 s2, $0x1  }
0x30: {  	s2 =	smul.u32 $0x3, s2;
	_ =	sdelay $0x1  }
0x31: {  	s2 =	ssub.s32 s0, s2  }
0x32: {  	s2 =	smul.u32 $0x7D00, s2  }
0x33: {  	_ =	swait.ge [sflag:s7], $0x1F40  }
0x34: {  	[sflag:s7] =	ssyncset.done $0x0;
	s2 =	sshrl.u32 s2, $0x2  }
0x35: {  	[sflag:s7] =	ssyncadd.s32 $0xFFFFE0C0;
	(ifvalue) =	ssetifvalue $0xFFFFFFFF;
	v3 =	vld.msk [tilespmem:s2+$0x100 ss:$0x1], $0xffff;
	_ =	sdelay $0x2  }
0x36: {  	s30 =	smulhi.u32 $0xAAAAAAAB, s18;
	p1 =	sne.s32 s24, $0x1  }
0x37: {  	v4 =	vimm.s32 @!p1 $0x0  }
0x38: {  	s2 =	sshrl.u32 s30, $0x1;
	v4 =	vperm.xlane @!p1 v3, v4  }
0x39: {  	s22 =	sshll.u32 s24, $0x4;
	s2 =	smul.u32 $0xFFFE8900, s2;
	vm4 =	vlt.u32 v3, $0x2800  }
0x3a: {  	s22 =	sand.u32 $0x10, s22;
	v3 =	vnsel vm4, $0xFFFFFFFE, v3;
	vm4 =	vlt.u32 @!p1 v4, $0x2800  }
0x3b: {  	s2 =	sshra.s32 s2, $0x2;
	[tilespmem:s22+$0x60] =	vst v3;
	v3 =	vnsel @!p1 vm4, $0xFFFFFFFE, v4  }
0x3c: {  	s28 =	sadd.s32 s2, s17;
	[tilespmem:$0x80] =	vst @!p1 v3  }
0x3d: {  	v3 =	vld.msk [tilespmem:s28+$0x0 ss:$0x1], $0xffff;
	_ =	sdelay $0x4  }
0x3e: {  	(xrf1) =	vunique.msk.u32 $0xffff, v3;
	_ =	sdelay $0xd  }
0x3f: {  	v4 =	vimm.s32 $0xFFFFFFFF;
	v5, _, _ =	vpop (xrf1)  }
0x40: {  	vm5 =	vne.s32 v3, v4;
	vm4 =	veq.s32 v5, v2  }
0x41: {  	vm6 =	vlt.u32 v3, $0x2800;
	vm4 =	vmand vm5, vm4  }
0x42: {  	vm4 =	vmand vm6, vm4  }
0x43: {  	v4 =	vnsel vm4, $0xFFFFFFFF, v3  }
0x44: {  	s31 =	sand.u32 $0x1, s0  }
0x45: {  	s0 =	simm.s32 $0x1F40;
	p1 =	seq.s32 s31, $0x1  }
0x46: {  	s0 =	simm.s32 @!p1 $0x0  }
0x47: {  	s26 =	sadd.s32 $0x7DF0, s0;
	(ifvalue) =	ssetifvalue $0xFFFFFFFF  }
0x48: {  	v3 =	vperm.xlane v3, v1;
	[tilespmem:s26], [sflag:$0x8] =	stream.indirect_vreg.gather [hbm4b:s1+s16], $0x1, v4, vm0, $0x4038;
	v4 =	vnsel vm6, $0xFFFFFFFE, v4;
	[tilespmem:$0x11A60] =	vst v63  }
0x49: {  	s2 =	simm.s32 $0x0;
	s22 =	sadd.s32 $0xFFFFFFF0, s28;
	[tilespmem:s28+$0x0] =	vst v4  }
.LBB2_3:
0x4a: {  	v4 =	vld.msk [tilespmem:s22+$0x0 ss:$0x1], $0xffff;
	s2 =	sadd.s32 $0x10, s2;
	v5 =	vmov v3;
	s28 =	smov.u32 s22  }
0x4b: {  	p1 =	slt.u32 s2, $0x1F30;
	_ =	sdelay $0x4  }
0x4c: {  	v3 =	vperm.xlane v4, v1;
	(xrf1) =	vunique.msk.u32 $0xffff, v4;
	_ =	sdelay $0xd  }
0x4d: {  	v6, _, _ =	vpop (xrf1)  }
0x4e: {  	vm5 =	vne.s32 v4, v5;
	vm4 =	veq.s32 v6, v2  }
0x4f: {  	vm6 =	vlt.u32 v4, $0x2800;
	vm4 =	vmand vm5, vm4  }
0x50: {  	vm4 =	vmand vm6, vm4  }
0x51: {  	v4 =	vnsel vm4, $0xFFFFFFFF, v4  }
.Ltmp3:
0x52: {  	v5 =	vnsel vm6, $0xFFFFFFFE, v4;
	(pc) =	sbr.rel @p1 .LBB2_3-.Ltmp3, $3  }
0x53: {  	_ =	sdelay $0x1  }
0x54: {  	s22 =	sadd.s32 $0xFFFFFFF0, s22;
	s26 =	sadd.s32 $0xFFFFFFF0, s26;
	(ifvalue) =	ssetifvalue $0xFFFFFFFF  }
0x55: {  	[tilespmem:s26], [sflag:$0x8] =	stream.indirect_vreg.gather [hbm4b:s1+s16], $0x1, v4, vm0, $0x4038;
	[tilespmem:s28+$0x0] =	vst v5  }
0x56: {  	s2 =	sshrl.u32 s25, $0x3  }
0x57: {  	s0 =	sadd.s32 $0x9D40, s0;
	s2 =	sadd.s32 s9, s2  }
0x58: {  	[tilespmem:s0], [sflag:$0x8] =	stream.linear.gather [hbm:s2], $0x1F40, $0x38;
	[tilespmem:$0x11A60] =	vst v63  }
.LBB2_5:
0x59: {  	p1 =	slt.u32 s24, $0x2  }
0x5a: {  	p2 =	sge.u32 @!p1 s24, s12  }
0x5b: {  	p1 =	por p1, p2  }
.Ltmp4:
0x5c: {  	_ = 	snop;
	(pc) =	sbr.rel @p1 .LBB2_9-.Ltmp4, $1  }
0x5d: {  	_ =	sdelay $0x3  }
0x5e: {  	s0 =	sadd.s32 $0xFFFFFFFE, s24  }
0x5f: {  	s2 =	smulhi.u32 $0xAAAAAAAB, s0;
	_ =	sdelay $0x1  }
0x60: {  	s2 =	sshrl.u32 s2, $0x1  }
0x61: {  	s2 =	smul.u32 $0x3, s2;
	_ =	sdelay $0x1  }
0x62: {  	s0 =	ssub.s32 s0, s2  }
0x63: {  	_ =	swait.ge [sflag:s8], $0x3E80;
	s0 =	smul.u32 $0x1F40, s0  }
0x64: {  	p1 =	sne.s32 s24, s11;
	[sflag:s8] =	ssyncset.done $0x0  }
0x65: {  	[sflag:s8] =	ssyncadd.s32 $0xFFFFC180;
	s2 =	sadd.s32 @!p1 $0x203F, s0  }
0x66: {  	[spmem:s14] =	stream.linear.scatter @!p1 [tilespmem:s2], [sflag:$0x1], $0x1, $0x38;
	[tilespmem:$0x11A60] =	vst v63  }
0x67: {  	s2 =	simm.s32 @!p1 $0x1  }
0x68: {  	_ =	swait.ge @!p1 [sflag:s2], $0x1  }
0x69: {  	s22 =	sshll.u32 s24, $0x4;
	[sflag:s2] =	ssyncset.done @!p1 $0x0  }
0x6a: {  	s25 =	sand.u32 $0x10, s22;
	[sflag:s2] =	ssyncadd.s32 @!p1 $0xFFFFFFFF  }
0x6b: {  	s2 =	sxor.u32 $0x10, s25;
	v4 =	vld [tilespmem:s25+$0x10]  }
0x6c: {  	v5 =	vld [tilespmem:s2+$0x60]  }
0x6d: {  	v3 =	vld [tilespmem:$0x80];
	_ =	sdelay $0x2  }
0x6e: {  	(v2sf) =	vpush v4, $0x0  }
0x6f: {  	(v2sf) =	vpush v5, $0x0  }
0x70: {  	(v2sf) =	vpush v3, $0x0;
	_ =	sdelay $0xc  }
0x71: {  	s22 =	spop (v2sf)  }
0x72: {  	s26 =	spop (v2sf)  }
0x73: {  	s28 =	spop (v2sf)  }
0x74: {  	p2 =	seq.s32 s22, s26;
	p3 =	seq.s32 s28, s22  }
0x75: {  	p3 =	por p2, p3  }
0x76: {  	s26 =	sand.u32 $0x1, s24;
	v4 =	vpsel p3, $0xFFFFFFFF, v4  }
0x77: {  	s29 =	smul.u32 $0x1F40, s26;
	[tilespmem:s25+$0x10] =	vst.msk $0x1, v4  }
0x78: {  	v4 =	vld [tilespmem:$0x30]  }
0x79: {  	v5 =	vld [tilespmem:s29+$0x9D40]  }
0x7a: {  	v6 =	vld [tilespmem:s25+$0x40];
	_ =	sdelay $0x3  }
0x7b: {  	vm4 =	vmmov vm1;
	v5 =	vadd.f32 v5, v4  }
0x7c: {  	vm5 =	vmmov vm2;
	vm4 =	vmmov @p2 vm2;
	s22 =	sshll.u32 s26, $0x4;
	v4 =	vadd.f32 v6, v4  }
0x7d: {  	s26 =	sor.u32 $0x11A40, s22;
	vm5 =	vmmov @p3 vm1;
	[tilespmem:s29+$0x9D40] =	vst.msk vm4, v5  }
0x7e: {  	[tilespmem:s26+$0x0] =	vst.msk vm5, v4  }
0x7f: {  	v4 =	vld [tilespmem:s29+$0x7DF0];
	_ =	sdelay $0x3  }
0x80: {  	v5 =	vimm.f32 $0.0e+00  }
0x81: {  	v4 =	vshift.insert v4, v5, s21  }
0x82: {  	s22 =	sor.u32 $0x40, s2  }
0x83: {  	[tilespmem:s22+$0x0] =	vst.msk $0x1, v4  }
0x84: {  	[tilespmem:s29+$0x7DFF] =	vst.msk $0x1, v5  }
0x85: {  	v4 =	vld [tilespmem:s0+$0x2030];
	_ =	sdelay $0x1  }
0x86: {  	s22 =	smulhi.u32 $0xAAAAAAAB, s20;
	s0 =	simm.s32 $0x1  }
0x87: {  	s0 =	simm.s32 @!p0 $0x0  }
0x88: {  	s22 =	sshrl.u32 s22, $0x1;
	s0 =	smul.u32 $0x7D00, s0  }
0x89: {  	s22 =	smul.u32 $0xFFFE8900, s22;
	v4 =	vshift.insert v4, v1, s21  }
0x8a: {  	s0 =	sshrl.u32 s0, $0x2  }
0x8b: {  	s22 =	sshra.s32 s22, $0x2;
	s30 =	sadd.s32 $0x9D40, s0;
	[tilespmem:s2+$0x10] =	vst.msk $0x1, v4  }
0x8c: {  	s22 =	sadd.s32 s22, s19;
	v6 =	vld [tilespmem:s30+$0x0]  }
0x8d: {  	v7 =	vld [tilespmem:s22+$0x0];
	_ =	sdelay $0x3  }
0x8e: {  	v5 =	vadd.f32 v6, v5  }
0x8f: {  	vm4 =	vne.s32 v7, $0xFFFFFFFF  }
0x90: {  	(xrf2) =	vadd.seg.scan.f32 vm4, v5;
	_ =	sdelay $0x3  }
0x91: {  	s31 =	sadd.s32 $0x5EC0, s0;
	v5 =	vperm.xlane v4, v1  }
0x92: {  	v6 =	vld [tilespmem:s31+$0x0]  }
0x93: {  	vm5 =	veq.s32 v7, v3;
	vm6 =	veq.s32 v7, v5  }
0x94: {  	vm7 =	vgt.u32 v7, $0xFFFFFFFD;
	vm6 =	vmor vm6, vm5  }
0x95: {  	vm6 =	vmor vm6, vm7  }
0x96: {  	v9 =	vld [tilespmem:$0xA0];
	v7 =	vsel vm6, $0xFFFFFFFF, v7  }
0x97: {  	v10 =	vld [tilespmem:$0x90];
	v6 =	vsel vm5, $0x0, v6;
	v8, _, _ =	vpop (xrf2)  }
0x98: {  	v6 =	vadd.f32 v8, v6  }
0x99: {  	s0 =	sadd.s32 $0xDBC0, s0  }
0x9a: {  	vm4 =	vmand vm4, vm3;
	[tilespmem:s0+$0x0] =	vst v6;
	(ifvalue) =	ssetifvalue $0xFFFFFFFF  }
0x9b: {  	vm6 =	veq.s32 v9, $0x1;
	[hbm4b:s1+s16] =	stream.indirect_vreg.scatter [tilespmem:s0], [sflag:$0x2], $0x1, v7, vm0, $0x4038;
	v7 =	vsel vm4, $0x0, v8;
	[tilespmem:$0x11A60] =	vst v63  }
0x9c: {  	s2 =	simm.s32 $0x0;
	s22 =	sadd.s32 $0x10, s22;
	vm4 =	vmor vm6, vm5;
	v6 =	vsel vm5, v8, v10;
	v7 =	vshift.insert v7, v0, s21  }
.LBB2_7:
0x9d: {  	v8 =	vld [tilespmem:s22+$0x0];
	s30 =	sadd.s32 $0x10, s30  }
0x9e: {  	s31 =	sadd.s32 $0x10, s31;
	v9 =	vld [tilespmem:s30+$0x0]  }
0x9f: {  	s2 =	sadd.s32 $0x10, s2;
	v10 =	vld [tilespmem:s31+$0x0]  }
0xa0: {  	p2 =	slt.u32 s2, $0x1F30;
	_ =	sdelay $0x2  }
0xa1: {  	v7 =	vadd.f32 v9, v7  }
0xa2: {  	vm5 =	vne.s32 v8, $0xFFFFFFFF  }
0xa3: {  	vm6 =	vmand vm5, vm3;
	(xrf2) =	vadd.seg.scan.f32 vm5, v7;
	_ =	sdelay $0x5  }
0xa4: {  	vm7 =	veq.s32 v8, v5;
	vm5 =	veq.s32 v8, v3  }
0xa5: {  	vm8 =	vgt.u32 v8, $0xFFFFFFFD;
	vm4 =	vmor vm4, vm5;
	vm7 =	vmor vm7, vm5  }
0xa6: {  	vm7 =	vmor vm7, vm8  }
0xa7: {  	v8 =	vsel vm7, $0xFFFFFFFF, v8  }
.Ltmp5:
0xa8: {  	v7 =	vsel vm5, $0x0, v10;
	v9, _, _ =	vpop (xrf2);
	(pc) =	sbr.rel @p2 .LBB2_7-.Ltmp5, $4  }
0xa9: {  	v6 =	vsel vm5, v9, v6;
	v10 =	vadd.f32 v9, v7;
	v7 =	vsel vm6, $0x0, v9  }
0xaa: {  	s0 =	sadd.s32 $0x10, s0;
	v7 =	vshift.insert v7, v0, s21  }
0xab: {  	s22 =	sadd.s32 $0x10, s22;
	[tilespmem:s0+$0x0] =	vst v10;
	(ifvalue) =	ssetifvalue $0xFFFFFFFF  }
0xac: {  	[hbm4b:s1+s16] =	stream.indirect_vreg.scatter [tilespmem:s0], [sflag:$0x2], $0x1, v8, vm0, $0x4038;
	[tilespmem:$0x11A60] =	vst v63  }
0xad: {  	v3 =	vld [tilespmem:s29+$0xFAF0];
	_ =	sdelay $0x4  }
0xae: {  	v3 =	vshift.insert v3, v0, s21  }
0xaf: {  	s0 =	simm.s32 $0x30  }
0xb0: {  	[tilespmem:s0+$0x0] =	vst.msk $0x1, v3  }
0xb1: {  	v3 =	vsel vm4, $0x1, v1;
	[tilespmem:$0x90] =	vst v6  }
0xb2: {  	s0 =	sadd.s32 @!p1 $0xFAFF, s29;
	[tilespmem:$0xA0] =	vst v3  }
0xb3: {  	[spmem:s15] =	stream.linear.scatter @!p1 [tilespmem:s0], [sflag:$0x1], $0x1, $0x38;
	[tilespmem:$0x11A60] =	vst v63  }
0xb4: {  	s0 =	simm.s32 @!p1 $0x1  }
0xb5: {  	v3 =	vmctz.xlane @!p1 vm4;
	_ =	swait.ge @!p1 [sflag:s0], $0x1  }
0xb6: {  	(v2sf) =	vpush @!p1 v4, $0x0  }
0xb7: {  	(v2sf) =	vpush @!p1 v3, $0x0;
	_ =	sdelay $0xd  }
0xb8: {  	s2 =	spop @!p1 (v2sf)  }
0xb9: {  	s22 =	spop @!p1 (v2sf)  }
0xba: {  	p2 =	sne.s32 @!p1 s28, s2;
	p3 =	slt.s32 @!p1 s22, $0xF  }
0xbb: {  	[sflag:s0] =	ssyncset.done @!p1 $0x0;
	p2 =	por p2, p1;
	p3 =	por !p3, p1  }
0xbc: {  	[sflag:s0] =	ssyncadd.s32 @!p1 $0xFFFFFFFF;
	v3 =	vimm.s32 @!p2 $0xFFFFFFFF;
	s22 =	simm.s32 @p3 $0xF  }
0xbd: {  	[tilespmem:$0x80] =	vst @!p2 v3;
	s2 =	sadd.s32 @!p1 $0x90, s22  }
0xbe: {  	[spmem:s3] =	stream.linear.scatter @!p1 [tilespmem:s2], [sflag:$0x1], $0x1, $0x38;
	[tilespmem:$0x11A60] =	vst v63  }
0xbf: {  	_ =	swait.ge @!p1 [sflag:s0], $0x1  }
0xc0: {  	[sflag:s0] =	ssyncset.done @!p1 $0x0  }
0xc1: {  	s2 =	simm.s32 @!p1 $0x80;
	[sflag:s0] =	ssyncadd.s32 @!p1 $0xFFFFFFFF  }
0xc2: {  	[spmem:s13] =	stream.linear.scatter @!p1 [tilespmem:s2], [sflag:$0x1], $0x1, $0x38;
	[tilespmem:$0x11A60] =	vst v63  }
0xc3: {  	_ =	swait.ge @!p1 [sflag:s0], $0x1  }
0xc4: {  	[sflag:s0] =	ssyncset.done @!p1 $0x0  }
0xc5: {  	[sflag:s0] =	ssyncadd.s32 @!p1 $0xFFFFFFFF;
	(ifvalue) =	ssetifvalue $0xFFFFFFFF;
	v3 =	vld [tilespmem:s25+$0x10];
	_ =	sdelay $0x3  }
.Ltmp6:
0xc6: {  	_ = 	snop;
	(pc) =	sbr.rel .LBB2_9-.Ltmp6, $3  }
0xc7: {  	_ =	sdelay $0x1  }
0xc8: {  	(ifvalue) =	ssetifvalue $0xFFFFFFFF  }
0xc9: {  	[hbm4b:s1+s16] =	stream.indirect_vreg.scatter [tilespmem:s26], [sflag:$0x9], $0x1, v3, vm0, $0x4038;
	[tilespmem:$0x11A60] =	vst v63  }
.LBB2_10:
0xca: {  	_ =	sfence.sel $0x180000  }
0xcb: {  	s0 =	simm.s32 $0x7;
	[bflag:$0x0] =	sbarrier.arrive $0xFFFF  }
0xcc: {  	s26 =	simm.s32 $0x8;
	[sflag:s0] =	ssyncpa.u1 $0x1  }
0xcd: {  	s28 =	simm.s32 $0x9;
	[sflag:s26] =	ssyncpa.u1 $0x1  }
0xce: {  	[sflag:s28] =	ssyncpa.u1 $0x1  }
0xcf: {  	_ =	sfence.stream.spmem  }
0xd0: {  	s29 =	simm.s32 $0x3;
	[bflag:$0x0] =	sbarrier.arrive $0xFFFF  }
0xd1: {  	s30 =	simm.s32 $0x4;
	[sflag:s29] =	ssyncpa.u1 $0x1  }
0xd2: {  	s31 =	simm.s32 $0x3C;
	s2 =	stileid.u32;
	[sflag:s30] =	ssyncpa.u1 $0x1  }
0xd3: {  	p0 =	sne.s32 s2, $0x0;
	[sflag:s31] =	ssyncpa.u1 $0x1  }
0xd4: {  	s0 =	simm.s32 @p0 $0x1;
	_ =	sfence @p0  }
0xd5: {  	[sflag:s0] =	ssyncpa.u1 @p0 $0x1;
	s0 =	simm.s32 @p0 $0x2  }
0xd6: {  	[sflag:s0] =	ssyncpa.u1 @p0 $0x1  }
0xd7: {  	_ =	strace @p0 $0x90000047  }
0xd8: {  	[bflag:$0x2] =	sbarrier.arrive @p0 $0xFFFF  }
0xd9: {  	_ =	shalt @p0  }
.LBB2_11:
0xda: {  	_ =	sfence.stream.spmem;
	s0 =	simm.s32 $0x5  }
0xdb: {  	s2 =	simm.s32 $0x80;
	s3 =	simm.s32 $0xC0;
	[sflag:s0] =	ssyncpa.u1 $0x0  }
0xdc: {  	[tilespmem:s3], [sflag:$0x5] =	stream.linear.gather [spmem:s2], $0x20, $0x38;
	[tilespmem:$0x11A60] =	vst v63  }
0xdd: {  	s2 =	simm.s32 $0x0;
	s3 =	simm.s32 $0xE0  }
0xde: {  	[tilespmem:s3], [sflag:$0x5] =	stream.linear.gather [spmem:s2], $0x20, $0x38;
	[tilespmem:$0x11A60] =	vst v63  }
.Ltmp7:
0xdf: {  	_ = 	snop;
	(pc) =	sbr.rel .LBB2_12-.Ltmp7, $4  }
0xe0: {  	_ =	swait.ge [sflag:s0], $0x40  }
0xe1: {  	[sflag:s0] =	ssyncset.done $0x0  }
0xe2: {  	s31 =	simm.s32 $0x6;
	[sflag:s0] =	ssyncadd.s32 $0xFFFFFFC0  }
0xe3: {  	s4 =	simm.s32 $0x0;
	[sflag:s31] =	ssyncpa.u1 $0x0  }
.LBB2_17:
0xe4: {  	p0 =	sgt.u32 s5, $0x27FF  }
0xe5: {  	s0 =	sshrl.u32 @!p0 s5, $0x3  }
0xe6: {  	s5 =	sand.u32 @!p0 $0x7, s5;
	s6 =	simm.s32 @!p0 $0xB0;
	s0 =	sadd.s32 @!p0 s1, s0  }
0xe7: {  	[tilespmem:s6], [sflag:$0x6] =	stream.linear.gather @!p0 [hbm4b:s0+s5], $0x1, $0x38;
	[tilespmem:$0x11A60] =	vst v63  }
0xe8: {  	s0 =	simm.s32 @!p0 $0x6  }
0xe9: {  	_ =	swait.ge @!p0 [sflag:s0], $0x1  }
0xea: {  	[sflag:s0] =	ssyncset.done @!p0 $0x0  }
0xeb: {  	[sflag:s0] =	ssyncadd.s32 @!p0 $0xFFFFFFFF  }
0xec: {  	v2 =	vmov @!p0 s4;
	v1 =	vld.msk @!p0 [tilespmem:$0xB0], $0x1;
	_ =	sdelay $0x3  }
0xed: {  	s0 =	simm.s32 @!p0 $0xE0  }
0xee: {  	[tilespmem:v2+s0+$0x0], v1 =	vst.idx.ret.add.f32.msk @!p0 $0x1, v1  }
0xef: {  	[tilespmem:s2+$0xC0] =	vst.msk $0x1, v0  }
0xf0: {  	v0 =	vld.msk [tilespmem:s4+$0xE0], $0x1;
	_ =	sdelay $0x4  }
0xf1: {  	[tilespmem:s2+$0xE0] =	vst.msk $0x1, v0;
	s2 =	sadd.s32 $0x1, s2  }
.LBB2_19:
0xf2: {  	s4 =	sadd.s32 $0x1, s4  }
0xf3: {  	p0 =	sne.s32 s4, $0x20  }
.Ltmp8:
0xf4: {  	_ = 	snop;
	(pc) =	sbr.rel @!p0 .LBB2_20-.Ltmp8, $1  }
0xf5: {  	_ =	sdelay $0x3  }
.LBB2_12:
0xf6: {  	v0 =	vld.msk [tilespmem:s4+$0xC0], $0x1;
	_ =	sdelay $0x4  }
0xf7: {  	(v2sf) =	vpush v0, $0x0;
	_ =	sdelay $0xe  }
0xf8: {  	s5 =	spop (v2sf)  }
0xf9: {  	p0 =	seq.s32 s5, $0xFFFFFFFF  }
.Ltmp9:
0xfa: {  	_ = 	snop;
	(pc) =	sbr.rel @p0 .LBB2_19-.Ltmp9, $1  }
0xfb: {  	_ =	sdelay $0x3  }
0xfc: {  	p0 =	slt.s32 s2, $0x1  }
.Ltmp10:
0xfd: {  	_ = 	snop;
	(pc) =	sbr.rel @p0 .LBB2_17-.Ltmp10, $1  }
0xfe: {  	_ =	sdelay $0x3  }
0xff: {  	s0 =	simm.s32 $0xC0;
	p0 =	por $0x0, $0x0  }
0x100: {  	v1 =	vld.msk @!p0 [tilespmem:s0+$0x0], $0x1;
	_ =	sdelay $0x4  }
0x101: {  	(v2sf) =	vpush @!p0 v1, $0x0;
	_ =	sdelay $0xd  }
0x102: {  	p2 =	sne.s32 s2, $0x1  }
.Ltmp11:
0x103: {  	s6 =	spop @!p0 (v2sf);
	(pc) =	sbr.rel @!p2 .LBB2_16-.Ltmp11, $4  }
0x104: {  	p1 =	seq.s32 @!p0 s5, s6  }
0x105: {  	s6 =	simm.s32 $0x0;
	p1 =	por !p1, p0  }
0x106: {  	s8 =	simm.s32 $0xFFFFFFFF;
	s6 =	simm.s32 @p1 $0xFFFFFFFF  }
0x107: {  	s7 =	simm.s32 $0x1;
	s6 =	smov.u32 @p0 s8  }
.LBB2_15:
0x108: {  	s8 =	smov.u32 s6;
	p0 =	sne.s32 s6, $0xFFFFFFFF  }
0x109: {  	s0 =	sadd.s32 $0x1, s0;
	s6 =	smov.u32 s7;
	s7 =	sadd.s32 $0x1, s7  }
0x10a: {  	p1 =	sne.s32 s2, s7;
	v1 =	vld.msk @!p0 [tilespmem:s0+$0x0], $0x1;
	_ =	sdelay $0x4  }
0x10b: {  	(v2sf) =	vpush @!p0 v1, $0x0;
	_ =	sdelay $0xe  }
.Ltmp12:
0x10c: {  	s9 =	spop @!p0 (v2sf);
	(pc) =	sbr.rel @p1 .LBB2_15-.Ltmp12, $4  }
0x10d: {  	p2 =	seq.s32 @!p0 s5, s9  }
0x10e: {  	p2 =	por !p2, p0  }
0x10f: {  	s6 =	simm.s32 @p2 $0xFFFFFFFF  }
0x110: {  	s6 =	smov.u32 @p0 s8  }
.LBB2_16:
0x111: {  	p0 =	sne.s32 s6, $0xFFFFFFFF  }
.Ltmp13:
0x112: {  	_ = 	snop;
	(pc) =	sbr.rel @!p0 .LBB2_17-.Ltmp13, $1  }
0x113: {  	_ =	sdelay $0x3  }
0x114: {  	v0 =	vld.msk [tilespmem:s4+$0xE0], $0x1;
	v1 =	vmov s6  }
.Ltmp14:
0x115: {  	_ = 	snop;
	(pc) =	sbr.rel .LBB2_19-.Ltmp14, $2  }
0x116: {  	_ =	sdelay $0x2  }
0x117: {  	[tilespmem:v1+s3+$0x0], v0 =	vst.idx.ret.add.f32.msk $0x1, v0  }
.LBB2_20:
0x118: {  	p0 =	slt.s32 s2, $0x1  }
.Ltmp15:
0x119: {  	_ = 	snop;
	(pc) =	sbr.rel @p0 .LBB2_24-.Ltmp15, $3  }
0x11a: {  	_ =	sdelay $0x1  }
0x11b: {  	s0 =	simm.s32 $0x6  }
0x11c: {  	s3 =	simm.s32 $0x0;
	[sflag:s0] =	ssyncpa.u1 $0x1  }
0x11d: {  	s0 =	simm.s32 $0xC0  }
0x11e: {  	v0 =	vld.msk [tilespmem:s0+$0x0], $0x1;
	_ =	sdelay $0x4  }
0x11f: {  	(v2sf) =	vpush v0, $0x0;
	_ =	sdelay $0xe  }
0x120: {  	s2 =	sadd.s32 $0xFFFFFFFF, s2;
	s4 =	spop (v2sf)  }
0x121: {  	p1 =	sne.s32 s2, $0x0;
	p0 =	sgt.u32 s4, $0x27FF  }
.Ltmp16:
0x122: {  	s5 =	sshrl.u32 @!p0 s4, $0x3;
	(pc) =	sbr.rel @!p1 .LBB2_23-.Ltmp16, $4  }
0x123: {  	s0 =	simm.s32 $0xE0;
	s4 =	sand.u32 @!p0 $0x7, s4;
	s5 =	sadd.s32 @!p0 s1, s5  }
0x124: {  	[hbm4b:s5+s4] =	stream.linear.scatter @!p0 [tilespmem:s0], [sflag:$0x5], $0x1, $0x38;
	[tilespmem:$0x11A60] =	vst v63  }
0x125: {  	s5 =	simm.s32 $0x0  }
0x126: {  	s4 =	simm.s32 $0xC1;
	s5 =	simm.s32 @!p0 $0x4  }
.LBB2_22:
0x127: {  	v0 =	vld.msk [tilespmem:s4+$0x0], $0x1;
	s2 =	sadd.s32 $0xFFFFFFFF, s2;
	s3 =	sadd.s32 s3, s5  }
0x128: {  	p0 =	sne.s32 s2, $0x0;
	_ =	sdelay $0x3  }
0x129: {  	(v2sf) =	vpush v0, $0x0;
	_ =	sdelay $0xe  }
.Ltmp17:
0x12a: {  	s6 =	spop (v2sf);
	(pc) =	sbr.rel @p0 .LBB2_22-.Ltmp17, $4  }
0x12b: {  	s5 =	simm.s32 $0x0;
	p1 =	sgt.u32 s6, $0x27FF  }
0x12c: {  	s0 =	sadd.s32 $0x1, s0;
	s5 =	simm.s32 @!p1 $0x4;
	s7 =	sshrl.u32 @!p1 s6, $0x3  }
0x12d: {  	s4 =	sadd.s32 $0x1, s4;
	s6 =	sand.u32 @!p1 $0x7, s6;
	s7 =	sadd.s32 @!p1 s1, s7  }
0x12e: {  	[hbm4b:s7+s6] =	stream.linear.scatter @!p1 [tilespmem:s0], [sflag:$0x5], $0x1, $0x38;
	[tilespmem:$0x11A60] =	vst v63  }
.LBB2_23:
0x12f: {  	s0 =	sadd.s32 s3, s5  }
0x130: {  	s3 =	sshrl.u32 s0, $0x2  }
.LBB2_24:
0x131: {  	s0 =	simm.s32 $0x5  }
0x132: {  	_ =	swait.ge [sflag:s0], s3  }
0x133: {  	s1 =	ssub.s32 $0x0, s3;
	[sflag:s0] =	ssyncset.done $0x0  }
0x134: {  	[sflag:s0] =	ssyncadd.s32 s1  }
0x135: {  	[sflag:s0] =	ssyncpa.u1 $0x1  }
0x136: {  	s29 =	simm.s32 $0x1;
	_ =	sfence  }
0x137: {  	s30 =	simm.s32 $0x2;
	[sflag:s29] =	ssyncpa.u1 $0x1  }
0x138: {  	[sflag:s30] =	ssyncpa.u1 $0x1  }
0x139: {  	_ =	strace $0x90000047  }
0x13a: {  	[bflag:$0x2] =	sbarrier.arrive $0xFFFF  }
0x13b: {  	s31 =	rddreg [dreg:$0x1]  }
0x13c: {  	s0 =	sadd.s32 $0x100000, s31  }
0x13d: {  	[sflag:s0] =	ssyncadd.tile.s32 $0x1;
	_ =	shalt  }
.Lfunc_end2:
_tile_overlayer_lowered:
.L_overlay_start_2:
0x13e: {  	(tag) =	ssettag $0x2  }
0x13f: {  	s0 =	rddreg [dreg:$0x0];
	s2 =	stileid.u32  }
0x140: {  	s1 =	rddreg [dreg:$0x1];
	p0 =	sne.s32 s2, $0x0  }
0x141: {  	s3 =	rddreg [dreg:$0x2];
	[bflag:$0x3] =	sbarrier.arrive $0xFFFF;
	s2 =	simm.s32 @!p0 $0x1C01  }
0x142: {  	[timem:s3], [sflag:s2] =	dma.local @!p0 [hbm:s0], s1  }
0x143: {  	s0 =	simm.s32 @!p0 $0x1  }
0x144: {  	_ =	swait.ge @!p0 [sflag:s0], s1  }
0x145: {  	s1 =	ssub.s32 @!p0 $0x0, s1;
	[sflag:s0] =	ssyncset.done @!p0 $0x0  }
0x146: {  	[sflag:s0] =	ssyncadd.s32 @!p0 s1  }
0x147: {  	[bflag:$0x3] =	sbarrier.arrive $0xFFFF  }
0x148: {  	_ =	shalt  }

// kernel: sparse-core-data-format-call.1.cloned.1.call-start
scs
called_computation.7_lowered:
.L_overlay_start_0:
0x0: {  	s1 =	sld [smem:$0x3FD9]  }
0x1: {  	s2 =	sld [smem:$0x3FFE];
	_ =	sdelay $0x1  }
0x2: {  	s3 =	srdreg.scid  }
0x3: {  	s0 =	sand.u32 $0x1, s3  }
0x4: {  	s17 =	sshll.u32 s0, $0xA;
	s1 =	sadd.s32 s2, s1  }
0x5: {  	s1 =	sadd.s32 s1, s17  }
0x6: {  	[smem:$0x3FB3] =	sst s1  }
0x7: {  	_ = 	snop  }
0x8: {  	(tm) =	ssettm $0x1  }
0x9: {  	s18 =	sld [smem:$0x3FFB];
	_ =	sdelay $0x3  }
0xa: {  	_ =	strace s18  }
0xb: {  	s1 =	sld [smem:$0x3FFC];
	_ =	sdelay $0x3  }
0xc: {  	_ =	strace s1  }
0xd: {  	s1 =	sld [smem:$0x3FFD];
	_ =	sdelay $0x3  }
0xe: {  	_ =	strace s1  }
0xf: {  	_ =	strace $0x8FFFFFFF  }
0x10: {  	s19 =	sld [smem:$0x3FDB];
	_ =	sdelay $0x1  }
0x11: {  	s20 =	simm.s32 $_scs_section_size  }
0x12: {  	s4 =	simm.s32 $_size__tile_overlayer_lowered;
	s5 =	simm.s32 $_tile_overlayer_lowered  }
0x13: {  	s23 =	simm.s32 $0x1BFF;
	s22 =	sshll.u32 s5, $0x1;
	s1 =	sadd.s32 s20, s19  }
0x14: {  	s6 =	simm.s32 $0x0;
	s21 =	sshll.u32 s4, $0x1;
	s4 =	sadd.s32 s22, s1  }
0x15: {  	[timem:s6], [sflag:s23] =	dma.local [hbm:s4], s21  }
0x16: {  	_ =	swait.ge [sflag:s23], s21  }
0x17: {  	s2 =	ssub.s32 $0x0, s21;
	[sflag:s23] =	ssyncset.done $0x0  }
0x18: {  	[sflag:s23] =	ssyncadd.s32 s2;
	_ =	sdelay $0x1  }
0x19: {  	s24 =	simm.s32 $0x1B8B  }
0x1a: {  	_ =	swait.ge [sflag:s24], $0x1  }
0x1b: {  	[sflag:s24] =	ssyncset.done $0x0  }
0x1c: {  	s26 =	simm.s32 $0x1B8E;
	s25 =	sld [smem:$0x3FFE];
	[sflag:s24] =	ssyncadd.s32 $0xFFFFFFFF  }
0x1d: {  	s27 =	simm.s32 $execute0_lowered;
	[smem:$0x3FD2] =	sst s26  }
0x1e: {  	s4 =	sshll.u32 s27, $0x1;
	_ =	strace $0x80000052;
	[dreg:$0x1] =	wrdreg $0xFFFFFFFF  }
0x1f: {  	s28 =	simm.s32 $_size_execute0_lowered;
	s1 =	sadd.s32 s1, s4;
	[dreg:$0x0] =	wrdreg $0x0  }
0x20: {  	s4 =	sshll.u32 s28, $0x1;
	[dreg:$0x2] =	wrdreg s1  }
0x21: {  	[dreg:$0x3] =	wrdreg s4  }
0x22: {  	[dreg:$0x4] =	wrdreg $0xC0  }
0x23: {  	_ =	task [dreg:s6], $0x5FFFF  }
0x24: {  	[dreg:$0x1] =	wrdreg $0xFFFFFFFF  }
0x25: {  	[dreg:$0x0] =	wrdreg $0x60  }
0x26: {  	[dreg:$0x2] =	wrdreg s25  }
0x27: {  	[dreg:$0x3] =	wrdreg $0x9  }
0x28: {  	_ =	task.clear_ibuf [dreg:s6], $0x4FFFF;
	_ =	strace $0x90000052  }
0x29: {  	s29 =	simm.s32 $0x9;
	_ =	strace $0x80000054  }
0x2a: {  	_ =	swait.ge [sflag:s29], $0x1  }
0x2b: {  	[sflag:s29] =	ssyncadd.s32 $0xFFFFFFFF  }
0x2c: {  	_ =	strace $0x90000054  }
0x2d: {  	_ =	sfence  }
0x2e: {  	s30 =	sld [smem:$0x0];
	_ =	sdelay $0x2  }
0x2f: {  	s31 =	sshll.u32 s3, $0xD;
	s3 =	sshrl.u32 s3, $0x2  }
0x30: {  	s2 =	sand.u32 $0x4000, s31;
	s1 =	sadd.s32 s3, s30  }
0x31: {  	s0 =	sor.u32 s2, s0;
	s1 =	sshll.u32 s1, $0x11  }
0x32: {  	s0 =	sor.u32 s1, s0  }
0x33: {  	s0 =	sadd.s32 $0x8F2B, s0  }
0x34: {  	[sflag:s0] =	ssyncadd.remote.s32 $0x1  }
0x35: {  	_ =	sfence.sel $0xFFFF  }
0x36: {  	[dreg:$0x0] =	wrdreg $0xFFFFFFFF;
	(pc) =	sbr.abs _section_cstart, $3  }
0x37: {  	[dreg:$0x1] =	wrdreg $0xFFFFFFFF  }
0x38: {  	_ =	task.clear_ibuf [dreg:s6], $0x2FFFF;
	_ =	strace $0x9FFFFFFF  }
0x39: {  	(tm) =	ssettm $0x7FFFFFFF  }
tec
execute0_lowered:
.L_overlay_start_1:
0x0: {  	(tag) =	ssettag $0x1  }
0x1: {  	s0 =	srdreg.scid  }
0x2: {  	s4 =	rddreg [dreg:$0x0];
	s1 =	stileid.u32  }
0x3: {  	s5 =	simm.s32 $0x1;
	s7 =	simm.s32 $0x2;
	s0 =	sshll.u32 s0, $0x4  }
0x4: {  	s11 =	simm.s32 $0x0;
	p0 =	por $0x0, $0x0;
	s2 =	sand.u32 $0x10, s0  }
.Ltmp0:
0x5: {  	s8 =	simm.s32 $0x284C00;
	s3 =	sor.u32 s1, s2;
	(pc) =	sbr.rel .LBB1_1-.Ltmp0, $4  }
0x6: {  	s10 =	simm.s32 $0x0;
	s0 =	rddreg [dreg:$0x1];
	s3 =	sshll.u32 s3, $0x7  }
0x7: {  	_ =	strace $0x80000053;
	s2 =	sadd.s32 $0x9F400, s4;
	s6 =	ssub.s32 $0x50900, s3  }
0x8: {  	s4 =	sadd.s32 $0x5A8600, s4;
	[sflag:s5] =	ssyncpa.u1 $0x0;
	s6 =	sshrl.u32 s6, $0xC  }
0x9: {  	[sflag:s7] =	ssyncpa.u1 $0x0;
	s9 =	smov.u32 s3;
	s7 =	sadd.s32 $0x2, s6  }
.LBB1_5:
0xa: {  	s13 =	sadd.s32 $0x1000, s9  }
0xb: {  	p2 =	sgt.s32 s13, $0x5090F  }
0xc: {  	s13 =	smov.u32 @p2 s3;
	p2 =	sne.s32 s10, s7  }
.Ltmp1:
0xd: {  	p1 =	slt.u32 s10, $0x2;
	(pc) =	sbr.rel @!p2 .LBB1_6-.Ltmp1, $4  }
0xe: {  	s12 =	simm.s32 @!p1 $0x2  }
0xf: {  	s14 =	sadd.s32 $0x1, s10;
	_ =	swait.ge @!p1 [sflag:s12], $0x4000  }
0x10: {  	s11 =	smov.u32 s9;
	p0 =	por !p0, !p0;
	[sflag:s12] =	ssyncset.done @!p1 $0x0  }
0x11: {  	s10 =	smov.u32 s14;
	s9 =	smov.u32 s13;
	[sflag:s12] =	ssyncadd.s32 @!p1 $0xFFFFC000  }
.LBB1_1:
0x12: {  	p1 =	sgt.u32 s10, s6  }
0x13: {  	s12 =	sand.u32 @!p1 $0x1FFFFFF, s9  }
0x14: {  	p2 =	sgt.s32 @!p1 s9, $0x50890;
	s13 =	smulhi.u32 @!p1 $0x65AE1B, s12  }
0x15: {  	s14 =	smov.u32 s9;
	s15 =	sshra.s32 @!p1 s9, $0x1F;
	p2 =	por !p2, p1  }
0x16: {  	s15 =	sand.u32 @!p1 s15, s9;
	s14 =	simm.s32 @p2 $0x50890;
	s13 =	sshrl.u32 @!p1 s13, $0x9  }
0x17: {  	s14 =	ssub.s32 @!p1 s14, s15;
	s13 =	smul.u32 @!p1 $0x50910, s13  }
0x18: {  	s15 =	sxor.u32 @!p1 $0xFFFFFFFF, s10;
	s14 =	sadd.s32 @!p1 $0xFFFAF770, s14  }
0x19: {  	s15 =	sshll.u32 @!p1 s15, $0xE;
	s12 =	ssub.s32 @!p1 s12, s13;
	s13 =	sshll.u32 @!p1 s14, $0x9  }
0x1a: {  	s15 =	sand.u32 @!p1 $0x4000, s15;
	p2 =	sgt.s32 @!p1 s14, $0x7F;
	s13 =	ssub.s32 @!p1 $0x10000, s13  }
0x1b: {  	p2 =	por !p2, p1;
	s12 =	sshll.u32 @!p1 s12, $0x4;
	s13 =	sshrl.u32 @!p1 s13, $0x2  }
0x1c: {  	s14 =	simm.s32 @!p1 $0x0;
	s12 =	sadd.s32 @!p1 s2, s12;
	s13 =	simm.s32 @!p2 $0x0  }
0x1d: {  	[tilespmem:s15], [sflag:$0x1] =	stream.linear.gather @!p1 [hbm4b:s12+s14], s13, $0x38;
	[tilespmem:$0x10100] =	vst v63  }
0x1e: {  	p1 =	seq.s32 s10, $0x0  }
0x1f: {  	p2 =	sge.u32 @!p1 s10, s7  }
0x20: {  	p1 =	por p1, p2  }
.Ltmp2:
0x21: {  	_ = 	snop;
	(pc) =	sbr.rel @p1 .LBB1_5-.Ltmp2, $1  }
0x22: {  	_ =	sdelay $0x3  }
0x23: {  	p1 =	sgt.s32 s11, $0x50890;
	s12 =	smov.u32 s11;
	s13 =	sshra.s32 s11, $0x1F  }
0x24: {  	s12 =	simm.s32 @!p1 $0x50890;
	s13 =	sand.u32 s13, s11  }
0x25: {  	s12 =	ssub.s32 s12, s13  }
0x26: {  	s12 =	sadd.s32 $0xFFFAF770, s12  }
0x27: {  	s29 =	sshll.u32 s12, $0x9  }
0x28: {  	s13 =	ssub.s32 $0x10000, s29  }
0x29: {  	p1 =	sgt.s32 s12, $0x7F;
	s12 =	sshrl.u32 s13, $0x2  }
0x2a: {  	s13 =	simm.s32 $0x1;
	s12 =	simm.s32 @p1 $0x0  }
0x2b: {  	s13 =	simm.s32 @!p0 $0x0;
	_ =	swait.ge [sflag:s5], s12  }
0x2c: {  	s14 =	sshll.u32 s13, $0xE;
	s12 =	ssub.s32 $0x0, s12;
	[sflag:s5] =	ssyncset.done $0x0  }
0x2d: {  	s15 =	sor.u32 $0x40, s14;
	[sflag:s5] =	ssyncadd.s32 s12  }
0x2e: {  	s30 =	smul.u32 $0x10200, s13;
	v0 =	vld [tilespmem:s15+$0x30]  }
0x2f: {  	v1 =	vld [tilespmem:s15+$0xFFFFFFD0]  }
0x30: {  	s12 =	sshrl.u32 s30, $0x2;
	v5 =	vld [tilespmem:s15+$0xFFFFFFE0]  }
0x31: {  	s13 =	sor.u32 $0x8000, s12;
	v6 =	vld [tilespmem:s15+$0xFFFFFFF0]  }
0x32: {  	s31 =	sand.u32 $0x1, s10;
	v3 =	vld [tilespmem:s15+$0x0];
	s14 =	sadd.s32 $0x0, s13  }
0x33: {  	s12 =	smul.u32 $0x10200, s31;
	v4 =	vld [tilespmem:s15+$0x10];
	[tilespmem:s14+$0x3870 ss:$0x81] =	vst.msk $0xffff, v0  }
0x34: {  	v2 =	vld [tilespmem:s15+$0x20];
	[tilespmem:s14+$0x810 ss:$0x81] =	vst.msk $0xffff, v1  }
0x35: {  	s12 =	sshrl.u32 s12, $0x2;
	v0 =	vld [tilespmem:s15+$0xFFFFFFC0];
	[tilespmem:s14+$0x1020 ss:$0x81] =	vst.msk $0xffff, v5;
	s15 =	sadd.s32 $0x80, s15  }
0x36: {  	s16 =	simm.s32 $0x4;
	s17 =	simm.s32 $0x8;
	s12 =	sor.u32 $0x8000, s12;
	[tilespmem:s14+$0x1830 ss:$0x81] =	vst.msk $0xffff, v6;
	v1 =	vld [tilespmem:s15+$0x30]  }
.LBB1_3:
0x37: {  	p1 =	sne.s32 s17, $0x1FC;
	v5 =	vld [tilespmem:s15+$0xFFFFFFD0];
	[tilespmem:s14+$0x2040 ss:$0x81] =	vst.msk $0xffff, v3  }
0x38: {  	v6 =	vld [tilespmem:s15+$0xFFFFFFE0];
	[tilespmem:s14+$0x2850 ss:$0x81] =	vst.msk $0xffff, v4  }
0x39: {  	s18 =	sshra.s32 s16, $0x2;
	s16 =	smov.u32 s17;
	v7 =	vld [tilespmem:s15+$0xFFFFFFF0];
	[tilespmem:s14+$0x3060 ss:$0x81] =	vst.msk $0xffff, v2  }
.Ltmp3:
0x3a: {  	v3 =	vld [tilespmem:s15+$0x0];
	[tilespmem:s14+$0x0 ss:$0x81] =	vst.msk $0xffff, v0;
	s14 =	sadd.s32 s18, s13;
	(pc) =	sbr.rel @p1 .LBB1_3-.Ltmp3, $4  }
0x3b: {  	v4 =	vld [tilespmem:s15+$0x10];
	[tilespmem:s14+$0x3870 ss:$0x81] =	vst.msk $0xffff, v1  }
0x3c: {  	[tilespmem:s14+$0x810 ss:$0x81] =	vst.msk $0xffff, v5;
	v2 =	vld [tilespmem:s15+$0x20]  }
0x3d: {  	v0 =	vld [tilespmem:s15+$0xFFFFFFC0];
	[tilespmem:s14+$0x1020 ss:$0x81] =	vst.msk $0xffff, v6;
	s15 =	sadd.s32 $0x80, s15  }
0x3e: {  	s17 =	sadd.s32 $0x4, s17;
	v1 =	vld [tilespmem:s15+$0x30];
	[tilespmem:s14+$0x1830 ss:$0x81] =	vst.msk $0xffff, v7  }
0x3f: {  	v5 =	vld [tilespmem:s15+$0xFFFFFFD0];
	[tilespmem:s14+$0x2040 ss:$0x81] =	vst.msk $0xffff, v3;
	s17 =	sshll.u32 s11, $0x3  }
0x40: {  	v58 =	vld [tilespmem:s15+$0xFFFFFFE0];
	[tilespmem:s14+$0x2850 ss:$0x81] =	vst.msk $0xffff, v4;
	s17 =	sand.u32 $0xFFFFFC00, s17  }
0x41: {  	s16 =	sshra.s32 s16, $0x2;
	v59 =	vld [tilespmem:s15+$0xFFFFFFF0];
	[tilespmem:s14+$0x3060 ss:$0x81] =	vst.msk $0xffff, v2;
	s18 =	sshrl.u32 s17, $0x7  }
0x42: {  	v60 =	vld [tilespmem:s15+$0x0];
	s13 =	sadd.s32 s16, s13;
	[tilespmem:s14+$0x0 ss:$0x81] =	vst.msk $0xffff, v0;
	s28 =	smulhi.u32 $0x32D2A3, s18  }
0x43: {  	v61 =	vld [tilespmem:s15+$0x10];
	[tilespmem:s13+$0x3870 ss:$0x81] =	vst.msk $0xffff, v1  }
0x44: {  	v62 =	vld [tilespmem:s15+$0x20];
	[tilespmem:s13+$0x810 ss:$0x81] =	vst.msk $0xffff, v5;
	s14 =	sshrl.u32 s28, $0x1  }
0x45: {  	v63 =	vld [tilespmem:s15+$0xFFFFFFC0];
	s29 =	sand.u32 $0x7F, s11;
	[tilespmem:s13+$0x1020 ss:$0x81] =	vst.msk $0xffff, v58;
	s30 =	smul.u32 $0x50980, s14  }
0x46: {  	s11 =	sor.u32 s29, s17;
	[tilespmem:s13+$0x1830 ss:$0x81] =	vst.msk $0xffff, v59  }
.Ltmp4:
0x47: {  	[tilespmem:s13+$0x2040 ss:$0x81] =	vst.msk $0xffff, v60;
	s14 =	sand.u32 $0x7F, s14;
	s11 =	ssub.s32 s11, s30;
	(pc) =	sbr.rel .LBB1_5-.Ltmp4, $4  }
0x48: {  	[tilespmem:s13+$0x2850 ss:$0x81] =	vst.msk $0xffff, v61;
	s14 =	smul.u32 $0xA130, s14;
	s15 =	sshrl.u32 s11, $0x3;
	s11 =	sand.u32 $0x7, s11  }
0x49: {  	[tilespmem:s13+$0x3060 ss:$0x81] =	vst.msk $0xffff, v62;
	s15 =	sadd.s32 s4, s15;
	s11 =	sshll.u32 s11, $0x12  }
0x4a: {  	[tilespmem:s13+$0x0 ss:$0x81] =	vst.msk $0xffff, v63;
	s31 =	sadd.s32 s14, s15;
	s11 =	sor.u32 $0x400, s11  }
0x4b: {  	[hbm4b:s31+s11] =	stream.strided.scatter [tilespmem:s12], [sflag:$0x2], $0x4000, s8, s11, $0x20;
	[tilespmem:$0x10100] =	vst v63  }
.LBB1_6:
0x4c: {  	_ =	sfence.sel $0x180000  }
0x4d: {  	s2 =	simm.s32 $0x1;
	[bflag:$0x0] =	sbarrier.arrive $0xFFFF  }
0x4e: {  	s31 =	simm.s32 $0x2;
	[sflag:s2] =	ssyncpa.u1 $0x1  }
0x4f: {  	[sflag:s31] =	ssyncpa.u1 $0x1  }
0x50: {  	p0 =	sne.s32 s1, $0x0;
	_ =	strace $0x90000053  }
0x51: {  	s0 =	sadd.s32 @!p0 $0x100000, s0;
	[bflag:$0x2] =	sbarrier.arrive $0xFFFF  }
0x52: {  	[sflag:s0] =	ssyncadd.tile.s32 @!p0 $0x1;
	_ =	shalt  }
.Lfunc_end1:
_tile_overlayer_lowered:
.L_overlay_start_2:
0x53: {  	(tag) =	ssettag $0x2  }
0x54: {  	s0 =	rddreg [dreg:$0x0];
	s2 =	stileid.u32  }
0x55: {  	s1 =	rddreg [dreg:$0x1];
	p0 =	sne.s32 s2, $0x0  }
0x56: {  	s3 =	rddreg [dreg:$0x2];
	[bflag:$0x3] =	sbarrier.arrive $0xFFFF;
	s2 =	simm.s32 @!p0 $0x1C01  }
0x57: {  	[timem:s3], [sflag:s2] =	dma.local @!p0 [hbm:s0], s1  }
0x58: {  	s0 =	simm.s32 @!p0 $0x1  }
0x59: {  	_ =	swait.ge @!p0 [sflag:s0], s1  }
0x5a: {  	s1 =	ssub.s32 @!p0 $0x0, s1;
	[sflag:s0] =	ssyncset.done @!p0 $0x0  }
0x5b: {  	[sflag:s0] =	ssyncadd.s32 @!p0 s1  }
0x5c: {  	[bflag:$0x3] =	sbarrier.arrive $0xFFFF  }
0x5d: {  	_ =	shalt  }

// kernel: sparse-core-data-format-call.cloned.1.call-start
scs
called_computation.6_lowered:
.L_overlay_start_0:
0x0: {  	s1 =	sld [smem:$0x3FD9]  }
0x1: {  	s2 =	sld [smem:$0x3FFE];
	_ =	sdelay $0x1  }
0x2: {  	s3 =	srdreg.scid  }
0x3: {  	s0 =	sand.u32 $0x1, s3  }
0x4: {  	s17 =	sshll.u32 s0, $0xA;
	s1 =	sadd.s32 s2, s1  }
0x5: {  	s1 =	sadd.s32 s1, s17  }
0x6: {  	[smem:$0x3FB3] =	sst s1  }
0x7: {  	_ = 	snop  }
0x8: {  	(tm) =	ssettm $0x1  }
0x9: {  	s18 =	sld [smem:$0x3FFB];
	_ =	sdelay $0x3  }
0xa: {  	_ =	strace s18  }
0xb: {  	s1 =	sld [smem:$0x3FFC];
	_ =	sdelay $0x3  }
0xc: {  	_ =	strace s1  }
0xd: {  	s1 =	sld [smem:$0x3FFD];
	_ =	sdelay $0x3  }
0xe: {  	_ =	strace s1  }
0xf: {  	_ =	strace $0x8FFFFFFF  }
0x10: {  	s19 =	sld [smem:$0x3FDB];
	_ =	sdelay $0x1  }
0x11: {  	s20 =	simm.s32 $_scs_section_size  }
0x12: {  	s4 =	simm.s32 $_size__tile_overlayer_lowered;
	s5 =	simm.s32 $_tile_overlayer_lowered  }
0x13: {  	s23 =	simm.s32 $0x1BFF;
	s22 =	sshll.u32 s5, $0x1;
	s1 =	sadd.s32 s20, s19  }
0x14: {  	s6 =	simm.s32 $0x0;
	s21 =	sshll.u32 s4, $0x1;
	s4 =	sadd.s32 s22, s1  }
0x15: {  	[timem:s6], [sflag:s23] =	dma.local [hbm:s4], s21  }
0x16: {  	_ =	swait.ge [sflag:s23], s21  }
0x17: {  	s2 =	ssub.s32 $0x0, s21;
	[sflag:s23] =	ssyncset.done $0x0  }
0x18: {  	[sflag:s23] =	ssyncadd.s32 s2;
	_ =	sdelay $0x1  }
0x19: {  	s24 =	simm.s32 $0x1B8B  }
0x1a: {  	_ =	swait.ge [sflag:s24], $0x1  }
0x1b: {  	[sflag:s24] =	ssyncset.done $0x0  }
0x1c: {  	s26 =	simm.s32 $0x1B8E;
	s25 =	sld [smem:$0x3FFE];
	[sflag:s24] =	ssyncadd.s32 $0xFFFFFFFF  }
0x1d: {  	s27 =	simm.s32 $execute0_lowered;
	[smem:$0x3FD2] =	sst s26  }
0x1e: {  	s4 =	sshll.u32 s27, $0x1;
	_ =	strace $0x80000055;
	[dreg:$0x1] =	wrdreg $0xFFFFFFFF  }
0x1f: {  	s28 =	simm.s32 $_size_execute0_lowered;
	s1 =	sadd.s32 s1, s4;
	[dreg:$0x0] =	wrdreg $0x0  }
0x20: {  	s4 =	sshll.u32 s28, $0x1;
	[dreg:$0x2] =	wrdreg s1  }
0x21: {  	[dreg:$0x3] =	wrdreg s4  }
0x22: {  	[dreg:$0x4] =	wrdreg $0xC0  }
0x23: {  	_ =	task [dreg:s6], $0x5FFFF  }
0x24: {  	[dreg:$0x1] =	wrdreg $0xFFFFFFFF  }
0x25: {  	[dreg:$0x0] =	wrdreg $0x60  }
0x26: {  	[dreg:$0x2] =	wrdreg s25  }
0x27: {  	[dreg:$0x3] =	wrdreg $0xA  }
0x28: {  	_ =	task.clear_ibuf [dreg:s6], $0x4FFFF;
	_ =	strace $0x90000055  }
0x29: {  	s29 =	simm.s32 $0xA;
	_ =	strace $0x80000057  }
0x2a: {  	_ =	swait.ge [sflag:s29], $0x1  }
0x2b: {  	[sflag:s29] =	ssyncadd.s32 $0xFFFFFFFF  }
0x2c: {  	_ =	strace $0x90000057  }
0x2d: {  	_ =	sfence  }
0x2e: {  	s30 =	sld [smem:$0x0];
	_ =	sdelay $0x2  }
0x2f: {  	s31 =	sshll.u32 s3, $0xD;
	s3 =	sshrl.u32 s3, $0x2  }
0x30: {  	s2 =	sand.u32 $0x4000, s31;
	s1 =	sadd.s32 s3, s30  }
0x31: {  	s0 =	sor.u32 s2, s0;
	s1 =	sshll.u32 s1, $0x11  }
0x32: {  	s0 =	sor.u32 s1, s0  }
0x33: {  	s0 =	sadd.s32 $0x8F2B, s0  }
0x34: {  	[sflag:s0] =	ssyncadd.remote.s32 $0x1  }
0x35: {  	_ =	sfence.sel $0xFFFF  }
0x36: {  	[dreg:$0x0] =	wrdreg $0xFFFFFFFF;
	(pc) =	sbr.abs _section_cstart, $3  }
0x37: {  	[dreg:$0x1] =	wrdreg $0xFFFFFFFF  }
0x38: {  	_ =	task.clear_ibuf [dreg:s6], $0x2FFFF;
	_ =	strace $0x9FFFFFFF  }
0x39: {  	(tm) =	ssettm $0x7FFFFFFF  }
tec
execute0_lowered:
.L_overlay_start_1:
0x0: {  	(tag) =	ssettag $0x1  }
0x1: {  	s0 =	srdreg.scid  }
0x2: {  	s4 =	rddreg [dreg:$0x0];
	s1 =	stileid.u32  }
0x3: {  	s5 =	simm.s32 $0x1;
	s7 =	simm.s32 $0x2;
	s14 =	simm.s32 $0x0  }
0x4: {  	p0 =	por $0x0, $0x0;
	s13 =	simm.s32 $0x0;
	s0 =	sshll.u32 s0, $0x4  }
0x5: {  	s8 =	simm.s32 $0x0;
	s9 =	simm.s32 $0x0;
	s2 =	sand.u32 $0x10, s0  }
.Ltmp0:
0x6: {  	s11 =	simm.s32 $0x0;
	s3 =	sor.u32 s1, s2;
	(pc) =	sbr.rel .LBB1_1-.Ltmp0, $4  }
0x7: {  	s12 =	simm.s32 $0x0;
	s0 =	rddreg [dreg:$0x1];
	s3 =	sshll.u32 s3, $0x7  }
0x8: {  	_ =	strace $0x80000056;
	s2 =	sadd.s32 $0x79600, s4;
	s6 =	ssub.s32 $0x50900, s3  }
0x9: {  	s4 =	sadd.s32 $0x582E00, s4;
	[sflag:s5] =	ssyncpa.u1 $0x0;
	s6 =	sshrl.u32 s6, $0xC  }
0xa: {  	[sflag:s7] =	ssyncpa.u1 $0x0;
	s10 =	smov.u32 s3;
	s7 =	sadd.s32 $0x2, s6  }
.LBB1_5:
0xb: {  	p1 =	slt.u32 s12, $0x2  }
0xc: {  	p2 =	sgt.s32 @!p1 s14, $0x50890  }
0xd: {  	s15 =	smov.u32 s14;
	s16 =	sshra.s32 @!p1 s14, $0x1F;
	p2 =	por !p2, p1  }
0xe: {  	s14 =	sand.u32 @!p1 s16, s14;
	s15 =	simm.s32 @p2 $0x50890  }
0xf: {  	s14 =	ssub.s32 @!p1 s15, s14;
	s15 =	ssub.s32 @!p1 $0x0, s13  }
0x10: {  	s17 =	smov.u32 s11;
	s16 =	sadd.s32 @!p1 $0xFFFAF770, s14;
	s13 =	smin.u32 @!p1 s13, s15  }
0x11: {  	s14 =	ssub.s32 @!p1 $0x50910, s14;
	p2 =	sgt.s32 @!p1 s16, $0x7F;
	p3 =	sgt.s32 @!p1 s13, $0x7F  }
0x12: {  	s13 =	ssub.s32 @!p1 $0x80, s13;
	p2 =	por !p2, p1;
	p3 =	por !p3, p1  }
0x13: {  	s15 =	sadd.s32 $0x1000, s10;
	s14 =	simm.s32 @!p2 $0x0;
	s13 =	simm.s32 @!p3 $0x0  }
0x14: {  	p2 =	sgt.s32 s15, $0x5090F;
	s13 =	smul.u32 @!p1 s13, s14;
	s14 =	sadd.s32 $0x80, s11  }
0x15: {  	s17 =	smov.u32 @p2 s14  }
0x16: {  	s15 =	smov.u32 @p2 s3;
	p2 =	sgt.s32 s17, $0x7F  }
0x17: {  	s17 =	simm.s32 @p2 $0x0;
	p2 =	sne.s32 s12, s7  }
.Ltmp1:
0x18: {  	p0 =	por !p0, !p0;
	s16 =	simm.s32 @!p1 $0x2;
	(pc) =	sbr.rel @!p2 .LBB1_6-.Ltmp1, $4  }
0x19: {  	s14 =	smov.u32 s8;
	s8 =	smov.u32 s10;
	s13 =	sand.u32 @!p1 $0x3FFFFFFF, s13  }
0x1a: {  	s10 =	smov.u32 s15;
	_ =	swait.ge @!p1 [sflag:s16], s13;
	s18 =	ssub.s32 @!p1 $0x0, s13  }
0x1b: {  	s13 =	smov.u32 s9;
	s12 =	sadd.s32 $0x1, s12;
	[sflag:s16] =	ssyncset.done @!p1 $0x0  }
0x1c: {  	s9 =	smov.u32 s11;
	s11 =	smov.u32 s17;
	[sflag:s16] =	ssyncadd.s32 @!p1 s18  }
.LBB1_1:
0x1d: {  	p1 =	sgt.u32 s12, s6  }
0x1e: {  	s15 =	sshrl.u32 @!p1 s11, $0x3  }
0x1f: {  	s16 =	sshll.u32 @!p1 s10, $0x3;
	s15 =	smul.u32 @!p1 $0x284C00, s15  }
0x20: {  	s17 =	sshll.u32 @!p1 s11, $0x7;
	s16 =	sand.u32 @!p1 $0xFFFFFC00, s16  }
0x21: {  	s15 =	sadd.s32 @!p1 s15, s16;
	s16 =	sand.u32 @!p1 $0x380, s17  }
0x22: {  	s15 =	sor.u32 @!p1 s16, s15  }
0x23: {  	s16 =	sshrl.u32 @!p1 s15, $0x7  }
0x24: {  	s16 =	smulhi.u32 @!p1 $0x32D2A3, s16;
	_ =	sdelay $0x1  }
0x25: {  	s16 =	sshrl.u32 @!p1 s16, $0x1  }
0x26: {  	s17 =	sand.u32 @!p1 $0x7F, s10;
	s18 =	smul.u32 @!p1 $0x50980, s16  }
0x27: {  	s15 =	sor.u32 @!p1 s17, s15;
	s17 =	sxor.u32 @!p1 $0xFFFFFFFF, s12  }
0x28: {  	s17 =	sshll.u32 @!p1 s17, $0xE;
	s16 =	sand.u32 @!p1 $0x7F, s16;
	s15 =	ssub.s32 @!p1 s15, s18  }
0x29: {  	s16 =	smul.u32 @!p1 $0xA130, s16;
	s18 =	sshrl.u32 @!p1 s15, $0x3;
	s15 =	sand.u32 @!p1 $0x7, s15  }
0x2a: {  	s17 =	sand.u32 @!p1 $0x4000, s17;
	s18 =	sadd.s32 @!p1 s2, s18;
	s15 =	sshll.u32 @!p1 s15, $0x12  }
0x2b: {  	s16 =	sadd.s32 @!p1 s16, s18;
	s15 =	sor.u32 @!p1 $0x400, s15;
	s18 =	simm.s32 @!p1 $0x284C00  }
0x2c: {  	[tilespmem:s17], [sflag:$0x1] =	stream.strided.gather @!p1 [hbm4b:s16+s15], $0x4000, s18, s15, $0x38;
	[tilespmem:$0x10100] =	vst v63  }
0x2d: {  	p1 =	seq.s32 s12, $0x0  }
0x2e: {  	p2 =	sge.u32 @!p1 s12, s7  }
0x2f: {  	p1 =	por p1, p2  }
.Ltmp2:
0x30: {  	_ = 	snop;
	(pc) =	sbr.rel @p1 .LBB1_5-.Ltmp2, $1  }
0x31: {  	_ =	sdelay $0x3  }
0x32: {  	s15 =	simm.s32 $0x1  }
0x33: {  	_ =	swait.ge [sflag:s5], $0x4000;
	s15 =	simm.s32 @!p0 $0x0  }
0x34: {  	[sflag:s5] =	ssyncset.done $0x0;
	s16 =	sshll.u32 s15, $0xE  }
0x35: {  	[sflag:s5] =	ssyncadd.s32 $0xFFFFC000;
	s16 =	sor.u32 $0x40, s16  }
0x36: {  	s15 =	smul.u32 $0x10200, s15;
	v0 =	vld [tilespmem:s16+$0x30]  }
0x37: {  	v1 =	vld [tilespmem:s16+$0xFFFFFFD0]  }
0x38: {  	s15 =	sshrl.u32 s15, $0x2;
	v5 =	vld [tilespmem:s16+$0xFFFFFFE0]  }
0x39: {  	v6 =	vld [tilespmem:s16+$0xFFFFFFF0];
	s18 =	sor.u32 $0x8000, s15  }
0x3a: {  	s31 =	sand.u32 $0x1, s12;
	v4 =	vld [tilespmem:s16+$0x0];
	s17 =	sadd.s32 $0x0, s18  }
0x3b: {  	v3 =	vld [tilespmem:s16+$0x10];
	s15 =	smul.u32 $0x10200, s31;
	[tilespmem:s17+$0x3870 ss:$0x81] =	vst.msk $0xffff, v0  }
0x3c: {  	v2 =	vld [tilespmem:s16+$0x20];
	[tilespmem:s17+$0x810 ss:$0x81] =	vst.msk $0xffff, v1  }
0x3d: {  	s15 =	sshrl.u32 s15, $0x2;
	v0 =	vld [tilespmem:s16+$0xFFFFFFC0];
	[tilespmem:s17+$0x1020 ss:$0x81] =	vst.msk $0xffff, v5;
	s16 =	sadd.s32 $0x80, s16  }
0x3e: {  	s19 =	simm.s32 $0x4;
	s20 =	simm.s32 $0x8;
	s15 =	sor.u32 $0x8000, s15;
	[tilespmem:s17+$0x1830 ss:$0x81] =	vst.msk $0xffff, v6;
	v1 =	vld [tilespmem:s16+$0x30]  }
.LBB1_3:
0x3f: {  	p1 =	sne.s32 s20, $0x1FC;
	v5 =	vld [tilespmem:s16+$0xFFFFFFD0];
	[tilespmem:s17+$0x2040 ss:$0x81] =	vst.msk $0xffff, v4  }
0x40: {  	v6 =	vld [tilespmem:s16+$0xFFFFFFE0];
	[tilespmem:s17+$0x2850 ss:$0x81] =	vst.msk $0xffff, v3  }
0x41: {  	s21 =	sshra.s32 s19, $0x2;
	s19 =	smov.u32 s20;
	v7 =	vld [tilespmem:s16+$0xFFFFFFF0];
	[tilespmem:s17+$0x3060 ss:$0x81] =	vst.msk $0xffff, v2  }
.Ltmp3:
0x42: {  	v4 =	vld [tilespmem:s16+$0x0];
	[tilespmem:s17+$0x0 ss:$0x81] =	vst.msk $0xffff, v0;
	s17 =	sadd.s32 s21, s18;
	(pc) =	sbr.rel @p1 .LBB1_3-.Ltmp3, $4  }
0x43: {  	v3 =	vld [tilespmem:s16+$0x10];
	[tilespmem:s17+$0x3870 ss:$0x81] =	vst.msk $0xffff, v1  }
0x44: {  	[tilespmem:s17+$0x810 ss:$0x81] =	vst.msk $0xffff, v5;
	v2 =	vld [tilespmem:s16+$0x20]  }
0x45: {  	v0 =	vld [tilespmem:s16+$0xFFFFFFC0];
	[tilespmem:s17+$0x1020 ss:$0x81] =	vst.msk $0xffff, v6;
	s16 =	sadd.s32 $0x80, s16  }
0x46: {  	s20 =	sadd.s32 $0x4, s20;
	v1 =	vld [tilespmem:s16+$0x30];
	[tilespmem:s17+$0x1830 ss:$0x81] =	vst.msk $0xffff, v7  }
0x47: {  	s20 =	sshll.u32 s8, $0x7;
	s21 =	sshll.u32 s9, $0x3;
	s19 =	sshra.s32 s19, $0x2  }
0x48: {  	v5 =	vld [tilespmem:s16+$0xFFFFFFD0];
	[tilespmem:s17+$0x2040 ss:$0x81] =	vst.msk $0xffff, v4;
	p1 =	sgt.s32 s8, $0x50890;
	s22 =	sand.u32 $0xFFFFFC00, s20;
	s21 =	sand.u32 $0xFFFFFC00, s21  }
0x49: {  	v58 =	vld [tilespmem:s16+$0xFFFFFFE0];
	s24 =	sshra.s32 s8, $0x1F;
	s20 =	sand.u32 $0x380, s20;
	[tilespmem:s17+$0x2850 ss:$0x81] =	vst.msk $0xffff, v3;
	s21 =	sadd.s32 s21, s22  }
0x4a: {  	v59 =	vld [tilespmem:s16+$0xFFFFFFF0];
	s26 =	ssub.s32 $0x0, s9;
	s18 =	sadd.s32 s19, s18;
	[tilespmem:s17+$0x3060 ss:$0x81] =	vst.msk $0xffff, v2;
	s23 =	sor.u32 s20, s21  }
0x4b: {  	v60 =	vld [tilespmem:s16+$0x0];
	s28 =	smin.u32 s9, s26;
	s20 =	smov.u32 s8;
	[tilespmem:s17+$0x0 ss:$0x81] =	vst.msk $0xffff, v0;
	s19 =	sshrl.u32 s23, $0x7  }
0x4c: {  	v61 =	vld [tilespmem:s16+$0x10];
	s21 =	sand.u32 s24, s8;
	s20 =	simm.s32 @!p1 $0x50890;
	[tilespmem:s18+$0x3870 ss:$0x81] =	vst.msk $0xffff, v1;
	s25 =	smulhi.u32 $0x65AE1B, s19  }
0x4d: {  	v62 =	vld [tilespmem:s16+$0x20];
	s29 =	sshrl.u32 s9, $0x3;
	p2 =	sgt.s32 s28, $0x7F;
	s20 =	ssub.s32 s20, s21;
	[tilespmem:s18+$0x810 ss:$0x81] =	vst.msk $0xffff, v5  }
0x4e: {  	v63 =	vld [tilespmem:s16+$0xFFFFFFC0];
	[tilespmem:s18+$0x1020 ss:$0x81] =	vst.msk $0xffff, v58;
	s21 =	sadd.s32 $0xFFFAF770, s20;
	s20 =	ssub.s32 $0x50910, s20;
	s17 =	sshrl.u32 s25, $0x9  }
0x4f: {  	[tilespmem:s18+$0x1830 ss:$0x81] =	vst.msk $0xffff, v59;
	p1 =	sgt.s32 s21, $0x7F;
	s27 =	smul.u32 $0x50910, s17;
	s17 =	ssub.s32 $0x80, s28  }
.Ltmp4:
0x50: {  	[tilespmem:s18+$0x2040 ss:$0x81] =	vst.msk $0xffff, v60;
	s20 =	simm.s32 @p1 $0x0;
	s17 =	simm.s32 @p2 $0x0;
	(pc) =	sbr.rel .LBB1_5-.Ltmp4, $4  }
0x51: {  	s30 =	sand.u32 $0xF, s29;
	[tilespmem:s18+$0x2850 ss:$0x81] =	vst.msk $0xffff, v61;
	s16 =	ssub.s32 s19, s27;
	s17 =	smul.u32 s17, s20  }
0x52: {  	[tilespmem:s18+$0x3060 ss:$0x81] =	vst.msk $0xffff, v62;
	s19 =	sadd.s32 s4, s30;
	s16 =	sshll.u32 s16, $0x4  }
0x53: {  	s31 =	sand.u32 $0x7, s9;
	[tilespmem:s18+$0x0 ss:$0x81] =	vst.msk $0xffff, v63;
	s17 =	sand.u32 $0x3FFFFFFF, s17;
	s16 =	sadd.s32 s16, s19  }
0x54: {  	[hbm4b:s16+s31] =	stream.linear.scatter [tilespmem:s15], [sflag:$0x2], s17, $0x20;
	[tilespmem:$0x10100] =	vst v63  }
.LBB1_6:
0x55: {  	_ =	sfence.sel $0x180000  }
0x56: {  	s2 =	simm.s32 $0x1;
	[bflag:$0x0] =	sbarrier.arrive $0xFFFF  }
0x57: {  	s31 =	simm.s32 $0x2;
	[sflag:s2] =	ssyncpa.u1 $0x1  }
0x58: {  	[sflag:s31] =	ssyncpa.u1 $0x1  }
0x59: {  	p0 =	sne.s32 s1, $0x0;
	_ =	strace $0x90000056  }
0x5a: {  	s0 =	sadd.s32 @!p0 $0x100000, s0;
	[bflag:$0x2] =	sbarrier.arrive $0xFFFF  }
0x5b: {  	[sflag:s0] =	ssyncadd.tile.s32 @!p0 $0x1;
	_ =	shalt  }
.Lfunc_end1:
_tile_overlayer_lowered:
.L_overlay_start_2:
0x5c: {  	(tag) =	ssettag $0x2  }
0x5d: {  	s0 =	rddreg [dreg:$0x0];
	s2 =	stileid.u32  }
0x5e: {  	s1 =	rddreg [dreg:$0x1];
	p0 =	sne.s32 s2, $0x0  }
0x5f: {  	s3 =	rddreg [dreg:$0x2];
	[bflag:$0x3] =	sbarrier.arrive $0xFFFF;
	s2 =	simm.s32 @!p0 $0x1C01  }
0x60: {  	[timem:s3], [sflag:s2] =	dma.local @!p0 [hbm:s0], s1  }
0x61: {  	s0 =	simm.s32 @!p0 $0x1  }
0x62: {  	_ =	swait.ge @!p0 [sflag:s0], s1  }
0x63: {  	s1 =	ssub.s32 @!p0 $0x0, s1;
	[sflag:s0] =	ssyncset.done @!p0 $0x0  }
0x64: {  	[sflag:s0] =	ssyncadd.s32 @!p0 s1  }
0x65: {  	[bflag:$0x3] =	sbarrier.arrive $0xFFFF  }
0x66: {  	_ =	shalt  }

</sc_bundles>
